<compile_context>
chip_gen: v7x
topology: tpu7x:2x2x1
jax: 0.10.2.dev20260603
libtpu: 0.0.44.dev20260713+nightly
codegen_flags: <defaults>
</compile_context>

<pallas_src>
import jax
import jax.numpy as jnp
from jax import lax
from jax.experimental import pallas as pl
from jax.experimental.pallas import tpu as pltpu
from jax.experimental.pallas import tpu_sc as plsc
import functools

BATCH = 16384
HIST = 50
EMBED_DIM = 32

NC = 2
NS = 16
NW = NC * NS

WORD_NUM = 1000000
WORDS = WORD_NUM * EMBED_DIM

LANES = 128
NBLOCKS = HIST * (BATCH // LANES)
BLOCKS_PER_W = NBLOCKS // NW
TC_PER_H = BATCH // LANES
ETILES = EMBED_DIM // 8


VFULL = 999936
VCHUNK = 512
NCH = VFULL // VCHUNK


def _make_linearizer():
  mesh = plsc.VectorSubcoreMesh(
      core_axis_name="c", subcore_axis_name="s",
      num_cores=NC, num_subcores=NS)

  @functools.partial(
      pl.kernel,
      out_type=jax.ShapeDtypeStruct((WORDS,), jnp.float32),
      mesh=mesh,
      scratch_types=[
          pltpu.VMEM((32, 517), jnp.float32),
          pltpu.VMEM((32, 517), jnp.float32),
          pltpu.VMEM((VCHUNK * EMBED_DIM,), jnp.float32),
          pltpu.VMEM((VCHUNK * EMBED_DIM,), jnp.float32),
          pltpu.VMEM(((WORD_NUM - VFULL) * EMBED_DIM,), jnp.float32),
          pltpu.SemaphoreType.DMA,
          pltpu.SemaphoreType.DMA,
          pltpu.SemaphoreType.DMA,
          pltpu.SemaphoreType.DMA,
      ],
      compiler_params=pltpu.CompilerParams(use_tc_tiling_on_sc=True,
                                           needs_layout_passes=False,
                                           disable_bounds_checks=True),
  )
  def sc_lin(tab_t, tail_hbm, out_hbm, inb0, inb1, outb0, outb1, tailv,
             i0, i1, o0, o1):
    inb = [inb0, inb1]
    outb = [outb0, outb1]
    isem = [i0, i1]
    osem = [o0, o1]
    wid = lax.axis_index("s") * NC + lax.axis_index("c")

    def fire_in(k, b):
      v0 = (wid + k * NW) * VCHUNK
      for tr in range(4):
        pltpu.async_copy(
            tab_t.at[pl.ds(tr * 8, 8), pl.ds(v0, VCHUNK)],
            inb[b].at[pl.ds(tr * 8, 8), pl.ds(0, VCHUNK)], isem[b])

    def wait_in(k, b):
      v0 = (wid + k * NW) * VCHUNK
      for tr in range(4):
        pltpu.make_async_copy(
            tab_t.at[pl.ds(tr * 8, 8), pl.ds(v0, VCHUNK)],
            inb[b].at[pl.ds(tr * 8, 8), pl.ds(0, VCHUNK)], isem[b]).wait()

    lane = lax.iota(jnp.int32, 16)
    erow = [lane + g * 16 for g in range(2)]

    def transpose(b):
      @plsc.parallel_loop(0, VCHUNK, unroll=4)
      def _(v):
        vcol = jnp.broadcast_to(v, (16,))
        for g in range(2):
          val = plsc.load_gather(inb[b], [erow[g], vcol])
          outb[b][pl.ds(v * EMBED_DIM + g * 16, 16)] = val

    def fire_out(k, b):
      v0 = (wid + k * NW) * VCHUNK
      pltpu.async_copy(
          outb[b],
          out_hbm.at[pl.ds(v0 * EMBED_DIM, VCHUNK * EMBED_DIM)], osem[b])

    def wait_out(k, b):
      v0 = (wid + k * NW) * VCHUNK
      pltpu.make_async_copy(
          outb[b],
          out_hbm.at[pl.ds(v0 * EMBED_DIM, VCHUNK * EMBED_DIM)], osem[b]).wait()

    fire_in(0, 0)

    for b in range(2):
      wait_in(b, b)
      fire_in(b + 1, 1 - b)
      transpose(b)
      fire_out(b, b)

    @pl.loop(1, 30)
    def _(p):
      for b in range(2):
        k = p * 2 + b
        wait_in(k, b)
        fire_in(k + 1, 1 - b)
        wait_out(k - 2, b)
        transpose(b)
        fire_out(k, b)

    wait_in(60, 0)
    wait_out(58, 0)
    transpose(0)
    fire_out(60, 0)

    wait_out(59, 1)

    @pl.when(wid == 0)
    def _():
      fire_in(61, 1)
      wait_in(61, 1)
      transpose(1)
      fire_out(61, 1)
      wait_out(61, 1)

    wait_out(60, 0)

    @pl.when(wid == 1)
    def _():
      pltpu.sync_copy(tail_hbm, tailv)
      pltpu.sync_copy(tailv,
                      out_hbm.at[pl.ds(VFULL * EMBED_DIM,
                                       (WORD_NUM - VFULL) * EMBED_DIM)])

  return sc_lin


def _make_sc_kernel():
  mesh = plsc.VectorSubcoreMesh(
      core_axis_name="c", subcore_axis_name="s",
      num_cores=NC, num_subcores=NS)

  @functools.partial(
      pl.kernel,
      out_type=jax.ShapeDtypeStruct((HIST, ETILES, TC_PER_H, 8, LANES),
                                    jnp.float32),
      mesh=mesh,
      scratch_types=[
          pltpu.VMEM((BLOCKS_PER_W, LANES), jnp.int32),
          pltpu.VMEM((2, LANES, EMBED_DIM), jnp.float32),
          pltpu.VMEM((2, EMBED_DIM, 129), jnp.float32),
          pltpu.SemaphoreType.DMA,
          pltpu.SemaphoreType.DMA,
          pltpu.SemaphoreType.DMA,
          pltpu.SemaphoreType.DMA,
      ],
      compiler_params=pltpu.CompilerParams(use_tc_tiling_on_sc=False,
                                           needs_layout_passes=False,
                                           disable_bounds_checks=True),
  )
  def sc_embed(idx_hbm, table_hbm, out_hbm, idx_v, rows_v, trv, g0, g1, s0, s1):
    gsem = [g0, g1]
    ssem = [s0, s1]
    wid = lax.axis_index("s") * NC + lax.axis_index("c")
    base = wid * BLOCKS_PER_W

    pltpu.sync_copy(idx_hbm.at[pl.ds(base, BLOCKS_PER_W)], idx_v)

    lane = lax.iota(jnp.int32, 16)

    def fire_gather(g, b):
      pltpu.async_copy(table_hbm.at[idx_v.at[g]], rows_v.at[b], gsem[b])

    def wait_gather(b):
      pltpu.make_async_copy(table_hbm.at[idx_v.at[0]], rows_v.at[b],
                            gsem[b]).wait()

    erows = [lane, lane + 16]

    def transpose(b):
      @plsc.parallel_loop(0, LANES, unroll=2)
      def _(j):
        cj = jnp.broadcast_to(j, (16,))
        for g in range(2):
          v16 = rows_v[b, j, pl.ds(g * 16, 16)]
          plsc.store_scatter(trv.at[b], [erows[g], cj], v16)

    def fire_stores(g, b):
      h = g // TC_PER_H
      tc = g % TC_PER_H
      for tr in range(ETILES):
        pltpu.async_copy(trv.at[b, pl.ds(tr * 8, 8), pl.ds(0, LANES)],
                         out_hbm.at[h, tr, tc], ssem[b])

    def wait_stores(g, b):
      h = g // TC_PER_H
      tc = g % TC_PER_H
      for tr in range(ETILES):
        pltpu.make_async_copy(trv.at[b, pl.ds(tr * 8, 8), pl.ds(0, LANES)],
                              out_hbm.at[h, tr, tc], ssem[b]).wait()

    fire_gather(0, 0)
    fire_gather(1, 1)

    for bsel in range(2):
      wait_gather(bsel)
      transpose(bsel)
      fire_gather(2 + bsel, bsel)
      fire_stores(base + bsel, bsel)

    @pl.loop(1, BLOCKS_PER_W // 2 - 1)
    def _(i):
      for bsel in range(2):
        gl = i * 2 + bsel
        g = base + gl
        wait_gather(bsel)
        wait_stores(g - 2, bsel)
        transpose(bsel)
        fire_gather(gl + 2, bsel)
        fire_stores(g, bsel)

    for bsel in range(2):
      g = base + BLOCKS_PER_W - 2 + bsel
      wait_gather(bsel)
      wait_stores(g - 2, bsel)
      transpose(bsel)
      fire_stores(g, bsel)

    wait_stores(base + BLOCKS_PER_W - 2, 0)
    wait_stores(base + BLOCKS_PER_W - 1, 1)

  return sc_embed


def kernel(x, table):
  idx = x.T.reshape(NBLOCKS, LANES).astype(jnp.int32)
  tail = lax.slice(table, (VFULL, 0), (WORD_NUM, EMBED_DIM)).reshape(-1)
  lin = _make_linearizer()(table.T, tail).reshape(WORD_NUM, EMBED_DIM)
  out5 = _make_sc_kernel()(idx, lin)
  return out5.transpose(2, 4, 0, 1, 3).reshape(BATCH, HIST, EMBED_DIM)

# --- scband reference (transcript-rebuilt; emitter-appended) ---
"""Pipeline reference for scband-embedding-472446402785 (READ-ONLY COPY).

The authoritative reference and input builder live on the scoring server;
editing this copy changes nothing except your own understanding.
"""

import jax, jax.numpy as jnp
import numpy as np

WORD_NUM = 1000000
EMBED_DIM = 32
BATCH = 16384
HIST = 50

def setup_inputs(seed: int = 0) -> dict:
    key = jax.random.key(seed)
    k1, k2 = jax.random.split(key)
    x = jax.random.randint(k1, (BATCH, HIST), 0, WORD_NUM, dtype=jnp.int64 if jax.config.jax_enable_x64 else jnp.int32)
    table = jax.random.normal(k2, (WORD_NUM, EMBED_DIM), dtype=jnp.float32)
    return {"x": x, "table": table}

def reference(x, table):
    # nn.Embedding forward: gather rows of the table by index
    return jnp.take(table, x, axis=0)

if __name__ == "__main__":
    import jax
    _d = setup_inputs()
    print(jax.jit(kernel)(*tuple(_d.values())))

</pallas_src>

<mosaic_0001>
#map = affine_map<(d0, d1) -> (0, 0)>
#map1 = affine_map<(d0, d1) -> (0, 0, 0, 0, 0)>
module attributes {stable_mosaic.version = 14 : i64} {
  func.func @sc_embed(%arg0: i32, %arg1: i32, %arg2: memref<6400x128xi32, #tpu.memory_space<hbm>>, %arg3: memref<1000000x32xf32, #tpu.memory_space<hbm>>, %arg4: memref<50x4x128x8x128xf32, #tpu.memory_space<hbm>>, %arg5: memref<200x128xi32, #tpu.memory_space<vmem>>, %arg6: memref<2x128x32xf32, #tpu.memory_space<vmem>>, %arg7: memref<2x32x129xf32, #tpu.memory_space<vmem>>, %arg8: memref<!tpu.dma_semaphore, #tpu.memory_space<semaphore_mem>>, %arg9: memref<!tpu.dma_semaphore, #tpu.memory_space<semaphore_mem>>, %arg10: memref<!tpu.dma_semaphore, #tpu.memory_space<semaphore_mem>>, %arg11: memref<!tpu.dma_semaphore, #tpu.memory_space<semaphore_mem>>) attributes {dimension_semantics = [#tpu.dimension_semantics<core_parallel>, #tpu.dimension_semantics<subcore_parallel>], iteration_bounds = array<i64: 2, 16>, scalar_prefetch = 0 : i64, scratch_operands = 7 : i64, tpu.core_type = #tpu.core_type<sc_vector_subcore>, window_params = [{transform_indices = #map}, {transform_indices = #map}, {transform_indices = #map1}]} {
    %mul3A = arith.constant 2 : i32
    %mul3A_0 = arith.muli %arg1, %mul3A : i32
    %add3A = arith.addi %mul3A_0, %arg0 : i32
    %mul3A_1 = arith.constant 200 : i32
    %mul3A_2 = arith.muli %add3A, %mul3A_1 : i32
    "tpu.region"() ({
      %run_scoped3A = tpu.sem_alloc : memref<!tpu.dma_semaphore, #tpu.memory_space<semaphore_mem>>
      %dma_start3A_1029 = arith.constant 0 : i32
      %dma_start3A_1030 = tpu.memref_slice %arg2[%mul3A_2, %dma_start3A_1029] : memref<6400x128xi32, #tpu.memory_space<hbm>> -> memref<200x128xi32, #tpu.memory_space<hbm>>
      %dma_start3A_1031 = arith.constant 0 : i32
      %dma_start3A_1032 = tpu.memref_slice %arg2[%mul3A_2, %dma_start3A_1031] : memref<6400x128xi32, #tpu.memory_space<hbm>> -> memref<200x128xi32, #tpu.memory_space<hbm>>
      tpu.enqueue_dma source(%dma_start3A_1032 : memref<200x128xi32, #tpu.memory_space<hbm>>) target(%arg5 : memref<200x128xi32, #tpu.memory_space<vmem>>) target_semaphore(%run_scoped3A : memref<!tpu.dma_semaphore, #tpu.memory_space<semaphore_mem>>)
      %dma_wait3A_1033 = arith.constant 0 : i32
      %dma_wait3A_1034 = tpu.memref_slice %arg2[%mul3A_2, %dma_wait3A_1033] : memref<6400x128xi32, #tpu.memory_space<hbm>> -> memref<200x128xi32, #tpu.memory_space<hbm>>
      %dma_wait3A_1035 = arith.constant 0 : i32
      %dma_wait3A_1036 = tpu.memref_slice %arg2[%mul3A_2, %dma_wait3A_1035] : memref<6400x128xi32, #tpu.memory_space<hbm>> -> memref<200x128xi32, #tpu.memory_space<hbm>>
      tpu.wait_dma2 semaphore(%run_scoped3A : memref<!tpu.dma_semaphore, #tpu.memory_space<semaphore_mem>>) src(%dma_wait3A_1036 : memref<200x128xi32, #tpu.memory_space<hbm>>) dst(%arg5 : memref<200x128xi32, #tpu.memory_space<vmem>>)
      tpu.yield
    }) : () -> ()
    %iota3A = tpu.iota {dimensions = array<i32: 0>} : vector<16xi32>
    %add3A_3 = arith.constant 16 : i32
    %add3A_4 = vector.broadcast %add3A_3 : i32 to vector<16xi32>
    %add3A_5 = arith.addi %iota3A, %add3A_4 : vector<16xi32>
    %dma_start3A = arith.constant 0 : i32
    %dma_start3A_6 = arith.constant 0 : i32
    %dma_start3A_7 = arith.constant 0 : i32
    %dma_start3A_8 = arith.constant 0 : i32
    %dma_start3A_9 = tpu.memref_slice %arg6[%dma_start3A_6, %dma_start3A_7, %dma_start3A_8] : memref<2x128x32xf32, #tpu.memory_space<vmem>> -> memref<1x128x32xf32, #tpu.memory_space<vmem>>
    %dma_start3A_10 = tpu.memref_squeeze %dma_start3A_9 : memref<1x128x32xf32, #tpu.memory_space<vmem>> -> memref<128x32xf32, #tpu.memory_space<vmem>>
    %dma_start3A_11 = arith.constant 0 : i32
    %dma_start3A_12 = tpu.memref_slice %arg5[%dma_start3A, %dma_start3A_11] : memref<200x128xi32, #tpu.memory_space<vmem>> -> memref<1x128xi32, #tpu.memory_space<vmem>>
    %dma_start3A_13 = tpu.memref_squeeze %dma_start3A_12 : memref<1x128xi32, #tpu.memory_space<vmem>> -> memref<128xi32, #tpu.memory_space<vmem>>
    %dma_start3A_14 = arith.constant 0 : i32
    %dma_start3A_15 = arith.constant 0 : i32
    %dma_start3A_16 = tpu.memref_slice %arg3[%dma_start3A_14, %dma_start3A_15] : memref<1000000x32xf32, #tpu.memory_space<hbm>> -> memref<1000000x32xf32, #tpu.memory_space<hbm>>
    tpu.enqueue_indirect_dma source(%dma_start3A_16 : memref<1000000x32xf32, #tpu.memory_space<hbm>>) target(%dma_start3A_10 : memref<128x32xf32, #tpu.memory_space<vmem>>) offsets(%dma_start3A_13 : memref<128xi32, #tpu.memory_space<vmem>>) semaphore(%arg8 : memref<!tpu.dma_semaphore, #tpu.memory_space<semaphore_mem>>)
    %dma_start3A_17 = arith.constant 1 : i32
    %dma_start3A_18 = arith.constant 1 : i32
    %dma_start3A_19 = arith.constant 0 : i32
    %dma_start3A_20 = arith.constant 0 : i32
    %dma_start3A_21 = tpu.memref_slice %arg6[%dma_start3A_18, %dma_start3A_19, %dma_start3A_20] : memref<2x128x32xf32, #tpu.memory_space<vmem>> -> memref<1x128x32xf32, #tpu.memory_space<vmem>>
    %dma_start3A_22 = tpu.memref_squeeze %dma_start3A_21 : memref<1x128x32xf32, #tpu.memory_space<vmem>> -> memref<128x32xf32, #tpu.memory_space<vmem>>
    %dma_start3A_23 = arith.constant 0 : i32
    %dma_start3A_24 = tpu.memref_slice %arg5[%dma_start3A_17, %dma_start3A_23] : memref<200x128xi32, #tpu.memory_space<vmem>> -> memref<1x128xi32, #tpu.memory_space<vmem>>
    %dma_start3A_25 = tpu.memref_squeeze %dma_start3A_24 : memref<1x128xi32, #tpu.memory_space<vmem>> -> memref<128xi32, #tpu.memory_space<vmem>>
    %dma_start3A_26 = arith.constant 0 : i32
    %dma_start3A_27 = arith.constant 0 : i32
    %dma_start3A_28 = tpu.memref_slice %arg3[%dma_start3A_26, %dma_start3A_27] : memref<1000000x32xf32, #tpu.memory_space<hbm>> -> memref<1000000x32xf32, #tpu.memory_space<hbm>>
    tpu.enqueue_indirect_dma source(%dma_start3A_28 : memref<1000000x32xf32, #tpu.memory_space<hbm>>) target(%dma_start3A_22 : memref<128x32xf32, #tpu.memory_space<vmem>>) offsets(%dma_start3A_25 : memref<128xi32, #tpu.memory_space<vmem>>) semaphore(%arg9 : memref<!tpu.dma_semaphore, #tpu.memory_space<semaphore_mem>>)
    %dma_wait3A = arith.constant 0 : i32
    %dma_wait3A_29 = arith.constant 0 : i32
    %dma_wait3A_30 = arith.constant 0 : i32
    %dma_wait3A_31 = arith.constant 0 : i32
    %dma_wait3A_32 = tpu.memref_slice %arg6[%dma_wait3A_29, %dma_wait3A_30, %dma_wait3A_31] : memref<2x128x32xf32, #tpu.memory_space<vmem>> -> memref<1x128x32xf32, #tpu.memory_space<vmem>>
    %dma_wait3A_33 = tpu.memref_squeeze %dma_wait3A_32 : memref<1x128x32xf32, #tpu.memory_space<vmem>> -> memref<128x32xf32, #tpu.memory_space<vmem>>
    %dma_wait3A_34 = arith.constant 0 : i32
    %dma_wait3A_35 = tpu.memref_slice %arg5[%dma_wait3A, %dma_wait3A_34] : memref<200x128xi32, #tpu.memory_space<vmem>> -> memref<1x128xi32, #tpu.memory_space<vmem>>
    %dma_wait3A_36 = tpu.memref_squeeze %dma_wait3A_35 : memref<1x128xi32, #tpu.memory_space<vmem>> -> memref<128xi32, #tpu.memory_space<vmem>>
    %dma_wait3A_37 = arith.constant 0 : i32
    %dma_wait3A_38 = arith.constant 0 : i32
    %dma_wait3A_39 = tpu.memref_slice %arg3[%dma_wait3A_37, %dma_wait3A_38] : memref<1000000x32xf32, #tpu.memory_space<hbm>> -> memref<1000000x32xf32, #tpu.memory_space<hbm>>
    tpu.wait_indirect_dma semaphore(%arg8 : memref<!tpu.dma_semaphore, #tpu.memory_space<semaphore_mem>>) src(%dma_wait3A_39 : memref<1000000x32xf32, #tpu.memory_space<hbm>>) dst(%dma_wait3A_33 : memref<128x32xf32, #tpu.memory_space<vmem>>)
    %parallel_loop3A = arith.constant 0 : i32
    %parallel_loop3A_40 = arith.constant 128 : i32
    %parallel_loop3A_41 = arith.constant 1 : i32
    scf.for %parallel_loop3A_1029 = %parallel_loop3A to %parallel_loop3A_40 step %parallel_loop3A_41  : i32 {
      %parallel_loop3A_1030 = vector.broadcast %parallel_loop3A_1029 : i32 to vector<16xi32>
      %parallel_loop3A_1031 = arith.constant 0 : i32
      %parallel_loop3A_1032 = arith.index_cast %parallel_loop3A_1031 : i32 to index
      %parallel_loop3A_1033 = arith.index_cast %parallel_loop3A_1029 : i32 to index
      %parallel_loop3A_1034 = arith.constant 0 : index
      %parallel_loop3A_1035 = tpu.vector_load %arg6[%parallel_loop3A_1032, %parallel_loop3A_1033, %parallel_loop3A_1034] {strides = array<i32>} : memref<2x128x32xf32, #tpu.memory_space<vmem>>, vector<16xf32>,
      %parallel_loop3A_1036 = arith.constant 0 : i32
      %parallel_loop3A_1037 = arith.constant 0 : i32
      %parallel_loop3A_1038 = arith.constant 0 : i32
      %parallel_loop3A_1039 = tpu.memref_slice %arg7[%parallel_loop3A_1036, %parallel_loop3A_1037, %parallel_loop3A_1038] : memref<2x32x129xf32, #tpu.memory_space<vmem>> -> memref<1x32x129xf32, #tpu.memory_space<vmem>>
      %parallel_loop3A_1040 = tpu.memref_squeeze %parallel_loop3A_1039 : memref<1x32x129xf32, #tpu.memory_space<vmem>> -> memref<32x129xf32, #tpu.memory_space<vmem>>
      tpu.vector_store_idx %parallel_loop3A_1040[%iota3A, %parallel_loop3A_1030], %parallel_loop3A_1035 : memref<32x129xf32, #tpu.memory_space<vmem>>[vector<16xi32>, vector<16xi32>], vector<16xf32>,
      %parallel_loop3A_1041 = arith.constant 0 : i32
      %parallel_loop3A_1042 = arith.index_cast %parallel_loop3A_1041 : i32 to index
      %parallel_loop3A_1043 = arith.index_cast %parallel_loop3A_1029 : i32 to index
      %parallel_loop3A_1044 = arith.constant 16 : index
      %parallel_loop3A_1045 = tpu.vector_load %arg6[%parallel_loop3A_1042, %parallel_loop3A_1043, %parallel_loop3A_1044] {strides = array<i32>} : memref<2x128x32xf32, #tpu.memory_space<vmem>>, vector<16xf32>,
      %parallel_loop3A_1046 = arith.constant 0 : i32
      %parallel_loop3A_1047 = arith.constant 0 : i32
      %parallel_loop3A_1048 = arith.constant 0 : i32
      %parallel_loop3A_1049 = tpu.memref_slice %arg7[%parallel_loop3A_1046, %parallel_loop3A_1047, %parallel_loop3A_1048] : memref<2x32x129xf32, #tpu.memory_space<vmem>> -> memref<1x32x129xf32, #tpu.memory_space<vmem>>
      %parallel_loop3A_1050 = tpu.memref_squeeze %parallel_loop3A_1049 : memref<1x32x129xf32, #tpu.memory_space<vmem>> -> memref<32x129xf32, #tpu.memory_space<vmem>>
      tpu.vector_store_idx %parallel_loop3A_1050[%add3A_5, %parallel_loop3A_1030], %parallel_loop3A_1045 : memref<32x129xf32, #tpu.memory_space<vmem>>[vector<16xi32>, vector<16xi32>], vector<16xf32>,
    } {sc.loop_unroll_factor = 2 : i64, sc.parallel_access}
    %dma_start3A_42 = arith.constant 2 : i32
    %dma_start3A_43 = arith.constant 0 : i32
    %dma_start3A_44 = arith.constant 0 : i32
    %dma_start3A_45 = arith.constant 0 : i32
    %dma_start3A_46 = tpu.memref_slice %arg6[%dma_start3A_43, %dma_start3A_44, %dma_start3A_45] : memref<2x128x32xf32, #tpu.memory_space<vmem>> -> memref<1x128x32xf32, #tpu.memory_space<vmem>>
    %dma_start3A_47 = tpu.memref_squeeze %dma_start3A_46 : memref<1x128x32xf32, #tpu.memory_space<vmem>> -> memref<128x32xf32, #tpu.memory_space<vmem>>
    %dma_start3A_48 = arith.constant 0 : i32
    %dma_start3A_49 = tpu.memref_slice %arg5[%dma_start3A_42, %dma_start3A_48] : memref<200x128xi32, #tpu.memory_space<vmem>> -> memref<1x128xi32, #tpu.memory_space<vmem>>
    %dma_start3A_50 = tpu.memref_squeeze %dma_start3A_49 : memref<1x128xi32, #tpu.memory_space<vmem>> -> memref<128xi32, #tpu.memory_space<vmem>>
    %dma_start3A_51 = arith.constant 0 : i32
    %dma_start3A_52 = arith.constant 0 : i32
    %dma_start3A_53 = tpu.memref_slice %arg3[%dma_start3A_51, %dma_start3A_52] : memref<1000000x32xf32, #tpu.memory_space<hbm>> -> memref<1000000x32xf32, #tpu.memory_space<hbm>>
    tpu.enqueue_indirect_dma source(%dma_start3A_53 : memref<1000000x32xf32, #tpu.memory_space<hbm>>) target(%dma_start3A_47 : memref<128x32xf32, #tpu.memory_space<vmem>>) offsets(%dma_start3A_50 : memref<128xi32, #tpu.memory_space<vmem>>) semaphore(%arg8 : memref<!tpu.dma_semaphore, #tpu.memory_space<semaphore_mem>>)
    %add3A_54 = arith.constant 0 : i32
    %add3A_55 = arith.addi %mul3A_2, %add3A_54 : i32
    %jit3A = arith.constant 128 : i32
    %div3A = arith.divsi %add3A_55, %jit3A : i32
    %sign3A = arith.constant 0 : i32
    %sign3A_56 = arith.cmpi sgt, %add3A_55, %sign3A : i32
    %sign3A_57 = arith.extui %sign3A_56 : i1 to i32
    %sign3A_58 = arith.constant 0 : i32
    %sign3A_59 = arith.cmpi slt, %add3A_55, %sign3A_58 : i32
    %sign3A_60 = arith.extui %sign3A_59 : i1 to i32
    %sign3A_61 = arith.subi %sign3A_57, %sign3A_60 : i32
    %sign3A_62 = arith.constant 0 : i32
    %sign3A_63 = arith.cmpi sgt, %jit3A, %sign3A_62 : i32
    %sign3A_64 = arith.extui %sign3A_63 : i1 to i32
    %sign3A_65 = arith.constant 0 : i32
    %sign3A_66 = arith.cmpi slt, %jit3A, %sign3A_65 : i32
    %sign3A_67 = arith.extui %sign3A_66 : i1 to i32
    %sign3A_68 = arith.subi %sign3A_64, %sign3A_67 : i32
    %ne3A = arith.cmpi ne, %sign3A_61, %sign3A_68 : i32
    %rem3A = arith.remsi %add3A_55, %jit3A : i32
    %ne3A_69 = arith.constant 0 : i32
    %ne3A_70 = arith.cmpi ne, %rem3A, %ne3A_69 : i32
    %and3A = arith.andi %ne3A, %ne3A_70 : i1
    %sub3A = arith.constant 1 : i32
    %sub3A_71 = arith.subi %div3A, %sub3A : i32
    %select_n3A = arith.select %and3A, %sub3A_71, %div3A : i32
    %jit3A_72 = arith.constant 128 : i32
    %eq3A = arith.constant 0 : i32
    %eq3A_73 = arith.cmpi eq, %jit3A_72, %eq3A : i32
    %jit3A_74 = arith.constant 1 : i32
    %select_n3A_75 = arith.select %eq3A_73, %jit3A_74, %jit3A_72 : i32
    %rem3A_76 = arith.remsi %add3A_55, %select_n3A_75 : i32
    %ne3A_77 = arith.constant 0 : i32
    %ne3A_78 = arith.cmpi ne, %rem3A_76, %ne3A_77 : i32
    %lt3A = arith.constant 0 : i32
    %lt3A_79 = arith.cmpi slt, %rem3A_76, %lt3A : i32
    %lt3A_80 = arith.constant 0 : i32
    %lt3A_81 = arith.cmpi slt, %select_n3A_75, %lt3A_80 : i32
    %ne3A_82 = arith.xori %lt3A_79, %lt3A_81 : i1
    %and3A_83 = arith.andi %ne3A_82, %ne3A_78 : i1
    %add3A_84 = arith.addi %rem3A_76, %select_n3A_75 : i32
    %select_n3A_85 = arith.select %and3A_83, %add3A_84, %rem3A_76 : i32
    %dma_start3A_86 = arith.constant 0 : i32
    %dma_start3A_87 = arith.constant 0 : i32
    %dma_start3A_88 = arith.constant 0 : i32
    %dma_start3A_89 = arith.constant 0 : i32
    %dma_start3A_90 = tpu.memref_slice %arg7[%dma_start3A_86, %dma_start3A_88, %dma_start3A_89] : memref<2x32x129xf32, #tpu.memory_space<vmem>> -> memref<1x8x128xf32, #tpu.memory_space<vmem>>
    %dma_start3A_91 = tpu.memref_squeeze %dma_start3A_90 : memref<1x8x128xf32, #tpu.memory_space<vmem>> -> memref<8x128xf32, #tpu.memory_space<vmem>>
    %dma_start3A_92 = arith.constant 0 : i32
    %dma_start3A_93 = arith.constant 0 : i32
    %dma_start3A_94 = tpu.memref_slice %arg4[%select_n3A, %dma_start3A_87, %select_n3A_85, %dma_start3A_92, %dma_start3A_93] : memref<50x4x128x8x128xf32, #tpu.memory_space<hbm>> -> memref<1x1x1x8x128xf32, #tpu.memory_space<hbm>>
    %dma_start3A_95 = tpu.memref_squeeze %dma_start3A_94 : memref<1x1x1x8x128xf32, #tpu.memory_space<hbm>> -> memref<8x128xf32, #tpu.memory_space<hbm>>
    %dma_start3A_96 = arith.constant 0 : i32
    %dma_start3A_97 = arith.constant 0 : i32
    %dma_start3A_98 = tpu.memref_slice %arg4[%select_n3A, %dma_start3A_87, %select_n3A_85, %dma_start3A_96, %dma_start3A_97] : memref<50x4x128x8x128xf32, #tpu.memory_space<hbm>> -> memref<1x1x1x8x128xf32, #tpu.memory_space<hbm>>
    %dma_start3A_99 = tpu.memref_squeeze %dma_start3A_98 : memref<1x1x1x8x128xf32, #tpu.memory_space<hbm>> -> memref<8x128xf32, #tpu.memory_space<hbm>>
    %dma_start3A_100 = arith.constant 0 : i32
    %dma_start3A_101 = arith.constant 0 : i32
    %dma_start3A_102 = tpu.memref_slice %arg7[%dma_start3A_86, %dma_start3A_100, %dma_start3A_101] : memref<2x32x129xf32, #tpu.memory_space<vmem>> -> memref<1x8x128xf32, #tpu.memory_space<vmem>>
    %dma_start3A_103 = tpu.memref_squeeze %dma_start3A_102 : memref<1x8x128xf32, #tpu.memory_space<vmem>> -> memref<8x128xf32, #tpu.memory_space<vmem>>
    tpu.enqueue_dma source(%dma_start3A_103 : memref<8x128xf32, #tpu.memory_space<vmem>>) target(%dma_start3A_99 : memref<8x128xf32, #tpu.memory_space<hbm>>) target_semaphore(%arg10 : memref<!tpu.dma_semaphore, #tpu.memory_space<semaphore_mem>>)
    %dma_start3A_104 = arith.constant 0 : i32
    %dma_start3A_105 = arith.constant 1 : i32
    %dma_start3A_106 = arith.constant 8 : i32
    %dma_start3A_107 = arith.constant 0 : i32
    %dma_start3A_108 = tpu.memref_slice %arg7[%dma_start3A_104, %dma_start3A_106, %dma_start3A_107] : memref<2x32x129xf32, #tpu.memory_space<vmem>> -> memref<1x8x128xf32, #tpu.memory_space<vmem>>
    %dma_start3A_109 = tpu.memref_squeeze %dma_start3A_108 : memref<1x8x128xf32, #tpu.memory_space<vmem>> -> memref<8x128xf32, #tpu.memory_space<vmem>>
    %dma_start3A_110 = arith.constant 0 : i32
    %dma_start3A_111 = arith.constant 0 : i32
    %dma_start3A_112 = tpu.memref_slice %arg4[%select_n3A, %dma_start3A_105, %select_n3A_85, %dma_start3A_110, %dma_start3A_111] : memref<50x4x128x8x128xf32, #tpu.memory_space<hbm>> -> memref<1x1x1x8x128xf32, #tpu.memory_space<hbm>>
    %dma_start3A_113 = tpu.memref_squeeze %dma_start3A_112 : memref<1x1x1x8x128xf32, #tpu.memory_space<hbm>> -> memref<8x128xf32, #tpu.memory_space<hbm>>
    %dma_start3A_114 = arith.constant 0 : i32
    %dma_start3A_115 = arith.constant 0 : i32
    %dma_start3A_116 = tpu.memref_slice %arg4[%select_n3A, %dma_start3A_105, %select_n3A_85, %dma_start3A_114, %dma_start3A_115] : memref<50x4x128x8x128xf32, #tpu.memory_space<hbm>> -> memref<1x1x1x8x128xf32, #tpu.memory_space<hbm>>
    %dma_start3A_117 = tpu.memref_squeeze %dma_start3A_116 : memref<1x1x1x8x128xf32, #tpu.memory_space<hbm>> -> memref<8x128xf32, #tpu.memory_space<hbm>>
    %dma_start3A_118 = arith.constant 8 : i32
    %dma_start3A_119 = arith.constant 0 : i32
    %dma_start3A_120 = tpu.memref_slice %arg7[%dma_start3A_104, %dma_start3A_118, %dma_start3A_119] : memref<2x32x129xf32, #tpu.memory_space<vmem>> -> memref<1x8x128xf32, #tpu.memory_space<vmem>>
    %dma_start3A_121 = tpu.memref_squeeze %dma_start3A_120 : memref<1x8x128xf32, #tpu.memory_space<vmem>> -> memref<8x128xf32, #tpu.memory_space<vmem>>
    tpu.enqueue_dma source(%dma_start3A_121 : memref<8x128xf32, #tpu.memory_space<vmem>>) target(%dma_start3A_117 : memref<8x128xf32, #tpu.memory_space<hbm>>) target_semaphore(%arg10 : memref<!tpu.dma_semaphore, #tpu.memory_space<semaphore_mem>>)
    %dma_start3A_122 = arith.constant 0 : i32
    %dma_start3A_123 = arith.constant 2 : i32
    %dma_start3A_124 = arith.constant 16 : i32
    %dma_start3A_125 = arith.constant 0 : i32
    %dma_start3A_126 = tpu.memref_slice %arg7[%dma_start3A_122, %dma_start3A_124, %dma_start3A_125] : memref<2x32x129xf32, #tpu.memory_space<vmem>> -> memref<1x8x128xf32, #tpu.memory_space<vmem>>
    %dma_start3A_127 = tpu.memref_squeeze %dma_start3A_126 : memref<1x8x128xf32, #tpu.memory_space<vmem>> -> memref<8x128xf32, #tpu.memory_space<vmem>>
    %dma_start3A_128 = arith.constant 0 : i32
    %dma_start3A_129 = arith.constant 0 : i32
    %dma_start3A_130 = tpu.memref_slice %arg4[%select_n3A, %dma_start3A_123, %select_n3A_85, %dma_start3A_128, %dma_start3A_129] : memref<50x4x128x8x128xf32, #tpu.memory_space<hbm>> -> memref<1x1x1x8x128xf32, #tpu.memory_space<hbm>>
    %dma_start3A_131 = tpu.memref_squeeze %dma_start3A_130 : memref<1x1x1x8x128xf32, #tpu.memory_space<hbm>> -> memref<8x128xf32, #tpu.memory_space<hbm>>
    %dma_start3A_132 = arith.constant 0 : i32
    %dma_start3A_133 = arith.constant 0 : i32
    %dma_start3A_134 = tpu.memref_slice %arg4[%select_n3A, %dma_start3A_123, %select_n3A_85, %dma_start3A_132, %dma_start3A_133] : memref<50x4x128x8x128xf32, #tpu.memory_space<hbm>> -> memref<1x1x1x8x128xf32, #tpu.memory_space<hbm>>
    %dma_start3A_135 = tpu.memref_squeeze %dma_start3A_134 : memref<1x1x1x8x128xf32, #tpu.memory_space<hbm>> -> memref<8x128xf32, #tpu.memory_space<hbm>>
    %dma_start3A_136 = arith.constant 16 : i32
    %dma_start3A_137 = arith.constant 0 : i32
    %dma_start3A_138 = tpu.memref_slice %arg7[%dma_start3A_122, %dma_start3A_136, %dma_start3A_137] : memref<2x32x129xf32, #tpu.memory_space<vmem>> -> memref<1x8x128xf32, #tpu.memory_space<vmem>>
    %dma_start3A_139 = tpu.memref_squeeze %dma_start3A_138 : memref<1x8x128xf32, #tpu.memory_space<vmem>> -> memref<8x128xf32, #tpu.memory_space<vmem>>
    tpu.enqueue_dma source(%dma_start3A_139 : memref<8x128xf32, #tpu.memory_space<vmem>>) target(%dma_start3A_135 : memref<8x128xf32, #tpu.memory_space<hbm>>) target_semaphore(%arg10 : memref<!tpu.dma_semaphore, #tpu.memory_space<semaphore_mem>>)
    %dma_start3A_140 = arith.constant 0 : i32
    %dma_start3A_141 = arith.constant 3 : i32
    %dma_start3A_142 = arith.constant 24 : i32
    %dma_start3A_143 = arith.constant 0 : i32
    %dma_start3A_144 = tpu.memref_slice %arg7[%dma_start3A_140, %dma_start3A_142, %dma_start3A_143] : memref<2x32x129xf32, #tpu.memory_space<vmem>> -> memref<1x8x128xf32, #tpu.memory_space<vmem>>
    %dma_start3A_145 = tpu.memref_squeeze %dma_start3A_144 : memref<1x8x128xf32, #tpu.memory_space<vmem>> -> memref<8x128xf32, #tpu.memory_space<vmem>>
    %dma_start3A_146 = arith.constant 0 : i32
    %dma_start3A_147 = arith.constant 0 : i32
    %dma_start3A_148 = tpu.memref_slice %arg4[%select_n3A, %dma_start3A_141, %select_n3A_85, %dma_start3A_146, %dma_start3A_147] : memref<50x4x128x8x128xf32, #tpu.memory_space<hbm>> -> memref<1x1x1x8x128xf32, #tpu.memory_space<hbm>>
    %dma_start3A_149 = tpu.memref_squeeze %dma_start3A_148 : memref<1x1x1x8x128xf32, #tpu.memory_space<hbm>> -> memref<8x128xf32, #tpu.memory_space<hbm>>
    %dma_start3A_150 = arith.constant 0 : i32
    %dma_start3A_151 = arith.constant 0 : i32
    %dma_start3A_152 = tpu.memref_slice %arg4[%select_n3A, %dma_start3A_141, %select_n3A_85, %dma_start3A_150, %dma_start3A_151] : memref<50x4x128x8x128xf32, #tpu.memory_space<hbm>> -> memref<1x1x1x8x128xf32, #tpu.memory_space<hbm>>
    %dma_start3A_153 = tpu.memref_squeeze %dma_start3A_152 : memref<1x1x1x8x128xf32, #tpu.memory_space<hbm>> -> memref<8x128xf32, #tpu.memory_space<hbm>>
    %dma_start3A_154 = arith.constant 24 : i32
    %dma_start3A_155 = arith.constant 0 : i32
    %dma_start3A_156 = tpu.memref_slice %arg7[%dma_start3A_140, %dma_start3A_154, %dma_start3A_155] : memref<2x32x129xf32, #tpu.memory_space<vmem>> -> memref<1x8x128xf32, #tpu.memory_space<vmem>>
    %dma_start3A_157 = tpu.memref_squeeze %dma_start3A_156 : memref<1x8x128xf32, #tpu.memory_space<vmem>> -> memref<8x128xf32, #tpu.memory_space<vmem>>
    tpu.enqueue_dma source(%dma_start3A_157 : memref<8x128xf32, #tpu.memory_space<vmem>>) target(%dma_start3A_153 : memref<8x128xf32, #tpu.memory_space<hbm>>) target_semaphore(%arg10 : memref<!tpu.dma_semaphore, #tpu.memory_space<semaphore_mem>>)
    %dma_wait3A_158 = arith.constant 0 : i32
    %dma_wait3A_159 = arith.constant 1 : i32
    %dma_wait3A_160 = arith.constant 0 : i32
    %dma_wait3A_161 = arith.constant 0 : i32
    %dma_wait3A_162 = tpu.memref_slice %arg6[%dma_wait3A_159, %dma_wait3A_160, %dma_wait3A_161] : memref<2x128x32xf32, #tpu.memory_space<vmem>> -> memref<1x128x32xf32, #tpu.memory_space<vmem>>
    %dma_wait3A_163 = tpu.memref_squeeze %dma_wait3A_162 : memref<1x128x32xf32, #tpu.memory_space<vmem>> -> memref<128x32xf32, #tpu.memory_space<vmem>>
    %dma_wait3A_164 = arith.constant 0 : i32
    %dma_wait3A_165 = tpu.memref_slice %arg5[%dma_wait3A_158, %dma_wait3A_164] : memref<200x128xi32, #tpu.memory_space<vmem>> -> memref<1x128xi32, #tpu.memory_space<vmem>>
    %dma_wait3A_166 = tpu.memref_squeeze %dma_wait3A_165 : memref<1x128xi32, #tpu.memory_space<vmem>> -> memref<128xi32, #tpu.memory_space<vmem>>
    %dma_wait3A_167 = arith.constant 0 : i32
    %dma_wait3A_168 = arith.constant 0 : i32
    %dma_wait3A_169 = tpu.memref_slice %arg3[%dma_wait3A_167, %dma_wait3A_168] : memref<1000000x32xf32, #tpu.memory_space<hbm>> -> memref<1000000x32xf32, #tpu.memory_space<hbm>>
    tpu.wait_indirect_dma semaphore(%arg9 : memref<!tpu.dma_semaphore, #tpu.memory_space<semaphore_mem>>) src(%dma_wait3A_169 : memref<1000000x32xf32, #tpu.memory_space<hbm>>) dst(%dma_wait3A_163 : memref<128x32xf32, #tpu.memory_space<vmem>>)
    %parallel_loop3A_170 = arith.constant 0 : i32
    %parallel_loop3A_171 = arith.constant 128 : i32
    %parallel_loop3A_172 = arith.constant 1 : i32
    scf.for %parallel_loop3A_1029 = %parallel_loop3A_170 to %parallel_loop3A_171 step %parallel_loop3A_172  : i32 {
      %parallel_loop3A_1030 = vector.broadcast %parallel_loop3A_1029 : i32 to vector<16xi32>
      %parallel_loop3A_1031 = arith.constant 1 : i32
      %parallel_loop3A_1032 = arith.index_cast %parallel_loop3A_1031 : i32 to index
      %parallel_loop3A_1033 = arith.index_cast %parallel_loop3A_1029 : i32 to index
      %parallel_loop3A_1034 = arith.constant 0 : index
      %parallel_loop3A_1035 = tpu.vector_load %arg6[%parallel_loop3A_1032, %parallel_loop3A_1033, %parallel_loop3A_1034] {strides = array<i32>} : memref<2x128x32xf32, #tpu.memory_space<vmem>>, vector<16xf32>,
      %parallel_loop3A_1036 = arith.constant 1 : i32
      %parallel_loop3A_1037 = arith.constant 0 : i32
      %parallel_loop3A_1038 = arith.constant 0 : i32
      %parallel_loop3A_1039 = tpu.memref_slice %arg7[%parallel_loop3A_1036, %parallel_loop3A_1037, %parallel_loop3A_1038] : memref<2x32x129xf32, #tpu.memory_space<vmem>> -> memref<1x32x129xf32, #tpu.memory_space<vmem>>
      %parallel_loop3A_1040 = tpu.memref_squeeze %parallel_loop3A_1039 : memref<1x32x129xf32, #tpu.memory_space<vmem>> -> memref<32x129xf32, #tpu.memory_space<vmem>>
      tpu.vector_store_idx %parallel_loop3A_1040[%iota3A, %parallel_loop3A_1030], %parallel_loop3A_1035 : memref<32x129xf32, #tpu.memory_space<vmem>>[vector<16xi32>, vector<16xi32>], vector<16xf32>,
      %parallel_loop3A_1041 = arith.constant 1 : i32
      %parallel_loop3A_1042 = arith.index_cast %parallel_loop3A_1041 : i32 to index
      %parallel_loop3A_1043 = arith.index_cast %parallel_loop3A_1029 : i32 to index
      %parallel_loop3A_1044 = arith.constant 16 : index
      %parallel_loop3A_1045 = tpu.vector_load %arg6[%parallel_loop3A_1042, %parallel_loop3A_1043, %parallel_loop3A_1044] {strides = array<i32>} : memref<2x128x32xf32, #tpu.memory_space<vmem>>, vector<16xf32>,
      %parallel_loop3A_1046 = arith.constant 1 : i32
      %parallel_loop3A_1047 = arith.constant 0 : i32
      %parallel_loop3A_1048 = arith.constant 0 : i32
      %parallel_loop3A_1049 = tpu.memref_slice %arg7[%parallel_loop3A_1046, %parallel_loop3A_1047, %parallel_loop3A_1048] : memref<2x32x129xf32, #tpu.memory_space<vmem>> -> memref<1x32x129xf32, #tpu.memory_space<vmem>>
      %parallel_loop3A_1050 = tpu.memref_squeeze %parallel_loop3A_1049 : memref<1x32x129xf32, #tpu.memory_space<vmem>> -> memref<32x129xf32, #tpu.memory_space<vmem>>
      tpu.vector_store_idx %parallel_loop3A_1050[%add3A_5, %parallel_loop3A_1030], %parallel_loop3A_1045 : memref<32x129xf32, #tpu.memory_space<vmem>>[vector<16xi32>, vector<16xi32>], vector<16xf32>,
    } {sc.loop_unroll_factor = 2 : i64, sc.parallel_access}
    %dma_start3A_173 = arith.constant 3 : i32
    %dma_start3A_174 = arith.constant 1 : i32
    %dma_start3A_175 = arith.constant 0 : i32
    %dma_start3A_176 = arith.constant 0 : i32
    %dma_start3A_177 = tpu.memref_slice %arg6[%dma_start3A_174, %dma_start3A_175, %dma_start3A_176] : memref<2x128x32xf32, #tpu.memory_space<vmem>> -> memref<1x128x32xf32, #tpu.memory_space<vmem>>
    %dma_start3A_178 = tpu.memref_squeeze %dma_start3A_177 : memref<1x128x32xf32, #tpu.memory_space<vmem>> -> memref<128x32xf32, #tpu.memory_space<vmem>>
    %dma_start3A_179 = arith.constant 0 : i32
    %dma_start3A_180 = tpu.memref_slice %arg5[%dma_start3A_173, %dma_start3A_179] : memref<200x128xi32, #tpu.memory_space<vmem>> -> memref<1x128xi32, #tpu.memory_space<vmem>>
    %dma_start3A_181 = tpu.memref_squeeze %dma_start3A_180 : memref<1x128xi32, #tpu.memory_space<vmem>> -> memref<128xi32, #tpu.memory_space<vmem>>
    %dma_start3A_182 = arith.constant 0 : i32
    %dma_start3A_183 = arith.constant 0 : i32
    %dma_start3A_184 = tpu.memref_slice %arg3[%dma_start3A_182, %dma_start3A_183] : memref<1000000x32xf32, #tpu.memory_space<hbm>> -> memref<1000000x32xf32, #tpu.memory_space<hbm>>
    tpu.enqueue_indirect_dma source(%dma_start3A_184 : memref<1000000x32xf32, #tpu.memory_space<hbm>>) target(%dma_start3A_178 : memref<128x32xf32, #tpu.memory_space<vmem>>) offsets(%dma_start3A_181 : memref<128xi32, #tpu.memory_space<vmem>>) semaphore(%arg9 : memref<!tpu.dma_semaphore, #tpu.memory_space<semaphore_mem>>)
    %add3A_185 = arith.constant 1 : i32
    %add3A_186 = arith.addi %mul3A_2, %add3A_185 : i32
    %jit3A_187 = arith.constant 128 : i32
    %div3A_188 = arith.divsi %add3A_186, %jit3A_187 : i32
    %sign3A_189 = arith.constant 0 : i32
    %sign3A_190 = arith.cmpi sgt, %add3A_186, %sign3A_189 : i32
    %sign3A_191 = arith.extui %sign3A_190 : i1 to i32
    %sign3A_192 = arith.constant 0 : i32
    %sign3A_193 = arith.cmpi slt, %add3A_186, %sign3A_192 : i32
    %sign3A_194 = arith.extui %sign3A_193 : i1 to i32
    %sign3A_195 = arith.subi %sign3A_191, %sign3A_194 : i32
    %sign3A_196 = arith.constant 0 : i32
    %sign3A_197 = arith.cmpi sgt, %jit3A_187, %sign3A_196 : i32
    %sign3A_198 = arith.extui %sign3A_197 : i1 to i32
    %sign3A_199 = arith.constant 0 : i32
    %sign3A_200 = arith.cmpi slt, %jit3A_187, %sign3A_199 : i32
    %sign3A_201 = arith.extui %sign3A_200 : i1 to i32
    %sign3A_202 = arith.subi %sign3A_198, %sign3A_201 : i32
    %ne3A_203 = arith.cmpi ne, %sign3A_195, %sign3A_202 : i32
    %rem3A_204 = arith.remsi %add3A_186, %jit3A_187 : i32
    %ne3A_205 = arith.constant 0 : i32
    %ne3A_206 = arith.cmpi ne, %rem3A_204, %ne3A_205 : i32
    %and3A_207 = arith.andi %ne3A_203, %ne3A_206 : i1
    %sub3A_208 = arith.constant 1 : i32
    %sub3A_209 = arith.subi %div3A_188, %sub3A_208 : i32
    %select_n3A_210 = arith.select %and3A_207, %sub3A_209, %div3A_188 : i32
    %jit3A_211 = arith.constant 128 : i32
    %eq3A_212 = arith.constant 0 : i32
    %eq3A_213 = arith.cmpi eq, %jit3A_211, %eq3A_212 : i32
    %jit3A_214 = arith.constant 1 : i32
    %select_n3A_215 = arith.select %eq3A_213, %jit3A_214, %jit3A_211 : i32
    %rem3A_216 = arith.remsi %add3A_186, %select_n3A_215 : i32
    %ne3A_217 = arith.constant 0 : i32
    %ne3A_218 = arith.cmpi ne, %rem3A_216, %ne3A_217 : i32
    %lt3A_219 = arith.constant 0 : i32
    %lt3A_220 = arith.cmpi slt, %rem3A_216, %lt3A_219 : i32
    %lt3A_221 = arith.constant 0 : i32
    %lt3A_222 = arith.cmpi slt, %select_n3A_215, %lt3A_221 : i32
    %ne3A_223 = arith.xori %lt3A_220, %lt3A_222 : i1
    %and3A_224 = arith.andi %ne3A_223, %ne3A_218 : i1
    %add3A_225 = arith.addi %rem3A_216, %select_n3A_215 : i32
    %select_n3A_226 = arith.select %and3A_224, %add3A_225, %rem3A_216 : i32
    %dma_start3A_227 = arith.constant 1 : i32
    %dma_start3A_228 = arith.constant 0 : i32
    %dma_start3A_229 = arith.constant 0 : i32
    %dma_start3A_230 = arith.constant 0 : i32
    %dma_start3A_231 = tpu.memref_slice %arg7[%dma_start3A_227, %dma_start3A_229, %dma_start3A_230] : memref<2x32x129xf32, #tpu.memory_space<vmem>> -> memref<1x8x128xf32, #tpu.memory_space<vmem>>
    %dma_start3A_232 = tpu.memref_squeeze %dma_start3A_231 : memref<1x8x128xf32, #tpu.memory_space<vmem>> -> memref<8x128xf32, #tpu.memory_space<vmem>>
    %dma_start3A_233 = arith.constant 0 : i32
    %dma_start3A_234 = arith.constant 0 : i32
    %dma_start3A_235 = tpu.memref_slice %arg4[%select_n3A_210, %dma_start3A_228, %select_n3A_226, %dma_start3A_233, %dma_start3A_234] : memref<50x4x128x8x128xf32, #tpu.memory_space<hbm>> -> memref<1x1x1x8x128xf32, #tpu.memory_space<hbm>>
    %dma_start3A_236 = tpu.memref_squeeze %dma_start3A_235 : memref<1x1x1x8x128xf32, #tpu.memory_space<hbm>> -> memref<8x128xf32, #tpu.memory_space<hbm>>
    %dma_start3A_237 = arith.constant 0 : i32
    %dma_start3A_238 = arith.constant 0 : i32
    %dma_start3A_239 = tpu.memref_slice %arg4[%select_n3A_210, %dma_start3A_228, %select_n3A_226, %dma_start3A_237, %dma_start3A_238] : memref<50x4x128x8x128xf32, #tpu.memory_space<hbm>> -> memref<1x1x1x8x128xf32, #tpu.memory_space<hbm>>
    %dma_start3A_240 = tpu.memref_squeeze %dma_start3A_239 : memref<1x1x1x8x128xf32, #tpu.memory_space<hbm>> -> memref<8x128xf32, #tpu.memory_space<hbm>>
    %dma_start3A_241 = arith.constant 0 : i32
    %dma_start3A_242 = arith.constant 0 : i32
    %dma_start3A_243 = tpu.memref_slice %arg7[%dma_start3A_227, %dma_start3A_241, %dma_start3A_242] : memref<2x32x129xf32, #tpu.memory_space<vmem>> -> memref<1x8x128xf32, #tpu.memory_space<vmem>>
    %dma_start3A_244 = tpu.memref_squeeze %dma_start3A_243 : memref<1x8x128xf32, #tpu.memory_space<vmem>> -> memref<8x128xf32, #tpu.memory_space<vmem>>
    tpu.enqueue_dma source(%dma_start3A_244 : memref<8x128xf32, #tpu.memory_space<vmem>>) target(%dma_start3A_240 : memref<8x128xf32, #tpu.memory_space<hbm>>) target_semaphore(%arg11 : memref<!tpu.dma_semaphore, #tpu.memory_space<semaphore_mem>>)
    %dma_start3A_245 = arith.constant 1 : i32
    %dma_start3A_246 = arith.constant 1 : i32
    %dma_start3A_247 = arith.constant 8 : i32
    %dma_start3A_248 = arith.constant 0 : i32
    %dma_start3A_249 = tpu.memref_slice %arg7[%dma_start3A_245, %dma_start3A_247, %dma_start3A_248] : memref<2x32x129xf32, #tpu.memory_space<vmem>> -> memref<1x8x128xf32, #tpu.memory_space<vmem>>
    %dma_start3A_250 = tpu.memref_squeeze %dma_start3A_249 : memref<1x8x128xf32, #tpu.memory_space<vmem>> -> memref<8x128xf32, #tpu.memory_space<vmem>>
    %dma_start3A_251 = arith.constant 0 : i32
    %dma_start3A_252 = arith.constant 0 : i32
    %dma_start3A_253 = tpu.memref_slice %arg4[%select_n3A_210, %dma_start3A_246, %select_n3A_226, %dma_start3A_251, %dma_start3A_252] : memref<50x4x128x8x128xf32, #tpu.memory_space<hbm>> -> memref<1x1x1x8x128xf32, #tpu.memory_space<hbm>>
    %dma_start3A_254 = tpu.memref_squeeze %dma_start3A_253 : memref<1x1x1x8x128xf32, #tpu.memory_space<hbm>> -> memref<8x128xf32, #tpu.memory_space<hbm>>
    %dma_start3A_255 = arith.constant 0 : i32
    %dma_start3A_256 = arith.constant 0 : i32
    %dma_start3A_257 = tpu.memref_slice %arg4[%select_n3A_210, %dma_start3A_246, %select_n3A_226, %dma_start3A_255, %dma_start3A_256] : memref<50x4x128x8x128xf32, #tpu.memory_space<hbm>> -> memref<1x1x1x8x128xf32, #tpu.memory_space<hbm>>
    %dma_start3A_258 = tpu.memref_squeeze %dma_start3A_257 : memref<1x1x1x8x128xf32, #tpu.memory_space<hbm>> -> memref<8x128xf32, #tpu.memory_space<hbm>>
    %dma_start3A_259 = arith.constant 8 : i32
    %dma_start3A_260 = arith.constant 0 : i32
    %dma_start3A_261 = tpu.memref_slice %arg7[%dma_start3A_245, %dma_start3A_259, %dma_start3A_260] : memref<2x32x129xf32, #tpu.memory_space<vmem>> -> memref<1x8x128xf32, #tpu.memory_space<vmem>>
    %dma_start3A_262 = tpu.memref_squeeze %dma_start3A_261 : memref<1x8x128xf32, #tpu.memory_space<vmem>> -> memref<8x128xf32, #tpu.memory_space<vmem>>
    tpu.enqueue_dma source(%dma_start3A_262 : memref<8x128xf32, #tpu.memory_space<vmem>>) target(%dma_start3A_258 : memref<8x128xf32, #tpu.memory_space<hbm>>) target_semaphore(%arg11 : memref<!tpu.dma_semaphore, #tpu.memory_space<semaphore_mem>>)
    %dma_start3A_263 = arith.constant 1 : i32
    %dma_start3A_264 = arith.constant 2 : i32
    %dma_start3A_265 = arith.constant 16 : i32
    %dma_start3A_266 = arith.constant 0 : i32
    %dma_start3A_267 = tpu.memref_slice %arg7[%dma_start3A_263, %dma_start3A_265, %dma_start3A_266] : memref<2x32x129xf32, #tpu.memory_space<vmem>> -> memref<1x8x128xf32, #tpu.memory_space<vmem>>
    %dma_start3A_268 = tpu.memref_squeeze %dma_start3A_267 : memref<1x8x128xf32, #tpu.memory_space<vmem>> -> memref<8x128xf32, #tpu.memory_space<vmem>>
    %dma_start3A_269 = arith.constant 0 : i32
    %dma_start3A_270 = arith.constant 0 : i32
    %dma_start3A_271 = tpu.memref_slice %arg4[%select_n3A_210, %dma_start3A_264, %select_n3A_226, %dma_start3A_269, %dma_start3A_270] : memref<50x4x128x8x128xf32, #tpu.memory_space<hbm>> -> memref<1x1x1x8x128xf32, #tpu.memory_space<hbm>>
    %dma_start3A_272 = tpu.memref_squeeze %dma_start3A_271 : memref<1x1x1x8x128xf32, #tpu.memory_space<hbm>> -> memref<8x128xf32, #tpu.memory_space<hbm>>
    %dma_start3A_273 = arith.constant 0 : i32
    %dma_start3A_274 = arith.constant 0 : i32
    %dma_start3A_275 = tpu.memref_slice %arg4[%select_n3A_210, %dma_start3A_264, %select_n3A_226, %dma_start3A_273, %dma_start3A_274] : memref<50x4x128x8x128xf32, #tpu.memory_space<hbm>> -> memref<1x1x1x8x128xf32, #tpu.memory_space<hbm>>
    %dma_start3A_276 = tpu.memref_squeeze %dma_start3A_275 : memref<1x1x1x8x128xf32, #tpu.memory_space<hbm>> -> memref<8x128xf32, #tpu.memory_space<hbm>>
    %dma_start3A_277 = arith.constant 16 : i32
    %dma_start3A_278 = arith.constant 0 : i32
    %dma_start3A_279 = tpu.memref_slice %arg7[%dma_start3A_263, %dma_start3A_277, %dma_start3A_278] : memref<2x32x129xf32, #tpu.memory_space<vmem>> -> memref<1x8x128xf32, #tpu.memory_space<vmem>>
    %dma_start3A_280 = tpu.memref_squeeze %dma_start3A_279 : memref<1x8x128xf32, #tpu.memory_space<vmem>> -> memref<8x128xf32, #tpu.memory_space<vmem>>
    tpu.enqueue_dma source(%dma_start3A_280 : memref<8x128xf32, #tpu.memory_space<vmem>>) target(%dma_start3A_276 : memref<8x128xf32, #tpu.memory_space<hbm>>) target_semaphore(%arg11 : memref<!tpu.dma_semaphore, #tpu.memory_space<semaphore_mem>>)
    %dma_start3A_281 = arith.constant 1 : i32
    %dma_start3A_282 = arith.constant 3 : i32
    %dma_start3A_283 = arith.constant 24 : i32
    %dma_start3A_284 = arith.constant 0 : i32
    %dma_start3A_285 = tpu.memref_slice %arg7[%dma_start3A_281, %dma_start3A_283, %dma_start3A_284] : memref<2x32x129xf32, #tpu.memory_space<vmem>> -> memref<1x8x128xf32, #tpu.memory_space<vmem>>
    %dma_start3A_286 = tpu.memref_squeeze %dma_start3A_285 : memref<1x8x128xf32, #tpu.memory_space<vmem>> -> memref<8x128xf32, #tpu.memory_space<vmem>>
    %dma_start3A_287 = arith.constant 0 : i32
    %dma_start3A_288 = arith.constant 0 : i32
    %dma_start3A_289 = tpu.memref_slice %arg4[%select_n3A_210, %dma_start3A_282, %select_n3A_226, %dma_start3A_287, %dma_start3A_288] : memref<50x4x128x8x128xf32, #tpu.memory_space<hbm>> -> memref<1x1x1x8x128xf32, #tpu.memory_space<hbm>>
    %dma_start3A_290 = tpu.memref_squeeze %dma_start3A_289 : memref<1x1x1x8x128xf32, #tpu.memory_space<hbm>> -> memref<8x128xf32, #tpu.memory_space<hbm>>
    %dma_start3A_291 = arith.constant 0 : i32
    %dma_start3A_292 = arith.constant 0 : i32
    %dma_start3A_293 = tpu.memref_slice %arg4[%select_n3A_210, %dma_start3A_282, %select_n3A_226, %dma_start3A_291, %dma_start3A_292] : memref<50x4x128x8x128xf32, #tpu.memory_space<hbm>> -> memref<1x1x1x8x128xf32, #tpu.memory_space<hbm>>
    %dma_start3A_294 = tpu.memref_squeeze %dma_start3A_293 : memref<1x1x1x8x128xf32, #tpu.memory_space<hbm>> -> memref<8x128xf32, #tpu.memory_space<hbm>>
    %dma_start3A_295 = arith.constant 24 : i32
    %dma_start3A_296 = arith.constant 0 : i32
    %dma_start3A_297 = tpu.memref_slice %arg7[%dma_start3A_281, %dma_start3A_295, %dma_start3A_296] : memref<2x32x129xf32, #tpu.memory_space<vmem>> -> memref<1x8x128xf32, #tpu.memory_space<vmem>>
    %dma_start3A_298 = tpu.memref_squeeze %dma_start3A_297 : memref<1x8x128xf32, #tpu.memory_space<vmem>> -> memref<8x128xf32, #tpu.memory_space<vmem>>
    tpu.enqueue_dma source(%dma_start3A_298 : memref<8x128xf32, #tpu.memory_space<vmem>>) target(%dma_start3A_294 : memref<8x128xf32, #tpu.memory_space<hbm>>) target_semaphore(%arg11 : memref<!tpu.dma_semaphore, #tpu.memory_space<semaphore_mem>>)
    %scan3A = arith.constant 0 : i32
    %scan3A_299 = arith.constant 98 : i32
    %scan3A_300 = arith.addi %scan3A, %scan3A_299 : i32
    %scan3A_301 = arith.constant 1 : i32
    scf.for %scan3A_1029 = %scan3A to %scan3A_300 step %scan3A_301  : i32 {
      %mul3A_1030 = arith.constant 1 : i32
      %mul3A_1031 = arith.muli %scan3A_1029, %mul3A_1030 : i32
      %add3A_1032 = arith.constant 1 : i32
      %add3A_1033 = arith.addi %add3A_1032, %mul3A_1031 : i32
      %mul3A_1034 = arith.constant 2 : i32
      %mul3A_1035 = arith.muli %add3A_1033, %mul3A_1034 : i32
      %add3A_1036 = arith.constant 0 : i32
      %add3A_1037 = arith.addi %mul3A_1035, %add3A_1036 : i32
      %add3A_1038 = arith.addi %mul3A_2, %add3A_1037 : i32
      %dma_wait3A_1039 = arith.constant 0 : i32
      %dma_wait3A_1040 = arith.constant 0 : i32
      %dma_wait3A_1041 = arith.constant 0 : i32
      %dma_wait3A_1042 = arith.constant 0 : i32
      %dma_wait3A_1043 = tpu.memref_slice %arg6[%dma_wait3A_1040, %dma_wait3A_1041, %dma_wait3A_1042] : memref<2x128x32xf32, #tpu.memory_space<vmem>> -> memref<1x128x32xf32, #tpu.memory_space<vmem>>
      %dma_wait3A_1044 = tpu.memref_squeeze %dma_wait3A_1043 : memref<1x128x32xf32, #tpu.memory_space<vmem>> -> memref<128x32xf32, #tpu.memory_space<vmem>>
      %dma_wait3A_1045 = arith.constant 0 : i32
      %dma_wait3A_1046 = tpu.memref_slice %arg5[%dma_wait3A_1039, %dma_wait3A_1045] : memref<200x128xi32, #tpu.memory_space<vmem>> -> memref<1x128xi32, #tpu.memory_space<vmem>>
      %dma_wait3A_1047 = tpu.memref_squeeze %dma_wait3A_1046 : memref<1x128xi32, #tpu.memory_space<vmem>> -> memref<128xi32, #tpu.memory_space<vmem>>
      %dma_wait3A_1048 = arith.constant 0 : i32
      %dma_wait3A_1049 = arith.constant 0 : i32
      %dma_wait3A_1050 = tpu.memref_slice %arg3[%dma_wait3A_1048, %dma_wait3A_1049] : memref<1000000x32xf32, #tpu.memory_space<hbm>> -> memref<1000000x32xf32, #tpu.memory_space<hbm>>
      tpu.wait_indirect_dma semaphore(%arg8 : memref<!tpu.dma_semaphore, #tpu.memory_space<semaphore_mem>>) src(%dma_wait3A_1050 : memref<1000000x32xf32, #tpu.memory_space<hbm>>) dst(%dma_wait3A_1044 : memref<128x32xf32, #tpu.memory_space<vmem>>)
      %sub3A_1051 = arith.constant 2 : i32
      %sub3A_1052 = arith.subi %add3A_1038, %sub3A_1051 : i32
      %jit3A_1053 = arith.constant 128 : i32
      %div3A_1054 = arith.divsi %sub3A_1052, %jit3A_1053 : i32
      %sign3A_1055 = arith.constant 0 : i32
      %sign3A_1056 = arith.cmpi sgt, %sub3A_1052, %sign3A_1055 : i32
      %sign3A_1057 = arith.extui %sign3A_1056 : i1 to i32
      %sign3A_1058 = arith.constant 0 : i32
      %sign3A_1059 = arith.cmpi slt, %sub3A_1052, %sign3A_1058 : i32
      %sign3A_1060 = arith.extui %sign3A_1059 : i1 to i32
      %sign3A_1061 = arith.subi %sign3A_1057, %sign3A_1060 : i32
      %sign3A_1062 = arith.constant 0 : i32
      %sign3A_1063 = arith.cmpi sgt, %jit3A_1053, %sign3A_1062 : i32
      %sign3A_1064 = arith.extui %sign3A_1063 : i1 to i32
      %sign3A_1065 = arith.constant 0 : i32
      %sign3A_1066 = arith.cmpi slt, %jit3A_1053, %sign3A_1065 : i32
      %sign3A_1067 = arith.extui %sign3A_1066 : i1 to i32
      %sign3A_1068 = arith.subi %sign3A_1064, %sign3A_1067 : i32
      %ne3A_1069 = arith.cmpi ne, %sign3A_1061, %sign3A_1068 : i32
      %rem3A_1070 = arith.remsi %sub3A_1052, %jit3A_1053 : i32
      %ne3A_1071 = arith.constant 0 : i32
      %ne3A_1072 = arith.cmpi ne, %rem3A_1070, %ne3A_1071 : i32
      %and3A_1073 = arith.andi %ne3A_1069, %ne3A_1072 : i1
      %sub3A_1074 = arith.constant 1 : i32
      %sub3A_1075 = arith.subi %div3A_1054, %sub3A_1074 : i32
      %select_n3A_1076 = arith.select %and3A_1073, %sub3A_1075, %div3A_1054 : i32
      %jit3A_1077 = arith.constant 128 : i32
      %eq3A_1078 = arith.constant 0 : i32
      %eq3A_1079 = arith.cmpi eq, %jit3A_1077, %eq3A_1078 : i32
      %jit3A_1080 = arith.constant 1 : i32
      %select_n3A_1081 = arith.select %eq3A_1079, %jit3A_1080, %jit3A_1077 : i32
      %rem3A_1082 = arith.remsi %sub3A_1052, %select_n3A_1081 : i32
      %ne3A_1083 = arith.constant 0 : i32
      %ne3A_1084 = arith.cmpi ne, %rem3A_1082, %ne3A_1083 : i32
      %lt3A_1085 = arith.constant 0 : i32
      %lt3A_1086 = arith.cmpi slt, %rem3A_1082, %lt3A_1085 : i32
      %lt3A_1087 = arith.constant 0 : i32
      %lt3A_1088 = arith.cmpi slt, %select_n3A_1081, %lt3A_1087 : i32
      %ne3A_1089 = arith.xori %lt3A_1086, %lt3A_1088 : i1
      %and3A_1090 = arith.andi %ne3A_1089, %ne3A_1084 : i1
      %add3A_1091 = arith.addi %rem3A_1082, %select_n3A_1081 : i32
      %select_n3A_1092 = arith.select %and3A_1090, %add3A_1091, %rem3A_1082 : i32
      %dma_wait3A_1093 = arith.constant 0 : i32
      %dma_wait3A_1094 = arith.constant 0 : i32
      %dma_wait3A_1095 = arith.constant 0 : i32
      %dma_wait3A_1096 = arith.constant 0 : i32
      %dma_wait3A_1097 = tpu.memref_slice %arg7[%dma_wait3A_1093, %dma_wait3A_1095, %dma_wait3A_1096] : memref<2x32x129xf32, #tpu.memory_space<vmem>> -> memref<1x8x128xf32, #tpu.memory_space<vmem>>
      %dma_wait3A_1098 = tpu.memref_squeeze %dma_wait3A_1097 : memref<1x8x128xf32, #tpu.memory_space<vmem>> -> memref<8x128xf32, #tpu.memory_space<vmem>>
      %dma_wait3A_1099 = arith.constant 0 : i32
      %dma_wait3A_1100 = arith.constant 0 : i32
      %dma_wait3A_1101 = tpu.memref_slice %arg4[%select_n3A_1076, %dma_wait3A_1094, %select_n3A_1092, %dma_wait3A_1099, %dma_wait3A_1100] : memref<50x4x128x8x128xf32, #tpu.memory_space<hbm>> -> memref<1x1x1x8x128xf32, #tpu.memory_space<hbm>>
      %dma_wait3A_1102 = tpu.memref_squeeze %dma_wait3A_1101 : memref<1x1x1x8x128xf32, #tpu.memory_space<hbm>> -> memref<8x128xf32, #tpu.memory_space<hbm>>
      %dma_wait3A_1103 = arith.constant 0 : i32
      %dma_wait3A_1104 = arith.constant 0 : i32
      %dma_wait3A_1105 = tpu.memref_slice %arg4[%select_n3A_1076, %dma_wait3A_1094, %select_n3A_1092, %dma_wait3A_1103, %dma_wait3A_1104] : memref<50x4x128x8x128xf32, #tpu.memory_space<hbm>> -> memref<1x1x1x8x128xf32, #tpu.memory_space<hbm>>
      %dma_wait3A_1106 = tpu.memref_squeeze %dma_wait3A_1105 : memref<1x1x1x8x128xf32, #tpu.memory_space<hbm>> -> memref<8x128xf32, #tpu.memory_space<hbm>>
      %dma_wait3A_1107 = arith.constant 0 : i32
      %dma_wait3A_1108 = arith.constant 0 : i32
      %dma_wait3A_1109 = tpu.memref_slice %arg7[%dma_wait3A_1093, %dma_wait3A_1107, %dma_wait3A_1108] : memref<2x32x129xf32, #tpu.memory_space<vmem>> -> memref<1x8x128xf32, #tpu.memory_space<vmem>>
      %dma_wait3A_1110 = tpu.memref_squeeze %dma_wait3A_1109 : memref<1x8x128xf32, #tpu.memory_space<vmem>> -> memref<8x128xf32, #tpu.memory_space<vmem>>
      tpu.wait_dma2 semaphore(%arg10 : memref<!tpu.dma_semaphore, #tpu.memory_space<semaphore_mem>>) src(%dma_wait3A_1110 : memref<8x128xf32, #tpu.memory_space<vmem>>) dst(%dma_wait3A_1106 : memref<8x128xf32, #tpu.memory_space<hbm>>)
      %dma_wait3A_1111 = arith.constant 0 : i32
      %dma_wait3A_1112 = arith.constant 1 : i32
      %dma_wait3A_1113 = arith.constant 8 : i32
      %dma_wait3A_1114 = arith.constant 0 : i32
      %dma_wait3A_1115 = tpu.memref_slice %arg7[%dma_wait3A_1111, %dma_wait3A_1113, %dma_wait3A_1114] : memref<2x32x129xf32, #tpu.memory_space<vmem>> -> memref<1x8x128xf32, #tpu.memory_space<vmem>>
      %dma_wait3A_1116 = tpu.memref_squeeze %dma_wait3A_1115 : memref<1x8x128xf32, #tpu.memory_space<vmem>> -> memref<8x128xf32, #tpu.memory_space<vmem>>
      %dma_wait3A_1117 = arith.constant 0 : i32
      %dma_wait3A_1118 = arith.constant 0 : i32
      %dma_wait3A_1119 = tpu.memref_slice %arg4[%select_n3A_1076, %dma_wait3A_1112, %select_n3A_1092, %dma_wait3A_1117, %dma_wait3A_1118] : memref<50x4x128x8x128xf32, #tpu.memory_space<hbm>> -> memref<1x1x1x8x128xf32, #tpu.memory_space<hbm>>
      %dma_wait3A_1120 = tpu.memref_squeeze %dma_wait3A_1119 : memref<1x1x1x8x128xf32, #tpu.memory_space<hbm>> -> memref<8x128xf32, #tpu.memory_space<hbm>>
      %dma_wait3A_1121 = arith.constant 0 : i32
      %dma_wait3A_1122 = arith.constant 0 : i32
      %dma_wait3A_1123 = tpu.memref_slice %arg4[%select_n3A_1076, %dma_wait3A_1112, %select_n3A_1092, %dma_wait3A_1121, %dma_wait3A_1122] : memref<50x4x128x8x128xf32, #tpu.memory_space<hbm>> -> memref<1x1x1x8x128xf32, #tpu.memory_space<hbm>>
      %dma_wait3A_1124 = tpu.memref_squeeze %dma_wait3A_1123 : memref<1x1x1x8x128xf32, #tpu.memory_space<hbm>> -> memref<8x128xf32, #tpu.memory_space<hbm>>
      %dma_wait3A_1125 = arith.constant 8 : i32
      %dma_wait3A_1126 = arith.constant 0 : i32
      %dma_wait3A_1127 = tpu.memref_slice %arg7[%dma_wait3A_1111, %dma_wait3A_1125, %dma_wait3A_1126] : memref<2x32x129xf32, #tpu.memory_space<vmem>> -> memref<1x8x128xf32, #tpu.memory_space<vmem>>
      %dma_wait3A_1128 = tpu.memref_squeeze %dma_wait3A_1127 : memref<1x8x128xf32, #tpu.memory_space<vmem>> -> memref<8x128xf32, #tpu.memory_space<vmem>>
      tpu.wait_dma2 semaphore(%arg10 : memref<!tpu.dma_semaphore, #tpu.memory_space<semaphore_mem>>) src(%dma_wait3A_1128 : memref<8x128xf32, #tpu.memory_space<vmem>>) dst(%dma_wait3A_1124 : memref<8x128xf32, #tpu.memory_space<hbm>>)
      %dma_wait3A_1129 = arith.constant 0 : i32
      %dma_wait3A_1130 = arith.constant 2 : i32
      %dma_wait3A_1131 = arith.constant 16 : i32
      %dma_wait3A_1132 = arith.constant 0 : i32
      %dma_wait3A_1133 = tpu.memref_slice %arg7[%dma_wait3A_1129, %dma_wait3A_1131, %dma_wait3A_1132] : memref<2x32x129xf32, #tpu.memory_space<vmem>> -> memref<1x8x128xf32, #tpu.memory_space<vmem>>
      %dma_wait3A_1134 = tpu.memref_squeeze %dma_wait3A_1133 : memref<1x8x128xf32, #tpu.memory_space<vmem>> -> memref<8x128xf32, #tpu.memory_space<vmem>>
      %dma_wait3A_1135 = arith.constant 0 : i32
      %dma_wait3A_1136 = arith.constant 0 : i32
      %dma_wait3A_1137 = tpu.memref_slice %arg4[%select_n3A_1076, %dma_wait3A_1130, %select_n3A_1092, %dma_wait3A_1135, %dma_wait3A_1136] : memref<50x4x128x8x128xf32, #tpu.memory_space<hbm>> -> memref<1x1x1x8x128xf32, #tpu.memory_space<hbm>>
      %dma_wait3A_1138 = tpu.memref_squeeze %dma_wait3A_1137 : memref<1x1x1x8x128xf32, #tpu.memory_space<hbm>> -> memref<8x128xf32, #tpu.memory_space<hbm>>
      %dma_wait3A_1139 = arith.constant 0 : i32
      %dma_wait3A_1140 = arith.constant 0 : i32
      %dma_wait3A_1141 = tpu.memref_slice %arg4[%select_n3A_1076, %dma_wait3A_1130, %select_n3A_1092, %dma_wait3A_1139, %dma_wait3A_1140] : memref<50x4x128x8x128xf32, #tpu.memory_space<hbm>> -> memref<1x1x1x8x128xf32, #tpu.memory_space<hbm>>
      %dma_wait3A_1142 = tpu.memref_squeeze %dma_wait3A_1141 : memref<1x1x1x8x128xf32, #tpu.memory_space<hbm>> -> memref<8x128xf32, #tpu.memory_space<hbm>>
      %dma_wait3A_1143 = arith.constant 16 : i32
      %dma_wait3A_1144 = arith.constant 0 : i32
      %dma_wait3A_1145 = tpu.memref_slice %arg7[%dma_wait3A_1129, %dma_wait3A_1143, %dma_wait3A_1144] : memref<2x32x129xf32, #tpu.memory_space<vmem>> -> memref<1x8x128xf32, #tpu.memory_space<vmem>>
      %dma_wait3A_1146 = tpu.memref_squeeze %dma_wait3A_1145 : memref<1x8x128xf32, #tpu.memory_space<vmem>> -> memref<8x128xf32, #tpu.memory_space<vmem>>
      tpu.wait_dma2 semaphore(%arg10 : memref<!tpu.dma_semaphore, #tpu.memory_space<semaphore_mem>>) src(%dma_wait3A_1146 : memref<8x128xf32, #tpu.memory_space<vmem>>) dst(%dma_wait3A_1142 : memref<8x128xf32, #tpu.memory_space<hbm>>)
      %dma_wait3A_1147 = arith.constant 0 : i32
      %dma_wait3A_1148 = arith.constant 3 : i32
      %dma_wait3A_1149 = arith.constant 24 : i32
      %dma_wait3A_1150 = arith.constant 0 : i32
      %dma_wait3A_1151 = tpu.memref_slice %arg7[%dma_wait3A_1147, %dma_wait3A_1149, %dma_wait3A_1150] : memref<2x32x129xf32, #tpu.memory_space<vmem>> -> memref<1x8x128xf32, #tpu.memory_space<vmem>>
      %dma_wait3A_1152 = tpu.memref_squeeze %dma_wait3A_1151 : memref<1x8x128xf32, #tpu.memory_space<vmem>> -> memref<8x128xf32, #tpu.memory_space<vmem>>
      %dma_wait3A_1153 = arith.constant 0 : i32
      %dma_wait3A_1154 = arith.constant 0 : i32
      %dma_wait3A_1155 = tpu.memref_slice %arg4[%select_n3A_1076, %dma_wait3A_1148, %select_n3A_1092, %dma_wait3A_1153, %dma_wait3A_1154] : memref<50x4x128x8x128xf32, #tpu.memory_space<hbm>> -> memref<1x1x1x8x128xf32, #tpu.memory_space<hbm>>
      %dma_wait3A_1156 = tpu.memref_squeeze %dma_wait3A_1155 : memref<1x1x1x8x128xf32, #tpu.memory_space<hbm>> -> memref<8x128xf32, #tpu.memory_space<hbm>>
      %dma_wait3A_1157 = arith.constant 0 : i32
      %dma_wait3A_1158 = arith.constant 0 : i32
      %dma_wait3A_1159 = tpu.memref_slice %arg4[%select_n3A_1076, %dma_wait3A_1148, %select_n3A_1092, %dma_wait3A_1157, %dma_wait3A_1158] : memref<50x4x128x8x128xf32, #tpu.memory_space<hbm>> -> memref<1x1x1x8x128xf32, #tpu.memory_space<hbm>>
      %dma_wait3A_1160 = tpu.memref_squeeze %dma_wait3A_1159 : memref<1x1x1x8x128xf32, #tpu.memory_space<hbm>> -> memref<8x128xf32, #tpu.memory_space<hbm>>
      %dma_wait3A_1161 = arith.constant 24 : i32
      %dma_wait3A_1162 = arith.constant 0 : i32
      %dma_wait3A_1163 = tpu.memref_slice %arg7[%dma_wait3A_1147, %dma_wait3A_1161, %dma_wait3A_1162] : memref<2x32x129xf32, #tpu.memory_space<vmem>> -> memref<1x8x128xf32, #tpu.memory_space<vmem>>
      %dma_wait3A_1164 = tpu.memref_squeeze %dma_wait3A_1163 : memref<1x8x128xf32, #tpu.memory_space<vmem>> -> memref<8x128xf32, #tpu.memory_space<vmem>>
      tpu.wait_dma2 semaphore(%arg10 : memref<!tpu.dma_semaphore, #tpu.memory_space<semaphore_mem>>) src(%dma_wait3A_1164 : memref<8x128xf32, #tpu.memory_space<vmem>>) dst(%dma_wait3A_1160 : memref<8x128xf32, #tpu.memory_space<hbm>>)
      %parallel_loop3A_1165 = arith.constant 0 : i32
      %parallel_loop3A_1166 = arith.constant 128 : i32
      %parallel_loop3A_1167 = arith.constant 1 : i32
      scf.for %parallel_loop3A_1552 = %parallel_loop3A_1165 to %parallel_loop3A_1166 step %parallel_loop3A_1167  : i32 {
        %parallel_loop3A_1553 = vector.broadcast %parallel_loop3A_1552 : i32 to vector<16xi32>
        %parallel_loop3A_1554 = arith.constant 0 : i32
        %parallel_loop3A_1555 = arith.index_cast %parallel_loop3A_1554 : i32 to index
        %parallel_loop3A_1556 = arith.index_cast %parallel_loop3A_1552 : i32 to index
        %parallel_loop3A_1557 = arith.constant 0 : index
        %parallel_loop3A_1558 = tpu.vector_load %arg6[%parallel_loop3A_1555, %parallel_loop3A_1556, %parallel_loop3A_1557] {strides = array<i32>} : memref<2x128x32xf32, #tpu.memory_space<vmem>>, vector<16xf32>,
        %parallel_loop3A_1559 = arith.constant 0 : i32
        %parallel_loop3A_1560 = arith.constant 0 : i32
        %parallel_loop3A_1561 = arith.constant 0 : i32
        %parallel_loop3A_1562 = tpu.memref_slice %arg7[%parallel_loop3A_1559, %parallel_loop3A_1560, %parallel_loop3A_1561] : memref<2x32x129xf32, #tpu.memory_space<vmem>> -> memref<1x32x129xf32, #tpu.memory_space<vmem>>
        %parallel_loop3A_1563 = tpu.memref_squeeze %parallel_loop3A_1562 : memref<1x32x129xf32, #tpu.memory_space<vmem>> -> memref<32x129xf32, #tpu.memory_space<vmem>>
        tpu.vector_store_idx %parallel_loop3A_1563[%iota3A, %parallel_loop3A_1553], %parallel_loop3A_1558 : memref<32x129xf32, #tpu.memory_space<vmem>>[vector<16xi32>, vector<16xi32>], vector<16xf32>,
        %parallel_loop3A_1564 = arith.constant 0 : i32
        %parallel_loop3A_1565 = arith.index_cast %parallel_loop3A_1564 : i32 to index
        %parallel_loop3A_1566 = arith.index_cast %parallel_loop3A_1552 : i32 to index
        %parallel_loop3A_1567 = arith.constant 16 : index
        %parallel_loop3A_1568 = tpu.vector_load %arg6[%parallel_loop3A_1565, %parallel_loop3A_1566, %parallel_loop3A_1567] {strides = array<i32>} : memref<2x128x32xf32, #tpu.memory_space<vmem>>, vector<16xf32>,
        %parallel_loop3A_1569 = arith.constant 0 : i32
        %parallel_loop3A_1570 = arith.constant 0 : i32
        %parallel_loop3A_1571 = arith.constant 0 : i32
        %parallel_loop3A_1572 = tpu.memref_slice %arg7[%parallel_loop3A_1569, %parallel_loop3A_1570, %parallel_loop3A_1571] : memref<2x32x129xf32, #tpu.memory_space<vmem>> -> memref<1x32x129xf32, #tpu.memory_space<vmem>>
        %parallel_loop3A_1573 = tpu.memref_squeeze %parallel_loop3A_1572 : memref<1x32x129xf32, #tpu.memory_space<vmem>> -> memref<32x129xf32, #tpu.memory_space<vmem>>
        tpu.vector_store_idx %parallel_loop3A_1573[%add3A_5, %parallel_loop3A_1553], %parallel_loop3A_1568 : memref<32x129xf32, #tpu.memory_space<vmem>>[vector<16xi32>, vector<16xi32>], vector<16xf32>,
      } {sc.loop_unroll_factor = 2 : i64, sc.parallel_access}
      %add3A_1168 = arith.constant 2 : i32
      %add3A_1169 = arith.addi %add3A_1037, %add3A_1168 : i32
      %dma_start3A_1170 = arith.constant 0 : i32
      %dma_start3A_1171 = arith.constant 0 : i32
      %dma_start3A_1172 = arith.constant 0 : i32
      %dma_start3A_1173 = tpu.memref_slice %arg6[%dma_start3A_1170, %dma_start3A_1171, %dma_start3A_1172] : memref<2x128x32xf32, #tpu.memory_space<vmem>> -> memref<1x128x32xf32, #tpu.memory_space<vmem>>
      %dma_start3A_1174 = tpu.memref_squeeze %dma_start3A_1173 : memref<1x128x32xf32, #tpu.memory_space<vmem>> -> memref<128x32xf32, #tpu.memory_space<vmem>>
      %dma_start3A_1175 = arith.constant 0 : i32
      %dma_start3A_1176 = tpu.memref_slice %arg5[%add3A_1169, %dma_start3A_1175] : memref<200x128xi32, #tpu.memory_space<vmem>> -> memref<1x128xi32, #tpu.memory_space<vmem>>
      %dma_start3A_1177 = tpu.memref_squeeze %dma_start3A_1176 : memref<1x128xi32, #tpu.memory_space<vmem>> -> memref<128xi32, #tpu.memory_space<vmem>>
      %dma_start3A_1178 = arith.constant 0 : i32
      %dma_start3A_1179 = arith.constant 0 : i32
      %dma_start3A_1180 = tpu.memref_slice %arg3[%dma_start3A_1178, %dma_start3A_1179] : memref<1000000x32xf32, #tpu.memory_space<hbm>> -> memref<1000000x32xf32, #tpu.memory_space<hbm>>
      tpu.enqueue_indirect_dma source(%dma_start3A_1180 : memref<1000000x32xf32, #tpu.memory_space<hbm>>) target(%dma_start3A_1174 : memref<128x32xf32, #tpu.memory_space<vmem>>) offsets(%dma_start3A_1177 : memref<128xi32, #tpu.memory_space<vmem>>) semaphore(%arg8 : memref<!tpu.dma_semaphore, #tpu.memory_space<semaphore_mem>>)
      %jit3A_1181 = arith.constant 128 : i32
      %div3A_1182 = arith.divsi %add3A_1038, %jit3A_1181 : i32
      %sign3A_1183 = arith.constant 0 : i32
      %sign3A_1184 = arith.cmpi sgt, %add3A_1038, %sign3A_1183 : i32
      %sign3A_1185 = arith.extui %sign3A_1184 : i1 to i32
      %sign3A_1186 = arith.constant 0 : i32
      %sign3A_1187 = arith.cmpi slt, %add3A_1038, %sign3A_1186 : i32
      %sign3A_1188 = arith.extui %sign3A_1187 : i1 to i32
      %sign3A_1189 = arith.subi %sign3A_1185, %sign3A_1188 : i32
      %sign3A_1190 = arith.constant 0 : i32
      %sign3A_1191 = arith.cmpi sgt, %jit3A_1181, %sign3A_1190 : i32
      %sign3A_1192 = arith.extui %sign3A_1191 : i1 to i32
      %sign3A_1193 = arith.constant 0 : i32
      %sign3A_1194 = arith.cmpi slt, %jit3A_1181, %sign3A_1193 : i32
      %sign3A_1195 = arith.extui %sign3A_1194 : i1 to i32
      %sign3A_1196 = arith.subi %sign3A_1192, %sign3A_1195 : i32
      %ne3A_1197 = arith.cmpi ne, %sign3A_1189, %sign3A_1196 : i32
      %rem3A_1198 = arith.remsi %add3A_1038, %jit3A_1181 : i32
      %ne3A_1199 = arith.constant 0 : i32
      %ne3A_1200 = arith.cmpi ne, %rem3A_1198, %ne3A_1199 : i32
      %and3A_1201 = arith.andi %ne3A_1197, %ne3A_1200 : i1
      %sub3A_1202 = arith.constant 1 : i32
      %sub3A_1203 = arith.subi %div3A_1182, %sub3A_1202 : i32
      %select_n3A_1204 = arith.select %and3A_1201, %sub3A_1203, %div3A_1182 : i32
      %jit3A_1205 = arith.constant 128 : i32
      %eq3A_1206 = arith.constant 0 : i32
      %eq3A_1207 = arith.cmpi eq, %jit3A_1205, %eq3A_1206 : i32
      %jit3A_1208 = arith.constant 1 : i32
      %select_n3A_1209 = arith.select %eq3A_1207, %jit3A_1208, %jit3A_1205 : i32
      %rem3A_1210 = arith.remsi %add3A_1038, %select_n3A_1209 : i32
      %ne3A_1211 = arith.constant 0 : i32
      %ne3A_1212 = arith.cmpi ne, %rem3A_1210, %ne3A_1211 : i32
      %lt3A_1213 = arith.constant 0 : i32
      %lt3A_1214 = arith.cmpi slt, %rem3A_1210, %lt3A_1213 : i32
      %lt3A_1215 = arith.constant 0 : i32
      %lt3A_1216 = arith.cmpi slt, %select_n3A_1209, %lt3A_1215 : i32
      %ne3A_1217 = arith.xori %lt3A_1214, %lt3A_1216 : i1
      %and3A_1218 = arith.andi %ne3A_1217, %ne3A_1212 : i1
      %add3A_1219 = arith.addi %rem3A_1210, %select_n3A_1209 : i32
      %select_n3A_1220 = arith.select %and3A_1218, %add3A_1219, %rem3A_1210 : i32
      %dma_start3A_1221 = arith.constant 0 : i32
      %dma_start3A_1222 = arith.constant 0 : i32
      %dma_start3A_1223 = arith.constant 0 : i32
      %dma_start3A_1224 = arith.constant 0 : i32
      %dma_start3A_1225 = tpu.memref_slice %arg7[%dma_start3A_1221, %dma_start3A_1223, %dma_start3A_1224] : memref<2x32x129xf32, #tpu.memory_space<vmem>> -> memref<1x8x128xf32, #tpu.memory_space<vmem>>
      %dma_start3A_1226 = tpu.memref_squeeze %dma_start3A_1225 : memref<1x8x128xf32, #tpu.memory_space<vmem>> -> memref<8x128xf32, #tpu.memory_space<vmem>>
      %dma_start3A_1227 = arith.constant 0 : i32
      %dma_start3A_1228 = arith.constant 0 : i32
      %dma_start3A_1229 = tpu.memref_slice %arg4[%select_n3A_1204, %dma_start3A_1222, %select_n3A_1220, %dma_start3A_1227, %dma_start3A_1228] : memref<50x4x128x8x128xf32, #tpu.memory_space<hbm>> -> memref<1x1x1x8x128xf32, #tpu.memory_space<hbm>>
      %dma_start3A_1230 = tpu.memref_squeeze %dma_start3A_1229 : memref<1x1x1x8x128xf32, #tpu.memory_space<hbm>> -> memref<8x128xf32, #tpu.memory_space<hbm>>
      %dma_start3A_1231 = arith.constant 0 : i32
      %dma_start3A_1232 = arith.constant 0 : i32
      %dma_start3A_1233 = tpu.memref_slice %arg4[%select_n3A_1204, %dma_start3A_1222, %select_n3A_1220, %dma_start3A_1231, %dma_start3A_1232] : memref<50x4x128x8x128xf32, #tpu.memory_space<hbm>> -> memref<1x1x1x8x128xf32, #tpu.memory_space<hbm>>
      %dma_start3A_1234 = tpu.memref_squeeze %dma_start3A_1233 : memref<1x1x1x8x128xf32, #tpu.memory_space<hbm>> -> memref<8x128xf32, #tpu.memory_space<hbm>>
      %dma_start3A_1235 = arith.constant 0 : i32
      %dma_start3A_1236 = arith.constant 0 : i32
      %dma_start3A_1237 = tpu.memref_slice %arg7[%dma_start3A_1221, %dma_start3A_1235, %dma_start3A_1236] : memref<2x32x129xf32, #tpu.memory_space<vmem>> -> memref<1x8x128xf32, #tpu.memory_space<vmem>>
      %dma_start3A_1238 = tpu.memref_squeeze %dma_start3A_1237 : memref<1x8x128xf32, #tpu.memory_space<vmem>> -> memref<8x128xf32, #tpu.memory_space<vmem>>
      tpu.enqueue_dma source(%dma_start3A_1238 : memref<8x128xf32, #tpu.memory_space<vmem>>) target(%dma_start3A_1234 : memref<8x128xf32, #tpu.memory_space<hbm>>) target_semaphore(%arg10 : memref<!tpu.dma_semaphore, #tpu.memory_space<semaphore_mem>>)
      %dma_start3A_1239 = arith.constant 0 : i32
      %dma_start3A_1240 = arith.constant 1 : i32
      %dma_start3A_1241 = arith.constant 8 : i32
      %dma_start3A_1242 = arith.constant 0 : i32
      %dma_start3A_1243 = tpu.memref_slice %arg7[%dma_start3A_1239, %dma_start3A_1241, %dma_start3A_1242] : memref<2x32x129xf32, #tpu.memory_space<vmem>> -> memref<1x8x128xf32, #tpu.memory_space<vmem>>
      %dma_start3A_1244 = tpu.memref_squeeze %dma_start3A_1243 : memref<1x8x128xf32, #tpu.memory_space<vmem>> -> memref<8x128xf32, #tpu.memory_space<vmem>>
      %dma_start3A_1245 = arith.constant 0 : i32
      %dma_start3A_1246 = arith.constant 0 : i32
      %dma_start3A_1247 = tpu.memref_slice %arg4[%select_n3A_1204, %dma_start3A_1240, %select_n3A_1220, %dma_start3A_1245, %dma_start3A_1246] : memref<50x4x128x8x128xf32, #tpu.memory_space<hbm>> -> memref<1x1x1x8x128xf32, #tpu.memory_space<hbm>>
      %dma_start3A_1248 = tpu.memref_squeeze %dma_start3A_1247 : memref<1x1x1x8x128xf32, #tpu.memory_space<hbm>> -> memref<8x128xf32, #tpu.memory_space<hbm>>
      %dma_start3A_1249 = arith.constant 0 : i32
      %dma_start3A_1250 = arith.constant 0 : i32
      %dma_start3A_1251 = tpu.memref_slice %arg4[%select_n3A_1204, %dma_start3A_1240, %select_n3A_1220, %dma_start3A_1249, %dma_start3A_1250] : memref<50x4x128x8x128xf32, #tpu.memory_space<hbm>> -> memref<1x1x1x8x128xf32, #tpu.memory_space<hbm>>
      %dma_start3A_1252 = tpu.memref_squeeze %dma_start3A_1251 : memref<1x1x1x8x128xf32, #tpu.memory_space<hbm>> -> memref<8x128xf32, #tpu.memory_space<hbm>>
      %dma_start3A_1253 = arith.constant 8 : i32
      %dma_start3A_1254 = arith.constant 0 : i32
      %dma_start3A_1255 = tpu.memref_slice %arg7[%dma_start3A_1239, %dma_start3A_1253, %dma_start3A_1254] : memref<2x32x129xf32, #tpu.memory_space<vmem>> -> memref<1x8x128xf32, #tpu.memory_space<vmem>>
      %dma_start3A_1256 = tpu.memref_squeeze %dma_start3A_1255 : memref<1x8x128xf32, #tpu.memory_space<vmem>> -> memref<8x128xf32, #tpu.memory_space<vmem>>
      tpu.enqueue_dma source(%dma_start3A_1256 : memref<8x128xf32, #tpu.memory_space<vmem>>) target(%dma_start3A_1252 : memref<8x128xf32, #tpu.memory_space<hbm>>) target_semaphore(%arg10 : memref<!tpu.dma_semaphore, #tpu.memory_space<semaphore_mem>>)
      %dma_start3A_1257 = arith.constant 0 : i32
      %dma_start3A_1258 = arith.constant 2 : i32
      %dma_start3A_1259 = arith.constant 16 : i32
      %dma_start3A_1260 = arith.constant 0 : i32
      %dma_start3A_1261 = tpu.memref_slice %arg7[%dma_start3A_1257, %dma_start3A_1259, %dma_start3A_1260] : memref<2x32x129xf32, #tpu.memory_space<vmem>> -> memref<1x8x128xf32, #tpu.memory_space<vmem>>
      %dma_start3A_1262 = tpu.memref_squeeze %dma_start3A_1261 : memref<1x8x128xf32, #tpu.memory_space<vmem>> -> memref<8x128xf32, #tpu.memory_space<vmem>>
      %dma_start3A_1263 = arith.constant 0 : i32
      %dma_start3A_1264 = arith.constant 0 : i32
      %dma_start3A_1265 = tpu.memref_slice %arg4[%select_n3A_1204, %dma_start3A_1258, %select_n3A_1220, %dma_start3A_1263, %dma_start3A_1264] : memref<50x4x128x8x128xf32, #tpu.memory_space<hbm>> -> memref<1x1x1x8x128xf32, #tpu.memory_space<hbm>>
      %dma_start3A_1266 = tpu.memref_squeeze %dma_start3A_1265 : memref<1x1x1x8x128xf32, #tpu.memory_space<hbm>> -> memref<8x128xf32, #tpu.memory_space<hbm>>
      %dma_start3A_1267 = arith.constant 0 : i32
      %dma_start3A_1268 = arith.constant 0 : i32
      %dma_start3A_1269 = tpu.memref_slice %arg4[%select_n3A_1204, %dma_start3A_1258, %select_n3A_1220, %dma_start3A_1267, %dma_start3A_1268] : memref<50x4x128x8x128xf32, #tpu.memory_space<hbm>> -> memref<1x1x1x8x128xf32, #tpu.memory_space<hbm>>
      %dma_start3A_1270 = tpu.memref_squeeze %dma_start3A_1269 : memref<1x1x1x8x128xf32, #tpu.memory_space<hbm>> -> memref<8x128xf32, #tpu.memory_space<hbm>>
      %dma_start3A_1271 = arith.constant 16 : i32
      %dma_start3A_1272 = arith.constant 0 : i32
      %dma_start3A_1273 = tpu.memref_slice %arg7[%dma_start3A_1257, %dma_start3A_1271, %dma_start3A_1272] : memref<2x32x129xf32, #tpu.memory_space<vmem>> -> memref<1x8x128xf32, #tpu.memory_space<vmem>>
      %dma_start3A_1274 = tpu.memref_squeeze %dma_start3A_1273 : memref<1x8x128xf32, #tpu.memory_space<vmem>> -> memref<8x128xf32, #tpu.memory_space<vmem>>
      tpu.enqueue_dma source(%dma_start3A_1274 : memref<8x128xf32, #tpu.memory_space<vmem>>) target(%dma_start3A_1270 : memref<8x128xf32, #tpu.memory_space<hbm>>) target_semaphore(%arg10 : memref<!tpu.dma_semaphore, #tpu.memory_space<semaphore_mem>>)
      %dma_start3A_1275 = arith.constant 0 : i32
      %dma_start3A_1276 = arith.constant 3 : i32
      %dma_start3A_1277 = arith.constant 24 : i32
      %dma_start3A_1278 = arith.constant 0 : i32
      %dma_start3A_1279 = tpu.memref_slice %arg7[%dma_start3A_1275, %dma_start3A_1277, %dma_start3A_1278] : memref<2x32x129xf32, #tpu.memory_space<vmem>> -> memref<1x8x128xf32, #tpu.memory_space<vmem>>
      %dma_start3A_1280 = tpu.memref_squeeze %dma_start3A_1279 : memref<1x8x128xf32, #tpu.memory_space<vmem>> -> memref<8x128xf32, #tpu.memory_space<vmem>>
      %dma_start3A_1281 = arith.constant 0 : i32
      %dma_start3A_1282 = arith.constant 0 : i32
      %dma_start3A_1283 = tpu.memref_slice %arg4[%select_n3A_1204, %dma_start3A_1276, %select_n3A_1220, %dma_start3A_1281, %dma_start3A_1282] : memref<50x4x128x8x128xf32, #tpu.memory_space<hbm>> -> memref<1x1x1x8x128xf32, #tpu.memory_space<hbm>>
      %dma_start3A_1284 = tpu.memref_squeeze %dma_start3A_1283 : memref<1x1x1x8x128xf32, #tpu.memory_space<hbm>> -> memref<8x128xf32, #tpu.memory_space<hbm>>
      %dma_start3A_1285 = arith.constant 0 : i32
      %dma_start3A_1286 = arith.constant 0 : i32
      %dma_start3A_1287 = tpu.memref_slice %arg4[%select_n3A_1204, %dma_start3A_1276, %select_n3A_1220, %dma_start3A_1285, %dma_start3A_1286] : memref<50x4x128x8x128xf32, #tpu.memory_space<hbm>> -> memref<1x1x1x8x128xf32, #tpu.memory_space<hbm>>
      %dma_start3A_1288 = tpu.memref_squeeze %dma_start3A_1287 : memref<1x1x1x8x128xf32, #tpu.memory_space<hbm>> -> memref<8x128xf32, #tpu.memory_space<hbm>>
      %dma_start3A_1289 = arith.constant 24 : i32
      %dma_start3A_1290 = arith.constant 0 : i32
      %dma_start3A_1291 = tpu.memref_slice %arg7[%dma_start3A_1275, %dma_start3A_1289, %dma_start3A_1290] : memref<2x32x129xf32, #tpu.memory_space<vmem>> -> memref<1x8x128xf32, #tpu.memory_space<vmem>>
      %dma_start3A_1292 = tpu.memref_squeeze %dma_start3A_1291 : memref<1x8x128xf32, #tpu.memory_space<vmem>> -> memref<8x128xf32, #tpu.memory_space<vmem>>
      tpu.enqueue_dma source(%dma_start3A_1292 : memref<8x128xf32, #tpu.memory_space<vmem>>) target(%dma_start3A_1288 : memref<8x128xf32, #tpu.memory_space<hbm>>) target_semaphore(%arg10 : memref<!tpu.dma_semaphore, #tpu.memory_space<semaphore_mem>>)
      %mul3A_1293 = arith.constant 2 : i32
      %mul3A_1294 = arith.muli %add3A_1033, %mul3A_1293 : i32
      %add3A_1295 = arith.constant 1 : i32
      %add3A_1296 = arith.addi %mul3A_1294, %add3A_1295 : i32
      %add3A_1297 = arith.addi %mul3A_2, %add3A_1296 : i32
      %dma_wait3A_1298 = arith.constant 0 : i32
      %dma_wait3A_1299 = arith.constant 1 : i32
      %dma_wait3A_1300 = arith.constant 0 : i32
      %dma_wait3A_1301 = arith.constant 0 : i32
      %dma_wait3A_1302 = tpu.memref_slice %arg6[%dma_wait3A_1299, %dma_wait3A_1300, %dma_wait3A_1301] : memref<2x128x32xf32, #tpu.memory_space<vmem>> -> memref<1x128x32xf32, #tpu.memory_space<vmem>>
      %dma_wait3A_1303 = tpu.memref_squeeze %dma_wait3A_1302 : memref<1x128x32xf32, #tpu.memory_space<vmem>> -> memref<128x32xf32, #tpu.memory_space<vmem>>
      %dma_wait3A_1304 = arith.constant 0 : i32
      %dma_wait3A_1305 = tpu.memref_slice %arg5[%dma_wait3A_1298, %dma_wait3A_1304] : memref<200x128xi32, #tpu.memory_space<vmem>> -> memref<1x128xi32, #tpu.memory_space<vmem>>
      %dma_wait3A_1306 = tpu.memref_squeeze %dma_wait3A_1305 : memref<1x128xi32, #tpu.memory_space<vmem>> -> memref<128xi32, #tpu.memory_space<vmem>>
      %dma_wait3A_1307 = arith.constant 0 : i32
      %dma_wait3A_1308 = arith.constant 0 : i32
      %dma_wait3A_1309 = tpu.memref_slice %arg3[%dma_wait3A_1307, %dma_wait3A_1308] : memref<1000000x32xf32, #tpu.memory_space<hbm>> -> memref<1000000x32xf32, #tpu.memory_space<hbm>>
      tpu.wait_indirect_dma semaphore(%arg9 : memref<!tpu.dma_semaphore, #tpu.memory_space<semaphore_mem>>) src(%dma_wait3A_1309 : memref<1000000x32xf32, #tpu.memory_space<hbm>>) dst(%dma_wait3A_1303 : memref<128x32xf32, #tpu.memory_space<vmem>>)
      %sub3A_1310 = arith.constant 2 : i32
      %sub3A_1311 = arith.subi %add3A_1297, %sub3A_1310 : i32
      %jit3A_1312 = arith.constant 128 : i32
      %div3A_1313 = arith.divsi %sub3A_1311, %jit3A_1312 : i32
      %sign3A_1314 = arith.constant 0 : i32
      %sign3A_1315 = arith.cmpi sgt, %sub3A_1311, %sign3A_1314 : i32
      %sign3A_1316 = arith.extui %sign3A_1315 : i1 to i32
      %sign3A_1317 = arith.constant 0 : i32
      %sign3A_1318 = arith.cmpi slt, %sub3A_1311, %sign3A_1317 : i32
      %sign3A_1319 = arith.extui %sign3A_1318 : i1 to i32
      %sign3A_1320 = arith.subi %sign3A_1316, %sign3A_1319 : i32
      %sign3A_1321 = arith.constant 0 : i32
      %sign3A_1322 = arith.cmpi sgt, %jit3A_1312, %sign3A_1321 : i32
      %sign3A_1323 = arith.extui %sign3A_1322 : i1 to i32
      %sign3A_1324 = arith.constant 0 : i32
      %sign3A_1325 = arith.cmpi slt, %jit3A_1312, %sign3A_1324 : i32
      %sign3A_1326 = arith.extui %sign3A_1325 : i1 to i32
      %sign3A_1327 = arith.subi %sign3A_1323, %sign3A_1326 : i32
      %ne3A_1328 = arith.cmpi ne, %sign3A_1320, %sign3A_1327 : i32
      %rem3A_1329 = arith.remsi %sub3A_1311, %jit3A_1312 : i32
      %ne3A_1330 = arith.constant 0 : i32
      %ne3A_1331 = arith.cmpi ne, %rem3A_1329, %ne3A_1330 : i32
      %and3A_1332 = arith.andi %ne3A_1328, %ne3A_1331 : i1
      %sub3A_1333 = arith.constant 1 : i32
      %sub3A_1334 = arith.subi %div3A_1313, %sub3A_1333 : i32
      %select_n3A_1335 = arith.select %and3A_1332, %sub3A_1334, %div3A_1313 : i32
      %jit3A_1336 = arith.constant 128 : i32
      %eq3A_1337 = arith.constant 0 : i32
      %eq3A_1338 = arith.cmpi eq, %jit3A_1336, %eq3A_1337 : i32
      %jit3A_1339 = arith.constant 1 : i32
      %select_n3A_1340 = arith.select %eq3A_1338, %jit3A_1339, %jit3A_1336 : i32
      %rem3A_1341 = arith.remsi %sub3A_1311, %select_n3A_1340 : i32
      %ne3A_1342 = arith.constant 0 : i32
      %ne3A_1343 = arith.cmpi ne, %rem3A_1341, %ne3A_1342 : i32
      %lt3A_1344 = arith.constant 0 : i32
      %lt3A_1345 = arith.cmpi slt, %rem3A_1341, %lt3A_1344 : i32
      %lt3A_1346 = arith.constant 0 : i32
      %lt3A_1347 = arith.cmpi slt, %select_n3A_1340, %lt3A_1346 : i32
      %ne3A_1348 = arith.xori %lt3A_1345, %lt3A_1347 : i1
      %and3A_1349 = arith.andi %ne3A_1348, %ne3A_1343 : i1
      %add3A_1350 = arith.addi %rem3A_1341, %select_n3A_1340 : i32
      %select_n3A_1351 = arith.select %and3A_1349, %add3A_1350, %rem3A_1341 : i32
      %dma_wait3A_1352 = arith.constant 1 : i32
      %dma_wait3A_1353 = arith.constant 0 : i32
      %dma_wait3A_1354 = arith.constant 0 : i32
      %dma_wait3A_1355 = arith.constant 0 : i32
      %dma_wait3A_1356 = tpu.memref_slice %arg7[%dma_wait3A_1352, %dma_wait3A_1354, %dma_wait3A_1355] : memref<2x32x129xf32, #tpu.memory_space<vmem>> -> memref<1x8x128xf32, #tpu.memory_space<vmem>>
      %dma_wait3A_1357 = tpu.memref_squeeze %dma_wait3A_1356 : memref<1x8x128xf32, #tpu.memory_space<vmem>> -> memref<8x128xf32, #tpu.memory_space<vmem>>
      %dma_wait3A_1358 = arith.constant 0 : i32
      %dma_wait3A_1359 = arith.constant 0 : i32
      %dma_wait3A_1360 = tpu.memref_slice %arg4[%select_n3A_1335, %dma_wait3A_1353, %select_n3A_1351, %dma_wait3A_1358, %dma_wait3A_1359] : memref<50x4x128x8x128xf32, #tpu.memory_space<hbm>> -> memref<1x1x1x8x128xf32, #tpu.memory_space<hbm>>
      %dma_wait3A_1361 = tpu.memref_squeeze %dma_wait3A_1360 : memref<1x1x1x8x128xf32, #tpu.memory_space<hbm>> -> memref<8x128xf32, #tpu.memory_space<hbm>>
      %dma_wait3A_1362 = arith.constant 0 : i32
      %dma_wait3A_1363 = arith.constant 0 : i32
      %dma_wait3A_1364 = tpu.memref_slice %arg4[%select_n3A_1335, %dma_wait3A_1353, %select_n3A_1351, %dma_wait3A_1362, %dma_wait3A_1363] : memref<50x4x128x8x128xf32, #tpu.memory_space<hbm>> -> memref<1x1x1x8x128xf32, #tpu.memory_space<hbm>>
      %dma_wait3A_1365 = tpu.memref_squeeze %dma_wait3A_1364 : memref<1x1x1x8x128xf32, #tpu.memory_space<hbm>> -> memref<8x128xf32, #tpu.memory_space<hbm>>
      %dma_wait3A_1366 = arith.constant 0 : i32
      %dma_wait3A_1367 = arith.constant 0 : i32
      %dma_wait3A_1368 = tpu.memref_slice %arg7[%dma_wait3A_1352, %dma_wait3A_1366, %dma_wait3A_1367] : memref<2x32x129xf32, #tpu.memory_space<vmem>> -> memref<1x8x128xf32, #tpu.memory_space<vmem>>
      %dma_wait3A_1369 = tpu.memref_squeeze %dma_wait3A_1368 : memref<1x8x128xf32, #tpu.memory_space<vmem>> -> memref<8x128xf32, #tpu.memory_space<vmem>>
      tpu.wait_dma2 semaphore(%arg11 : memref<!tpu.dma_semaphore, #tpu.memory_space<semaphore_mem>>) src(%dma_wait3A_1369 : memref<8x128xf32, #tpu.memory_space<vmem>>) dst(%dma_wait3A_1365 : memref<8x128xf32, #tpu.memory_space<hbm>>)
      %dma_wait3A_1370 = arith.constant 1 : i32
      %dma_wait3A_1371 = arith.constant 1 : i32
      %dma_wait3A_1372 = arith.constant 8 : i32
      %dma_wait3A_1373 = arith.constant 0 : i32
      %dma_wait3A_1374 = tpu.memref_slice %arg7[%dma_wait3A_1370, %dma_wait3A_1372, %dma_wait3A_1373] : memref<2x32x129xf32, #tpu.memory_space<vmem>> -> memref<1x8x128xf32, #tpu.memory_space<vmem>>
      %dma_wait3A_1375 = tpu.memref_squeeze %dma_wait3A_1374 : memref<1x8x128xf32, #tpu.memory_space<vmem>> -> memref<8x128xf32, #tpu.memory_space<vmem>>
      %dma_wait3A_1376 = arith.constant 0 : i32
      %dma_wait3A_1377 = arith.constant 0 : i32
      %dma_wait3A_1378 = tpu.memref_slice %arg4[%select_n3A_1335, %dma_wait3A_1371, %select_n3A_1351, %dma_wait3A_1376, %dma_wait3A_1377] : memref<50x4x128x8x128xf32, #tpu.memory_space<hbm>> -> memref<1x1x1x8x128xf32, #tpu.memory_space<hbm>>
      %dma_wait3A_1379 = tpu.memref_squeeze %dma_wait3A_1378 : memref<1x1x1x8x128xf32, #tpu.memory_space<hbm>> -> memref<8x128xf32, #tpu.memory_space<hbm>>
      %dma_wait3A_1380 = arith.constant 0 : i32
      %dma_wait3A_1381 = arith.constant 0 : i32
      %dma_wait3A_1382 = tpu.memref_slice %arg4[%select_n3A_1335, %dma_wait3A_1371, %select_n3A_1351, %dma_wait3A_1380, %dma_wait3A_1381] : memref<50x4x128x8x128xf32, #tpu.memory_space<hbm>> -> memref<1x1x1x8x128xf32, #tpu.memory_space<hbm>>
      %dma_wait3A_1383 = tpu.memref_squeeze %dma_wait3A_1382 : memref<1x1x1x8x128xf32, #tpu.memory_space<hbm>> -> memref<8x128xf32, #tpu.memory_space<hbm>>
      %dma_wait3A_1384 = arith.constant 8 : i32
      %dma_wait3A_1385 = arith.constant 0 : i32
      %dma_wait3A_1386 = tpu.memref_slice %arg7[%dma_wait3A_1370, %dma_wait3A_1384, %dma_wait3A_1385] : memref<2x32x129xf32, #tpu.memory_space<vmem>> -> memref<1x8x128xf32, #tpu.memory_space<vmem>>
      %dma_wait3A_1387 = tpu.memref_squeeze %dma_wait3A_1386 : memref<1x8x128xf32, #tpu.memory_space<vmem>> -> memref<8x128xf32, #tpu.memory_space<vmem>>
      tpu.wait_dma2 semaphore(%arg11 : memref<!tpu.dma_semaphore, #tpu.memory_space<semaphore_mem>>) src(%dma_wait3A_1387 : memref<8x128xf32, #tpu.memory_space<vmem>>) dst(%dma_wait3A_1383 : memref<8x128xf32, #tpu.memory_space<hbm>>)
      %dma_wait3A_1388 = arith.constant 1 : i32
      %dma_wait3A_1389 = arith.constant 2 : i32
      %dma_wait3A_1390 = arith.constant 16 : i32
      %dma_wait3A_1391 = arith.constant 0 : i32
      %dma_wait3A_1392 = tpu.memref_slice %arg7[%dma_wait3A_1388, %dma_wait3A_1390, %dma_wait3A_1391] : memref<2x32x129xf32, #tpu.memory_space<vmem>> -> memref<1x8x128xf32, #tpu.memory_space<vmem>>
      %dma_wait3A_1393 = tpu.memref_squeeze %dma_wait3A_1392 : memref<1x8x128xf32, #tpu.memory_space<vmem>> -> memref<8x128xf32, #tpu.memory_space<vmem>>
      %dma_wait3A_1394 = arith.constant 0 : i32
      %dma_wait3A_1395 = arith.constant 0 : i32
      %dma_wait3A_1396 = tpu.memref_slice %arg4[%select_n3A_1335, %dma_wait3A_1389, %select_n3A_1351, %dma_wait3A_1394, %dma_wait3A_1395] : memref<50x4x128x8x128xf32, #tpu.memory_space<hbm>> -> memref<1x1x1x8x128xf32, #tpu.memory_space<hbm>>
      %dma_wait3A_1397 = tpu.memref_squeeze %dma_wait3A_1396 : memref<1x1x1x8x128xf32, #tpu.memory_space<hbm>> -> memref<8x128xf32, #tpu.memory_space<hbm>>
      %dma_wait3A_1398 = arith.constant 0 : i32
      %dma_wait3A_1399 = arith.constant 0 : i32
      %dma_wait3A_1400 = tpu.memref_slice %arg4[%select_n3A_1335, %dma_wait3A_1389, %select_n3A_1351, %dma_wait3A_1398, %dma_wait3A_1399] : memref<50x4x128x8x128xf32, #tpu.memory_space<hbm>> -> memref<1x1x1x8x128xf32, #tpu.memory_space<hbm>>
      %dma_wait3A_1401 = tpu.memref_squeeze %dma_wait3A_1400 : memref<1x1x1x8x128xf32, #tpu.memory_space<hbm>> -> memref<8x128xf32, #tpu.memory_space<hbm>>
      %dma_wait3A_1402 = arith.constant 16 : i32
      %dma_wait3A_1403 = arith.constant 0 : i32
      %dma_wait3A_1404 = tpu.memref_slice %arg7[%dma_wait3A_1388, %dma_wait3A_1402, %dma_wait3A_1403] : memref<2x32x129xf32, #tpu.memory_space<vmem>> -> memref<1x8x128xf32, #tpu.memory_space<vmem>>
      %dma_wait3A_1405 = tpu.memref_squeeze %dma_wait3A_1404 : memref<1x8x128xf32, #tpu.memory_space<vmem>> -> memref<8x128xf32, #tpu.memory_space<vmem>>
      tpu.wait_dma2 semaphore(%arg11 : memref<!tpu.dma_semaphore, #tpu.memory_space<semaphore_mem>>) src(%dma_wait3A_1405 : memref<8x128xf32, #tpu.memory_space<vmem>>) dst(%dma_wait3A_1401 : memref<8x128xf32, #tpu.memory_space<hbm>>)
      %dma_wait3A_1406 = arith.constant 1 : i32
      %dma_wait3A_1407 = arith.constant 3 : i32
      %dma_wait3A_1408 = arith.constant 24 : i32
      %dma_wait3A_1409 = arith.constant 0 : i32
      %dma_wait3A_1410 = tpu.memref_slice %arg7[%dma_wait3A_1406, %dma_wait3A_1408, %dma_wait3A_1409] : memref<2x32x129xf32, #tpu.memory_space<vmem>> -> memref<1x8x128xf32, #tpu.memory_space<vmem>>
      %dma_wait3A_1411 = tpu.memref_squeeze %dma_wait3A_1410 : memref<1x8x128xf32, #tpu.memory_space<vmem>> -> memref<8x128xf32, #tpu.memory_space<vmem>>
      %dma_wait3A_1412 = arith.constant 0 : i32
      %dma_wait3A_1413 = arith.constant 0 : i32
      %dma_wait3A_1414 = tpu.memref_slice %arg4[%select_n3A_1335, %dma_wait3A_1407, %select_n3A_1351, %dma_wait3A_1412, %dma_wait3A_1413] : memref<50x4x128x8x128xf32, #tpu.memory_space<hbm>> -> memref<1x1x1x8x128xf32, #tpu.memory_space<hbm>>
      %dma_wait3A_1415 = tpu.memref_squeeze %dma_wait3A_1414 : memref<1x1x1x8x128xf32, #tpu.memory_space<hbm>> -> memref<8x128xf32, #tpu.memory_space<hbm>>
      %dma_wait3A_1416 = arith.constant 0 : i32
      %dma_wait3A_1417 = arith.constant 0 : i32
      %dma_wait3A_1418 = tpu.memref_slice %arg4[%select_n3A_1335, %dma_wait3A_1407, %select_n3A_1351, %dma_wait3A_1416, %dma_wait3A_1417] : memref<50x4x128x8x128xf32, #tpu.memory_space<hbm>> -> memref<1x1x1x8x128xf32, #tpu.memory_space<hbm>>
      %dma_wait3A_1419 = tpu.memref_squeeze %dma_wait3A_1418 : memref<1x1x1x8x128xf32, #tpu.memory_space<hbm>> -> memref<8x128xf32, #tpu.memory_space<hbm>>
      %dma_wait3A_1420 = arith.constant 24 : i32
      %dma_wait3A_1421 = arith.constant 0 : i32
      %dma_wait3A_1422 = tpu.memref_slice %arg7[%dma_wait3A_1406, %dma_wait3A_1420, %dma_wait3A_1421] : memref<2x32x129xf32, #tpu.memory_space<vmem>> -> memref<1x8x128xf32, #tpu.memory_space<vmem>>
      %dma_wait3A_1423 = tpu.memref_squeeze %dma_wait3A_1422 : memref<1x8x128xf32, #tpu.memory_space<vmem>> -> memref<8x128xf32, #tpu.memory_space<vmem>>
      tpu.wait_dma2 semaphore(%arg11 : memref<!tpu.dma_semaphore, #tpu.memory_space<semaphore_mem>>) src(%dma_wait3A_1423 : memref<8x128xf32, #tpu.memory_space<vmem>>) dst(%dma_wait3A_1419 : memref<8x128xf32, #tpu.memory_space<hbm>>)
      %parallel_loop3A_1424 = arith.constant 0 : i32
      %parallel_loop3A_1425 = arith.constant 128 : i32
      %parallel_loop3A_1426 = arith.constant 1 : i32
      scf.for %parallel_loop3A_1552 = %parallel_loop3A_1424 to %parallel_loop3A_1425 step %parallel_loop3A_1426  : i32 {
        %parallel_loop3A_1553 = vector.broadcast %parallel_loop3A_1552 : i32 to vector<16xi32>
        %parallel_loop3A_1554 = arith.constant 1 : i32
        %parallel_loop3A_1555 = arith.index_cast %parallel_loop3A_1554 : i32 to index
        %parallel_loop3A_1556 = arith.index_cast %parallel_loop3A_1552 : i32 to index
        %parallel_loop3A_1557 = arith.constant 0 : index
        %parallel_loop3A_1558 = tpu.vector_load %arg6[%parallel_loop3A_1555, %parallel_loop3A_1556, %parallel_loop3A_1557] {strides = array<i32>} : memref<2x128x32xf32, #tpu.memory_space<vmem>>, vector<16xf32>,
        %parallel_loop3A_1559 = arith.constant 1 : i32
        %parallel_loop3A_1560 = arith.constant 0 : i32
        %parallel_loop3A_1561 = arith.constant 0 : i32
        %parallel_loop3A_1562 = tpu.memref_slice %arg7[%parallel_loop3A_1559, %parallel_loop3A_1560, %parallel_loop3A_1561] : memref<2x32x129xf32, #tpu.memory_space<vmem>> -> memref<1x32x129xf32, #tpu.memory_space<vmem>>
        %parallel_loop3A_1563 = tpu.memref_squeeze %parallel_loop3A_1562 : memref<1x32x129xf32, #tpu.memory_space<vmem>> -> memref<32x129xf32, #tpu.memory_space<vmem>>
        tpu.vector_store_idx %parallel_loop3A_1563[%iota3A, %parallel_loop3A_1553], %parallel_loop3A_1558 : memref<32x129xf32, #tpu.memory_space<vmem>>[vector<16xi32>, vector<16xi32>], vector<16xf32>,
        %parallel_loop3A_1564 = arith.constant 1 : i32
        %parallel_loop3A_1565 = arith.index_cast %parallel_loop3A_1564 : i32 to index
        %parallel_loop3A_1566 = arith.index_cast %parallel_loop3A_1552 : i32 to index
        %parallel_loop3A_1567 = arith.constant 16 : index
        %parallel_loop3A_1568 = tpu.vector_load %arg6[%parallel_loop3A_1565, %parallel_loop3A_1566, %parallel_loop3A_1567] {strides = array<i32>} : memref<2x128x32xf32, #tpu.memory_space<vmem>>, vector<16xf32>,
        %parallel_loop3A_1569 = arith.constant 1 : i32
        %parallel_loop3A_1570 = arith.constant 0 : i32
        %parallel_loop3A_1571 = arith.constant 0 : i32
        %parallel_loop3A_1572 = tpu.memref_slice %arg7[%parallel_loop3A_1569, %parallel_loop3A_1570, %parallel_loop3A_1571] : memref<2x32x129xf32, #tpu.memory_space<vmem>> -> memref<1x32x129xf32, #tpu.memory_space<vmem>>
        %parallel_loop3A_1573 = tpu.memref_squeeze %parallel_loop3A_1572 : memref<1x32x129xf32, #tpu.memory_space<vmem>> -> memref<32x129xf32, #tpu.memory_space<vmem>>
        tpu.vector_store_idx %parallel_loop3A_1573[%add3A_5, %parallel_loop3A_1553], %parallel_loop3A_1568 : memref<32x129xf32, #tpu.memory_space<vmem>>[vector<16xi32>, vector<16xi32>], vector<16xf32>,
      } {sc.loop_unroll_factor = 2 : i64, sc.parallel_access}
      %add3A_1427 = arith.constant 2 : i32
      %add3A_1428 = arith.addi %add3A_1296, %add3A_1427 : i32
      %dma_start3A_1429 = arith.constant 1 : i32
      %dma_start3A_1430 = arith.constant 0 : i32
      %dma_start3A_1431 = arith.constant 0 : i32
      %dma_start3A_1432 = tpu.memref_slice %arg6[%dma_start3A_1429, %dma_start3A_1430, %dma_start3A_1431] : memref<2x128x32xf32, #tpu.memory_space<vmem>> -> memref<1x128x32xf32, #tpu.memory_space<vmem>>
      %dma_start3A_1433 = tpu.memref_squeeze %dma_start3A_1432 : memref<1x128x32xf32, #tpu.memory_space<vmem>> -> memref<128x32xf32, #tpu.memory_space<vmem>>
      %dma_start3A_1434 = arith.constant 0 : i32
      %dma_start3A_1435 = tpu.memref_slice %arg5[%add3A_1428, %dma_start3A_1434] : memref<200x128xi32, #tpu.memory_space<vmem>> -> memref<1x128xi32, #tpu.memory_space<vmem>>
      %dma_start3A_1436 = tpu.memref_squeeze %dma_start3A_1435 : memref<1x128xi32, #tpu.memory_space<vmem>> -> memref<128xi32, #tpu.memory_space<vmem>>
      %dma_start3A_1437 = arith.constant 0 : i32
      %dma_start3A_1438 = arith.constant 0 : i32
      %dma_start3A_1439 = tpu.memref_slice %arg3[%dma_start3A_1437, %dma_start3A_1438] : memref<1000000x32xf32, #tpu.memory_space<hbm>> -> memref<1000000x32xf32, #tpu.memory_space<hbm>>
      tpu.enqueue_indirect_dma source(%dma_start3A_1439 : memref<1000000x32xf32, #tpu.memory_space<hbm>>) target(%dma_start3A_1433 : memref<128x32xf32, #tpu.memory_space<vmem>>) offsets(%dma_start3A_1436 : memref<128xi32, #tpu.memory_space<vmem>>) semaphore(%arg9 : memref<!tpu.dma_semaphore, #tpu.memory_space<semaphore_mem>>)
      %jit3A_1440 = arith.constant 128 : i32
      %div3A_1441 = arith.divsi %add3A_1297, %jit3A_1440 : i32
      %sign3A_1442 = arith.constant 0 : i32
      %sign3A_1443 = arith.cmpi sgt, %add3A_1297, %sign3A_1442 : i32
      %sign3A_1444 = arith.extui %sign3A_1443 : i1 to i32
      %sign3A_1445 = arith.constant 0 : i32
      %sign3A_1446 = arith.cmpi slt, %add3A_1297, %sign3A_1445 : i32
      %sign3A_1447 = arith.extui %sign3A_1446 : i1 to i32
      %sign3A_1448 = arith.subi %sign3A_1444, %sign3A_1447 : i32
      %sign3A_1449 = arith.constant 0 : i32
      %sign3A_1450 = arith.cmpi sgt, %jit3A_1440, %sign3A_1449 : i32
      %sign3A_1451 = arith.extui %sign3A_1450 : i1 to i32
      %sign3A_1452 = arith.constant 0 : i32
      %sign3A_1453 = arith.cmpi slt, %jit3A_1440, %sign3A_1452 : i32
      %sign3A_1454 = arith.extui %sign3A_1453 : i1 to i32
      %sign3A_1455 = arith.subi %sign3A_1451, %sign3A_1454 : i32
      %ne3A_1456 = arith.cmpi ne, %sign3A_1448, %sign3A_1455 : i32
      %rem3A_1457 = arith.remsi %add3A_1297, %jit3A_1440 : i32
      %ne3A_1458 = arith.constant 0 : i32
      %ne3A_1459 = arith.cmpi ne, %rem3A_1457, %ne3A_1458 : i32
      %and3A_1460 = arith.andi %ne3A_1456, %ne3A_1459 : i1
      %sub3A_1461 = arith.constant 1 : i32
      %sub3A_1462 = arith.subi %div3A_1441, %sub3A_1461 : i32
      %select_n3A_1463 = arith.select %and3A_1460, %sub3A_1462, %div3A_1441 : i32
      %jit3A_1464 = arith.constant 128 : i32
      %eq3A_1465 = arith.constant 0 : i32
      %eq3A_1466 = arith.cmpi eq, %jit3A_1464, %eq3A_1465 : i32
      %jit3A_1467 = arith.constant 1 : i32
      %select_n3A_1468 = arith.select %eq3A_1466, %jit3A_1467, %jit3A_1464 : i32
      %rem3A_1469 = arith.remsi %add3A_1297, %select_n3A_1468 : i32
      %ne3A_1470 = arith.constant 0 : i32
      %ne3A_1471 = arith.cmpi ne, %rem3A_1469, %ne3A_1470 : i32
      %lt3A_1472 = arith.constant 0 : i32
      %lt3A_1473 = arith.cmpi slt, %rem3A_1469, %lt3A_1472 : i32
      %lt3A_1474 = arith.constant 0 : i32
      %lt3A_1475 = arith.cmpi slt, %select_n3A_1468, %lt3A_1474 : i32
      %ne3A_1476 = arith.xori %lt3A_1473, %lt3A_1475 : i1
      %and3A_1477 = arith.andi %ne3A_1476, %ne3A_1471 : i1
      %add3A_1478 = arith.addi %rem3A_1469, %select_n3A_1468 : i32
      %select_n3A_1479 = arith.select %and3A_1477, %add3A_1478, %rem3A_1469 : i32
      %dma_start3A_1480 = arith.constant 1 : i32
      %dma_start3A_1481 = arith.constant 0 : i32
      %dma_start3A_1482 = arith.constant 0 : i32
      %dma_start3A_1483 = arith.constant 0 : i32
      %dma_start3A_1484 = tpu.memref_slice %arg7[%dma_start3A_1480, %dma_start3A_1482, %dma_start3A_1483] : memref<2x32x129xf32, #tpu.memory_space<vmem>> -> memref<1x8x128xf32, #tpu.memory_space<vmem>>
      %dma_start3A_1485 = tpu.memref_squeeze %dma_start3A_1484 : memref<1x8x128xf32, #tpu.memory_space<vmem>> -> memref<8x128xf32, #tpu.memory_space<vmem>>
      %dma_start3A_1486 = arith.constant 0 : i32
      %dma_start3A_1487 = arith.constant 0 : i32
      %dma_start3A_1488 = tpu.memref_slice %arg4[%select_n3A_1463, %dma_start3A_1481, %select_n3A_1479, %dma_start3A_1486, %dma_start3A_1487] : memref<50x4x128x8x128xf32, #tpu.memory_space<hbm>> -> memref<1x1x1x8x128xf32, #tpu.memory_space<hbm>>
      %dma_start3A_1489 = tpu.memref_squeeze %dma_start3A_1488 : memref<1x1x1x8x128xf32, #tpu.memory_space<hbm>> -> memref<8x128xf32, #tpu.memory_space<hbm>>
      %dma_start3A_1490 = arith.constant 0 : i32
      %dma_start3A_1491 = arith.constant 0 : i32
      %dma_start3A_1492 = tpu.memref_slice %arg4[%select_n3A_1463, %dma_start3A_1481, %select_n3A_1479, %dma_start3A_1490, %dma_start3A_1491] : memref<50x4x128x8x128xf32, #tpu.memory_space<hbm>> -> memref<1x1x1x8x128xf32, #tpu.memory_space<hbm>>
      %dma_start3A_1493 = tpu.memref_squeeze %dma_start3A_1492 : memref<1x1x1x8x128xf32, #tpu.memory_space<hbm>> -> memref<8x128xf32, #tpu.memory_space<hbm>>
      %dma_start3A_1494 = arith.constant 0 : i32
      %dma_start3A_1495 = arith.constant 0 : i32
      %dma_start3A_1496 = tpu.memref_slice %arg7[%dma_start3A_1480, %dma_start3A_1494, %dma_start3A_1495] : memref<2x32x129xf32, #tpu.memory_space<vmem>> -> memref<1x8x128xf32, #tpu.memory_space<vmem>>
      %dma_start3A_1497 = tpu.memref_squeeze %dma_start3A_1496 : memref<1x8x128xf32, #tpu.memory_space<vmem>> -> memref<8x128xf32, #tpu.memory_space<vmem>>
      tpu.enqueue_dma source(%dma_start3A_1497 : memref<8x128xf32, #tpu.memory_space<vmem>>) target(%dma_start3A_1493 : memref<8x128xf32, #tpu.memory_space<hbm>>) target_semaphore(%arg11 : memref<!tpu.dma_semaphore, #tpu.memory_space<semaphore_mem>>)
      %dma_start3A_1498 = arith.constant 1 : i32
      %dma_start3A_1499 = arith.constant 1 : i32
      %dma_start3A_1500 = arith.constant 8 : i32
      %dma_start3A_1501 = arith.constant 0 : i32
      %dma_start3A_1502 = tpu.memref_slice %arg7[%dma_start3A_1498, %dma_start3A_1500, %dma_start3A_1501] : memref<2x32x129xf32, #tpu.memory_space<vmem>> -> memref<1x8x128xf32, #tpu.memory_space<vmem>>
      %dma_start3A_1503 = tpu.memref_squeeze %dma_start3A_1502 : memref<1x8x128xf32, #tpu.memory_space<vmem>> -> memref<8x128xf32, #tpu.memory_space<vmem>>
      %dma_start3A_1504 = arith.constant 0 : i32
      %dma_start3A_1505 = arith.constant 0 : i32
      %dma_start3A_1506 = tpu.memref_slice %arg4[%select_n3A_1463, %dma_start3A_1499, %select_n3A_1479, %dma_start3A_1504, %dma_start3A_1505] : memref<50x4x128x8x128xf32, #tpu.memory_space<hbm>> -> memref<1x1x1x8x128xf32, #tpu.memory_space<hbm>>
      %dma_start3A_1507 = tpu.memref_squeeze %dma_start3A_1506 : memref<1x1x1x8x128xf32, #tpu.memory_space<hbm>> -> memref<8x128xf32, #tpu.memory_space<hbm>>
      %dma_start3A_1508 = arith.constant 0 : i32
      %dma_start3A_1509 = arith.constant 0 : i32
      %dma_start3A_1510 = tpu.memref_slice %arg4[%select_n3A_1463, %dma_start3A_1499, %select_n3A_1479, %dma_start3A_1508, %dma_start3A_1509] : memref<50x4x128x8x128xf32, #tpu.memory_space<hbm>> -> memref<1x1x1x8x128xf32, #tpu.memory_space<hbm>>
      %dma_start3A_1511 = tpu.memref_squeeze %dma_start3A_1510 : memref<1x1x1x8x128xf32, #tpu.memory_space<hbm>> -> memref<8x128xf32, #tpu.memory_space<hbm>>
      %dma_start3A_1512 = arith.constant 8 : i32
      %dma_start3A_1513 = arith.constant 0 : i32
      %dma_start3A_1514 = tpu.memref_slice %arg7[%dma_start3A_1498, %dma_start3A_1512, %dma_start3A_1513] : memref<2x32x129xf32, #tpu.memory_space<vmem>> -> memref<1x8x128xf32, #tpu.memory_space<vmem>>
      %dma_start3A_1515 = tpu.memref_squeeze %dma_start3A_1514 : memref<1x8x128xf32, #tpu.memory_space<vmem>> -> memref<8x128xf32, #tpu.memory_space<vmem>>
      tpu.enqueue_dma source(%dma_start3A_1515 : memref<8x128xf32, #tpu.memory_space<vmem>>) target(%dma_start3A_1511 : memref<8x128xf32, #tpu.memory_space<hbm>>) target_semaphore(%arg11 : memref<!tpu.dma_semaphore, #tpu.memory_space<semaphore_mem>>)
      %dma_start3A_1516 = arith.constant 1 : i32
      %dma_start3A_1517 = arith.constant 2 : i32
      %dma_start3A_1518 = arith.constant 16 : i32
      %dma_start3A_1519 = arith.constant 0 : i32
      %dma_start3A_1520 = tpu.memref_slice %arg7[%dma_start3A_1516, %dma_start3A_1518, %dma_start3A_1519] : memref<2x32x129xf32, #tpu.memory_space<vmem>> -> memref<1x8x128xf32, #tpu.memory_space<vmem>>
      %dma_start3A_1521 = tpu.memref_squeeze %dma_start3A_1520 : memref<1x8x128xf32, #tpu.memory_space<vmem>> -> memref<8x128xf32, #tpu.memory_space<vmem>>
      %dma_start3A_1522 = arith.constant 0 : i32
      %dma_start3A_1523 = arith.constant 0 : i32
      %dma_start3A_1524 = tpu.memref_slice %arg4[%select_n3A_1463, %dma_start3A_1517, %select_n3A_1479, %dma_start3A_1522, %dma_start3A_1523] : memref<50x4x128x8x128xf32, #tpu.memory_space<hbm>> -> memref<1x1x1x8x128xf32, #tpu.memory_space<hbm>>
      %dma_start3A_1525 = tpu.memref_squeeze %dma_start3A_1524 : memref<1x1x1x8x128xf32, #tpu.memory_space<hbm>> -> memref<8x128xf32, #tpu.memory_space<hbm>>
      %dma_start3A_1526 = arith.constant 0 : i32
      %dma_start3A_1527 = arith.constant 0 : i32
      %dma_start3A_1528 = tpu.memref_slice %arg4[%select_n3A_1463, %dma_start3A_1517, %select_n3A_1479, %dma_start3A_1526, %dma_start3A_1527] : memref<50x4x128x8x128xf32, #tpu.memory_space<hbm>> -> memref<1x1x1x8x128xf32, #tpu.memory_space<hbm>>
      %dma_start3A_1529 = tpu.memref_squeeze %dma_start3A_1528 : memref<1x1x1x8x128xf32, #tpu.memory_space<hbm>> -> memref<8x128xf32, #tpu.memory_space<hbm>>
      %dma_start3A_1530 = arith.constant 16 : i32
      %dma_start3A_1531 = arith.constant 0 : i32
      %dma_start3A_1532 = tpu.memref_slice %arg7[%dma_start3A_1516, %dma_start3A_1530, %dma_start3A_1531] : memref<2x32x129xf32, #tpu.memory_space<vmem>> -> memref<1x8x128xf32, #tpu.memory_space<vmem>>
      %dma_start3A_1533 = tpu.memref_squeeze %dma_start3A_1532 : memref<1x8x128xf32, #tpu.memory_space<vmem>> -> memref<8x128xf32, #tpu.memory_space<vmem>>
      tpu.enqueue_dma source(%dma_start3A_1533 : memref<8x128xf32, #tpu.memory_space<vmem>>) target(%dma_start3A_1529 : memref<8x128xf32, #tpu.memory_space<hbm>>) target_semaphore(%arg11 : memref<!tpu.dma_semaphore, #tpu.memory_space<semaphore_mem>>)
      %dma_start3A_1534 = arith.constant 1 : i32
      %dma_start3A_1535 = arith.constant 3 : i32
      %dma_start3A_1536 = arith.constant 24 : i32
      %dma_start3A_1537 = arith.constant 0 : i32
      %dma_start3A_1538 = tpu.memref_slice %arg7[%dma_start3A_1534, %dma_start3A_1536, %dma_start3A_1537] : memref<2x32x129xf32, #tpu.memory_space<vmem>> -> memref<1x8x128xf32, #tpu.memory_space<vmem>>
      %dma_start3A_1539 = tpu.memref_squeeze %dma_start3A_1538 : memref<1x8x128xf32, #tpu.memory_space<vmem>> -> memref<8x128xf32, #tpu.memory_space<vmem>>
      %dma_start3A_1540 = arith.constant 0 : i32
      %dma_start3A_1541 = arith.constant 0 : i32
      %dma_start3A_1542 = tpu.memref_slice %arg4[%select_n3A_1463, %dma_start3A_1535, %select_n3A_1479, %dma_start3A_1540, %dma_start3A_1541] : memref<50x4x128x8x128xf32, #tpu.memory_space<hbm>> -> memref<1x1x1x8x128xf32, #tpu.memory_space<hbm>>
      %dma_start3A_1543 = tpu.memref_squeeze %dma_start3A_1542 : memref<1x1x1x8x128xf32, #tpu.memory_space<hbm>> -> memref<8x128xf32, #tpu.memory_space<hbm>>
      %dma_start3A_1544 = arith.constant 0 : i32
      %dma_start3A_1545 = arith.constant 0 : i32
      %dma_start3A_1546 = tpu.memref_slice %arg4[%select_n3A_1463, %dma_start3A_1535, %select_n3A_1479, %dma_start3A_1544, %dma_start3A_1545] : memref<50x4x128x8x128xf32, #tpu.memory_space<hbm>> -> memref<1x1x1x8x128xf32, #tpu.memory_space<hbm>>
      %dma_start3A_1547 = tpu.memref_squeeze %dma_start3A_1546 : memref<1x1x1x8x128xf32, #tpu.memory_space<hbm>> -> memref<8x128xf32, #tpu.memory_space<hbm>>
      %dma_start3A_1548 = arith.constant 24 : i32
      %dma_start3A_1549 = arith.constant 0 : i32
      %dma_start3A_1550 = tpu.memref_slice %arg7[%dma_start3A_1534, %dma_start3A_1548, %dma_start3A_1549] : memref<2x32x129xf32, #tpu.memory_space<vmem>> -> memref<1x8x128xf32, #tpu.memory_space<vmem>>
      %dma_start3A_1551 = tpu.memref_squeeze %dma_start3A_1550 : memref<1x8x128xf32, #tpu.memory_space<vmem>> -> memref<8x128xf32, #tpu.memory_space<vmem>>
      tpu.enqueue_dma source(%dma_start3A_1551 : memref<8x128xf32, #tpu.memory_space<vmem>>) target(%dma_start3A_1547 : memref<8x128xf32, #tpu.memory_space<hbm>>) target_semaphore(%arg11 : memref<!tpu.dma_semaphore, #tpu.memory_space<semaphore_mem>>)
    }
    %scan3A_302 = arith.constant 98 : i32
    %add3A_303 = arith.constant 200 : i32
    %add3A_304 = arith.addi %mul3A_2, %add3A_303 : i32
    %sub3A_305 = arith.constant 2 : i32
    %sub3A_306 = arith.subi %add3A_304, %sub3A_305 : i32
    %add3A_307 = arith.constant 0 : i32
    %add3A_308 = arith.addi %sub3A_306, %add3A_307 : i32
    %dma_wait3A_309 = arith.constant 0 : i32
    %dma_wait3A_310 = arith.constant 0 : i32
    %dma_wait3A_311 = arith.constant 0 : i32
    %dma_wait3A_312 = arith.constant 0 : i32
    %dma_wait3A_313 = tpu.memref_slice %arg6[%dma_wait3A_310, %dma_wait3A_311, %dma_wait3A_312] : memref<2x128x32xf32, #tpu.memory_space<vmem>> -> memref<1x128x32xf32, #tpu.memory_space<vmem>>
    %dma_wait3A_314 = tpu.memref_squeeze %dma_wait3A_313 : memref<1x128x32xf32, #tpu.memory_space<vmem>> -> memref<128x32xf32, #tpu.memory_space<vmem>>
    %dma_wait3A_315 = arith.constant 0 : i32
    %dma_wait3A_316 = tpu.memref_slice %arg5[%dma_wait3A_309, %dma_wait3A_315] : memref<200x128xi32, #tpu.memory_space<vmem>> -> memref<1x128xi32, #tpu.memory_space<vmem>>
    %dma_wait3A_317 = tpu.memref_squeeze %dma_wait3A_316 : memref<1x128xi32, #tpu.memory_space<vmem>> -> memref<128xi32, #tpu.memory_space<vmem>>
    %dma_wait3A_318 = arith.constant 0 : i32
    %dma_wait3A_319 = arith.constant 0 : i32
    %dma_wait3A_320 = tpu.memref_slice %arg3[%dma_wait3A_318, %dma_wait3A_319] : memref<1000000x32xf32, #tpu.memory_space<hbm>> -> memref<1000000x32xf32, #tpu.memory_space<hbm>>
    tpu.wait_indirect_dma semaphore(%arg8 : memref<!tpu.dma_semaphore, #tpu.memory_space<semaphore_mem>>) src(%dma_wait3A_320 : memref<1000000x32xf32, #tpu.memory_space<hbm>>) dst(%dma_wait3A_314 : memref<128x32xf32, #tpu.memory_space<vmem>>)
    %sub3A_321 = arith.constant 2 : i32
    %sub3A_322 = arith.subi %add3A_308, %sub3A_321 : i32
    %jit3A_323 = arith.constant 128 : i32
    %div3A_324 = arith.divsi %sub3A_322, %jit3A_323 : i32
    %sign3A_325 = arith.constant 0 : i32
    %sign3A_326 = arith.cmpi sgt, %sub3A_322, %sign3A_325 : i32
    %sign3A_327 = arith.extui %sign3A_326 : i1 to i32
    %sign3A_328 = arith.constant 0 : i32
    %sign3A_329 = arith.cmpi slt, %sub3A_322, %sign3A_328 : i32
    %sign3A_330 = arith.extui %sign3A_329 : i1 to i32
    %sign3A_331 = arith.subi %sign3A_327, %sign3A_330 : i32
    %sign3A_332 = arith.constant 0 : i32
    %sign3A_333 = arith.cmpi sgt, %jit3A_323, %sign3A_332 : i32
    %sign3A_334 = arith.extui %sign3A_333 : i1 to i32
    %sign3A_335 = arith.constant 0 : i32
    %sign3A_336 = arith.cmpi slt, %jit3A_323, %sign3A_335 : i32
    %sign3A_337 = arith.extui %sign3A_336 : i1 to i32
    %sign3A_338 = arith.subi %sign3A_334, %sign3A_337 : i32
    %ne3A_339 = arith.cmpi ne, %sign3A_331, %sign3A_338 : i32
    %rem3A_340 = arith.remsi %sub3A_322, %jit3A_323 : i32
    %ne3A_341 = arith.constant 0 : i32
    %ne3A_342 = arith.cmpi ne, %rem3A_340, %ne3A_341 : i32
    %and3A_343 = arith.andi %ne3A_339, %ne3A_342 : i1
    %sub3A_344 = arith.constant 1 : i32
    %sub3A_345 = arith.subi %div3A_324, %sub3A_344 : i32
    %select_n3A_346 = arith.select %and3A_343, %sub3A_345, %div3A_324 : i32
    %jit3A_347 = arith.constant 128 : i32
    %eq3A_348 = arith.constant 0 : i32
    %eq3A_349 = arith.cmpi eq, %jit3A_347, %eq3A_348 : i32
    %jit3A_350 = arith.constant 1 : i32
    %select_n3A_351 = arith.select %eq3A_349, %jit3A_350, %jit3A_347 : i32
    %rem3A_352 = arith.remsi %sub3A_322, %select_n3A_351 : i32
    %ne3A_353 = arith.constant 0 : i32
    %ne3A_354 = arith.cmpi ne, %rem3A_352, %ne3A_353 : i32
    %lt3A_355 = arith.constant 0 : i32
    %lt3A_356 = arith.cmpi slt, %rem3A_352, %lt3A_355 : i32
    %lt3A_357 = arith.constant 0 : i32
    %lt3A_358 = arith.cmpi slt, %select_n3A_351, %lt3A_357 : i32
    %ne3A_359 = arith.xori %lt3A_356, %lt3A_358 : i1
    %and3A_360 = arith.andi %ne3A_359, %ne3A_354 : i1
    %add3A_361 = arith.addi %rem3A_352, %select_n3A_351 : i32
    %select_n3A_362 = arith.select %and3A_360, %add3A_361, %rem3A_352 : i32
    %dma_wait3A_363 = arith.constant 0 : i32
    %dma_wait3A_364 = arith.constant 0 : i32
    %dma_wait3A_365 = arith.constant 0 : i32
    %dma_wait3A_366 = arith.constant 0 : i32
    %dma_wait3A_367 = tpu.memref_slice %arg7[%dma_wait3A_363, %dma_wait3A_365, %dma_wait3A_366] : memref<2x32x129xf32, #tpu.memory_space<vmem>> -> memref<1x8x128xf32, #tpu.memory_space<vmem>>
    %dma_wait3A_368 = tpu.memref_squeeze %dma_wait3A_367 : memref<1x8x128xf32, #tpu.memory_space<vmem>> -> memref<8x128xf32, #tpu.memory_space<vmem>>
    %dma_wait3A_369 = arith.constant 0 : i32
    %dma_wait3A_370 = arith.constant 0 : i32
    %dma_wait3A_371 = tpu.memref_slice %arg4[%select_n3A_346, %dma_wait3A_364, %select_n3A_362, %dma_wait3A_369, %dma_wait3A_370] : memref<50x4x128x8x128xf32, #tpu.memory_space<hbm>> -> memref<1x1x1x8x128xf32, #tpu.memory_space<hbm>>
    %dma_wait3A_372 = tpu.memref_squeeze %dma_wait3A_371 : memref<1x1x1x8x128xf32, #tpu.memory_space<hbm>> -> memref<8x128xf32, #tpu.memory_space<hbm>>
    %dma_wait3A_373 = arith.constant 0 : i32
    %dma_wait3A_374 = arith.constant 0 : i32
    %dma_wait3A_375 = tpu.memref_slice %arg4[%select_n3A_346, %dma_wait3A_364, %select_n3A_362, %dma_wait3A_373, %dma_wait3A_374] : memref<50x4x128x8x128xf32, #tpu.memory_space<hbm>> -> memref<1x1x1x8x128xf32, #tpu.memory_space<hbm>>
    %dma_wait3A_376 = tpu.memref_squeeze %dma_wait3A_375 : memref<1x1x1x8x128xf32, #tpu.memory_space<hbm>> -> memref<8x128xf32, #tpu.memory_space<hbm>>
    %dma_wait3A_377 = arith.constant 0 : i32
    %dma_wait3A_378 = arith.constant 0 : i32
    %dma_wait3A_379 = tpu.memref_slice %arg7[%dma_wait3A_363, %dma_wait3A_377, %dma_wait3A_378] : memref<2x32x129xf32, #tpu.memory_space<vmem>> -> memref<1x8x128xf32, #tpu.memory_space<vmem>>
    %dma_wait3A_380 = tpu.memref_squeeze %dma_wait3A_379 : memref<1x8x128xf32, #tpu.memory_space<vmem>> -> memref<8x128xf32, #tpu.memory_space<vmem>>
    tpu.wait_dma2 semaphore(%arg10 : memref<!tpu.dma_semaphore, #tpu.memory_space<semaphore_mem>>) src(%dma_wait3A_380 : memref<8x128xf32, #tpu.memory_space<vmem>>) dst(%dma_wait3A_376 : memref<8x128xf32, #tpu.memory_space<hbm>>)
    %dma_wait3A_381 = arith.constant 0 : i32
    %dma_wait3A_382 = arith.constant 1 : i32
    %dma_wait3A_383 = arith.constant 8 : i32
    %dma_wait3A_384 = arith.constant 0 : i32
    %dma_wait3A_385 = tpu.memref_slice %arg7[%dma_wait3A_381, %dma_wait3A_383, %dma_wait3A_384] : memref<2x32x129xf32, #tpu.memory_space<vmem>> -> memref<1x8x128xf32, #tpu.memory_space<vmem>>
    %dma_wait3A_386 = tpu.memref_squeeze %dma_wait3A_385 : memref<1x8x128xf32, #tpu.memory_space<vmem>> -> memref<8x128xf32, #tpu.memory_space<vmem>>
    %dma_wait3A_387 = arith.constant 0 : i32
    %dma_wait3A_388 = arith.constant 0 : i32
    %dma_wait3A_389 = tpu.memref_slice %arg4[%select_n3A_346, %dma_wait3A_382, %select_n3A_362, %dma_wait3A_387, %dma_wait3A_388] : memref<50x4x128x8x128xf32, #tpu.memory_space<hbm>> -> memref<1x1x1x8x128xf32, #tpu.memory_space<hbm>>
    %dma_wait3A_390 = tpu.memref_squeeze %dma_wait3A_389 : memref<1x1x1x8x128xf32, #tpu.memory_space<hbm>> -> memref<8x128xf32, #tpu.memory_space<hbm>>
    %dma_wait3A_391 = arith.constant 0 : i32
    %dma_wait3A_392 = arith.constant 0 : i32
    %dma_wait3A_393 = tpu.memref_slice %arg4[%select_n3A_346, %dma_wait3A_382, %select_n3A_362, %dma_wait3A_391, %dma_wait3A_392] : memref<50x4x128x8x128xf32, #tpu.memory_space<hbm>> -> memref<1x1x1x8x128xf32, #tpu.memory_space<hbm>>
    %dma_wait3A_394 = tpu.memref_squeeze %dma_wait3A_393 : memref<1x1x1x8x128xf32, #tpu.memory_space<hbm>> -> memref<8x128xf32, #tpu.memory_space<hbm>>
    %dma_wait3A_395 = arith.constant 8 : i32
    %dma_wait3A_396 = arith.constant 0 : i32
    %dma_wait3A_397 = tpu.memref_slice %arg7[%dma_wait3A_381, %dma_wait3A_395, %dma_wait3A_396] : memref<2x32x129xf32, #tpu.memory_space<vmem>> -> memref<1x8x128xf32, #tpu.memory_space<vmem>>
    %dma_wait3A_398 = tpu.memref_squeeze %dma_wait3A_397 : memref<1x8x128xf32, #tpu.memory_space<vmem>> -> memref<8x128xf32, #tpu.memory_space<vmem>>
    tpu.wait_dma2 semaphore(%arg10 : memref<!tpu.dma_semaphore, #tpu.memory_space<semaphore_mem>>) src(%dma_wait3A_398 : memref<8x128xf32, #tpu.memory_space<vmem>>) dst(%dma_wait3A_394 : memref<8x128xf32, #tpu.memory_space<hbm>>)
    %dma_wait3A_399 = arith.constant 0 : i32
    %dma_wait3A_400 = arith.constant 2 : i32
    %dma_wait3A_401 = arith.constant 16 : i32
    %dma_wait3A_402 = arith.constant 0 : i32
    %dma_wait3A_403 = tpu.memref_slice %arg7[%dma_wait3A_399, %dma_wait3A_401, %dma_wait3A_402] : memref<2x32x129xf32, #tpu.memory_space<vmem>> -> memref<1x8x128xf32, #tpu.memory_space<vmem>>
    %dma_wait3A_404 = tpu.memref_squeeze %dma_wait3A_403 : memref<1x8x128xf32, #tpu.memory_space<vmem>> -> memref<8x128xf32, #tpu.memory_space<vmem>>
    %dma_wait3A_405 = arith.constant 0 : i32
    %dma_wait3A_406 = arith.constant 0 : i32
    %dma_wait3A_407 = tpu.memref_slice %arg4[%select_n3A_346, %dma_wait3A_400, %select_n3A_362, %dma_wait3A_405, %dma_wait3A_406] : memref<50x4x128x8x128xf32, #tpu.memory_space<hbm>> -> memref<1x1x1x8x128xf32, #tpu.memory_space<hbm>>
    %dma_wait3A_408 = tpu.memref_squeeze %dma_wait3A_407 : memref<1x1x1x8x128xf32, #tpu.memory_space<hbm>> -> memref<8x128xf32, #tpu.memory_space<hbm>>
    %dma_wait3A_409 = arith.constant 0 : i32
    %dma_wait3A_410 = arith.constant 0 : i32
    %dma_wait3A_411 = tpu.memref_slice %arg4[%select_n3A_346, %dma_wait3A_400, %select_n3A_362, %dma_wait3A_409, %dma_wait3A_410] : memref<50x4x128x8x128xf32, #tpu.memory_space<hbm>> -> memref<1x1x1x8x128xf32, #tpu.memory_space<hbm>>
    %dma_wait3A_412 = tpu.memref_squeeze %dma_wait3A_411 : memref<1x1x1x8x128xf32, #tpu.memory_space<hbm>> -> memref<8x128xf32, #tpu.memory_space<hbm>>
    %dma_wait3A_413 = arith.constant 16 : i32
    %dma_wait3A_414 = arith.constant 0 : i32
    %dma_wait3A_415 = tpu.memref_slice %arg7[%dma_wait3A_399, %dma_wait3A_413, %dma_wait3A_414] : memref<2x32x129xf32, #tpu.memory_space<vmem>> -> memref<1x8x128xf32, #tpu.memory_space<vmem>>
    %dma_wait3A_416 = tpu.memref_squeeze %dma_wait3A_415 : memref<1x8x128xf32, #tpu.memory_space<vmem>> -> memref<8x128xf32, #tpu.memory_space<vmem>>
    tpu.wait_dma2 semaphore(%arg10 : memref<!tpu.dma_semaphore, #tpu.memory_space<semaphore_mem>>) src(%dma_wait3A_416 : memref<8x128xf32, #tpu.memory_space<vmem>>) dst(%dma_wait3A_412 : memref<8x128xf32, #tpu.memory_space<hbm>>)
    %dma_wait3A_417 = arith.constant 0 : i32
    %dma_wait3A_418 = arith.constant 3 : i32
    %dma_wait3A_419 = arith.constant 24 : i32
    %dma_wait3A_420 = arith.constant 0 : i32
    %dma_wait3A_421 = tpu.memref_slice %arg7[%dma_wait3A_417, %dma_wait3A_419, %dma_wait3A_420] : memref<2x32x129xf32, #tpu.memory_space<vmem>> -> memref<1x8x128xf32, #tpu.memory_space<vmem>>
    %dma_wait3A_422 = tpu.memref_squeeze %dma_wait3A_421 : memref<1x8x128xf32, #tpu.memory_space<vmem>> -> memref<8x128xf32, #tpu.memory_space<vmem>>
    %dma_wait3A_423 = arith.constant 0 : i32
    %dma_wait3A_424 = arith.constant 0 : i32
    %dma_wait3A_425 = tpu.memref_slice %arg4[%select_n3A_346, %dma_wait3A_418, %select_n3A_362, %dma_wait3A_423, %dma_wait3A_424] : memref<50x4x128x8x128xf32, #tpu.memory_space<hbm>> -> memref<1x1x1x8x128xf32, #tpu.memory_space<hbm>>
    %dma_wait3A_426 = tpu.memref_squeeze %dma_wait3A_425 : memref<1x1x1x8x128xf32, #tpu.memory_space<hbm>> -> memref<8x128xf32, #tpu.memory_space<hbm>>
    %dma_wait3A_427 = arith.constant 0 : i32
    %dma_wait3A_428 = arith.constant 0 : i32
    %dma_wait3A_429 = tpu.memref_slice %arg4[%select_n3A_346, %dma_wait3A_418, %select_n3A_362, %dma_wait3A_427, %dma_wait3A_428] : memref<50x4x128x8x128xf32, #tpu.memory_space<hbm>> -> memref<1x1x1x8x128xf32, #tpu.memory_space<hbm>>
    %dma_wait3A_430 = tpu.memref_squeeze %dma_wait3A_429 : memref<1x1x1x8x128xf32, #tpu.memory_space<hbm>> -> memref<8x128xf32, #tpu.memory_space<hbm>>
    %dma_wait3A_431 = arith.constant 24 : i32
    %dma_wait3A_432 = arith.constant 0 : i32
    %dma_wait3A_433 = tpu.memref_slice %arg7[%dma_wait3A_417, %dma_wait3A_431, %dma_wait3A_432] : memref<2x32x129xf32, #tpu.memory_space<vmem>> -> memref<1x8x128xf32, #tpu.memory_space<vmem>>
    %dma_wait3A_434 = tpu.memref_squeeze %dma_wait3A_433 : memref<1x8x128xf32, #tpu.memory_space<vmem>> -> memref<8x128xf32, #tpu.memory_space<vmem>>
    tpu.wait_dma2 semaphore(%arg10 : memref<!tpu.dma_semaphore, #tpu.memory_space<semaphore_mem>>) src(%dma_wait3A_434 : memref<8x128xf32, #tpu.memory_space<vmem>>) dst(%dma_wait3A_430 : memref<8x128xf32, #tpu.memory_space<hbm>>)
    %parallel_loop3A_435 = arith.constant 0 : i32
    %parallel_loop3A_436 = arith.constant 128 : i32
    %parallel_loop3A_437 = arith.constant 1 : i32
    scf.for %parallel_loop3A_1029 = %parallel_loop3A_435 to %parallel_loop3A_436 step %parallel_loop3A_437  : i32 {
      %parallel_loop3A_1030 = vector.broadcast %parallel_loop3A_1029 : i32 to vector<16xi32>
      %parallel_loop3A_1031 = arith.constant 0 : i32
      %parallel_loop3A_1032 = arith.index_cast %parallel_loop3A_1031 : i32 to index
      %parallel_loop3A_1033 = arith.index_cast %parallel_loop3A_1029 : i32 to index
      %parallel_loop3A_1034 = arith.constant 0 : index
      %parallel_loop3A_1035 = tpu.vector_load %arg6[%parallel_loop3A_1032, %parallel_loop3A_1033, %parallel_loop3A_1034] {strides = array<i32>} : memref<2x128x32xf32, #tpu.memory_space<vmem>>, vector<16xf32>,
      %parallel_loop3A_1036 = arith.constant 0 : i32
      %parallel_loop3A_1037 = arith.constant 0 : i32
      %parallel_loop3A_1038 = arith.constant 0 : i32
      %parallel_loop3A_1039 = tpu.memref_slice %arg7[%parallel_loop3A_1036, %parallel_loop3A_1037, %parallel_loop3A_1038] : memref<2x32x129xf32, #tpu.memory_space<vmem>> -> memref<1x32x129xf32, #tpu.memory_space<vmem>>
      %parallel_loop3A_1040 = tpu.memref_squeeze %parallel_loop3A_1039 : memref<1x32x129xf32, #tpu.memory_space<vmem>> -> memref<32x129xf32, #tpu.memory_space<vmem>>
      tpu.vector_store_idx %parallel_loop3A_1040[%iota3A, %parallel_loop3A_1030], %parallel_loop3A_1035 : memref<32x129xf32, #tpu.memory_space<vmem>>[vector<16xi32>, vector<16xi32>], vector<16xf32>,
      %parallel_loop3A_1041 = arith.constant 0 : i32
      %parallel_loop3A_1042 = arith.index_cast %parallel_loop3A_1041 : i32 to index
      %parallel_loop3A_1043 = arith.index_cast %parallel_loop3A_1029 : i32 to index
      %parallel_loop3A_1044 = arith.constant 16 : index
      %parallel_loop3A_1045 = tpu.vector_load %arg6[%parallel_loop3A_1042, %parallel_loop3A_1043, %parallel_loop3A_1044] {strides = array<i32>} : memref<2x128x32xf32, #tpu.memory_space<vmem>>, vector<16xf32>,
      %parallel_loop3A_1046 = arith.constant 0 : i32
      %parallel_loop3A_1047 = arith.constant 0 : i32
      %parallel_loop3A_1048 = arith.constant 0 : i32
      %parallel_loop3A_1049 = tpu.memref_slice %arg7[%parallel_loop3A_1046, %parallel_loop3A_1047, %parallel_loop3A_1048] : memref<2x32x129xf32, #tpu.memory_space<vmem>> -> memref<1x32x129xf32, #tpu.memory_space<vmem>>
      %parallel_loop3A_1050 = tpu.memref_squeeze %parallel_loop3A_1049 : memref<1x32x129xf32, #tpu.memory_space<vmem>> -> memref<32x129xf32, #tpu.memory_space<vmem>>
      tpu.vector_store_idx %parallel_loop3A_1050[%add3A_5, %parallel_loop3A_1030], %parallel_loop3A_1045 : memref<32x129xf32, #tpu.memory_space<vmem>>[vector<16xi32>, vector<16xi32>], vector<16xf32>,
    } {sc.loop_unroll_factor = 2 : i64, sc.parallel_access}
    %jit3A_438 = arith.constant 128 : i32
    %div3A_439 = arith.divsi %add3A_308, %jit3A_438 : i32
    %sign3A_440 = arith.constant 0 : i32
    %sign3A_441 = arith.cmpi sgt, %add3A_308, %sign3A_440 : i32
    %sign3A_442 = arith.extui %sign3A_441 : i1 to i32
    %sign3A_443 = arith.constant 0 : i32
    %sign3A_444 = arith.cmpi slt, %add3A_308, %sign3A_443 : i32
    %sign3A_445 = arith.extui %sign3A_444 : i1 to i32
    %sign3A_446 = arith.subi %sign3A_442, %sign3A_445 : i32
    %sign3A_447 = arith.constant 0 : i32
    %sign3A_448 = arith.cmpi sgt, %jit3A_438, %sign3A_447 : i32
    %sign3A_449 = arith.extui %sign3A_448 : i1 to i32
    %sign3A_450 = arith.constant 0 : i32
    %sign3A_451 = arith.cmpi slt, %jit3A_438, %sign3A_450 : i32
    %sign3A_452 = arith.extui %sign3A_451 : i1 to i32
    %sign3A_453 = arith.subi %sign3A_449, %sign3A_452 : i32
    %ne3A_454 = arith.cmpi ne, %sign3A_446, %sign3A_453 : i32
    %rem3A_455 = arith.remsi %add3A_308, %jit3A_438 : i32
    %ne3A_456 = arith.constant 0 : i32
    %ne3A_457 = arith.cmpi ne, %rem3A_455, %ne3A_456 : i32
    %and3A_458 = arith.andi %ne3A_454, %ne3A_457 : i1
    %sub3A_459 = arith.constant 1 : i32
    %sub3A_460 = arith.subi %div3A_439, %sub3A_459 : i32
    %select_n3A_461 = arith.select %and3A_458, %sub3A_460, %div3A_439 : i32
    %jit3A_462 = arith.constant 128 : i32
    %eq3A_463 = arith.constant 0 : i32
    %eq3A_464 = arith.cmpi eq, %jit3A_462, %eq3A_463 : i32
    %jit3A_465 = arith.constant 1 : i32
    %select_n3A_466 = arith.select %eq3A_464, %jit3A_465, %jit3A_462 : i32
    %rem3A_467 = arith.remsi %add3A_308, %select_n3A_466 : i32
    %ne3A_468 = arith.constant 0 : i32
    %ne3A_469 = arith.cmpi ne, %rem3A_467, %ne3A_468 : i32
    %lt3A_470 = arith.constant 0 : i32
    %lt3A_471 = arith.cmpi slt, %rem3A_467, %lt3A_470 : i32
    %lt3A_472 = arith.constant 0 : i32
    %lt3A_473 = arith.cmpi slt, %select_n3A_466, %lt3A_472 : i32
    %ne3A_474 = arith.xori %lt3A_471, %lt3A_473 : i1
    %and3A_475 = arith.andi %ne3A_474, %ne3A_469 : i1
    %add3A_476 = arith.addi %rem3A_467, %select_n3A_466 : i32
    %select_n3A_477 = arith.select %and3A_475, %add3A_476, %rem3A_467 : i32
    %dma_start3A_478 = arith.constant 0 : i32
    %dma_start3A_479 = arith.constant 0 : i32
    %dma_start3A_480 = arith.constant 0 : i32
    %dma_start3A_481 = arith.constant 0 : i32
    %dma_start3A_482 = tpu.memref_slice %arg7[%dma_start3A_478, %dma_start3A_480, %dma_start3A_481] : memref<2x32x129xf32, #tpu.memory_space<vmem>> -> memref<1x8x128xf32, #tpu.memory_space<vmem>>
    %dma_start3A_483 = tpu.memref_squeeze %dma_start3A_482 : memref<1x8x128xf32, #tpu.memory_space<vmem>> -> memref<8x128xf32, #tpu.memory_space<vmem>>
    %dma_start3A_484 = arith.constant 0 : i32
    %dma_start3A_485 = arith.constant 0 : i32
    %dma_start3A_486 = tpu.memref_slice %arg4[%select_n3A_461, %dma_start3A_479, %select_n3A_477, %dma_start3A_484, %dma_start3A_485] : memref<50x4x128x8x128xf32, #tpu.memory_space<hbm>> -> memref<1x1x1x8x128xf32, #tpu.memory_space<hbm>>
    %dma_start3A_487 = tpu.memref_squeeze %dma_start3A_486 : memref<1x1x1x8x128xf32, #tpu.memory_space<hbm>> -> memref<8x128xf32, #tpu.memory_space<hbm>>
    %dma_start3A_488 = arith.constant 0 : i32
    %dma_start3A_489 = arith.constant 0 : i32
    %dma_start3A_490 = tpu.memref_slice %arg4[%select_n3A_461, %dma_start3A_479, %select_n3A_477, %dma_start3A_488, %dma_start3A_489] : memref<50x4x128x8x128xf32, #tpu.memory_space<hbm>> -> memref<1x1x1x8x128xf32, #tpu.memory_space<hbm>>
    %dma_start3A_491 = tpu.memref_squeeze %dma_start3A_490 : memref<1x1x1x8x128xf32, #tpu.memory_space<hbm>> -> memref<8x128xf32, #tpu.memory_space<hbm>>
    %dma_start3A_492 = arith.constant 0 : i32
    %dma_start3A_493 = arith.constant 0 : i32
    %dma_start3A_494 = tpu.memref_slice %arg7[%dma_start3A_478, %dma_start3A_492, %dma_start3A_493] : memref<2x32x129xf32, #tpu.memory_space<vmem>> -> memref<1x8x128xf32, #tpu.memory_space<vmem>>
    %dma_start3A_495 = tpu.memref_squeeze %dma_start3A_494 : memref<1x8x128xf32, #tpu.memory_space<vmem>> -> memref<8x128xf32, #tpu.memory_space<vmem>>
    tpu.enqueue_dma source(%dma_start3A_495 : memref<8x128xf32, #tpu.memory_space<vmem>>) target(%dma_start3A_491 : memref<8x128xf32, #tpu.memory_space<hbm>>) target_semaphore(%arg10 : memref<!tpu.dma_semaphore, #tpu.memory_space<semaphore_mem>>)
    %dma_start3A_496 = arith.constant 0 : i32
    %dma_start3A_497 = arith.constant 1 : i32
    %dma_start3A_498 = arith.constant 8 : i32
    %dma_start3A_499 = arith.constant 0 : i32
    %dma_start3A_500 = tpu.memref_slice %arg7[%dma_start3A_496, %dma_start3A_498, %dma_start3A_499] : memref<2x32x129xf32, #tpu.memory_space<vmem>> -> memref<1x8x128xf32, #tpu.memory_space<vmem>>
    %dma_start3A_501 = tpu.memref_squeeze %dma_start3A_500 : memref<1x8x128xf32, #tpu.memory_space<vmem>> -> memref<8x128xf32, #tpu.memory_space<vmem>>
    %dma_start3A_502 = arith.constant 0 : i32
    %dma_start3A_503 = arith.constant 0 : i32
    %dma_start3A_504 = tpu.memref_slice %arg4[%select_n3A_461, %dma_start3A_497, %select_n3A_477, %dma_start3A_502, %dma_start3A_503] : memref<50x4x128x8x128xf32, #tpu.memory_space<hbm>> -> memref<1x1x1x8x128xf32, #tpu.memory_space<hbm>>
    %dma_start3A_505 = tpu.memref_squeeze %dma_start3A_504 : memref<1x1x1x8x128xf32, #tpu.memory_space<hbm>> -> memref<8x128xf32, #tpu.memory_space<hbm>>
    %dma_start3A_506 = arith.constant 0 : i32
    %dma_start3A_507 = arith.constant 0 : i32
    %dma_start3A_508 = tpu.memref_slice %arg4[%select_n3A_461, %dma_start3A_497, %select_n3A_477, %dma_start3A_506, %dma_start3A_507] : memref<50x4x128x8x128xf32, #tpu.memory_space<hbm>> -> memref<1x1x1x8x128xf32, #tpu.memory_space<hbm>>
    %dma_start3A_509 = tpu.memref_squeeze %dma_start3A_508 : memref<1x1x1x8x128xf32, #tpu.memory_space<hbm>> -> memref<8x128xf32, #tpu.memory_space<hbm>>
    %dma_start3A_510 = arith.constant 8 : i32
    %dma_start3A_511 = arith.constant 0 : i32
    %dma_start3A_512 = tpu.memref_slice %arg7[%dma_start3A_496, %dma_start3A_510, %dma_start3A_511] : memref<2x32x129xf32, #tpu.memory_space<vmem>> -> memref<1x8x128xf32, #tpu.memory_space<vmem>>
    %dma_start3A_513 = tpu.memref_squeeze %dma_start3A_512 : memref<1x8x128xf32, #tpu.memory_space<vmem>> -> memref<8x128xf32, #tpu.memory_space<vmem>>
    tpu.enqueue_dma source(%dma_start3A_513 : memref<8x128xf32, #tpu.memory_space<vmem>>) target(%dma_start3A_509 : memref<8x128xf32, #tpu.memory_space<hbm>>) target_semaphore(%arg10 : memref<!tpu.dma_semaphore, #tpu.memory_space<semaphore_mem>>)
    %dma_start3A_514 = arith.constant 0 : i32
    %dma_start3A_515 = arith.constant 2 : i32
    %dma_start3A_516 = arith.constant 16 : i32
    %dma_start3A_517 = arith.constant 0 : i32
    %dma_start3A_518 = tpu.memref_slice %arg7[%dma_start3A_514, %dma_start3A_516, %dma_start3A_517] : memref<2x32x129xf32, #tpu.memory_space<vmem>> -> memref<1x8x128xf32, #tpu.memory_space<vmem>>
    %dma_start3A_519 = tpu.memref_squeeze %dma_start3A_518 : memref<1x8x128xf32, #tpu.memory_space<vmem>> -> memref<8x128xf32, #tpu.memory_space<vmem>>
    %dma_start3A_520 = arith.constant 0 : i32
    %dma_start3A_521 = arith.constant 0 : i32
    %dma_start3A_522 = tpu.memref_slice %arg4[%select_n3A_461, %dma_start3A_515, %select_n3A_477, %dma_start3A_520, %dma_start3A_521] : memref<50x4x128x8x128xf32, #tpu.memory_space<hbm>> -> memref<1x1x1x8x128xf32, #tpu.memory_space<hbm>>
    %dma_start3A_523 = tpu.memref_squeeze %dma_start3A_522 : memref<1x1x1x8x128xf32, #tpu.memory_space<hbm>> -> memref<8x128xf32, #tpu.memory_space<hbm>>
    %dma_start3A_524 = arith.constant 0 : i32
    %dma_start3A_525 = arith.constant 0 : i32
    %dma_start3A_526 = tpu.memref_slice %arg4[%select_n3A_461, %dma_start3A_515, %select_n3A_477, %dma_start3A_524, %dma_start3A_525] : memref<50x4x128x8x128xf32, #tpu.memory_space<hbm>> -> memref<1x1x1x8x128xf32, #tpu.memory_space<hbm>>
    %dma_start3A_527 = tpu.memref_squeeze %dma_start3A_526 : memref<1x1x1x8x128xf32, #tpu.memory_space<hbm>> -> memref<8x128xf32, #tpu.memory_space<hbm>>
    %dma_start3A_528 = arith.constant 16 : i32
    %dma_start3A_529 = arith.constant 0 : i32
    %dma_start3A_530 = tpu.memref_slice %arg7[%dma_start3A_514, %dma_start3A_528, %dma_start3A_529] : memref<2x32x129xf32, #tpu.memory_space<vmem>> -> memref<1x8x128xf32, #tpu.memory_space<vmem>>
    %dma_start3A_531 = tpu.memref_squeeze %dma_start3A_530 : memref<1x8x128xf32, #tpu.memory_space<vmem>> -> memref<8x128xf32, #tpu.memory_space<vmem>>
    tpu.enqueue_dma source(%dma_start3A_531 : memref<8x128xf32, #tpu.memory_space<vmem>>) target(%dma_start3A_527 : memref<8x128xf32, #tpu.memory_space<hbm>>) target_semaphore(%arg10 : memref<!tpu.dma_semaphore, #tpu.memory_space<semaphore_mem>>)
    %dma_start3A_532 = arith.constant 0 : i32
    %dma_start3A_533 = arith.constant 3 : i32
    %dma_start3A_534 = arith.constant 24 : i32
    %dma_start3A_535 = arith.constant 0 : i32
    %dma_start3A_536 = tpu.memref_slice %arg7[%dma_start3A_532, %dma_start3A_534, %dma_start3A_535] : memref<2x32x129xf32, #tpu.memory_space<vmem>> -> memref<1x8x128xf32, #tpu.memory_space<vmem>>
    %dma_start3A_537 = tpu.memref_squeeze %dma_start3A_536 : memref<1x8x128xf32, #tpu.memory_space<vmem>> -> memref<8x128xf32, #tpu.memory_space<vmem>>
    %dma_start3A_538 = arith.constant 0 : i32
    %dma_start3A_539 = arith.constant 0 : i32
    %dma_start3A_540 = tpu.memref_slice %arg4[%select_n3A_461, %dma_start3A_533, %select_n3A_477, %dma_start3A_538, %dma_start3A_539] : memref<50x4x128x8x128xf32, #tpu.memory_space<hbm>> -> memref<1x1x1x8x128xf32, #tpu.memory_space<hbm>>
    %dma_start3A_541 = tpu.memref_squeeze %dma_start3A_540 : memref<1x1x1x8x128xf32, #tpu.memory_space<hbm>> -> memref<8x128xf32, #tpu.memory_space<hbm>>
    %dma_start3A_542 = arith.constant 0 : i32
    %dma_start3A_543 = arith.constant 0 : i32
    %dma_start3A_544 = tpu.memref_slice %arg4[%select_n3A_461, %dma_start3A_533, %select_n3A_477, %dma_start3A_542, %dma_start3A_543] : memref<50x4x128x8x128xf32, #tpu.memory_space<hbm>> -> memref<1x1x1x8x128xf32, #tpu.memory_space<hbm>>
    %dma_start3A_545 = tpu.memref_squeeze %dma_start3A_544 : memref<1x1x1x8x128xf32, #tpu.memory_space<hbm>> -> memref<8x128xf32, #tpu.memory_space<hbm>>
    %dma_start3A_546 = arith.constant 24 : i32
    %dma_start3A_547 = arith.constant 0 : i32
    %dma_start3A_548 = tpu.memref_slice %arg7[%dma_start3A_532, %dma_start3A_546, %dma_start3A_547] : memref<2x32x129xf32, #tpu.memory_space<vmem>> -> memref<1x8x128xf32, #tpu.memory_space<vmem>>
    %dma_start3A_549 = tpu.memref_squeeze %dma_start3A_548 : memref<1x8x128xf32, #tpu.memory_space<vmem>> -> memref<8x128xf32, #tpu.memory_space<vmem>>
    tpu.enqueue_dma source(%dma_start3A_549 : memref<8x128xf32, #tpu.memory_space<vmem>>) target(%dma_start3A_545 : memref<8x128xf32, #tpu.memory_space<hbm>>) target_semaphore(%arg10 : memref<!tpu.dma_semaphore, #tpu.memory_space<semaphore_mem>>)
    %add3A_550 = arith.constant 200 : i32
    %add3A_551 = arith.addi %mul3A_2, %add3A_550 : i32
    %sub3A_552 = arith.constant 2 : i32
    %sub3A_553 = arith.subi %add3A_551, %sub3A_552 : i32
    %add3A_554 = arith.constant 1 : i32
    %add3A_555 = arith.addi %sub3A_553, %add3A_554 : i32
    %dma_wait3A_556 = arith.constant 0 : i32
    %dma_wait3A_557 = arith.constant 1 : i32
    %dma_wait3A_558 = arith.constant 0 : i32
    %dma_wait3A_559 = arith.constant 0 : i32
    %dma_wait3A_560 = tpu.memref_slice %arg6[%dma_wait3A_557, %dma_wait3A_558, %dma_wait3A_559] : memref<2x128x32xf32, #tpu.memory_space<vmem>> -> memref<1x128x32xf32, #tpu.memory_space<vmem>>
    %dma_wait3A_561 = tpu.memref_squeeze %dma_wait3A_560 : memref<1x128x32xf32, #tpu.memory_space<vmem>> -> memref<128x32xf32, #tpu.memory_space<vmem>>
    %dma_wait3A_562 = arith.constant 0 : i32
    %dma_wait3A_563 = tpu.memref_slice %arg5[%dma_wait3A_556, %dma_wait3A_562] : memref<200x128xi32, #tpu.memory_space<vmem>> -> memref<1x128xi32, #tpu.memory_space<vmem>>
    %dma_wait3A_564 = tpu.memref_squeeze %dma_wait3A_563 : memref<1x128xi32, #tpu.memory_space<vmem>> -> memref<128xi32, #tpu.memory_space<vmem>>
    %dma_wait3A_565 = arith.constant 0 : i32
    %dma_wait3A_566 = arith.constant 0 : i32
    %dma_wait3A_567 = tpu.memref_slice %arg3[%dma_wait3A_565, %dma_wait3A_566] : memref<1000000x32xf32, #tpu.memory_space<hbm>> -> memref<1000000x32xf32, #tpu.memory_space<hbm>>
    tpu.wait_indirect_dma semaphore(%arg9 : memref<!tpu.dma_semaphore, #tpu.memory_space<semaphore_mem>>) src(%dma_wait3A_567 : memref<1000000x32xf32, #tpu.memory_space<hbm>>) dst(%dma_wait3A_561 : memref<128x32xf32, #tpu.memory_space<vmem>>)
    %sub3A_568 = arith.constant 2 : i32
    %sub3A_569 = arith.subi %add3A_555, %sub3A_568 : i32
    %jit3A_570 = arith.constant 128 : i32
    %div3A_571 = arith.divsi %sub3A_569, %jit3A_570 : i32
    %sign3A_572 = arith.constant 0 : i32
    %sign3A_573 = arith.cmpi sgt, %sub3A_569, %sign3A_572 : i32
    %sign3A_574 = arith.extui %sign3A_573 : i1 to i32
    %sign3A_575 = arith.constant 0 : i32
    %sign3A_576 = arith.cmpi slt, %sub3A_569, %sign3A_575 : i32
    %sign3A_577 = arith.extui %sign3A_576 : i1 to i32
    %sign3A_578 = arith.subi %sign3A_574, %sign3A_577 : i32
    %sign3A_579 = arith.constant 0 : i32
    %sign3A_580 = arith.cmpi sgt, %jit3A_570, %sign3A_579 : i32
    %sign3A_581 = arith.extui %sign3A_580 : i1 to i32
    %sign3A_582 = arith.constant 0 : i32
    %sign3A_583 = arith.cmpi slt, %jit3A_570, %sign3A_582 : i32
    %sign3A_584 = arith.extui %sign3A_583 : i1 to i32
    %sign3A_585 = arith.subi %sign3A_581, %sign3A_584 : i32
    %ne3A_586 = arith.cmpi ne, %sign3A_578, %sign3A_585 : i32
    %rem3A_587 = arith.remsi %sub3A_569, %jit3A_570 : i32
    %ne3A_588 = arith.constant 0 : i32
    %ne3A_589 = arith.cmpi ne, %rem3A_587, %ne3A_588 : i32
    %and3A_590 = arith.andi %ne3A_586, %ne3A_589 : i1
    %sub3A_591 = arith.constant 1 : i32
    %sub3A_592 = arith.subi %div3A_571, %sub3A_591 : i32
    %select_n3A_593 = arith.select %and3A_590, %sub3A_592, %div3A_571 : i32
    %jit3A_594 = arith.constant 128 : i32
    %eq3A_595 = arith.constant 0 : i32
    %eq3A_596 = arith.cmpi eq, %jit3A_594, %eq3A_595 : i32
    %jit3A_597 = arith.constant 1 : i32
    %select_n3A_598 = arith.select %eq3A_596, %jit3A_597, %jit3A_594 : i32
    %rem3A_599 = arith.remsi %sub3A_569, %select_n3A_598 : i32
    %ne3A_600 = arith.constant 0 : i32
    %ne3A_601 = arith.cmpi ne, %rem3A_599, %ne3A_600 : i32
    %lt3A_602 = arith.constant 0 : i32
    %lt3A_603 = arith.cmpi slt, %rem3A_599, %lt3A_602 : i32
    %lt3A_604 = arith.constant 0 : i32
    %lt3A_605 = arith.cmpi slt, %select_n3A_598, %lt3A_604 : i32
    %ne3A_606 = arith.xori %lt3A_603, %lt3A_605 : i1
    %and3A_607 = arith.andi %ne3A_606, %ne3A_601 : i1
    %add3A_608 = arith.addi %rem3A_599, %select_n3A_598 : i32
    %select_n3A_609 = arith.select %and3A_607, %add3A_608, %rem3A_599 : i32
    %dma_wait3A_610 = arith.constant 1 : i32
    %dma_wait3A_611 = arith.constant 0 : i32
    %dma_wait3A_612 = arith.constant 0 : i32
    %dma_wait3A_613 = arith.constant 0 : i32
    %dma_wait3A_614 = tpu.memref_slice %arg7[%dma_wait3A_610, %dma_wait3A_612, %dma_wait3A_613] : memref<2x32x129xf32, #tpu.memory_space<vmem>> -> memref<1x8x128xf32, #tpu.memory_space<vmem>>
    %dma_wait3A_615 = tpu.memref_squeeze %dma_wait3A_614 : memref<1x8x128xf32, #tpu.memory_space<vmem>> -> memref<8x128xf32, #tpu.memory_space<vmem>>
    %dma_wait3A_616 = arith.constant 0 : i32
    %dma_wait3A_617 = arith.constant 0 : i32
    %dma_wait3A_618 = tpu.memref_slice %arg4[%select_n3A_593, %dma_wait3A_611, %select_n3A_609, %dma_wait3A_616, %dma_wait3A_617] : memref<50x4x128x8x128xf32, #tpu.memory_space<hbm>> -> memref<1x1x1x8x128xf32, #tpu.memory_space<hbm>>
    %dma_wait3A_619 = tpu.memref_squeeze %dma_wait3A_618 : memref<1x1x1x8x128xf32, #tpu.memory_space<hbm>> -> memref<8x128xf32, #tpu.memory_space<hbm>>
    %dma_wait3A_620 = arith.constant 0 : i32
    %dma_wait3A_621 = arith.constant 0 : i32
    %dma_wait3A_622 = tpu.memref_slice %arg4[%select_n3A_593, %dma_wait3A_611, %select_n3A_609, %dma_wait3A_620, %dma_wait3A_621] : memref<50x4x128x8x128xf32, #tpu.memory_space<hbm>> -> memref<1x1x1x8x128xf32, #tpu.memory_space<hbm>>
    %dma_wait3A_623 = tpu.memref_squeeze %dma_wait3A_622 : memref<1x1x1x8x128xf32, #tpu.memory_space<hbm>> -> memref<8x128xf32, #tpu.memory_space<hbm>>
    %dma_wait3A_624 = arith.constant 0 : i32
    %dma_wait3A_625 = arith.constant 0 : i32
    %dma_wait3A_626 = tpu.memref_slice %arg7[%dma_wait3A_610, %dma_wait3A_624, %dma_wait3A_625] : memref<2x32x129xf32, #tpu.memory_space<vmem>> -> memref<1x8x128xf32, #tpu.memory_space<vmem>>
    %dma_wait3A_627 = tpu.memref_squeeze %dma_wait3A_626 : memref<1x8x128xf32, #tpu.memory_space<vmem>> -> memref<8x128xf32, #tpu.memory_space<vmem>>
    tpu.wait_dma2 semaphore(%arg11 : memref<!tpu.dma_semaphore, #tpu.memory_space<semaphore_mem>>) src(%dma_wait3A_627 : memref<8x128xf32, #tpu.memory_space<vmem>>) dst(%dma_wait3A_623 : memref<8x128xf32, #tpu.memory_space<hbm>>)
    %dma_wait3A_628 = arith.constant 1 : i32
    %dma_wait3A_629 = arith.constant 1 : i32
    %dma_wait3A_630 = arith.constant 8 : i32
    %dma_wait3A_631 = arith.constant 0 : i32
    %dma_wait3A_632 = tpu.memref_slice %arg7[%dma_wait3A_628, %dma_wait3A_630, %dma_wait3A_631] : memref<2x32x129xf32, #tpu.memory_space<vmem>> -> memref<1x8x128xf32, #tpu.memory_space<vmem>>
    %dma_wait3A_633 = tpu.memref_squeeze %dma_wait3A_632 : memref<1x8x128xf32, #tpu.memory_space<vmem>> -> memref<8x128xf32, #tpu.memory_space<vmem>>
    %dma_wait3A_634 = arith.constant 0 : i32
    %dma_wait3A_635 = arith.constant 0 : i32
    %dma_wait3A_636 = tpu.memref_slice %arg4[%select_n3A_593, %dma_wait3A_629, %select_n3A_609, %dma_wait3A_634, %dma_wait3A_635] : memref<50x4x128x8x128xf32, #tpu.memory_space<hbm>> -> memref<1x1x1x8x128xf32, #tpu.memory_space<hbm>>
    %dma_wait3A_637 = tpu.memref_squeeze %dma_wait3A_636 : memref<1x1x1x8x128xf32, #tpu.memory_space<hbm>> -> memref<8x128xf32, #tpu.memory_space<hbm>>
    %dma_wait3A_638 = arith.constant 0 : i32
    %dma_wait3A_639 = arith.constant 0 : i32
    %dma_wait3A_640 = tpu.memref_slice %arg4[%select_n3A_593, %dma_wait3A_629, %select_n3A_609, %dma_wait3A_638, %dma_wait3A_639] : memref<50x4x128x8x128xf32, #tpu.memory_space<hbm>> -> memref<1x1x1x8x128xf32, #tpu.memory_space<hbm>>
    %dma_wait3A_641 = tpu.memref_squeeze %dma_wait3A_640 : memref<1x1x1x8x128xf32, #tpu.memory_space<hbm>> -> memref<8x128xf32, #tpu.memory_space<hbm>>
    %dma_wait3A_642 = arith.constant 8 : i32
    %dma_wait3A_643 = arith.constant 0 : i32
    %dma_wait3A_644 = tpu.memref_slice %arg7[%dma_wait3A_628, %dma_wait3A_642, %dma_wait3A_643] : memref<2x32x129xf32, #tpu.memory_space<vmem>> -> memref<1x8x128xf32, #tpu.memory_space<vmem>>
    %dma_wait3A_645 = tpu.memref_squeeze %dma_wait3A_644 : memref<1x8x128xf32, #tpu.memory_space<vmem>> -> memref<8x128xf32, #tpu.memory_space<vmem>>
    tpu.wait_dma2 semaphore(%arg11 : memref<!tpu.dma_semaphore, #tpu.memory_space<semaphore_mem>>) src(%dma_wait3A_645 : memref<8x128xf32, #tpu.memory_space<vmem>>) dst(%dma_wait3A_641 : memref<8x128xf32, #tpu.memory_space<hbm>>)
    %dma_wait3A_646 = arith.constant 1 : i32
    %dma_wait3A_647 = arith.constant 2 : i32
    %dma_wait3A_648 = arith.constant 16 : i32
    %dma_wait3A_649 = arith.constant 0 : i32
    %dma_wait3A_650 = tpu.memref_slice %arg7[%dma_wait3A_646, %dma_wait3A_648, %dma_wait3A_649] : memref<2x32x129xf32, #tpu.memory_space<vmem>> -> memref<1x8x128xf32, #tpu.memory_space<vmem>>
    %dma_wait3A_651 = tpu.memref_squeeze %dma_wait3A_650 : memref<1x8x128xf32, #tpu.memory_space<vmem>> -> memref<8x128xf32, #tpu.memory_space<vmem>>
    %dma_wait3A_652 = arith.constant 0 : i32
    %dma_wait3A_653 = arith.constant 0 : i32
    %dma_wait3A_654 = tpu.memref_slice %arg4[%select_n3A_593, %dma_wait3A_647, %select_n3A_609, %dma_wait3A_652, %dma_wait3A_653] : memref<50x4x128x8x128xf32, #tpu.memory_space<hbm>> -> memref<1x1x1x8x128xf32, #tpu.memory_space<hbm>>
    %dma_wait3A_655 = tpu.memref_squeeze %dma_wait3A_654 : memref<1x1x1x8x128xf32, #tpu.memory_space<hbm>> -> memref<8x128xf32, #tpu.memory_space<hbm>>
    %dma_wait3A_656 = arith.constant 0 : i32
    %dma_wait3A_657 = arith.constant 0 : i32
    %dma_wait3A_658 = tpu.memref_slice %arg4[%select_n3A_593, %dma_wait3A_647, %select_n3A_609, %dma_wait3A_656, %dma_wait3A_657] : memref<50x4x128x8x128xf32, #tpu.memory_space<hbm>> -> memref<1x1x1x8x128xf32, #tpu.memory_space<hbm>>
    %dma_wait3A_659 = tpu.memref_squeeze %dma_wait3A_658 : memref<1x1x1x8x128xf32, #tpu.memory_space<hbm>> -> memref<8x128xf32, #tpu.memory_space<hbm>>
    %dma_wait3A_660 = arith.constant 16 : i32
    %dma_wait3A_661 = arith.constant 0 : i32
    %dma_wait3A_662 = tpu.memref_slice %arg7[%dma_wait3A_646, %dma_wait3A_660, %dma_wait3A_661] : memref<2x32x129xf32, #tpu.memory_space<vmem>> -> memref<1x8x128xf32, #tpu.memory_space<vmem>>
    %dma_wait3A_663 = tpu.memref_squeeze %dma_wait3A_662 : memref<1x8x128xf32, #tpu.memory_space<vmem>> -> memref<8x128xf32, #tpu.memory_space<vmem>>
    tpu.wait_dma2 semaphore(%arg11 : memref<!tpu.dma_semaphore, #tpu.memory_space<semaphore_mem>>) src(%dma_wait3A_663 : memref<8x128xf32, #tpu.memory_space<vmem>>) dst(%dma_wait3A_659 : memref<8x128xf32, #tpu.memory_space<hbm>>)
    %dma_wait3A_664 = arith.constant 1 : i32
    %dma_wait3A_665 = arith.constant 3 : i32
    %dma_wait3A_666 = arith.constant 24 : i32
    %dma_wait3A_667 = arith.constant 0 : i32
    %dma_wait3A_668 = tpu.memref_slice %arg7[%dma_wait3A_664, %dma_wait3A_666, %dma_wait3A_667] : memref<2x32x129xf32, #tpu.memory_space<vmem>> -> memref<1x8x128xf32, #tpu.memory_space<vmem>>
    %dma_wait3A_669 = tpu.memref_squeeze %dma_wait3A_668 : memref<1x8x128xf32, #tpu.memory_space<vmem>> -> memref<8x128xf32, #tpu.memory_space<vmem>>
    %dma_wait3A_670 = arith.constant 0 : i32
    %dma_wait3A_671 = arith.constant 0 : i32
    %dma_wait3A_672 = tpu.memref_slice %arg4[%select_n3A_593, %dma_wait3A_665, %select_n3A_609, %dma_wait3A_670, %dma_wait3A_671] : memref<50x4x128x8x128xf32, #tpu.memory_space<hbm>> -> memref<1x1x1x8x128xf32, #tpu.memory_space<hbm>>
    %dma_wait3A_673 = tpu.memref_squeeze %dma_wait3A_672 : memref<1x1x1x8x128xf32, #tpu.memory_space<hbm>> -> memref<8x128xf32, #tpu.memory_space<hbm>>
    %dma_wait3A_674 = arith.constant 0 : i32
    %dma_wait3A_675 = arith.constant 0 : i32
    %dma_wait3A_676 = tpu.memref_slice %arg4[%select_n3A_593, %dma_wait3A_665, %select_n3A_609, %dma_wait3A_674, %dma_wait3A_675] : memref<50x4x128x8x128xf32, #tpu.memory_space<hbm>> -> memref<1x1x1x8x128xf32, #tpu.memory_space<hbm>>
    %dma_wait3A_677 = tpu.memref_squeeze %dma_wait3A_676 : memref<1x1x1x8x128xf32, #tpu.memory_space<hbm>> -> memref<8x128xf32, #tpu.memory_space<hbm>>
    %dma_wait3A_678 = arith.constant 24 : i32
    %dma_wait3A_679 = arith.constant 0 : i32
    %dma_wait3A_680 = tpu.memref_slice %arg7[%dma_wait3A_664, %dma_wait3A_678, %dma_wait3A_679] : memref<2x32x129xf32, #tpu.memory_space<vmem>> -> memref<1x8x128xf32, #tpu.memory_space<vmem>>
    %dma_wait3A_681 = tpu.memref_squeeze %dma_wait3A_680 : memref<1x8x128xf32, #tpu.memory_space<vmem>> -> memref<8x128xf32, #tpu.memory_space<vmem>>
    tpu.wait_dma2 semaphore(%arg11 : memref<!tpu.dma_semaphore, #tpu.memory_space<semaphore_mem>>) src(%dma_wait3A_681 : memref<8x128xf32, #tpu.memory_space<vmem>>) dst(%dma_wait3A_677 : memref<8x128xf32, #tpu.memory_space<hbm>>)
    %parallel_loop3A_682 = arith.constant 0 : i32
    %parallel_loop3A_683 = arith.constant 128 : i32
    %parallel_loop3A_684 = arith.constant 1 : i32
    scf.for %parallel_loop3A_1029 = %parallel_loop3A_682 to %parallel_loop3A_683 step %parallel_loop3A_684  : i32 {
      %parallel_loop3A_1030 = vector.broadcast %parallel_loop3A_1029 : i32 to vector<16xi32>
      %parallel_loop3A_1031 = arith.constant 1 : i32
      %parallel_loop3A_1032 = arith.index_cast %parallel_loop3A_1031 : i32 to index
      %parallel_loop3A_1033 = arith.index_cast %parallel_loop3A_1029 : i32 to index
      %parallel_loop3A_1034 = arith.constant 0 : index
      %parallel_loop3A_1035 = tpu.vector_load %arg6[%parallel_loop3A_1032, %parallel_loop3A_1033, %parallel_loop3A_1034] {strides = array<i32>} : memref<2x128x32xf32, #tpu.memory_space<vmem>>, vector<16xf32>,
      %parallel_loop3A_1036 = arith.constant 1 : i32
      %parallel_loop3A_1037 = arith.constant 0 : i32
      %parallel_loop3A_1038 = arith.constant 0 : i32
      %parallel_loop3A_1039 = tpu.memref_slice %arg7[%parallel_loop3A_1036, %parallel_loop3A_1037, %parallel_loop3A_1038] : memref<2x32x129xf32, #tpu.memory_space<vmem>> -> memref<1x32x129xf32, #tpu.memory_space<vmem>>
      %parallel_loop3A_1040 = tpu.memref_squeeze %parallel_loop3A_1039 : memref<1x32x129xf32, #tpu.memory_space<vmem>> -> memref<32x129xf32, #tpu.memory_space<vmem>>
      tpu.vector_store_idx %parallel_loop3A_1040[%iota3A, %parallel_loop3A_1030], %parallel_loop3A_1035 : memref<32x129xf32, #tpu.memory_space<vmem>>[vector<16xi32>, vector<16xi32>], vector<16xf32>,
      %parallel_loop3A_1041 = arith.constant 1 : i32
      %parallel_loop3A_1042 = arith.index_cast %parallel_loop3A_1041 : i32 to index
      %parallel_loop3A_1043 = arith.index_cast %parallel_loop3A_1029 : i32 to index
      %parallel_loop3A_1044 = arith.constant 16 : index
      %parallel_loop3A_1045 = tpu.vector_load %arg6[%parallel_loop3A_1042, %parallel_loop3A_1043, %parallel_loop3A_1044] {strides = array<i32>} : memref<2x128x32xf32, #tpu.memory_space<vmem>>, vector<16xf32>,
      %parallel_loop3A_1046 = arith.constant 1 : i32
      %parallel_loop3A_1047 = arith.constant 0 : i32
      %parallel_loop3A_1048 = arith.constant 0 : i32
      %parallel_loop3A_1049 = tpu.memref_slice %arg7[%parallel_loop3A_1046, %parallel_loop3A_1047, %parallel_loop3A_1048] : memref<2x32x129xf32, #tpu.memory_space<vmem>> -> memref<1x32x129xf32, #tpu.memory_space<vmem>>
      %parallel_loop3A_1050 = tpu.memref_squeeze %parallel_loop3A_1049 : memref<1x32x129xf32, #tpu.memory_space<vmem>> -> memref<32x129xf32, #tpu.memory_space<vmem>>
      tpu.vector_store_idx %parallel_loop3A_1050[%add3A_5, %parallel_loop3A_1030], %parallel_loop3A_1045 : memref<32x129xf32, #tpu.memory_space<vmem>>[vector<16xi32>, vector<16xi32>], vector<16xf32>,
    } {sc.loop_unroll_factor = 2 : i64, sc.parallel_access}
    %jit3A_685 = arith.constant 128 : i32
    %div3A_686 = arith.divsi %add3A_555, %jit3A_685 : i32
    %sign3A_687 = arith.constant 0 : i32
    %sign3A_688 = arith.cmpi sgt, %add3A_555, %sign3A_687 : i32
    %sign3A_689 = arith.extui %sign3A_688 : i1 to i32
    %sign3A_690 = arith.constant 0 : i32
    %sign3A_691 = arith.cmpi slt, %add3A_555, %sign3A_690 : i32
    %sign3A_692 = arith.extui %sign3A_691 : i1 to i32
    %sign3A_693 = arith.subi %sign3A_689, %sign3A_692 : i32
    %sign3A_694 = arith.constant 0 : i32
    %sign3A_695 = arith.cmpi sgt, %jit3A_685, %sign3A_694 : i32
    %sign3A_696 = arith.extui %sign3A_695 : i1 to i32
    %sign3A_697 = arith.constant 0 : i32
    %sign3A_698 = arith.cmpi slt, %jit3A_685, %sign3A_697 : i32
    %sign3A_699 = arith.extui %sign3A_698 : i1 to i32
    %sign3A_700 = arith.subi %sign3A_696, %sign3A_699 : i32
    %ne3A_701 = arith.cmpi ne, %sign3A_693, %sign3A_700 : i32
    %rem3A_702 = arith.remsi %add3A_555, %jit3A_685 : i32
    %ne3A_703 = arith.constant 0 : i32
    %ne3A_704 = arith.cmpi ne, %rem3A_702, %ne3A_703 : i32
    %and3A_705 = arith.andi %ne3A_701, %ne3A_704 : i1
    %sub3A_706 = arith.constant 1 : i32
    %sub3A_707 = arith.subi %div3A_686, %sub3A_706 : i32
    %select_n3A_708 = arith.select %and3A_705, %sub3A_707, %div3A_686 : i32
    %jit3A_709 = arith.constant 128 : i32
    %eq3A_710 = arith.constant 0 : i32
    %eq3A_711 = arith.cmpi eq, %jit3A_709, %eq3A_710 : i32
    %jit3A_712 = arith.constant 1 : i32
    %select_n3A_713 = arith.select %eq3A_711, %jit3A_712, %jit3A_709 : i32
    %rem3A_714 = arith.remsi %add3A_555, %select_n3A_713 : i32
    %ne3A_715 = arith.constant 0 : i32
    %ne3A_716 = arith.cmpi ne, %rem3A_714, %ne3A_715 : i32
    %lt3A_717 = arith.constant 0 : i32
    %lt3A_718 = arith.cmpi slt, %rem3A_714, %lt3A_717 : i32
    %lt3A_719 = arith.constant 0 : i32
    %lt3A_720 = arith.cmpi slt, %select_n3A_713, %lt3A_719 : i32
    %ne3A_721 = arith.xori %lt3A_718, %lt3A_720 : i1
    %and3A_722 = arith.andi %ne3A_721, %ne3A_716 : i1
    %add3A_723 = arith.addi %rem3A_714, %select_n3A_713 : i32
    %select_n3A_724 = arith.select %and3A_722, %add3A_723, %rem3A_714 : i32
    %dma_start3A_725 = arith.constant 1 : i32
    %dma_start3A_726 = arith.constant 0 : i32
    %dma_start3A_727 = arith.constant 0 : i32
    %dma_start3A_728 = arith.constant 0 : i32
    %dma_start3A_729 = tpu.memref_slice %arg7[%dma_start3A_725, %dma_start3A_727, %dma_start3A_728] : memref<2x32x129xf32, #tpu.memory_space<vmem>> -> memref<1x8x128xf32, #tpu.memory_space<vmem>>
    %dma_start3A_730 = tpu.memref_squeeze %dma_start3A_729 : memref<1x8x128xf32, #tpu.memory_space<vmem>> -> memref<8x128xf32, #tpu.memory_space<vmem>>
    %dma_start3A_731 = arith.constant 0 : i32
    %dma_start3A_732 = arith.constant 0 : i32
    %dma_start3A_733 = tpu.memref_slice %arg4[%select_n3A_708, %dma_start3A_726, %select_n3A_724, %dma_start3A_731, %dma_start3A_732] : memref<50x4x128x8x128xf32, #tpu.memory_space<hbm>> -> memref<1x1x1x8x128xf32, #tpu.memory_space<hbm>>
    %dma_start3A_734 = tpu.memref_squeeze %dma_start3A_733 : memref<1x1x1x8x128xf32, #tpu.memory_space<hbm>> -> memref<8x128xf32, #tpu.memory_space<hbm>>
    %dma_start3A_735 = arith.constant 0 : i32
    %dma_start3A_736 = arith.constant 0 : i32
    %dma_start3A_737 = tpu.memref_slice %arg4[%select_n3A_708, %dma_start3A_726, %select_n3A_724, %dma_start3A_735, %dma_start3A_736] : memref<50x4x128x8x128xf32, #tpu.memory_space<hbm>> -> memref<1x1x1x8x128xf32, #tpu.memory_space<hbm>>
    %dma_start3A_738 = tpu.memref_squeeze %dma_start3A_737 : memref<1x1x1x8x128xf32, #tpu.memory_space<hbm>> -> memref<8x128xf32, #tpu.memory_space<hbm>>
    %dma_start3A_739 = arith.constant 0 : i32
    %dma_start3A_740 = arith.constant 0 : i32
    %dma_start3A_741 = tpu.memref_slice %arg7[%dma_start3A_725, %dma_start3A_739, %dma_start3A_740] : memref<2x32x129xf32, #tpu.memory_space<vmem>> -> memref<1x8x128xf32, #tpu.memory_space<vmem>>
    %dma_start3A_742 = tpu.memref_squeeze %dma_start3A_741 : memref<1x8x128xf32, #tpu.memory_space<vmem>> -> memref<8x128xf32, #tpu.memory_space<vmem>>
    tpu.enqueue_dma source(%dma_start3A_742 : memref<8x128xf32, #tpu.memory_space<vmem>>) target(%dma_start3A_738 : memref<8x128xf32, #tpu.memory_space<hbm>>) target_semaphore(%arg11 : memref<!tpu.dma_semaphore, #tpu.memory_space<semaphore_mem>>)
    %dma_start3A_743 = arith.constant 1 : i32
    %dma_start3A_744 = arith.constant 1 : i32
    %dma_start3A_745 = arith.constant 8 : i32
    %dma_start3A_746 = arith.constant 0 : i32
    %dma_start3A_747 = tpu.memref_slice %arg7[%dma_start3A_743, %dma_start3A_745, %dma_start3A_746] : memref<2x32x129xf32, #tpu.memory_space<vmem>> -> memref<1x8x128xf32, #tpu.memory_space<vmem>>
    %dma_start3A_748 = tpu.memref_squeeze %dma_start3A_747 : memref<1x8x128xf32, #tpu.memory_space<vmem>> -> memref<8x128xf32, #tpu.memory_space<vmem>>
    %dma_start3A_749 = arith.constant 0 : i32
    %dma_start3A_750 = arith.constant 0 : i32
    %dma_start3A_751 = tpu.memref_slice %arg4[%select_n3A_708, %dma_start3A_744, %select_n3A_724, %dma_start3A_749, %dma_start3A_750] : memref<50x4x128x8x128xf32, #tpu.memory_space<hbm>> -> memref<1x1x1x8x128xf32, #tpu.memory_space<hbm>>
    %dma_start3A_752 = tpu.memref_squeeze %dma_start3A_751 : memref<1x1x1x8x128xf32, #tpu.memory_space<hbm>> -> memref<8x128xf32, #tpu.memory_space<hbm>>
    %dma_start3A_753 = arith.constant 0 : i32
    %dma_start3A_754 = arith.constant 0 : i32
    %dma_start3A_755 = tpu.memref_slice %arg4[%select_n3A_708, %dma_start3A_744, %select_n3A_724, %dma_start3A_753, %dma_start3A_754] : memref<50x4x128x8x128xf32, #tpu.memory_space<hbm>> -> memref<1x1x1x8x128xf32, #tpu.memory_space<hbm>>
    %dma_start3A_756 = tpu.memref_squeeze %dma_start3A_755 : memref<1x1x1x8x128xf32, #tpu.memory_space<hbm>> -> memref<8x128xf32, #tpu.memory_space<hbm>>
    %dma_start3A_757 = arith.constant 8 : i32
    %dma_start3A_758 = arith.constant 0 : i32
    %dma_start3A_759 = tpu.memref_slice %arg7[%dma_start3A_743, %dma_start3A_757, %dma_start3A_758] : memref<2x32x129xf32, #tpu.memory_space<vmem>> -> memref<1x8x128xf32, #tpu.memory_space<vmem>>
    %dma_start3A_760 = tpu.memref_squeeze %dma_start3A_759 : memref<1x8x128xf32, #tpu.memory_space<vmem>> -> memref<8x128xf32, #tpu.memory_space<vmem>>
    tpu.enqueue_dma source(%dma_start3A_760 : memref<8x128xf32, #tpu.memory_space<vmem>>) target(%dma_start3A_756 : memref<8x128xf32, #tpu.memory_space<hbm>>) target_semaphore(%arg11 : memref<!tpu.dma_semaphore, #tpu.memory_space<semaphore_mem>>)
    %dma_start3A_761 = arith.constant 1 : i32
    %dma_start3A_762 = arith.constant 2 : i32
    %dma_start3A_763 = arith.constant 16 : i32
    %dma_start3A_764 = arith.constant 0 : i32
    %dma_start3A_765 = tpu.memref_slice %arg7[%dma_start3A_761, %dma_start3A_763, %dma_start3A_764] : memref<2x32x129xf32, #tpu.memory_space<vmem>> -> memref<1x8x128xf32, #tpu.memory_space<vmem>>
    %dma_start3A_766 = tpu.memref_squeeze %dma_start3A_765 : memref<1x8x128xf32, #tpu.memory_space<vmem>> -> memref<8x128xf32, #tpu.memory_space<vmem>>
    %dma_start3A_767 = arith.constant 0 : i32
    %dma_start3A_768 = arith.constant 0 : i32
    %dma_start3A_769 = tpu.memref_slice %arg4[%select_n3A_708, %dma_start3A_762, %select_n3A_724, %dma_start3A_767, %dma_start3A_768] : memref<50x4x128x8x128xf32, #tpu.memory_space<hbm>> -> memref<1x1x1x8x128xf32, #tpu.memory_space<hbm>>
    %dma_start3A_770 = tpu.memref_squeeze %dma_start3A_769 : memref<1x1x1x8x128xf32, #tpu.memory_space<hbm>> -> memref<8x128xf32, #tpu.memory_space<hbm>>
    %dma_start3A_771 = arith.constant 0 : i32
    %dma_start3A_772 = arith.constant 0 : i32
    %dma_start3A_773 = tpu.memref_slice %arg4[%select_n3A_708, %dma_start3A_762, %select_n3A_724, %dma_start3A_771, %dma_start3A_772] : memref<50x4x128x8x128xf32, #tpu.memory_space<hbm>> -> memref<1x1x1x8x128xf32, #tpu.memory_space<hbm>>
    %dma_start3A_774 = tpu.memref_squeeze %dma_start3A_773 : memref<1x1x1x8x128xf32, #tpu.memory_space<hbm>> -> memref<8x128xf32, #tpu.memory_space<hbm>>
    %dma_start3A_775 = arith.constant 16 : i32
    %dma_start3A_776 = arith.constant 0 : i32
    %dma_start3A_777 = tpu.memref_slice %arg7[%dma_start3A_761, %dma_start3A_775, %dma_start3A_776] : memref<2x32x129xf32, #tpu.memory_space<vmem>> -> memref<1x8x128xf32, #tpu.memory_space<vmem>>
    %dma_start3A_778 = tpu.memref_squeeze %dma_start3A_777 : memref<1x8x128xf32, #tpu.memory_space<vmem>> -> memref<8x128xf32, #tpu.memory_space<vmem>>
    tpu.enqueue_dma source(%dma_start3A_778 : memref<8x128xf32, #tpu.memory_space<vmem>>) target(%dma_start3A_774 : memref<8x128xf32, #tpu.memory_space<hbm>>) target_semaphore(%arg11 : memref<!tpu.dma_semaphore, #tpu.memory_space<semaphore_mem>>)
    %dma_start3A_779 = arith.constant 1 : i32
    %dma_start3A_780 = arith.constant 3 : i32
    %dma_start3A_781 = arith.constant 24 : i32
    %dma_start3A_782 = arith.constant 0 : i32
    %dma_start3A_783 = tpu.memref_slice %arg7[%dma_start3A_779, %dma_start3A_781, %dma_start3A_782] : memref<2x32x129xf32, #tpu.memory_space<vmem>> -> memref<1x8x128xf32, #tpu.memory_space<vmem>>
    %dma_start3A_784 = tpu.memref_squeeze %dma_start3A_783 : memref<1x8x128xf32, #tpu.memory_space<vmem>> -> memref<8x128xf32, #tpu.memory_space<vmem>>
    %dma_start3A_785 = arith.constant 0 : i32
    %dma_start3A_786 = arith.constant 0 : i32
    %dma_start3A_787 = tpu.memref_slice %arg4[%select_n3A_708, %dma_start3A_780, %select_n3A_724, %dma_start3A_785, %dma_start3A_786] : memref<50x4x128x8x128xf32, #tpu.memory_space<hbm>> -> memref<1x1x1x8x128xf32, #tpu.memory_space<hbm>>
    %dma_start3A_788 = tpu.memref_squeeze %dma_start3A_787 : memref<1x1x1x8x128xf32, #tpu.memory_space<hbm>> -> memref<8x128xf32, #tpu.memory_space<hbm>>
    %dma_start3A_789 = arith.constant 0 : i32
    %dma_start3A_790 = arith.constant 0 : i32
    %dma_start3A_791 = tpu.memref_slice %arg4[%select_n3A_708, %dma_start3A_780, %select_n3A_724, %dma_start3A_789, %dma_start3A_790] : memref<50x4x128x8x128xf32, #tpu.memory_space<hbm>> -> memref<1x1x1x8x128xf32, #tpu.memory_space<hbm>>
    %dma_start3A_792 = tpu.memref_squeeze %dma_start3A_791 : memref<1x1x1x8x128xf32, #tpu.memory_space<hbm>> -> memref<8x128xf32, #tpu.memory_space<hbm>>
    %dma_start3A_793 = arith.constant 24 : i32
    %dma_start3A_794 = arith.constant 0 : i32
    %dma_start3A_795 = tpu.memref_slice %arg7[%dma_start3A_779, %dma_start3A_793, %dma_start3A_794] : memref<2x32x129xf32, #tpu.memory_space<vmem>> -> memref<1x8x128xf32, #tpu.memory_space<vmem>>
    %dma_start3A_796 = tpu.memref_squeeze %dma_start3A_795 : memref<1x8x128xf32, #tpu.memory_space<vmem>> -> memref<8x128xf32, #tpu.memory_space<vmem>>
    tpu.enqueue_dma source(%dma_start3A_796 : memref<8x128xf32, #tpu.memory_space<vmem>>) target(%dma_start3A_792 : memref<8x128xf32, #tpu.memory_space<hbm>>) target_semaphore(%arg11 : memref<!tpu.dma_semaphore, #tpu.memory_space<semaphore_mem>>)
    %add3A_797 = arith.constant 200 : i32
    %add3A_798 = arith.addi %mul3A_2, %add3A_797 : i32
    %sub3A_799 = arith.constant 2 : i32
    %sub3A_800 = arith.subi %add3A_798, %sub3A_799 : i32
    %jit3A_801 = arith.constant 128 : i32
    %div3A_802 = arith.divsi %sub3A_800, %jit3A_801 : i32
    %sign3A_803 = arith.constant 0 : i32
    %sign3A_804 = arith.cmpi sgt, %sub3A_800, %sign3A_803 : i32
    %sign3A_805 = arith.extui %sign3A_804 : i1 to i32
    %sign3A_806 = arith.constant 0 : i32
    %sign3A_807 = arith.cmpi slt, %sub3A_800, %sign3A_806 : i32
    %sign3A_808 = arith.extui %sign3A_807 : i1 to i32
    %sign3A_809 = arith.subi %sign3A_805, %sign3A_808 : i32
    %sign3A_810 = arith.constant 0 : i32
    %sign3A_811 = arith.cmpi sgt, %jit3A_801, %sign3A_810 : i32
    %sign3A_812 = arith.extui %sign3A_811 : i1 to i32
    %sign3A_813 = arith.constant 0 : i32
    %sign3A_814 = arith.cmpi slt, %jit3A_801, %sign3A_813 : i32
    %sign3A_815 = arith.extui %sign3A_814 : i1 to i32
    %sign3A_816 = arith.subi %sign3A_812, %sign3A_815 : i32
    %ne3A_817 = arith.cmpi ne, %sign3A_809, %sign3A_816 : i32
    %rem3A_818 = arith.remsi %sub3A_800, %jit3A_801 : i32
    %ne3A_819 = arith.constant 0 : i32
    %ne3A_820 = arith.cmpi ne, %rem3A_818, %ne3A_819 : i32
    %and3A_821 = arith.andi %ne3A_817, %ne3A_820 : i1
    %sub3A_822 = arith.constant 1 : i32
    %sub3A_823 = arith.subi %div3A_802, %sub3A_822 : i32
    %select_n3A_824 = arith.select %and3A_821, %sub3A_823, %div3A_802 : i32
    %jit3A_825 = arith.constant 128 : i32
    %eq3A_826 = arith.constant 0 : i32
    %eq3A_827 = arith.cmpi eq, %jit3A_825, %eq3A_826 : i32
    %jit3A_828 = arith.constant 1 : i32
    %select_n3A_829 = arith.select %eq3A_827, %jit3A_828, %jit3A_825 : i32
    %rem3A_830 = arith.remsi %sub3A_800, %select_n3A_829 : i32
    %ne3A_831 = arith.constant 0 : i32
    %ne3A_832 = arith.cmpi ne, %rem3A_830, %ne3A_831 : i32
    %lt3A_833 = arith.constant 0 : i32
    %lt3A_834 = arith.cmpi slt, %rem3A_830, %lt3A_833 : i32
    %lt3A_835 = arith.constant 0 : i32
    %lt3A_836 = arith.cmpi slt, %select_n3A_829, %lt3A_835 : i32
    %ne3A_837 = arith.xori %lt3A_834, %lt3A_836 : i1
    %and3A_838 = arith.andi %ne3A_837, %ne3A_832 : i1
    %add3A_839 = arith.addi %rem3A_830, %select_n3A_829 : i32
    %select_n3A_840 = arith.select %and3A_838, %add3A_839, %rem3A_830 : i32
    %dma_wait3A_841 = arith.constant 0 : i32
    %dma_wait3A_842 = arith.constant 0 : i32
    %dma_wait3A_843 = arith.constant 0 : i32
    %dma_wait3A_844 = arith.constant 0 : i32
    %dma_wait3A_845 = tpu.memref_slice %arg7[%dma_wait3A_841, %dma_wait3A_843, %dma_wait3A_844] : memref<2x32x129xf32, #tpu.memory_space<vmem>> -> memref<1x8x128xf32, #tpu.memory_space<vmem>>
    %dma_wait3A_846 = tpu.memref_squeeze %dma_wait3A_845 : memref<1x8x128xf32, #tpu.memory_space<vmem>> -> memref<8x128xf32, #tpu.memory_space<vmem>>
    %dma_wait3A_847 = arith.constant 0 : i32
    %dma_wait3A_848 = arith.constant 0 : i32
    %dma_wait3A_849 = tpu.memref_slice %arg4[%select_n3A_824, %dma_wait3A_842, %select_n3A_840, %dma_wait3A_847, %dma_wait3A_848] : memref<50x4x128x8x128xf32, #tpu.memory_space<hbm>> -> memref<1x1x1x8x128xf32, #tpu.memory_space<hbm>>
    %dma_wait3A_850 = tpu.memref_squeeze %dma_wait3A_849 : memref<1x1x1x8x128xf32, #tpu.memory_space<hbm>> -> memref<8x128xf32, #tpu.memory_space<hbm>>
    %dma_wait3A_851 = arith.constant 0 : i32
    %dma_wait3A_852 = arith.constant 0 : i32
    %dma_wait3A_853 = tpu.memref_slice %arg4[%select_n3A_824, %dma_wait3A_842, %select_n3A_840, %dma_wait3A_851, %dma_wait3A_852] : memref<50x4x128x8x128xf32, #tpu.memory_space<hbm>> -> memref<1x1x1x8x128xf32, #tpu.memory_space<hbm>>
    %dma_wait3A_854 = tpu.memref_squeeze %dma_wait3A_853 : memref<1x1x1x8x128xf32, #tpu.memory_space<hbm>> -> memref<8x128xf32, #tpu.memory_space<hbm>>
    %dma_wait3A_855 = arith.constant 0 : i32
    %dma_wait3A_856 = arith.constant 0 : i32
    %dma_wait3A_857 = tpu.memref_slice %arg7[%dma_wait3A_841, %dma_wait3A_855, %dma_wait3A_856] : memref<2x32x129xf32, #tpu.memory_space<vmem>> -> memref<1x8x128xf32, #tpu.memory_space<vmem>>
    %dma_wait3A_858 = tpu.memref_squeeze %dma_wait3A_857 : memref<1x8x128xf32, #tpu.memory_space<vmem>> -> memref<8x128xf32, #tpu.memory_space<vmem>>
    tpu.wait_dma2 semaphore(%arg10 : memref<!tpu.dma_semaphore, #tpu.memory_space<semaphore_mem>>) src(%dma_wait3A_858 : memref<8x128xf32, #tpu.memory_space<vmem>>) dst(%dma_wait3A_854 : memref<8x128xf32, #tpu.memory_space<hbm>>)
    %dma_wait3A_859 = arith.constant 0 : i32
    %dma_wait3A_860 = arith.constant 1 : i32
    %dma_wait3A_861 = arith.constant 8 : i32
    %dma_wait3A_862 = arith.constant 0 : i32
    %dma_wait3A_863 = tpu.memref_slice %arg7[%dma_wait3A_859, %dma_wait3A_861, %dma_wait3A_862] : memref<2x32x129xf32, #tpu.memory_space<vmem>> -> memref<1x8x128xf32, #tpu.memory_space<vmem>>
    %dma_wait3A_864 = tpu.memref_squeeze %dma_wait3A_863 : memref<1x8x128xf32, #tpu.memory_space<vmem>> -> memref<8x128xf32, #tpu.memory_space<vmem>>
    %dma_wait3A_865 = arith.constant 0 : i32
    %dma_wait3A_866 = arith.constant 0 : i32
    %dma_wait3A_867 = tpu.memref_slice %arg4[%select_n3A_824, %dma_wait3A_860, %select_n3A_840, %dma_wait3A_865, %dma_wait3A_866] : memref<50x4x128x8x128xf32, #tpu.memory_space<hbm>> -> memref<1x1x1x8x128xf32, #tpu.memory_space<hbm>>
    %dma_wait3A_868 = tpu.memref_squeeze %dma_wait3A_867 : memref<1x1x1x8x128xf32, #tpu.memory_space<hbm>> -> memref<8x128xf32, #tpu.memory_space<hbm>>
    %dma_wait3A_869 = arith.constant 0 : i32
    %dma_wait3A_870 = arith.constant 0 : i32
    %dma_wait3A_871 = tpu.memref_slice %arg4[%select_n3A_824, %dma_wait3A_860, %select_n3A_840, %dma_wait3A_869, %dma_wait3A_870] : memref<50x4x128x8x128xf32, #tpu.memory_space<hbm>> -> memref<1x1x1x8x128xf32, #tpu.memory_space<hbm>>
    %dma_wait3A_872 = tpu.memref_squeeze %dma_wait3A_871 : memref<1x1x1x8x128xf32, #tpu.memory_space<hbm>> -> memref<8x128xf32, #tpu.memory_space<hbm>>
    %dma_wait3A_873 = arith.constant 8 : i32
    %dma_wait3A_874 = arith.constant 0 : i32
    %dma_wait3A_875 = tpu.memref_slice %arg7[%dma_wait3A_859, %dma_wait3A_873, %dma_wait3A_874] : memref<2x32x129xf32, #tpu.memory_space<vmem>> -> memref<1x8x128xf32, #tpu.memory_space<vmem>>
    %dma_wait3A_876 = tpu.memref_squeeze %dma_wait3A_875 : memref<1x8x128xf32, #tpu.memory_space<vmem>> -> memref<8x128xf32, #tpu.memory_space<vmem>>
    tpu.wait_dma2 semaphore(%arg10 : memref<!tpu.dma_semaphore, #tpu.memory_space<semaphore_mem>>) src(%dma_wait3A_876 : memref<8x128xf32, #tpu.memory_space<vmem>>) dst(%dma_wait3A_872 : memref<8x128xf32, #tpu.memory_space<hbm>>)
    %dma_wait3A_877 = arith.constant 0 : i32
    %dma_wait3A_878 = arith.constant 2 : i32
    %dma_wait3A_879 = arith.constant 16 : i32
    %dma_wait3A_880 = arith.constant 0 : i32
    %dma_wait3A_881 = tpu.memref_slice %arg7[%dma_wait3A_877, %dma_wait3A_879, %dma_wait3A_880] : memref<2x32x129xf32, #tpu.memory_space<vmem>> -> memref<1x8x128xf32, #tpu.memory_space<vmem>>
    %dma_wait3A_882 = tpu.memref_squeeze %dma_wait3A_881 : memref<1x8x128xf32, #tpu.memory_space<vmem>> -> memref<8x128xf32, #tpu.memory_space<vmem>>
    %dma_wait3A_883 = arith.constant 0 : i32
    %dma_wait3A_884 = arith.constant 0 : i32
    %dma_wait3A_885 = tpu.memref_slice %arg4[%select_n3A_824, %dma_wait3A_878, %select_n3A_840, %dma_wait3A_883, %dma_wait3A_884] : memref<50x4x128x8x128xf32, #tpu.memory_space<hbm>> -> memref<1x1x1x8x128xf32, #tpu.memory_space<hbm>>
    %dma_wait3A_886 = tpu.memref_squeeze %dma_wait3A_885 : memref<1x1x1x8x128xf32, #tpu.memory_space<hbm>> -> memref<8x128xf32, #tpu.memory_space<hbm>>
    %dma_wait3A_887 = arith.constant 0 : i32
    %dma_wait3A_888 = arith.constant 0 : i32
    %dma_wait3A_889 = tpu.memref_slice %arg4[%select_n3A_824, %dma_wait3A_878, %select_n3A_840, %dma_wait3A_887, %dma_wait3A_888] : memref<50x4x128x8x128xf32, #tpu.memory_space<hbm>> -> memref<1x1x1x8x128xf32, #tpu.memory_space<hbm>>
    %dma_wait3A_890 = tpu.memref_squeeze %dma_wait3A_889 : memref<1x1x1x8x128xf32, #tpu.memory_space<hbm>> -> memref<8x128xf32, #tpu.memory_space<hbm>>
    %dma_wait3A_891 = arith.constant 16 : i32
    %dma_wait3A_892 = arith.constant 0 : i32
    %dma_wait3A_893 = tpu.memref_slice %arg7[%dma_wait3A_877, %dma_wait3A_891, %dma_wait3A_892] : memref<2x32x129xf32, #tpu.memory_space<vmem>> -> memref<1x8x128xf32, #tpu.memory_space<vmem>>
    %dma_wait3A_894 = tpu.memref_squeeze %dma_wait3A_893 : memref<1x8x128xf32, #tpu.memory_space<vmem>> -> memref<8x128xf32, #tpu.memory_space<vmem>>
    tpu.wait_dma2 semaphore(%arg10 : memref<!tpu.dma_semaphore, #tpu.memory_space<semaphore_mem>>) src(%dma_wait3A_894 : memref<8x128xf32, #tpu.memory_space<vmem>>) dst(%dma_wait3A_890 : memref<8x128xf32, #tpu.memory_space<hbm>>)
    %dma_wait3A_895 = arith.constant 0 : i32
    %dma_wait3A_896 = arith.constant 3 : i32
    %dma_wait3A_897 = arith.constant 24 : i32
    %dma_wait3A_898 = arith.constant 0 : i32
    %dma_wait3A_899 = tpu.memref_slice %arg7[%dma_wait3A_895, %dma_wait3A_897, %dma_wait3A_898] : memref<2x32x129xf32, #tpu.memory_space<vmem>> -> memref<1x8x128xf32, #tpu.memory_space<vmem>>
    %dma_wait3A_900 = tpu.memref_squeeze %dma_wait3A_899 : memref<1x8x128xf32, #tpu.memory_space<vmem>> -> memref<8x128xf32, #tpu.memory_space<vmem>>
    %dma_wait3A_901 = arith.constant 0 : i32
    %dma_wait3A_902 = arith.constant 0 : i32
    %dma_wait3A_903 = tpu.memref_slice %arg4[%select_n3A_824, %dma_wait3A_896, %select_n3A_840, %dma_wait3A_901, %dma_wait3A_902] : memref<50x4x128x8x128xf32, #tpu.memory_space<hbm>> -> memref<1x1x1x8x128xf32, #tpu.memory_space<hbm>>
    %dma_wait3A_904 = tpu.memref_squeeze %dma_wait3A_903 : memref<1x1x1x8x128xf32, #tpu.memory_space<hbm>> -> memref<8x128xf32, #tpu.memory_space<hbm>>
    %dma_wait3A_905 = arith.constant 0 : i32
    %dma_wait3A_906 = arith.constant 0 : i32
    %dma_wait3A_907 = tpu.memref_slice %arg4[%select_n3A_824, %dma_wait3A_896, %select_n3A_840, %dma_wait3A_905, %dma_wait3A_906] : memref<50x4x128x8x128xf32, #tpu.memory_space<hbm>> -> memref<1x1x1x8x128xf32, #tpu.memory_space<hbm>>
    %dma_wait3A_908 = tpu.memref_squeeze %dma_wait3A_907 : memref<1x1x1x8x128xf32, #tpu.memory_space<hbm>> -> memref<8x128xf32, #tpu.memory_space<hbm>>
    %dma_wait3A_909 = arith.constant 24 : i32
    %dma_wait3A_910 = arith.constant 0 : i32
    %dma_wait3A_911 = tpu.memref_slice %arg7[%dma_wait3A_895, %dma_wait3A_909, %dma_wait3A_910] : memref<2x32x129xf32, #tpu.memory_space<vmem>> -> memref<1x8x128xf32, #tpu.memory_space<vmem>>
    %dma_wait3A_912 = tpu.memref_squeeze %dma_wait3A_911 : memref<1x8x128xf32, #tpu.memory_space<vmem>> -> memref<8x128xf32, #tpu.memory_space<vmem>>
    tpu.wait_dma2 semaphore(%arg10 : memref<!tpu.dma_semaphore, #tpu.memory_space<semaphore_mem>>) src(%dma_wait3A_912 : memref<8x128xf32, #tpu.memory_space<vmem>>) dst(%dma_wait3A_908 : memref<8x128xf32, #tpu.memory_space<hbm>>)
    %add3A_913 = arith.constant 200 : i32
    %add3A_914 = arith.addi %mul3A_2, %add3A_913 : i32
    %sub3A_915 = arith.constant 1 : i32
    %sub3A_916 = arith.subi %add3A_914, %sub3A_915 : i32
    %jit3A_917 = arith.constant 128 : i32
    %div3A_918 = arith.divsi %sub3A_916, %jit3A_917 : i32
    %sign3A_919 = arith.constant 0 : i32
    %sign3A_920 = arith.cmpi sgt, %sub3A_916, %sign3A_919 : i32
    %sign3A_921 = arith.extui %sign3A_920 : i1 to i32
    %sign3A_922 = arith.constant 0 : i32
    %sign3A_923 = arith.cmpi slt, %sub3A_916, %sign3A_922 : i32
    %sign3A_924 = arith.extui %sign3A_923 : i1 to i32
    %sign3A_925 = arith.subi %sign3A_921, %sign3A_924 : i32
    %sign3A_926 = arith.constant 0 : i32
    %sign3A_927 = arith.cmpi sgt, %jit3A_917, %sign3A_926 : i32
    %sign3A_928 = arith.extui %sign3A_927 : i1 to i32
    %sign3A_929 = arith.constant 0 : i32
    %sign3A_930 = arith.cmpi slt, %jit3A_917, %sign3A_929 : i32
    %sign3A_931 = arith.extui %sign3A_930 : i1 to i32
    %sign3A_932 = arith.subi %sign3A_928, %sign3A_931 : i32
    %ne3A_933 = arith.cmpi ne, %sign3A_925, %sign3A_932 : i32
    %rem3A_934 = arith.remsi %sub3A_916, %jit3A_917 : i32
    %ne3A_935 = arith.constant 0 : i32
    %ne3A_936 = arith.cmpi ne, %rem3A_934, %ne3A_935 : i32
    %and3A_937 = arith.andi %ne3A_933, %ne3A_936 : i1
    %sub3A_938 = arith.constant 1 : i32
    %sub3A_939 = arith.subi %div3A_918, %sub3A_938 : i32
    %select_n3A_940 = arith.select %and3A_937, %sub3A_939, %div3A_918 : i32
    %jit3A_941 = arith.constant 128 : i32
    %eq3A_942 = arith.constant 0 : i32
    %eq3A_943 = arith.cmpi eq, %jit3A_941, %eq3A_942 : i32
    %jit3A_944 = arith.constant 1 : i32
    %select_n3A_945 = arith.select %eq3A_943, %jit3A_944, %jit3A_941 : i32
    %rem3A_946 = arith.remsi %sub3A_916, %select_n3A_945 : i32
    %ne3A_947 = arith.constant 0 : i32
    %ne3A_948 = arith.cmpi ne, %rem3A_946, %ne3A_947 : i32
    %lt3A_949 = arith.constant 0 : i32
    %lt3A_950 = arith.cmpi slt, %rem3A_946, %lt3A_949 : i32
    %lt3A_951 = arith.constant 0 : i32
    %lt3A_952 = arith.cmpi slt, %select_n3A_945, %lt3A_951 : i32
    %ne3A_953 = arith.xori %lt3A_950, %lt3A_952 : i1
    %and3A_954 = arith.andi %ne3A_953, %ne3A_948 : i1
    %add3A_955 = arith.addi %rem3A_946, %select_n3A_945 : i32
    %select_n3A_956 = arith.select %and3A_954, %add3A_955, %rem3A_946 : i32
    %dma_wait3A_957 = arith.constant 1 : i32
    %dma_wait3A_958 = arith.constant 0 : i32
    %dma_wait3A_959 = arith.constant 0 : i32
    %dma_wait3A_960 = arith.constant 0 : i32
    %dma_wait3A_961 = tpu.memref_slice %arg7[%dma_wait3A_957, %dma_wait3A_959, %dma_wait3A_960] : memref<2x32x129xf32, #tpu.memory_space<vmem>> -> memref<1x8x128xf32, #tpu.memory_space<vmem>>
    %dma_wait3A_962 = tpu.memref_squeeze %dma_wait3A_961 : memref<1x8x128xf32, #tpu.memory_space<vmem>> -> memref<8x128xf32, #tpu.memory_space<vmem>>
    %dma_wait3A_963 = arith.constant 0 : i32
    %dma_wait3A_964 = arith.constant 0 : i32
    %dma_wait3A_965 = tpu.memref_slice %arg4[%select_n3A_940, %dma_wait3A_958, %select_n3A_956, %dma_wait3A_963, %dma_wait3A_964] : memref<50x4x128x8x128xf32, #tpu.memory_space<hbm>> -> memref<1x1x1x8x128xf32, #tpu.memory_space<hbm>>
    %dma_wait3A_966 = tpu.memref_squeeze %dma_wait3A_965 : memref<1x1x1x8x128xf32, #tpu.memory_space<hbm>> -> memref<8x128xf32, #tpu.memory_space<hbm>>
    %dma_wait3A_967 = arith.constant 0 : i32
    %dma_wait3A_968 = arith.constant 0 : i32
    %dma_wait3A_969 = tpu.memref_slice %arg4[%select_n3A_940, %dma_wait3A_958, %select_n3A_956, %dma_wait3A_967, %dma_wait3A_968] : memref<50x4x128x8x128xf32, #tpu.memory_space<hbm>> -> memref<1x1x1x8x128xf32, #tpu.memory_space<hbm>>
    %dma_wait3A_970 = tpu.memref_squeeze %dma_wait3A_969 : memref<1x1x1x8x128xf32, #tpu.memory_space<hbm>> -> memref<8x128xf32, #tpu.memory_space<hbm>>
    %dma_wait3A_971 = arith.constant 0 : i32
    %dma_wait3A_972 = arith.constant 0 : i32
    %dma_wait3A_973 = tpu.memref_slice %arg7[%dma_wait3A_957, %dma_wait3A_971, %dma_wait3A_972] : memref<2x32x129xf32, #tpu.memory_space<vmem>> -> memref<1x8x128xf32, #tpu.memory_space<vmem>>
    %dma_wait3A_974 = tpu.memref_squeeze %dma_wait3A_973 : memref<1x8x128xf32, #tpu.memory_space<vmem>> -> memref<8x128xf32, #tpu.memory_space<vmem>>
    tpu.wait_dma2 semaphore(%arg11 : memref<!tpu.dma_semaphore, #tpu.memory_space<semaphore_mem>>) src(%dma_wait3A_974 : memref<8x128xf32, #tpu.memory_space<vmem>>) dst(%dma_wait3A_970 : memref<8x128xf32, #tpu.memory_space<hbm>>)
    %dma_wait3A_975 = arith.constant 1 : i32
    %dma_wait3A_976 = arith.constant 1 : i32
    %dma_wait3A_977 = arith.constant 8 : i32
    %dma_wait3A_978 = arith.constant 0 : i32
    %dma_wait3A_979 = tpu.memref_slice %arg7[%dma_wait3A_975, %dma_wait3A_977, %dma_wait3A_978] : memref<2x32x129xf32, #tpu.memory_space<vmem>> -> memref<1x8x128xf32, #tpu.memory_space<vmem>>
    %dma_wait3A_980 = tpu.memref_squeeze %dma_wait3A_979 : memref<1x8x128xf32, #tpu.memory_space<vmem>> -> memref<8x128xf32, #tpu.memory_space<vmem>>
    %dma_wait3A_981 = arith.constant 0 : i32
    %dma_wait3A_982 = arith.constant 0 : i32
    %dma_wait3A_983 = tpu.memref_slice %arg4[%select_n3A_940, %dma_wait3A_976, %select_n3A_956, %dma_wait3A_981, %dma_wait3A_982] : memref<50x4x128x8x128xf32, #tpu.memory_space<hbm>> -> memref<1x1x1x8x128xf32, #tpu.memory_space<hbm>>
    %dma_wait3A_984 = tpu.memref_squeeze %dma_wait3A_983 : memref<1x1x1x8x128xf32, #tpu.memory_space<hbm>> -> memref<8x128xf32, #tpu.memory_space<hbm>>
    %dma_wait3A_985 = arith.constant 0 : i32
    %dma_wait3A_986 = arith.constant 0 : i32
    %dma_wait3A_987 = tpu.memref_slice %arg4[%select_n3A_940, %dma_wait3A_976, %select_n3A_956, %dma_wait3A_985, %dma_wait3A_986] : memref<50x4x128x8x128xf32, #tpu.memory_space<hbm>> -> memref<1x1x1x8x128xf32, #tpu.memory_space<hbm>>
    %dma_wait3A_988 = tpu.memref_squeeze %dma_wait3A_987 : memref<1x1x1x8x128xf32, #tpu.memory_space<hbm>> -> memref<8x128xf32, #tpu.memory_space<hbm>>
    %dma_wait3A_989 = arith.constant 8 : i32
    %dma_wait3A_990 = arith.constant 0 : i32
    %dma_wait3A_991 = tpu.memref_slice %arg7[%dma_wait3A_975, %dma_wait3A_989, %dma_wait3A_990] : memref<2x32x129xf32, #tpu.memory_space<vmem>> -> memref<1x8x128xf32, #tpu.memory_space<vmem>>
    %dma_wait3A_992 = tpu.memref_squeeze %dma_wait3A_991 : memref<1x8x128xf32, #tpu.memory_space<vmem>> -> memref<8x128xf32, #tpu.memory_space<vmem>>
    tpu.wait_dma2 semaphore(%arg11 : memref<!tpu.dma_semaphore, #tpu.memory_space<semaphore_mem>>) src(%dma_wait3A_992 : memref<8x128xf32, #tpu.memory_space<vmem>>) dst(%dma_wait3A_988 : memref<8x128xf32, #tpu.memory_space<hbm>>)
    %dma_wait3A_993 = arith.constant 1 : i32
    %dma_wait3A_994 = arith.constant 2 : i32
    %dma_wait3A_995 = arith.constant 16 : i32
    %dma_wait3A_996 = arith.constant 0 : i32
    %dma_wait3A_997 = tpu.memref_slice %arg7[%dma_wait3A_993, %dma_wait3A_995, %dma_wait3A_996] : memref<2x32x129xf32, #tpu.memory_space<vmem>> -> memref<1x8x128xf32, #tpu.memory_space<vmem>>
    %dma_wait3A_998 = tpu.memref_squeeze %dma_wait3A_997 : memref<1x8x128xf32, #tpu.memory_space<vmem>> -> memref<8x128xf32, #tpu.memory_space<vmem>>
    %dma_wait3A_999 = arith.constant 0 : i32
    %dma_wait3A_1000 = arith.constant 0 : i32
    %dma_wait3A_1001 = tpu.memref_slice %arg4[%select_n3A_940, %dma_wait3A_994, %select_n3A_956, %dma_wait3A_999, %dma_wait3A_1000] : memref<50x4x128x8x128xf32, #tpu.memory_space<hbm>> -> memref<1x1x1x8x128xf32, #tpu.memory_space<hbm>>
    %dma_wait3A_1002 = tpu.memref_squeeze %dma_wait3A_1001 : memref<1x1x1x8x128xf32, #tpu.memory_space<hbm>> -> memref<8x128xf32, #tpu.memory_space<hbm>>
    %dma_wait3A_1003 = arith.constant 0 : i32
    %dma_wait3A_1004 = arith.constant 0 : i32
    %dma_wait3A_1005 = tpu.memref_slice %arg4[%select_n3A_940, %dma_wait3A_994, %select_n3A_956, %dma_wait3A_1003, %dma_wait3A_1004] : memref<50x4x128x8x128xf32, #tpu.memory_space<hbm>> -> memref<1x1x1x8x128xf32, #tpu.memory_space<hbm>>
    %dma_wait3A_1006 = tpu.memref_squeeze %dma_wait3A_1005 : memref<1x1x1x8x128xf32, #tpu.memory_space<hbm>> -> memref<8x128xf32, #tpu.memory_space<hbm>>
    %dma_wait3A_1007 = arith.constant 16 : i32
    %dma_wait3A_1008 = arith.constant 0 : i32
    %dma_wait3A_1009 = tpu.memref_slice %arg7[%dma_wait3A_993, %dma_wait3A_1007, %dma_wait3A_1008] : memref<2x32x129xf32, #tpu.memory_space<vmem>> -> memref<1x8x128xf32, #tpu.memory_space<vmem>>
    %dma_wait3A_1010 = tpu.memref_squeeze %dma_wait3A_1009 : memref<1x8x128xf32, #tpu.memory_space<vmem>> -> memref<8x128xf32, #tpu.memory_space<vmem>>
    tpu.wait_dma2 semaphore(%arg11 : memref<!tpu.dma_semaphore, #tpu.memory_space<semaphore_mem>>) src(%dma_wait3A_1010 : memref<8x128xf32, #tpu.memory_space<vmem>>) dst(%dma_wait3A_1006 : memref<8x128xf32, #tpu.memory_space<hbm>>)
    %dma_wait3A_1011 = arith.constant 1 : i32
    %dma_wait3A_1012 = arith.constant 3 : i32
    %dma_wait3A_1013 = arith.constant 24 : i32
    %dma_wait3A_1014 = arith.constant 0 : i32
    %dma_wait3A_1015 = tpu.memref_slice %arg7[%dma_wait3A_1011, %dma_wait3A_1013, %dma_wait3A_1014] : memref<2x32x129xf32, #tpu.memory_space<vmem>> -> memref<1x8x128xf32, #tpu.memory_space<vmem>>
    %dma_wait3A_1016 = tpu.memref_squeeze %dma_wait3A_1015 : memref<1x8x128xf32, #tpu.memory_space<vmem>> -> memref<8x128xf32, #tpu.memory_space<vmem>>
    %dma_wait3A_1017 = arith.constant 0 : i32
    %dma_wait3A_1018 = arith.constant 0 : i32
    %dma_wait3A_1019 = tpu.memref_slice %arg4[%select_n3A_940, %dma_wait3A_1012, %select_n3A_956, %dma_wait3A_1017, %dma_wait3A_1018] : memref<50x4x128x8x128xf32, #tpu.memory_space<hbm>> -> memref<1x1x1x8x128xf32, #tpu.memory_space<hbm>>
    %dma_wait3A_1020 = tpu.memref_squeeze %dma_wait3A_1019 : memref<1x1x1x8x128xf32, #tpu.memory_space<hbm>> -> memref<8x128xf32, #tpu.memory_space<hbm>>
    %dma_wait3A_1021 = arith.constant 0 : i32
    %dma_wait3A_1022 = arith.constant 0 : i32
    %dma_wait3A_1023 = tpu.memref_slice %arg4[%select_n3A_940, %dma_wait3A_1012, %select_n3A_956, %dma_wait3A_1021, %dma_wait3A_1022] : memref<50x4x128x8x128xf32, #tpu.memory_space<hbm>> -> memref<1x1x1x8x128xf32, #tpu.memory_space<hbm>>
    %dma_wait3A_1024 = tpu.memref_squeeze %dma_wait3A_1023 : memref<1x1x1x8x128xf32, #tpu.memory_space<hbm>> -> memref<8x128xf32, #tpu.memory_space<hbm>>
    %dma_wait3A_1025 = arith.constant 24 : i32
    %dma_wait3A_1026 = arith.constant 0 : i32
    %dma_wait3A_1027 = tpu.memref_slice %arg7[%dma_wait3A_1011, %dma_wait3A_1025, %dma_wait3A_1026] : memref<2x32x129xf32, #tpu.memory_space<vmem>> -> memref<1x8x128xf32, #tpu.memory_space<vmem>>
    %dma_wait3A_1028 = tpu.memref_squeeze %dma_wait3A_1027 : memref<1x8x128xf32, #tpu.memory_space<vmem>> -> memref<8x128xf32, #tpu.memory_space<vmem>>
    tpu.wait_dma2 semaphore(%arg11 : memref<!tpu.dma_semaphore, #tpu.memory_space<semaphore_mem>>) src(%dma_wait3A_1028 : memref<8x128xf32, #tpu.memory_space<vmem>>) dst(%dma_wait3A_1024 : memref<8x128xf32, #tpu.memory_space<hbm>>)
    return
  }
}

#map = affine_map<(d0, d1) -> (0, 0)>
#map1 = affine_map<(d0, d1) -> (0)>
module attributes {stable_mosaic.version = 14 : i64} {
  func.func @sc_lin(%arg0: i32, %arg1: i32, %arg2: memref<32x1000000xf32, #tpu.memory_space<hbm>>, %arg3: memref<2048xf32, #tpu.memory_space<hbm>>, %arg4: memref<32000000xf32, #tpu.memory_space<hbm>>, %arg5: memref<32x517xf32, #tpu.memory_space<vmem>>, %arg6: memref<32x517xf32, #tpu.memory_space<vmem>>, %arg7: memref<16384xf32, #tpu.memory_space<vmem>>, %arg8: memref<16384xf32, #tpu.memory_space<vmem>>, %arg9: memref<2048xf32, #tpu.memory_space<vmem>>, %arg10: memref<!tpu.dma_semaphore, #tpu.memory_space<semaphore_mem>>, %arg11: memref<!tpu.dma_semaphore, #tpu.memory_space<semaphore_mem>>, %arg12: memref<!tpu.dma_semaphore, #tpu.memory_space<semaphore_mem>>, %arg13: memref<!tpu.dma_semaphore, #tpu.memory_space<semaphore_mem>>) attributes {dimension_semantics = [#tpu.dimension_semantics<core_parallel>, #tpu.dimension_semantics<subcore_parallel>], iteration_bounds = array<i64: 2, 16>, scalar_prefetch = 0 : i64, scratch_operands = 9 : i64, tpu.core_type = #tpu.core_type<sc_vector_subcore>, window_params = [{transform_indices = #map}, {transform_indices = #map1}, {transform_indices = #map1}]} {
    %mul3A = arith.constant 2 : i32
    %mul3A_0 = arith.muli %arg1, %mul3A : i32
    %add3A = arith.addi %mul3A_0, %arg0 : i32
    %iota3A = tpu.iota {dimensions = array<i32: 0>} : vector<16xi32>
    %add3A_1 = arith.constant 0 : i32
    %add3A_2 = vector.broadcast %add3A_1 : i32 to vector<16xi32>
    %add3A_3 = arith.addi %iota3A, %add3A_2 : vector<16xi32>
    %add3A_4 = arith.constant 16 : i32
    %add3A_5 = vector.broadcast %add3A_4 : i32 to vector<16xi32>
    %add3A_6 = arith.addi %iota3A, %add3A_5 : vector<16xi32>
    %add3A_7 = arith.constant 0 : i32
    %add3A_8 = arith.addi %add3A, %add3A_7 : i32
    %mul3A_9 = arith.constant 512 : i32
    %mul3A_10 = arith.muli %add3A_8, %mul3A_9 : i32
    %dma_start3A = arith.constant 0 : i32
    %dma_start3A_11 = arith.constant 0 : i32
    %dma_start3A_12 = tpu.memref_slice %arg5[%dma_start3A, %dma_start3A_11] : memref<32x517xf32, #tpu.memory_space<vmem>> -> memref<8x512xf32, #tpu.memory_space<vmem>>
    %dma_start3A_13 = arith.constant 0 : i32
    %dma_start3A_14 = tpu.memref_slice %arg2[%dma_start3A_13, %mul3A_10] : memref<32x1000000xf32, #tpu.memory_space<hbm>> -> memref<8x512xf32, #tpu.memory_space<hbm>>
    %dma_start3A_15 = arith.constant 0 : i32
    %dma_start3A_16 = arith.constant 0 : i32
    %dma_start3A_17 = tpu.memref_slice %arg5[%dma_start3A_15, %dma_start3A_16] : memref<32x517xf32, #tpu.memory_space<vmem>> -> memref<8x512xf32, #tpu.memory_space<vmem>>
    %dma_start3A_18 = arith.constant 0 : i32
    %dma_start3A_19 = tpu.memref_slice %arg2[%dma_start3A_18, %mul3A_10] : memref<32x1000000xf32, #tpu.memory_space<hbm>> -> memref<8x512xf32, #tpu.memory_space<hbm>>
    tpu.enqueue_dma source(%dma_start3A_19 : memref<8x512xf32, #tpu.memory_space<hbm>>) target(%dma_start3A_17 : memref<8x512xf32, #tpu.memory_space<vmem>>) target_semaphore(%arg10 : memref<!tpu.dma_semaphore, #tpu.memory_space<semaphore_mem>>)
    %dma_start3A_20 = arith.constant 8 : i32
    %dma_start3A_21 = arith.constant 0 : i32
    %dma_start3A_22 = tpu.memref_slice %arg5[%dma_start3A_20, %dma_start3A_21] : memref<32x517xf32, #tpu.memory_space<vmem>> -> memref<8x512xf32, #tpu.memory_space<vmem>>
    %dma_start3A_23 = arith.constant 8 : i32
    %dma_start3A_24 = tpu.memref_slice %arg2[%dma_start3A_23, %mul3A_10] : memref<32x1000000xf32, #tpu.memory_space<hbm>> -> memref<8x512xf32, #tpu.memory_space<hbm>>
    %dma_start3A_25 = arith.constant 8 : i32
    %dma_start3A_26 = arith.constant 0 : i32
    %dma_start3A_27 = tpu.memref_slice %arg5[%dma_start3A_25, %dma_start3A_26] : memref<32x517xf32, #tpu.memory_space<vmem>> -> memref<8x512xf32, #tpu.memory_space<vmem>>
    %dma_start3A_28 = arith.constant 8 : i32
    %dma_start3A_29 = tpu.memref_slice %arg2[%dma_start3A_28, %mul3A_10] : memref<32x1000000xf32, #tpu.memory_space<hbm>> -> memref<8x512xf32, #tpu.memory_space<hbm>>
    tpu.enqueue_dma source(%dma_start3A_29 : memref<8x512xf32, #tpu.memory_space<hbm>>) target(%dma_start3A_27 : memref<8x512xf32, #tpu.memory_space<vmem>>) target_semaphore(%arg10 : memref<!tpu.dma_semaphore, #tpu.memory_space<semaphore_mem>>)
    %dma_start3A_30 = arith.constant 16 : i32
    %dma_start3A_31 = arith.constant 0 : i32
    %dma_start3A_32 = tpu.memref_slice %arg5[%dma_start3A_30, %dma_start3A_31] : memref<32x517xf32, #tpu.memory_space<vmem>> -> memref<8x512xf32, #tpu.memory_space<vmem>>
    %dma_start3A_33 = arith.constant 16 : i32
    %dma_start3A_34 = tpu.memref_slice %arg2[%dma_start3A_33, %mul3A_10] : memref<32x1000000xf32, #tpu.memory_space<hbm>> -> memref<8x512xf32, #tpu.memory_space<hbm>>
    %dma_start3A_35 = arith.constant 16 : i32
    %dma_start3A_36 = arith.constant 0 : i32
    %dma_start3A_37 = tpu.memref_slice %arg5[%dma_start3A_35, %dma_start3A_36] : memref<32x517xf32, #tpu.memory_space<vmem>> -> memref<8x512xf32, #tpu.memory_space<vmem>>
    %dma_start3A_38 = arith.constant 16 : i32
    %dma_start3A_39 = tpu.memref_slice %arg2[%dma_start3A_38, %mul3A_10] : memref<32x1000000xf32, #tpu.memory_space<hbm>> -> memref<8x512xf32, #tpu.memory_space<hbm>>
    tpu.enqueue_dma source(%dma_start3A_39 : memref<8x512xf32, #tpu.memory_space<hbm>>) target(%dma_start3A_37 : memref<8x512xf32, #tpu.memory_space<vmem>>) target_semaphore(%arg10 : memref<!tpu.dma_semaphore, #tpu.memory_space<semaphore_mem>>)
    %dma_start3A_40 = arith.constant 24 : i32
    %dma_start3A_41 = arith.constant 0 : i32
    %dma_start3A_42 = tpu.memref_slice %arg5[%dma_start3A_40, %dma_start3A_41] : memref<32x517xf32, #tpu.memory_space<vmem>> -> memref<8x512xf32, #tpu.memory_space<vmem>>
    %dma_start3A_43 = arith.constant 24 : i32
    %dma_start3A_44 = tpu.memref_slice %arg2[%dma_start3A_43, %mul3A_10] : memref<32x1000000xf32, #tpu.memory_space<hbm>> -> memref<8x512xf32, #tpu.memory_space<hbm>>
    %dma_start3A_45 = arith.constant 24 : i32
    %dma_start3A_46 = arith.constant 0 : i32
    %dma_start3A_47 = tpu.memref_slice %arg5[%dma_start3A_45, %dma_start3A_46] : memref<32x517xf32, #tpu.memory_space<vmem>> -> memref<8x512xf32, #tpu.memory_space<vmem>>
    %dma_start3A_48 = arith.constant 24 : i32
    %dma_start3A_49 = tpu.memref_slice %arg2[%dma_start3A_48, %mul3A_10] : memref<32x1000000xf32, #tpu.memory_space<hbm>> -> memref<8x512xf32, #tpu.memory_space<hbm>>
    tpu.enqueue_dma source(%dma_start3A_49 : memref<8x512xf32, #tpu.memory_space<hbm>>) target(%dma_start3A_47 : memref<8x512xf32, #tpu.memory_space<vmem>>) target_semaphore(%arg10 : memref<!tpu.dma_semaphore, #tpu.memory_space<semaphore_mem>>)
    %add3A_50 = arith.constant 0 : i32
    %add3A_51 = arith.addi %add3A, %add3A_50 : i32
    %mul3A_52 = arith.constant 512 : i32
    %mul3A_53 = arith.muli %add3A_51, %mul3A_52 : i32
    %dma_wait3A = arith.constant 0 : i32
    %dma_wait3A_54 = arith.constant 0 : i32
    %dma_wait3A_55 = tpu.memref_slice %arg5[%dma_wait3A, %dma_wait3A_54] : memref<32x517xf32, #tpu.memory_space<vmem>> -> memref<8x512xf32, #tpu.memory_space<vmem>>
    %dma_wait3A_56 = arith.constant 0 : i32
    %dma_wait3A_57 = tpu.memref_slice %arg2[%dma_wait3A_56, %mul3A_53] : memref<32x1000000xf32, #tpu.memory_space<hbm>> -> memref<8x512xf32, #tpu.memory_space<hbm>>
    %dma_wait3A_58 = arith.constant 0 : i32
    %dma_wait3A_59 = arith.constant 0 : i32
    %dma_wait3A_60 = tpu.memref_slice %arg5[%dma_wait3A_58, %dma_wait3A_59] : memref<32x517xf32, #tpu.memory_space<vmem>> -> memref<8x512xf32, #tpu.memory_space<vmem>>
    %dma_wait3A_61 = arith.constant 0 : i32
    %dma_wait3A_62 = tpu.memref_slice %arg2[%dma_wait3A_61, %mul3A_53] : memref<32x1000000xf32, #tpu.memory_space<hbm>> -> memref<8x512xf32, #tpu.memory_space<hbm>>
    tpu.wait_dma2 semaphore(%arg10 : memref<!tpu.dma_semaphore, #tpu.memory_space<semaphore_mem>>) src(%dma_wait3A_62 : memref<8x512xf32, #tpu.memory_space<hbm>>) dst(%dma_wait3A_60 : memref<8x512xf32, #tpu.memory_space<vmem>>)
    %dma_wait3A_63 = arith.constant 8 : i32
    %dma_wait3A_64 = arith.constant 0 : i32
    %dma_wait3A_65 = tpu.memref_slice %arg5[%dma_wait3A_63, %dma_wait3A_64] : memref<32x517xf32, #tpu.memory_space<vmem>> -> memref<8x512xf32, #tpu.memory_space<vmem>>
    %dma_wait3A_66 = arith.constant 8 : i32
    %dma_wait3A_67 = tpu.memref_slice %arg2[%dma_wait3A_66, %mul3A_53] : memref<32x1000000xf32, #tpu.memory_space<hbm>> -> memref<8x512xf32, #tpu.memory_space<hbm>>
    %dma_wait3A_68 = arith.constant 8 : i32
    %dma_wait3A_69 = arith.constant 0 : i32
    %dma_wait3A_70 = tpu.memref_slice %arg5[%dma_wait3A_68, %dma_wait3A_69] : memref<32x517xf32, #tpu.memory_space<vmem>> -> memref<8x512xf32, #tpu.memory_space<vmem>>
    %dma_wait3A_71 = arith.constant 8 : i32
    %dma_wait3A_72 = tpu.memref_slice %arg2[%dma_wait3A_71, %mul3A_53] : memref<32x1000000xf32, #tpu.memory_space<hbm>> -> memref<8x512xf32, #tpu.memory_space<hbm>>
    tpu.wait_dma2 semaphore(%arg10 : memref<!tpu.dma_semaphore, #tpu.memory_space<semaphore_mem>>) src(%dma_wait3A_72 : memref<8x512xf32, #tpu.memory_space<hbm>>) dst(%dma_wait3A_70 : memref<8x512xf32, #tpu.memory_space<vmem>>)
    %dma_wait3A_73 = arith.constant 16 : i32
    %dma_wait3A_74 = arith.constant 0 : i32
    %dma_wait3A_75 = tpu.memref_slice %arg5[%dma_wait3A_73, %dma_wait3A_74] : memref<32x517xf32, #tpu.memory_space<vmem>> -> memref<8x512xf32, #tpu.memory_space<vmem>>
    %dma_wait3A_76 = arith.constant 16 : i32
    %dma_wait3A_77 = tpu.memref_slice %arg2[%dma_wait3A_76, %mul3A_53] : memref<32x1000000xf32, #tpu.memory_space<hbm>> -> memref<8x512xf32, #tpu.memory_space<hbm>>
    %dma_wait3A_78 = arith.constant 16 : i32
    %dma_wait3A_79 = arith.constant 0 : i32
    %dma_wait3A_80 = tpu.memref_slice %arg5[%dma_wait3A_78, %dma_wait3A_79] : memref<32x517xf32, #tpu.memory_space<vmem>> -> memref<8x512xf32, #tpu.memory_space<vmem>>
    %dma_wait3A_81 = arith.constant 16 : i32
    %dma_wait3A_82 = tpu.memref_slice %arg2[%dma_wait3A_81, %mul3A_53] : memref<32x1000000xf32, #tpu.memory_space<hbm>> -> memref<8x512xf32, #tpu.memory_space<hbm>>
    tpu.wait_dma2 semaphore(%arg10 : memref<!tpu.dma_semaphore, #tpu.memory_space<semaphore_mem>>) src(%dma_wait3A_82 : memref<8x512xf32, #tpu.memory_space<hbm>>) dst(%dma_wait3A_80 : memref<8x512xf32, #tpu.memory_space<vmem>>)
    %dma_wait3A_83 = arith.constant 24 : i32
    %dma_wait3A_84 = arith.constant 0 : i32
    %dma_wait3A_85 = tpu.memref_slice %arg5[%dma_wait3A_83, %dma_wait3A_84] : memref<32x517xf32, #tpu.memory_space<vmem>> -> memref<8x512xf32, #tpu.memory_space<vmem>>
    %dma_wait3A_86 = arith.constant 24 : i32
    %dma_wait3A_87 = tpu.memref_slice %arg2[%dma_wait3A_86, %mul3A_53] : memref<32x1000000xf32, #tpu.memory_space<hbm>> -> memref<8x512xf32, #tpu.memory_space<hbm>>
    %dma_wait3A_88 = arith.constant 24 : i32
    %dma_wait3A_89 = arith.constant 0 : i32
    %dma_wait3A_90 = tpu.memref_slice %arg5[%dma_wait3A_88, %dma_wait3A_89] : memref<32x517xf32, #tpu.memory_space<vmem>> -> memref<8x512xf32, #tpu.memory_space<vmem>>
    %dma_wait3A_91 = arith.constant 24 : i32
    %dma_wait3A_92 = tpu.memref_slice %arg2[%dma_wait3A_91, %mul3A_53] : memref<32x1000000xf32, #tpu.memory_space<hbm>> -> memref<8x512xf32, #tpu.memory_space<hbm>>
    tpu.wait_dma2 semaphore(%arg10 : memref<!tpu.dma_semaphore, #tpu.memory_space<semaphore_mem>>) src(%dma_wait3A_92 : memref<8x512xf32, #tpu.memory_space<hbm>>) dst(%dma_wait3A_90 : memref<8x512xf32, #tpu.memory_space<vmem>>)
    %add3A_93 = arith.constant 32 : i32
    %add3A_94 = arith.addi %add3A, %add3A_93 : i32
    %mul3A_95 = arith.constant 512 : i32
    %mul3A_96 = arith.muli %add3A_94, %mul3A_95 : i32
    %dma_start3A_97 = arith.constant 0 : i32
    %dma_start3A_98 = arith.constant 0 : i32
    %dma_start3A_99 = tpu.memref_slice %arg6[%dma_start3A_97, %dma_start3A_98] : memref<32x517xf32, #tpu.memory_space<vmem>> -> memref<8x512xf32, #tpu.memory_space<vmem>>
    %dma_start3A_100 = arith.constant 0 : i32
    %dma_start3A_101 = tpu.memref_slice %arg2[%dma_start3A_100, %mul3A_96] : memref<32x1000000xf32, #tpu.memory_space<hbm>> -> memref<8x512xf32, #tpu.memory_space<hbm>>
    %dma_start3A_102 = arith.constant 0 : i32
    %dma_start3A_103 = arith.constant 0 : i32
    %dma_start3A_104 = tpu.memref_slice %arg6[%dma_start3A_102, %dma_start3A_103] : memref<32x517xf32, #tpu.memory_space<vmem>> -> memref<8x512xf32, #tpu.memory_space<vmem>>
    %dma_start3A_105 = arith.constant 0 : i32
    %dma_start3A_106 = tpu.memref_slice %arg2[%dma_start3A_105, %mul3A_96] : memref<32x1000000xf32, #tpu.memory_space<hbm>> -> memref<8x512xf32, #tpu.memory_space<hbm>>
    tpu.enqueue_dma source(%dma_start3A_106 : memref<8x512xf32, #tpu.memory_space<hbm>>) target(%dma_start3A_104 : memref<8x512xf32, #tpu.memory_space<vmem>>) target_semaphore(%arg11 : memref<!tpu.dma_semaphore, #tpu.memory_space<semaphore_mem>>)
    %dma_start3A_107 = arith.constant 8 : i32
    %dma_start3A_108 = arith.constant 0 : i32
    %dma_start3A_109 = tpu.memref_slice %arg6[%dma_start3A_107, %dma_start3A_108] : memref<32x517xf32, #tpu.memory_space<vmem>> -> memref<8x512xf32, #tpu.memory_space<vmem>>
    %dma_start3A_110 = arith.constant 8 : i32
    %dma_start3A_111 = tpu.memref_slice %arg2[%dma_start3A_110, %mul3A_96] : memref<32x1000000xf32, #tpu.memory_space<hbm>> -> memref<8x512xf32, #tpu.memory_space<hbm>>
    %dma_start3A_112 = arith.constant 8 : i32
    %dma_start3A_113 = arith.constant 0 : i32
    %dma_start3A_114 = tpu.memref_slice %arg6[%dma_start3A_112, %dma_start3A_113] : memref<32x517xf32, #tpu.memory_space<vmem>> -> memref<8x512xf32, #tpu.memory_space<vmem>>
    %dma_start3A_115 = arith.constant 8 : i32
    %dma_start3A_116 = tpu.memref_slice %arg2[%dma_start3A_115, %mul3A_96] : memref<32x1000000xf32, #tpu.memory_space<hbm>> -> memref<8x512xf32, #tpu.memory_space<hbm>>
    tpu.enqueue_dma source(%dma_start3A_116 : memref<8x512xf32, #tpu.memory_space<hbm>>) target(%dma_start3A_114 : memref<8x512xf32, #tpu.memory_space<vmem>>) target_semaphore(%arg11 : memref<!tpu.dma_semaphore, #tpu.memory_space<semaphore_mem>>)
    %dma_start3A_117 = arith.constant 16 : i32
    %dma_start3A_118 = arith.constant 0 : i32
    %dma_start3A_119 = tpu.memref_slice %arg6[%dma_start3A_117, %dma_start3A_118] : memref<32x517xf32, #tpu.memory_space<vmem>> -> memref<8x512xf32, #tpu.memory_space<vmem>>
    %dma_start3A_120 = arith.constant 16 : i32
    %dma_start3A_121 = tpu.memref_slice %arg2[%dma_start3A_120, %mul3A_96] : memref<32x1000000xf32, #tpu.memory_space<hbm>> -> memref<8x512xf32, #tpu.memory_space<hbm>>
    %dma_start3A_122 = arith.constant 16 : i32
    %dma_start3A_123 = arith.constant 0 : i32
    %dma_start3A_124 = tpu.memref_slice %arg6[%dma_start3A_122, %dma_start3A_123] : memref<32x517xf32, #tpu.memory_space<vmem>> -> memref<8x512xf32, #tpu.memory_space<vmem>>
    %dma_start3A_125 = arith.constant 16 : i32
    %dma_start3A_126 = tpu.memref_slice %arg2[%dma_start3A_125, %mul3A_96] : memref<32x1000000xf32, #tpu.memory_space<hbm>> -> memref<8x512xf32, #tpu.memory_space<hbm>>
    tpu.enqueue_dma source(%dma_start3A_126 : memref<8x512xf32, #tpu.memory_space<hbm>>) target(%dma_start3A_124 : memref<8x512xf32, #tpu.memory_space<vmem>>) target_semaphore(%arg11 : memref<!tpu.dma_semaphore, #tpu.memory_space<semaphore_mem>>)
    %dma_start3A_127 = arith.constant 24 : i32
    %dma_start3A_128 = arith.constant 0 : i32
    %dma_start3A_129 = tpu.memref_slice %arg6[%dma_start3A_127, %dma_start3A_128] : memref<32x517xf32, #tpu.memory_space<vmem>> -> memref<8x512xf32, #tpu.memory_space<vmem>>
    %dma_start3A_130 = arith.constant 24 : i32
    %dma_start3A_131 = tpu.memref_slice %arg2[%dma_start3A_130, %mul3A_96] : memref<32x1000000xf32, #tpu.memory_space<hbm>> -> memref<8x512xf32, #tpu.memory_space<hbm>>
    %dma_start3A_132 = arith.constant 24 : i32
    %dma_start3A_133 = arith.constant 0 : i32
    %dma_start3A_134 = tpu.memref_slice %arg6[%dma_start3A_132, %dma_start3A_133] : memref<32x517xf32, #tpu.memory_space<vmem>> -> memref<8x512xf32, #tpu.memory_space<vmem>>
    %dma_start3A_135 = arith.constant 24 : i32
    %dma_start3A_136 = tpu.memref_slice %arg2[%dma_start3A_135, %mul3A_96] : memref<32x1000000xf32, #tpu.memory_space<hbm>> -> memref<8x512xf32, #tpu.memory_space<hbm>>
    tpu.enqueue_dma source(%dma_start3A_136 : memref<8x512xf32, #tpu.memory_space<hbm>>) target(%dma_start3A_134 : memref<8x512xf32, #tpu.memory_space<vmem>>) target_semaphore(%arg11 : memref<!tpu.dma_semaphore, #tpu.memory_space<semaphore_mem>>)
    %parallel_loop3A = arith.constant 0 : i32
    %parallel_loop3A_137 = arith.constant 512 : i32
    %parallel_loop3A_138 = arith.constant 1 : i32
    scf.for %parallel_loop3A_336 = %parallel_loop3A to %parallel_loop3A_137 step %parallel_loop3A_138  : i32 {
      %parallel_loop3A_337 = vector.broadcast %parallel_loop3A_336 : i32 to vector<16xi32>
      %parallel_loop3A_338 = tpu.vector_load_idx %arg5[%add3A_3, %parallel_loop3A_337] : memref<32x517xf32, #tpu.memory_space<vmem>>[vector<16xi32>, vector<16xi32>], vector<16xf32>,
      %parallel_loop3A_339 = arith.constant 32 : i32
      %parallel_loop3A_340 = arith.muli %parallel_loop3A_336, %parallel_loop3A_339 : i32
      %parallel_loop3A_341 = arith.constant 0 : i32
      %parallel_loop3A_342 = arith.addi %parallel_loop3A_340, %parallel_loop3A_341 : i32
      %parallel_loop3A_343 = arith.index_cast %parallel_loop3A_342 : i32 to index
      %parallel_loop3A_344 = tpu.vector_load %arg7[%parallel_loop3A_343] {strides = array<i32>} : memref<16384xf32, #tpu.memory_space<vmem>>, vector<16xf32>,
      tpu.vector_store %arg7[%parallel_loop3A_343], %parallel_loop3A_338 {strides = array<i32>} : memref<16384xf32, #tpu.memory_space<vmem>>, vector<16xf32>,
      %parallel_loop3A_345 = tpu.vector_load_idx %arg5[%add3A_6, %parallel_loop3A_337] : memref<32x517xf32, #tpu.memory_space<vmem>>[vector<16xi32>, vector<16xi32>], vector<16xf32>,
      %parallel_loop3A_346 = arith.constant 32 : i32
      %parallel_loop3A_347 = arith.muli %parallel_loop3A_336, %parallel_loop3A_346 : i32
      %parallel_loop3A_348 = arith.constant 16 : i32
      %parallel_loop3A_349 = arith.addi %parallel_loop3A_347, %parallel_loop3A_348 : i32
      %parallel_loop3A_350 = arith.index_cast %parallel_loop3A_349 : i32 to index
      %parallel_loop3A_351 = tpu.vector_load %arg7[%parallel_loop3A_350] {strides = array<i32>} : memref<16384xf32, #tpu.memory_space<vmem>>, vector<16xf32>,
      tpu.vector_store %arg7[%parallel_loop3A_350], %parallel_loop3A_345 {strides = array<i32>} : memref<16384xf32, #tpu.memory_space<vmem>>, vector<16xf32>,
    } {sc.loop_unroll_factor = 4 : i64, sc.parallel_access}
    %add3A_139 = arith.constant 0 : i32
    %add3A_140 = arith.addi %add3A, %add3A_139 : i32
    %mul3A_141 = arith.constant 512 : i32
    %mul3A_142 = arith.muli %add3A_140, %mul3A_141 : i32
    %mul3A_143 = arith.constant 32 : i32
    %mul3A_144 = arith.muli %mul3A_142, %mul3A_143 : i32
    %dma_start3A_145 = tpu.memref_slice %arg4[%mul3A_144] : memref<32000000xf32, #tpu.memory_space<hbm>> -> memref<16384xf32, #tpu.memory_space<hbm>>
    %dma_start3A_146 = tpu.memref_slice %arg4[%mul3A_144] : memref<32000000xf32, #tpu.memory_space<hbm>> -> memref<16384xf32, #tpu.memory_space<hbm>>
    tpu.enqueue_dma source(%arg7 : memref<16384xf32, #tpu.memory_space<vmem>>) target(%dma_start3A_146 : memref<16384xf32, #tpu.memory_space<hbm>>) target_semaphore(%arg12 : memref<!tpu.dma_semaphore, #tpu.memory_space<semaphore_mem>>)
    %add3A_147 = arith.constant 32 : i32
    %add3A_148 = arith.addi %add3A, %add3A_147 : i32
    %mul3A_149 = arith.constant 512 : i32
    %mul3A_150 = arith.muli %add3A_148, %mul3A_149 : i32
    %dma_wait3A_151 = arith.constant 0 : i32
    %dma_wait3A_152 = arith.constant 0 : i32
    %dma_wait3A_153 = tpu.memref_slice %arg6[%dma_wait3A_151, %dma_wait3A_152] : memref<32x517xf32, #tpu.memory_space<vmem>> -> memref<8x512xf32, #tpu.memory_space<vmem>>
    %dma_wait3A_154 = arith.constant 0 : i32
    %dma_wait3A_155 = tpu.memref_slice %arg2[%dma_wait3A_154, %mul3A_150] : memref<32x1000000xf32, #tpu.memory_space<hbm>> -> memref<8x512xf32, #tpu.memory_space<hbm>>
    %dma_wait3A_156 = arith.constant 0 : i32
    %dma_wait3A_157 = arith.constant 0 : i32
    %dma_wait3A_158 = tpu.memref_slice %arg6[%dma_wait3A_156, %dma_wait3A_157] : memref<32x517xf32, #tpu.memory_space<vmem>> -> memref<8x512xf32, #tpu.memory_space<vmem>>
    %dma_wait3A_159 = arith.constant 0 : i32
    %dma_wait3A_160 = tpu.memref_slice %arg2[%dma_wait3A_159, %mul3A_150] : memref<32x1000000xf32, #tpu.memory_space<hbm>> -> memref<8x512xf32, #tpu.memory_space<hbm>>
    tpu.wait_dma2 semaphore(%arg11 : memref<!tpu.dma_semaphore, #tpu.memory_space<semaphore_mem>>) src(%dma_wait3A_160 : memref<8x512xf32, #tpu.memory_space<hbm>>) dst(%dma_wait3A_158 : memref<8x512xf32, #tpu.memory_space<vmem>>)
    %dma_wait3A_161 = arith.constant 8 : i32
    %dma_wait3A_162 = arith.constant 0 : i32
    %dma_wait3A_163 = tpu.memref_slice %arg6[%dma_wait3A_161, %dma_wait3A_162] : memref<32x517xf32, #tpu.memory_space<vmem>> -> memref<8x512xf32, #tpu.memory_space<vmem>>
    %dma_wait3A_164 = arith.constant 8 : i32
    %dma_wait3A_165 = tpu.memref_slice %arg2[%dma_wait3A_164, %mul3A_150] : memref<32x1000000xf32, #tpu.memory_space<hbm>> -> memref<8x512xf32, #tpu.memory_space<hbm>>
    %dma_wait3A_166 = arith.constant 8 : i32
    %dma_wait3A_167 = arith.constant 0 : i32
    %dma_wait3A_168 = tpu.memref_slice %arg6[%dma_wait3A_166, %dma_wait3A_167] : memref<32x517xf32, #tpu.memory_space<vmem>> -> memref<8x512xf32, #tpu.memory_space<vmem>>
    %dma_wait3A_169 = arith.constant 8 : i32
    %dma_wait3A_170 = tpu.memref_slice %arg2[%dma_wait3A_169, %mul3A_150] : memref<32x1000000xf32, #tpu.memory_space<hbm>> -> memref<8x512xf32, #tpu.memory_space<hbm>>
    tpu.wait_dma2 semaphore(%arg11 : memref<!tpu.dma_semaphore, #tpu.memory_space<semaphore_mem>>) src(%dma_wait3A_170 : memref<8x512xf32, #tpu.memory_space<hbm>>) dst(%dma_wait3A_168 : memref<8x512xf32, #tpu.memory_space<vmem>>)
    %dma_wait3A_171 = arith.constant 16 : i32
    %dma_wait3A_172 = arith.constant 0 : i32
    %dma_wait3A_173 = tpu.memref_slice %arg6[%dma_wait3A_171, %dma_wait3A_172] : memref<32x517xf32, #tpu.memory_space<vmem>> -> memref<8x512xf32, #tpu.memory_space<vmem>>
    %dma_wait3A_174 = arith.constant 16 : i32
    %dma_wait3A_175 = tpu.memref_slice %arg2[%dma_wait3A_174, %mul3A_150] : memref<32x1000000xf32, #tpu.memory_space<hbm>> -> memref<8x512xf32, #tpu.memory_space<hbm>>
    %dma_wait3A_176 = arith.constant 16 : i32
    %dma_wait3A_177 = arith.constant 0 : i32
    %dma_wait3A_178 = tpu.memref_slice %arg6[%dma_wait3A_176, %dma_wait3A_177] : memref<32x517xf32, #tpu.memory_space<vmem>> -> memref<8x512xf32, #tpu.memory_space<vmem>>
    %dma_wait3A_179 = arith.constant 16 : i32
    %dma_wait3A_180 = tpu.memref_slice %arg2[%dma_wait3A_179, %mul3A_150] : memref<32x1000000xf32, #tpu.memory_space<hbm>> -> memref<8x512xf32, #tpu.memory_space<hbm>>
    tpu.wait_dma2 semaphore(%arg11 : memref<!tpu.dma_semaphore, #tpu.memory_space<semaphore_mem>>) src(%dma_wait3A_180 : memref<8x512xf32, #tpu.memory_space<hbm>>) dst(%dma_wait3A_178 : memref<8x512xf32, #tpu.memory_space<vmem>>)
    %dma_wait3A_181 = arith.constant 24 : i32
    %dma_wait3A_182 = arith.constant 0 : i32
    %dma_wait3A_183 = tpu.memref_slice %arg6[%dma_wait3A_181, %dma_wait3A_182] : memref<32x517xf32, #tpu.memory_space<vmem>> -> memref<8x512xf32, #tpu.memory_space<vmem>>
    %dma_wait3A_184 = arith.constant 24 : i32
    %dma_wait3A_185 = tpu.memref_slice %arg2[%dma_wait3A_184, %mul3A_150] : memref<32x1000000xf32, #tpu.memory_space<hbm>> -> memref<8x512xf32, #tpu.memory_space<hbm>>
    %dma_wait3A_186 = arith.constant 24 : i32
    %dma_wait3A_187 = arith.constant 0 : i32
    %dma_wait3A_188 = tpu.memref_slice %arg6[%dma_wait3A_186, %dma_wait3A_187] : memref<32x517xf32, #tpu.memory_space<vmem>> -> memref<8x512xf32, #tpu.memory_space<vmem>>
    %dma_wait3A_189 = arith.constant 24 : i32
    %dma_wait3A_190 = tpu.memref_slice %arg2[%dma_wait3A_189, %mul3A_150] : memref<32x1000000xf32, #tpu.memory_space<hbm>> -> memref<8x512xf32, #tpu.memory_space<hbm>>
    tpu.wait_dma2 semaphore(%arg11 : memref<!tpu.dma_semaphore, #tpu.memory_space<semaphore_mem>>) src(%dma_wait3A_190 : memref<8x512xf32, #tpu.memory_space<hbm>>) dst(%dma_wait3A_188 : memref<8x512xf32, #tpu.memory_space<vmem>>)
    %add3A_191 = arith.constant 64 : i32
    %add3A_192 = arith.addi %add3A, %add3A_191 : i32
    %mul3A_193 = arith.constant 512 : i32
    %mul3A_194 = arith.muli %add3A_192, %mul3A_193 : i32
    %dma_start3A_195 = arith.constant 0 : i32
    %dma_start3A_196 = arith.constant 0 : i32
    %dma_start3A_197 = tpu.memref_slice %arg5[%dma_start3A_195, %dma_start3A_196] : memref<32x517xf32, #tpu.memory_space<vmem>> -> memref<8x512xf32, #tpu.memory_space<vmem>>
    %dma_start3A_198 = arith.constant 0 : i32
    %dma_start3A_199 = tpu.memref_slice %arg2[%dma_start3A_198, %mul3A_194] : memref<32x1000000xf32, #tpu.memory_space<hbm>> -> memref<8x512xf32, #tpu.memory_space<hbm>>
    %dma_start3A_200 = arith.constant 0 : i32
    %dma_start3A_201 = arith.constant 0 : i32
    %dma_start3A_202 = tpu.memref_slice %arg5[%dma_start3A_200, %dma_start3A_201] : memref<32x517xf32, #tpu.memory_space<vmem>> -> memref<8x512xf32, #tpu.memory_space<vmem>>
    %dma_start3A_203 = arith.constant 0 : i32
    %dma_start3A_204 = tpu.memref_slice %arg2[%dma_start3A_203, %mul3A_194] : memref<32x1000000xf32, #tpu.memory_space<hbm>> -> memref<8x512xf32, #tpu.memory_space<hbm>>
    tpu.enqueue_dma source(%dma_start3A_204 : memref<8x512xf32, #tpu.memory_space<hbm>>) target(%dma_start3A_202 : memref<8x512xf32, #tpu.memory_space<vmem>>) target_semaphore(%arg10 : memref<!tpu.dma_semaphore, #tpu.memory_space<semaphore_mem>>)
    %dma_start3A_205 = arith.constant 8 : i32
    %dma_start3A_206 = arith.constant 0 : i32
    %dma_start3A_207 = tpu.memref_slice %arg5[%dma_start3A_205, %dma_start3A_206] : memref<32x517xf32, #tpu.memory_space<vmem>> -> memref<8x512xf32, #tpu.memory_space<vmem>>
    %dma_start3A_208 = arith.constant 8 : i32
    %dma_start3A_209 = tpu.memref_slice %arg2[%dma_start3A_208, %mul3A_194] : memref<32x1000000xf32, #tpu.memory_space<hbm>> -> memref<8x512xf32, #tpu.memory_space<hbm>>
    %dma_start3A_210 = arith.constant 8 : i32
    %dma_start3A_211 = arith.constant 0 : i32
    %dma_start3A_212 = tpu.memref_slice %arg5[%dma_start3A_210, %dma_start3A_211] : memref<32x517xf32, #tpu.memory_space<vmem>> -> memref<8x512xf32, #tpu.memory_space<vmem>>
    %dma_start3A_213 = arith.constant 8 : i32
    %dma_start3A_214 = tpu.memref_slice %arg2[%dma_start3A_213, %mul3A_194] : memref<32x1000000xf32, #tpu.memory_space<hbm>> -> memref<8x512xf32, #tpu.memory_space<hbm>>
    tpu.enqueue_dma source(%dma_start3A_214 : memref<8x512xf32, #tpu.memory_space<hbm>>) target(%dma_start3A_212 : memref<8x512xf32, #tpu.memory_space<vmem>>) target_semaphore(%arg10 : memref<!tpu.dma_semaphore, #tpu.memory_space<semaphore_mem>>)
    %dma_start3A_215 = arith.constant 16 : i32
    %dma_start3A_216 = arith.constant 0 : i32
    %dma_start3A_217 = tpu.memref_slice %arg5[%dma_start3A_215, %dma_start3A_216] : memref<32x517xf32, #tpu.memory_space<vmem>> -> memref<8x512xf32, #tpu.memory_space<vmem>>
    %dma_start3A_218 = arith.constant 16 : i32
    %dma_start3A_219 = tpu.memref_slice %arg2[%dma_start3A_218, %mul3A_194] : memref<32x1000000xf32, #tpu.memory_space<hbm>> -> memref<8x512xf32, #tpu.memory_space<hbm>>
    %dma_start3A_220 = arith.constant 16 : i32
    %dma_start3A_221 = arith.constant 0 : i32
    %dma_start3A_222 = tpu.memref_slice %arg5[%dma_start3A_220, %dma_start3A_221] : memref<32x517xf32, #tpu.memory_space<vmem>> -> memref<8x512xf32, #tpu.memory_space<vmem>>
    %dma_start3A_223 = arith.constant 16 : i32
    %dma_start3A_224 = tpu.memref_slice %arg2[%dma_start3A_223, %mul3A_194] : memref<32x1000000xf32, #tpu.memory_space<hbm>> -> memref<8x512xf32, #tpu.memory_space<hbm>>
    tpu.enqueue_dma source(%dma_start3A_224 : memref<8x512xf32, #tpu.memory_space<hbm>>) target(%dma_start3A_222 : memref<8x512xf32, #tpu.memory_space<vmem>>) target_semaphore(%arg10 : memref<!tpu.dma_semaphore, #tpu.memory_space<semaphore_mem>>)
    %dma_start3A_225 = arith.constant 24 : i32
    %dma_start3A_226 = arith.constant 0 : i32
    %dma_start3A_227 = tpu.memref_slice %arg5[%dma_start3A_225, %dma_start3A_226] : memref<32x517xf32, #tpu.memory_space<vmem>> -> memref<8x512xf32, #tpu.memory_space<vmem>>
    %dma_start3A_228 = arith.constant 24 : i32
    %dma_start3A_229 = tpu.memref_slice %arg2[%dma_start3A_228, %mul3A_194] : memref<32x1000000xf32, #tpu.memory_space<hbm>> -> memref<8x512xf32, #tpu.memory_space<hbm>>
    %dma_start3A_230 = arith.constant 24 : i32
    %dma_start3A_231 = arith.constant 0 : i32
    %dma_start3A_232 = tpu.memref_slice %arg5[%dma_start3A_230, %dma_start3A_231] : memref<32x517xf32, #tpu.memory_space<vmem>> -> memref<8x512xf32, #tpu.memory_space<vmem>>
    %dma_start3A_233 = arith.constant 24 : i32
    %dma_start3A_234 = tpu.memref_slice %arg2[%dma_start3A_233, %mul3A_194] : memref<32x1000000xf32, #tpu.memory_space<hbm>> -> memref<8x512xf32, #tpu.memory_space<hbm>>
    tpu.enqueue_dma source(%dma_start3A_234 : memref<8x512xf32, #tpu.memory_space<hbm>>) target(%dma_start3A_232 : memref<8x512xf32, #tpu.memory_space<vmem>>) target_semaphore(%arg10 : memref<!tpu.dma_semaphore, #tpu.memory_space<semaphore_mem>>)
    %parallel_loop3A_235 = arith.constant 0 : i32
    %parallel_loop3A_236 = arith.constant 512 : i32
    %parallel_loop3A_237 = arith.constant 1 : i32
    scf.for %parallel_loop3A_336 = %parallel_loop3A_235 to %parallel_loop3A_236 step %parallel_loop3A_237  : i32 {
      %parallel_loop3A_337 = vector.broadcast %parallel_loop3A_336 : i32 to vector<16xi32>
      %parallel_loop3A_338 = tpu.vector_load_idx %arg6[%add3A_3, %parallel_loop3A_337] : memref<32x517xf32, #tpu.memory_space<vmem>>[vector<16xi32>, vector<16xi32>], vector<16xf32>,
      %parallel_loop3A_339 = arith.constant 32 : i32
      %parallel_loop3A_340 = arith.muli %parallel_loop3A_336, %parallel_loop3A_339 : i32
      %parallel_loop3A_341 = arith.constant 0 : i32
      %parallel_loop3A_342 = arith.addi %parallel_loop3A_340, %parallel_loop3A_341 : i32
      %parallel_loop3A_343 = arith.index_cast %parallel_loop3A_342 : i32 to index
      %parallel_loop3A_344 = tpu.vector_load %arg8[%parallel_loop3A_343] {strides = array<i32>} : memref<16384xf32, #tpu.memory_space<vmem>>, vector<16xf32>,
      tpu.vector_store %arg8[%parallel_loop3A_343], %parallel_loop3A_338 {strides = array<i32>} : memref<16384xf32, #tpu.memory_space<vmem>>, vector<16xf32>,
      %parallel_loop3A_345 = tpu.vector_load_idx %arg6[%add3A_6, %parallel_loop3A_337] : memref<32x517xf32, #tpu.memory_space<vmem>>[vector<16xi32>, vector<16xi32>], vector<16xf32>,
      %parallel_loop3A_346 = arith.constant 32 : i32
      %parallel_loop3A_347 = arith.muli %parallel_loop3A_336, %parallel_loop3A_346 : i32
      %parallel_loop3A_348 = arith.constant 16 : i32
      %parallel_loop3A_349 = arith.addi %parallel_loop3A_347, %parallel_loop3A_348 : i32
      %parallel_loop3A_350 = arith.index_cast %parallel_loop3A_349 : i32 to index
      %parallel_loop3A_351 = tpu.vector_load %arg8[%parallel_loop3A_350] {strides = array<i32>} : memref<16384xf32, #tpu.memory_space<vmem>>, vector<16xf32>,
      tpu.vector_store %arg8[%parallel_loop3A_350], %parallel_loop3A_345 {strides = array<i32>} : memref<16384xf32, #tpu.memory_space<vmem>>, vector<16xf32>,
    } {sc.loop_unroll_factor = 4 : i64, sc.parallel_access}
    %add3A_238 = arith.constant 32 : i32
    %add3A_239 = arith.addi %add3A, %add3A_238 : i32
    %mul3A_240 = arith.constant 512 : i32
    %mul3A_241 = arith.muli %add3A_239, %mul3A_240 : i32
    %mul3A_242 = arith.constant 32 : i32
    %mul3A_243 = arith.muli %mul3A_241, %mul3A_242 : i32
    %dma_start3A_244 = tpu.memref_slice %arg4[%mul3A_243] : memref<32000000xf32, #tpu.memory_space<hbm>> -> memref<16384xf32, #tpu.memory_space<hbm>>
    %dma_start3A_245 = tpu.memref_slice %arg4[%mul3A_243] : memref<32000000xf32, #tpu.memory_space<hbm>> -> memref<16384xf32, #tpu.memory_space<hbm>>
    tpu.enqueue_dma source(%arg8 : memref<16384xf32, #tpu.memory_space<vmem>>) target(%dma_start3A_245 : memref<16384xf32, #tpu.memory_space<hbm>>) target_semaphore(%arg13 : memref<!tpu.dma_semaphore, #tpu.memory_space<semaphore_mem>>)
    %scan3A = arith.constant 0 : i32
    %scan3A_246 = arith.constant 29 : i32
    %scan3A_247 = arith.addi %scan3A, %scan3A_246 : i32
    %scan3A_248 = arith.constant 1 : i32
    scf.for %scan3A_336 = %scan3A to %scan3A_247 step %scan3A_248  : i32 {
      %mul3A_337 = arith.constant 1 : i32
      %mul3A_338 = arith.muli %scan3A_336, %mul3A_337 : i32
      %add3A_339 = arith.constant 1 : i32
      %add3A_340 = arith.addi %add3A_339, %mul3A_338 : i32
      %mul3A_341 = arith.constant 2 : i32
      %mul3A_342 = arith.muli %add3A_340, %mul3A_341 : i32
      %add3A_343 = arith.constant 0 : i32
      %add3A_344 = arith.addi %mul3A_342, %add3A_343 : i32
      %mul3A_345 = arith.constant 32 : i32
      %mul3A_346 = arith.muli %add3A_344, %mul3A_345 : i32
      %add3A_347 = arith.addi %add3A, %mul3A_346 : i32
      %mul3A_348 = arith.constant 512 : i32
      %mul3A_349 = arith.muli %add3A_347, %mul3A_348 : i32
      %dma_wait3A_350 = arith.constant 0 : i32
      %dma_wait3A_351 = arith.constant 0 : i32
      %dma_wait3A_352 = tpu.memref_slice %arg5[%dma_wait3A_350, %dma_wait3A_351] : memref<32x517xf32, #tpu.memory_space<vmem>> -> memref<8x512xf32, #tpu.memory_space<vmem>>
      %dma_wait3A_353 = arith.constant 0 : i32
      %dma_wait3A_354 = tpu.memref_slice %arg2[%dma_wait3A_353, %mul3A_349] : memref<32x1000000xf32, #tpu.memory_space<hbm>> -> memref<8x512xf32, #tpu.memory_space<hbm>>
      %dma_wait3A_355 = arith.constant 0 : i32
      %dma_wait3A_356 = arith.constant 0 : i32
      %dma_wait3A_357 = tpu.memref_slice %arg5[%dma_wait3A_355, %dma_wait3A_356] : memref<32x517xf32, #tpu.memory_space<vmem>> -> memref<8x512xf32, #tpu.memory_space<vmem>>
      %dma_wait3A_358 = arith.constant 0 : i32
      %dma_wait3A_359 = tpu.memref_slice %arg2[%dma_wait3A_358, %mul3A_349] : memref<32x1000000xf32, #tpu.memory_space<hbm>> -> memref<8x512xf32, #tpu.memory_space<hbm>>
      tpu.wait_dma2 semaphore(%arg10 : memref<!tpu.dma_semaphore, #tpu.memory_space<semaphore_mem>>) src(%dma_wait3A_359 : memref<8x512xf32, #tpu.memory_space<hbm>>) dst(%dma_wait3A_357 : memref<8x512xf32, #tpu.memory_space<vmem>>)
      %dma_wait3A_360 = arith.constant 8 : i32
      %dma_wait3A_361 = arith.constant 0 : i32
      %dma_wait3A_362 = tpu.memref_slice %arg5[%dma_wait3A_360, %dma_wait3A_361] : memref<32x517xf32, #tpu.memory_space<vmem>> -> memref<8x512xf32, #tpu.memory_space<vmem>>
      %dma_wait3A_363 = arith.constant 8 : i32
      %dma_wait3A_364 = tpu.memref_slice %arg2[%dma_wait3A_363, %mul3A_349] : memref<32x1000000xf32, #tpu.memory_space<hbm>> -> memref<8x512xf32, #tpu.memory_space<hbm>>
      %dma_wait3A_365 = arith.constant 8 : i32
      %dma_wait3A_366 = arith.constant 0 : i32
      %dma_wait3A_367 = tpu.memref_slice %arg5[%dma_wait3A_365, %dma_wait3A_366] : memref<32x517xf32, #tpu.memory_space<vmem>> -> memref<8x512xf32, #tpu.memory_space<vmem>>
      %dma_wait3A_368 = arith.constant 8 : i32
      %dma_wait3A_369 = tpu.memref_slice %arg2[%dma_wait3A_368, %mul3A_349] : memref<32x1000000xf32, #tpu.memory_space<hbm>> -> memref<8x512xf32, #tpu.memory_space<hbm>>
      tpu.wait_dma2 semaphore(%arg10 : memref<!tpu.dma_semaphore, #tpu.memory_space<semaphore_mem>>) src(%dma_wait3A_369 : memref<8x512xf32, #tpu.memory_space<hbm>>) dst(%dma_wait3A_367 : memref<8x512xf32, #tpu.memory_space<vmem>>)
      %dma_wait3A_370 = arith.constant 16 : i32
      %dma_wait3A_371 = arith.constant 0 : i32
      %dma_wait3A_372 = tpu.memref_slice %arg5[%dma_wait3A_370, %dma_wait3A_371] : memref<32x517xf32, #tpu.memory_space<vmem>> -> memref<8x512xf32, #tpu.memory_space<vmem>>
      %dma_wait3A_373 = arith.constant 16 : i32
      %dma_wait3A_374 = tpu.memref_slice %arg2[%dma_wait3A_373, %mul3A_349] : memref<32x1000000xf32, #tpu.memory_space<hbm>> -> memref<8x512xf32, #tpu.memory_space<hbm>>
      %dma_wait3A_375 = arith.constant 16 : i32
      %dma_wait3A_376 = arith.constant 0 : i32
      %dma_wait3A_377 = tpu.memref_slice %arg5[%dma_wait3A_375, %dma_wait3A_376] : memref<32x517xf32, #tpu.memory_space<vmem>> -> memref<8x512xf32, #tpu.memory_space<vmem>>
      %dma_wait3A_378 = arith.constant 16 : i32
      %dma_wait3A_379 = tpu.memref_slice %arg2[%dma_wait3A_378, %mul3A_349] : memref<32x1000000xf32, #tpu.memory_space<hbm>> -> memref<8x512xf32, #tpu.memory_space<hbm>>
      tpu.wait_dma2 semaphore(%arg10 : memref<!tpu.dma_semaphore, #tpu.memory_space<semaphore_mem>>) src(%dma_wait3A_379 : memref<8x512xf32, #tpu.memory_space<hbm>>) dst(%dma_wait3A_377 : memref<8x512xf32, #tpu.memory_space<vmem>>)
      %dma_wait3A_380 = arith.constant 24 : i32
      %dma_wait3A_381 = arith.constant 0 : i32
      %dma_wait3A_382 = tpu.memref_slice %arg5[%dma_wait3A_380, %dma_wait3A_381] : memref<32x517xf32, #tpu.memory_space<vmem>> -> memref<8x512xf32, #tpu.memory_space<vmem>>
      %dma_wait3A_383 = arith.constant 24 : i32
      %dma_wait3A_384 = tpu.memref_slice %arg2[%dma_wait3A_383, %mul3A_349] : memref<32x1000000xf32, #tpu.memory_space<hbm>> -> memref<8x512xf32, #tpu.memory_space<hbm>>
      %dma_wait3A_385 = arith.constant 24 : i32
      %dma_wait3A_386 = arith.constant 0 : i32
      %dma_wait3A_387 = tpu.memref_slice %arg5[%dma_wait3A_385, %dma_wait3A_386] : memref<32x517xf32, #tpu.memory_space<vmem>> -> memref<8x512xf32, #tpu.memory_space<vmem>>
      %dma_wait3A_388 = arith.constant 24 : i32
      %dma_wait3A_389 = tpu.memref_slice %arg2[%dma_wait3A_388, %mul3A_349] : memref<32x1000000xf32, #tpu.memory_space<hbm>> -> memref<8x512xf32, #tpu.memory_space<hbm>>
      tpu.wait_dma2 semaphore(%arg10 : memref<!tpu.dma_semaphore, #tpu.memory_space<semaphore_mem>>) src(%dma_wait3A_389 : memref<8x512xf32, #tpu.memory_space<hbm>>) dst(%dma_wait3A_387 : memref<8x512xf32, #tpu.memory_space<vmem>>)
      %add3A_390 = arith.constant 1 : i32
      %add3A_391 = arith.addi %add3A_344, %add3A_390 : i32
      %mul3A_392 = arith.constant 32 : i32
      %mul3A_393 = arith.muli %add3A_391, %mul3A_392 : i32
      %add3A_394 = arith.addi %add3A, %mul3A_393 : i32
      %mul3A_395 = arith.constant 512 : i32
      %mul3A_396 = arith.muli %add3A_394, %mul3A_395 : i32
      %dma_start3A_397 = arith.constant 0 : i32
      %dma_start3A_398 = arith.constant 0 : i32
      %dma_start3A_399 = tpu.memref_slice %arg6[%dma_start3A_397, %dma_start3A_398] : memref<32x517xf32, #tpu.memory_space<vmem>> -> memref<8x512xf32, #tpu.memory_space<vmem>>
      %dma_start3A_400 = arith.constant 0 : i32
      %dma_start3A_401 = tpu.memref_slice %arg2[%dma_start3A_400, %mul3A_396] : memref<32x1000000xf32, #tpu.memory_space<hbm>> -> memref<8x512xf32, #tpu.memory_space<hbm>>
      %dma_start3A_402 = arith.constant 0 : i32
      %dma_start3A_403 = arith.constant 0 : i32
      %dma_start3A_404 = tpu.memref_slice %arg6[%dma_start3A_402, %dma_start3A_403] : memref<32x517xf32, #tpu.memory_space<vmem>> -> memref<8x512xf32, #tpu.memory_space<vmem>>
      %dma_start3A_405 = arith.constant 0 : i32
      %dma_start3A_406 = tpu.memref_slice %arg2[%dma_start3A_405, %mul3A_396] : memref<32x1000000xf32, #tpu.memory_space<hbm>> -> memref<8x512xf32, #tpu.memory_space<hbm>>
      tpu.enqueue_dma source(%dma_start3A_406 : memref<8x512xf32, #tpu.memory_space<hbm>>) target(%dma_start3A_404 : memref<8x512xf32, #tpu.memory_space<vmem>>) target_semaphore(%arg11 : memref<!tpu.dma_semaphore, #tpu.memory_space<semaphore_mem>>)
      %dma_start3A_407 = arith.constant 8 : i32
      %dma_start3A_408 = arith.constant 0 : i32
      %dma_start3A_409 = tpu.memref_slice %arg6[%dma_start3A_407, %dma_start3A_408] : memref<32x517xf32, #tpu.memory_space<vmem>> -> memref<8x512xf32, #tpu.memory_space<vmem>>
      %dma_start3A_410 = arith.constant 8 : i32
      %dma_start3A_411 = tpu.memref_slice %arg2[%dma_start3A_410, %mul3A_396] : memref<32x1000000xf32, #tpu.memory_space<hbm>> -> memref<8x512xf32, #tpu.memory_space<hbm>>
      %dma_start3A_412 = arith.constant 8 : i32
      %dma_start3A_413 = arith.constant 0 : i32
      %dma_start3A_414 = tpu.memref_slice %arg6[%dma_start3A_412, %dma_start3A_413] : memref<32x517xf32, #tpu.memory_space<vmem>> -> memref<8x512xf32, #tpu.memory_space<vmem>>
      %dma_start3A_415 = arith.constant 8 : i32
      %dma_start3A_416 = tpu.memref_slice %arg2[%dma_start3A_415, %mul3A_396] : memref<32x1000000xf32, #tpu.memory_space<hbm>> -> memref<8x512xf32, #tpu.memory_space<hbm>>
      tpu.enqueue_dma source(%dma_start3A_416 : memref<8x512xf32, #tpu.memory_space<hbm>>) target(%dma_start3A_414 : memref<8x512xf32, #tpu.memory_space<vmem>>) target_semaphore(%arg11 : memref<!tpu.dma_semaphore, #tpu.memory_space<semaphore_mem>>)
      %dma_start3A_417 = arith.constant 16 : i32
      %dma_start3A_418 = arith.constant 0 : i32
      %dma_start3A_419 = tpu.memref_slice %arg6[%dma_start3A_417, %dma_start3A_418] : memref<32x517xf32, #tpu.memory_space<vmem>> -> memref<8x512xf32, #tpu.memory_space<vmem>>
      %dma_start3A_420 = arith.constant 16 : i32
      %dma_start3A_421 = tpu.memref_slice %arg2[%dma_start3A_420, %mul3A_396] : memref<32x1000000xf32, #tpu.memory_space<hbm>> -> memref<8x512xf32, #tpu.memory_space<hbm>>
      %dma_start3A_422 = arith.constant 16 : i32
      %dma_start3A_423 = arith.constant 0 : i32
      %dma_start3A_424 = tpu.memref_slice %arg6[%dma_start3A_422, %dma_start3A_423] : memref<32x517xf32, #tpu.memory_space<vmem>> -> memref<8x512xf32, #tpu.memory_space<vmem>>
      %dma_start3A_425 = arith.constant 16 : i32
      %dma_start3A_426 = tpu.memref_slice %arg2[%dma_start3A_425, %mul3A_396] : memref<32x1000000xf32, #tpu.memory_space<hbm>> -> memref<8x512xf32, #tpu.memory_space<hbm>>
      tpu.enqueue_dma source(%dma_start3A_426 : memref<8x512xf32, #tpu.memory_space<hbm>>) target(%dma_start3A_424 : memref<8x512xf32, #tpu.memory_space<vmem>>) target_semaphore(%arg11 : memref<!tpu.dma_semaphore, #tpu.memory_space<semaphore_mem>>)
      %dma_start3A_427 = arith.constant 24 : i32
      %dma_start3A_428 = arith.constant 0 : i32
      %dma_start3A_429 = tpu.memref_slice %arg6[%dma_start3A_427, %dma_start3A_428] : memref<32x517xf32, #tpu.memory_space<vmem>> -> memref<8x512xf32, #tpu.memory_space<vmem>>
      %dma_start3A_430 = arith.constant 24 : i32
      %dma_start3A_431 = tpu.memref_slice %arg2[%dma_start3A_430, %mul3A_396] : memref<32x1000000xf32, #tpu.memory_space<hbm>> -> memref<8x512xf32, #tpu.memory_space<hbm>>
      %dma_start3A_432 = arith.constant 24 : i32
      %dma_start3A_433 = arith.constant 0 : i32
      %dma_start3A_434 = tpu.memref_slice %arg6[%dma_start3A_432, %dma_start3A_433] : memref<32x517xf32, #tpu.memory_space<vmem>> -> memref<8x512xf32, #tpu.memory_space<vmem>>
      %dma_start3A_435 = arith.constant 24 : i32
      %dma_start3A_436 = tpu.memref_slice %arg2[%dma_start3A_435, %mul3A_396] : memref<32x1000000xf32, #tpu.memory_space<hbm>> -> memref<8x512xf32, #tpu.memory_space<hbm>>
      tpu.enqueue_dma source(%dma_start3A_436 : memref<8x512xf32, #tpu.memory_space<hbm>>) target(%dma_start3A_434 : memref<8x512xf32, #tpu.memory_space<vmem>>) target_semaphore(%arg11 : memref<!tpu.dma_semaphore, #tpu.memory_space<semaphore_mem>>)
      %sub3A = arith.constant 2 : i32
      %sub3A_437 = arith.subi %add3A_344, %sub3A : i32
      %mul3A_438 = arith.constant 32 : i32
      %mul3A_439 = arith.muli %sub3A_437, %mul3A_438 : i32
      %add3A_440 = arith.addi %add3A, %mul3A_439 : i32
      %mul3A_441 = arith.constant 512 : i32
      %mul3A_442 = arith.muli %add3A_440, %mul3A_441 : i32
      %mul3A_443 = arith.constant 32 : i32
      %mul3A_444 = arith.muli %mul3A_442, %mul3A_443 : i32
      %dma_wait3A_445 = tpu.memref_slice %arg4[%mul3A_444] : memref<32000000xf32, #tpu.memory_space<hbm>> -> memref<16384xf32, #tpu.memory_space<hbm>>
      %dma_wait3A_446 = tpu.memref_slice %arg4[%mul3A_444] : memref<32000000xf32, #tpu.memory_space<hbm>> -> memref<16384xf32, #tpu.memory_space<hbm>>
      tpu.wait_dma2 semaphore(%arg12 : memref<!tpu.dma_semaphore, #tpu.memory_space<semaphore_mem>>) src(%arg7 : memref<16384xf32, #tpu.memory_space<vmem>>) dst(%dma_wait3A_446 : memref<16384xf32, #tpu.memory_space<hbm>>)
      %parallel_loop3A_447 = arith.constant 0 : i32
      %parallel_loop3A_448 = arith.constant 512 : i32
      %parallel_loop3A_449 = arith.constant 1 : i32
      scf.for %parallel_loop3A_578 = %parallel_loop3A_447 to %parallel_loop3A_448 step %parallel_loop3A_449  : i32 {
        %parallel_loop3A_579 = vector.broadcast %parallel_loop3A_578 : i32 to vector<16xi32>
        %parallel_loop3A_580 = tpu.vector_load_idx %arg5[%add3A_3, %parallel_loop3A_579] : memref<32x517xf32, #tpu.memory_space<vmem>>[vector<16xi32>, vector<16xi32>], vector<16xf32>,
        %parallel_loop3A_581 = arith.constant 32 : i32
        %parallel_loop3A_582 = arith.muli %parallel_loop3A_578, %parallel_loop3A_581 : i32
        %parallel_loop3A_583 = arith.constant 0 : i32
        %parallel_loop3A_584 = arith.addi %parallel_loop3A_582, %parallel_loop3A_583 : i32
        %parallel_loop3A_585 = arith.index_cast %parallel_loop3A_584 : i32 to index
        %parallel_loop3A_586 = tpu.vector_load %arg7[%parallel_loop3A_585] {strides = array<i32>} : memref<16384xf32, #tpu.memory_space<vmem>>, vector<16xf32>,
        tpu.vector_store %arg7[%parallel_loop3A_585], %parallel_loop3A_580 {strides = array<i32>} : memref<16384xf32, #tpu.memory_space<vmem>>, vector<16xf32>,
        %parallel_loop3A_587 = tpu.vector_load_idx %arg5[%add3A_6, %parallel_loop3A_579] : memref<32x517xf32, #tpu.memory_space<vmem>>[vector<16xi32>, vector<16xi32>], vector<16xf32>,
        %parallel_loop3A_588 = arith.constant 32 : i32
        %parallel_loop3A_589 = arith.muli %parallel_loop3A_578, %parallel_loop3A_588 : i32
        %parallel_loop3A_590 = arith.constant 16 : i32
        %parallel_loop3A_591 = arith.addi %parallel_loop3A_589, %parallel_loop3A_590 : i32
        %parallel_loop3A_592 = arith.index_cast %parallel_loop3A_591 : i32 to index
        %parallel_loop3A_593 = tpu.vector_load %arg7[%parallel_loop3A_592] {strides = array<i32>} : memref<16384xf32, #tpu.memory_space<vmem>>, vector<16xf32>,
        tpu.vector_store %arg7[%parallel_loop3A_592], %parallel_loop3A_587 {strides = array<i32>} : memref<16384xf32, #tpu.memory_space<vmem>>, vector<16xf32>,
      } {sc.loop_unroll_factor = 4 : i64, sc.parallel_access}
      %mul3A_450 = arith.constant 32 : i32
      %mul3A_451 = arith.muli %add3A_344, %mul3A_450 : i32
      %add3A_452 = arith.addi %add3A, %mul3A_451 : i32
      %mul3A_453 = arith.constant 512 : i32
      %mul3A_454 = arith.muli %add3A_452, %mul3A_453 : i32
      %mul3A_455 = arith.constant 32 : i32
      %mul3A_456 = arith.muli %mul3A_454, %mul3A_455 : i32
      %dma_start3A_457 = tpu.memref_slice %arg4[%mul3A_456] : memref<32000000xf32, #tpu.memory_space<hbm>> -> memref<16384xf32, #tpu.memory_space<hbm>>
      %dma_start3A_458 = tpu.memref_slice %arg4[%mul3A_456] : memref<32000000xf32, #tpu.memory_space<hbm>> -> memref<16384xf32, #tpu.memory_space<hbm>>
      tpu.enqueue_dma source(%arg7 : memref<16384xf32, #tpu.memory_space<vmem>>) target(%dma_start3A_458 : memref<16384xf32, #tpu.memory_space<hbm>>) target_semaphore(%arg12 : memref<!tpu.dma_semaphore, #tpu.memory_space<semaphore_mem>>)
      %mul3A_459 = arith.constant 2 : i32
      %mul3A_460 = arith.muli %add3A_340, %mul3A_459 : i32
      %add3A_461 = arith.constant 1 : i32
      %add3A_462 = arith.addi %mul3A_460, %add3A_461 : i32
      %mul3A_463 = arith.constant 32 : i32
      %mul3A_464 = arith.muli %add3A_462, %mul3A_463 : i32
      %add3A_465 = arith.addi %add3A, %mul3A_464 : i32
      %mul3A_466 = arith.constant 512 : i32
      %mul3A_467 = arith.muli %add3A_465, %mul3A_466 : i32
      %dma_wait3A_468 = arith.constant 0 : i32
      %dma_wait3A_469 = arith.constant 0 : i32
      %dma_wait3A_470 = tpu.memref_slice %arg6[%dma_wait3A_468, %dma_wait3A_469] : memref<32x517xf32, #tpu.memory_space<vmem>> -> memref<8x512xf32, #tpu.memory_space<vmem>>
      %dma_wait3A_471 = arith.constant 0 : i32
      %dma_wait3A_472 = tpu.memref_slice %arg2[%dma_wait3A_471, %mul3A_467] : memref<32x1000000xf32, #tpu.memory_space<hbm>> -> memref<8x512xf32, #tpu.memory_space<hbm>>
      %dma_wait3A_473 = arith.constant 0 : i32
      %dma_wait3A_474 = arith.constant 0 : i32
      %dma_wait3A_475 = tpu.memref_slice %arg6[%dma_wait3A_473, %dma_wait3A_474] : memref<32x517xf32, #tpu.memory_space<vmem>> -> memref<8x512xf32, #tpu.memory_space<vmem>>
      %dma_wait3A_476 = arith.constant 0 : i32
      %dma_wait3A_477 = tpu.memref_slice %arg2[%dma_wait3A_476, %mul3A_467] : memref<32x1000000xf32, #tpu.memory_space<hbm>> -> memref<8x512xf32, #tpu.memory_space<hbm>>
      tpu.wait_dma2 semaphore(%arg11 : memref<!tpu.dma_semaphore, #tpu.memory_space<semaphore_mem>>) src(%dma_wait3A_477 : memref<8x512xf32, #tpu.memory_space<hbm>>) dst(%dma_wait3A_475 : memref<8x512xf32, #tpu.memory_space<vmem>>)
      %dma_wait3A_478 = arith.constant 8 : i32
      %dma_wait3A_479 = arith.constant 0 : i32
      %dma_wait3A_480 = tpu.memref_slice %arg6[%dma_wait3A_478, %dma_wait3A_479] : memref<32x517xf32, #tpu.memory_space<vmem>> -> memref<8x512xf32, #tpu.memory_space<vmem>>
      %dma_wait3A_481 = arith.constant 8 : i32
      %dma_wait3A_482 = tpu.memref_slice %arg2[%dma_wait3A_481, %mul3A_467] : memref<32x1000000xf32, #tpu.memory_space<hbm>> -> memref<8x512xf32, #tpu.memory_space<hbm>>
      %dma_wait3A_483 = arith.constant 8 : i32
      %dma_wait3A_484 = arith.constant 0 : i32
      %dma_wait3A_485 = tpu.memref_slice %arg6[%dma_wait3A_483, %dma_wait3A_484] : memref<32x517xf32, #tpu.memory_space<vmem>> -> memref<8x512xf32, #tpu.memory_space<vmem>>
      %dma_wait3A_486 = arith.constant 8 : i32
      %dma_wait3A_487 = tpu.memref_slice %arg2[%dma_wait3A_486, %mul3A_467] : memref<32x1000000xf32, #tpu.memory_space<hbm>> -> memref<8x512xf32, #tpu.memory_space<hbm>>
      tpu.wait_dma2 semaphore(%arg11 : memref<!tpu.dma_semaphore, #tpu.memory_space<semaphore_mem>>) src(%dma_wait3A_487 : memref<8x512xf32, #tpu.memory_space<hbm>>) dst(%dma_wait3A_485 : memref<8x512xf32, #tpu.memory_space<vmem>>)
      %dma_wait3A_488 = arith.constant 16 : i32
      %dma_wait3A_489 = arith.constant 0 : i32
      %dma_wait3A_490 = tpu.memref_slice %arg6[%dma_wait3A_488, %dma_wait3A_489] : memref<32x517xf32, #tpu.memory_space<vmem>> -> memref<8x512xf32, #tpu.memory_space<vmem>>
      %dma_wait3A_491 = arith.constant 16 : i32
      %dma_wait3A_492 = tpu.memref_slice %arg2[%dma_wait3A_491, %mul3A_467] : memref<32x1000000xf32, #tpu.memory_space<hbm>> -> memref<8x512xf32, #tpu.memory_space<hbm>>
      %dma_wait3A_493 = arith.constant 16 : i32
      %dma_wait3A_494 = arith.constant 0 : i32
      %dma_wait3A_495 = tpu.memref_slice %arg6[%dma_wait3A_493, %dma_wait3A_494] : memref<32x517xf32, #tpu.memory_space<vmem>> -> memref<8x512xf32, #tpu.memory_space<vmem>>
      %dma_wait3A_496 = arith.constant 16 : i32
      %dma_wait3A_497 = tpu.memref_slice %arg2[%dma_wait3A_496, %mul3A_467] : memref<32x1000000xf32, #tpu.memory_space<hbm>> -> memref<8x512xf32, #tpu.memory_space<hbm>>
      tpu.wait_dma2 semaphore(%arg11 : memref<!tpu.dma_semaphore, #tpu.memory_space<semaphore_mem>>) src(%dma_wait3A_497 : memref<8x512xf32, #tpu.memory_space<hbm>>) dst(%dma_wait3A_495 : memref<8x512xf32, #tpu.memory_space<vmem>>)
      %dma_wait3A_498 = arith.constant 24 : i32
      %dma_wait3A_499 = arith.constant 0 : i32
      %dma_wait3A_500 = tpu.memref_slice %arg6[%dma_wait3A_498, %dma_wait3A_499] : memref<32x517xf32, #tpu.memory_space<vmem>> -> memref<8x512xf32, #tpu.memory_space<vmem>>
      %dma_wait3A_501 = arith.constant 24 : i32
      %dma_wait3A_502 = tpu.memref_slice %arg2[%dma_wait3A_501, %mul3A_467] : memref<32x1000000xf32, #tpu.memory_space<hbm>> -> memref<8x512xf32, #tpu.memory_space<hbm>>
      %dma_wait3A_503 = arith.constant 24 : i32
      %dma_wait3A_504 = arith.constant 0 : i32
      %dma_wait3A_505 = tpu.memref_slice %arg6[%dma_wait3A_503, %dma_wait3A_504] : memref<32x517xf32, #tpu.memory_space<vmem>> -> memref<8x512xf32, #tpu.memory_space<vmem>>
      %dma_wait3A_506 = arith.constant 24 : i32
      %dma_wait3A_507 = tpu.memref_slice %arg2[%dma_wait3A_506, %mul3A_467] : memref<32x1000000xf32, #tpu.memory_space<hbm>> -> memref<8x512xf32, #tpu.memory_space<hbm>>
      tpu.wait_dma2 semaphore(%arg11 : memref<!tpu.dma_semaphore, #tpu.memory_space<semaphore_mem>>) src(%dma_wait3A_507 : memref<8x512xf32, #tpu.memory_space<hbm>>) dst(%dma_wait3A_505 : memref<8x512xf32, #tpu.memory_space<vmem>>)
      %add3A_508 = arith.constant 1 : i32
      %add3A_509 = arith.addi %add3A_462, %add3A_508 : i32
      %mul3A_510 = arith.constant 32 : i32
      %mul3A_511 = arith.muli %add3A_509, %mul3A_510 : i32
      %add3A_512 = arith.addi %add3A, %mul3A_511 : i32
      %mul3A_513 = arith.constant 512 : i32
      %mul3A_514 = arith.muli %add3A_512, %mul3A_513 : i32
      %dma_start3A_515 = arith.constant 0 : i32
      %dma_start3A_516 = arith.constant 0 : i32
      %dma_start3A_517 = tpu.memref_slice %arg5[%dma_start3A_515, %dma_start3A_516] : memref<32x517xf32, #tpu.memory_space<vmem>> -> memref<8x512xf32, #tpu.memory_space<vmem>>
      %dma_start3A_518 = arith.constant 0 : i32
      %dma_start3A_519 = tpu.memref_slice %arg2[%dma_start3A_518, %mul3A_514] : memref<32x1000000xf32, #tpu.memory_space<hbm>> -> memref<8x512xf32, #tpu.memory_space<hbm>>
      %dma_start3A_520 = arith.constant 0 : i32
      %dma_start3A_521 = arith.constant 0 : i32
      %dma_start3A_522 = tpu.memref_slice %arg5[%dma_start3A_520, %dma_start3A_521] : memref<32x517xf32, #tpu.memory_space<vmem>> -> memref<8x512xf32, #tpu.memory_space<vmem>>
      %dma_start3A_523 = arith.constant 0 : i32
      %dma_start3A_524 = tpu.memref_slice %arg2[%dma_start3A_523, %mul3A_514] : memref<32x1000000xf32, #tpu.memory_space<hbm>> -> memref<8x512xf32, #tpu.memory_space<hbm>>
      tpu.enqueue_dma source(%dma_start3A_524 : memref<8x512xf32, #tpu.memory_space<hbm>>) target(%dma_start3A_522 : memref<8x512xf32, #tpu.memory_space<vmem>>) target_semaphore(%arg10 : memref<!tpu.dma_semaphore, #tpu.memory_space<semaphore_mem>>)
      %dma_start3A_525 = arith.constant 8 : i32
      %dma_start3A_526 = arith.constant 0 : i32
      %dma_start3A_527 = tpu.memref_slice %arg5[%dma_start3A_525, %dma_start3A_526] : memref<32x517xf32, #tpu.memory_space<vmem>> -> memref<8x512xf32, #tpu.memory_space<vmem>>
      %dma_start3A_528 = arith.constant 8 : i32
      %dma_start3A_529 = tpu.memref_slice %arg2[%dma_start3A_528, %mul3A_514] : memref<32x1000000xf32, #tpu.memory_space<hbm>> -> memref<8x512xf32, #tpu.memory_space<hbm>>
      %dma_start3A_530 = arith.constant 8 : i32
      %dma_start3A_531 = arith.constant 0 : i32
      %dma_start3A_532 = tpu.memref_slice %arg5[%dma_start3A_530, %dma_start3A_531] : memref<32x517xf32, #tpu.memory_space<vmem>> -> memref<8x512xf32, #tpu.memory_space<vmem>>
      %dma_start3A_533 = arith.constant 8 : i32
      %dma_start3A_534 = tpu.memref_slice %arg2[%dma_start3A_533, %mul3A_514] : memref<32x1000000xf32, #tpu.memory_space<hbm>> -> memref<8x512xf32, #tpu.memory_space<hbm>>
      tpu.enqueue_dma source(%dma_start3A_534 : memref<8x512xf32, #tpu.memory_space<hbm>>) target(%dma_start3A_532 : memref<8x512xf32, #tpu.memory_space<vmem>>) target_semaphore(%arg10 : memref<!tpu.dma_semaphore, #tpu.memory_space<semaphore_mem>>)
      %dma_start3A_535 = arith.constant 16 : i32
      %dma_start3A_536 = arith.constant 0 : i32
      %dma_start3A_537 = tpu.memref_slice %arg5[%dma_start3A_535, %dma_start3A_536] : memref<32x517xf32, #tpu.memory_space<vmem>> -> memref<8x512xf32, #tpu.memory_space<vmem>>
      %dma_start3A_538 = arith.constant 16 : i32
      %dma_start3A_539 = tpu.memref_slice %arg2[%dma_start3A_538, %mul3A_514] : memref<32x1000000xf32, #tpu.memory_space<hbm>> -> memref<8x512xf32, #tpu.memory_space<hbm>>
      %dma_start3A_540 = arith.constant 16 : i32
      %dma_start3A_541 = arith.constant 0 : i32
      %dma_start3A_542 = tpu.memref_slice %arg5[%dma_start3A_540, %dma_start3A_541] : memref<32x517xf32, #tpu.memory_space<vmem>> -> memref<8x512xf32, #tpu.memory_space<vmem>>
      %dma_start3A_543 = arith.constant 16 : i32
      %dma_start3A_544 = tpu.memref_slice %arg2[%dma_start3A_543, %mul3A_514] : memref<32x1000000xf32, #tpu.memory_space<hbm>> -> memref<8x512xf32, #tpu.memory_space<hbm>>
      tpu.enqueue_dma source(%dma_start3A_544 : memref<8x512xf32, #tpu.memory_space<hbm>>) target(%dma_start3A_542 : memref<8x512xf32, #tpu.memory_space<vmem>>) target_semaphore(%arg10 : memref<!tpu.dma_semaphore, #tpu.memory_space<semaphore_mem>>)
      %dma_start3A_545 = arith.constant 24 : i32
      %dma_start3A_546 = arith.constant 0 : i32
      %dma_start3A_547 = tpu.memref_slice %arg5[%dma_start3A_545, %dma_start3A_546] : memref<32x517xf32, #tpu.memory_space<vmem>> -> memref<8x512xf32, #tpu.memory_space<vmem>>
      %dma_start3A_548 = arith.constant 24 : i32
      %dma_start3A_549 = tpu.memref_slice %arg2[%dma_start3A_548, %mul3A_514] : memref<32x1000000xf32, #tpu.memory_space<hbm>> -> memref<8x512xf32, #tpu.memory_space<hbm>>
      %dma_start3A_550 = arith.constant 24 : i32
      %dma_start3A_551 = arith.constant 0 : i32
      %dma_start3A_552 = tpu.memref_slice %arg5[%dma_start3A_550, %dma_start3A_551] : memref<32x517xf32, #tpu.memory_space<vmem>> -> memref<8x512xf32, #tpu.memory_space<vmem>>
      %dma_start3A_553 = arith.constant 24 : i32
      %dma_start3A_554 = tpu.memref_slice %arg2[%dma_start3A_553, %mul3A_514] : memref<32x1000000xf32, #tpu.memory_space<hbm>> -> memref<8x512xf32, #tpu.memory_space<hbm>>
      tpu.enqueue_dma source(%dma_start3A_554 : memref<8x512xf32, #tpu.memory_space<hbm>>) target(%dma_start3A_552 : memref<8x512xf32, #tpu.memory_space<vmem>>) target_semaphore(%arg10 : memref<!tpu.dma_semaphore, #tpu.memory_space<semaphore_mem>>)
      %sub3A_555 = arith.constant 2 : i32
      %sub3A_556 = arith.subi %add3A_462, %sub3A_555 : i32
      %mul3A_557 = arith.constant 32 : i32
      %mul3A_558 = arith.muli %sub3A_556, %mul3A_557 : i32
      %add3A_559 = arith.addi %add3A, %mul3A_558 : i32
      %mul3A_560 = arith.constant 512 : i32
      %mul3A_561 = arith.muli %add3A_559, %mul3A_560 : i32
      %mul3A_562 = arith.constant 32 : i32
      %mul3A_563 = arith.muli %mul3A_561, %mul3A_562 : i32
      %dma_wait3A_564 = tpu.memref_slice %arg4[%mul3A_563] : memref<32000000xf32, #tpu.memory_space<hbm>> -> memref<16384xf32, #tpu.memory_space<hbm>>
      %dma_wait3A_565 = tpu.memref_slice %arg4[%mul3A_563] : memref<32000000xf32, #tpu.memory_space<hbm>> -> memref<16384xf32, #tpu.memory_space<hbm>>
      tpu.wait_dma2 semaphore(%arg13 : memref<!tpu.dma_semaphore, #tpu.memory_space<semaphore_mem>>) src(%arg8 : memref<16384xf32, #tpu.memory_space<vmem>>) dst(%dma_wait3A_565 : memref<16384xf32, #tpu.memory_space<hbm>>)
      %parallel_loop3A_566 = arith.constant 0 : i32
      %parallel_loop3A_567 = arith.constant 512 : i32
      %parallel_loop3A_568 = arith.constant 1 : i32
      scf.for %parallel_loop3A_578 = %parallel_loop3A_566 to %parallel_loop3A_567 step %parallel_loop3A_568  : i32 {
        %parallel_loop3A_579 = vector.broadcast %parallel_loop3A_578 : i32 to vector<16xi32>
        %parallel_loop3A_580 = tpu.vector_load_idx %arg6[%add3A_3, %parallel_loop3A_579] : memref<32x517xf32, #tpu.memory_space<vmem>>[vector<16xi32>, vector<16xi32>], vector<16xf32>,
        %parallel_loop3A_581 = arith.constant 32 : i32
        %parallel_loop3A_582 = arith.muli %parallel_loop3A_578, %parallel_loop3A_581 : i32
        %parallel_loop3A_583 = arith.constant 0 : i32
        %parallel_loop3A_584 = arith.addi %parallel_loop3A_582, %parallel_loop3A_583 : i32
        %parallel_loop3A_585 = arith.index_cast %parallel_loop3A_584 : i32 to index
        %parallel_loop3A_586 = tpu.vector_load %arg8[%parallel_loop3A_585] {strides = array<i32>} : memref<16384xf32, #tpu.memory_space<vmem>>, vector<16xf32>,
        tpu.vector_store %arg8[%parallel_loop3A_585], %parallel_loop3A_580 {strides = array<i32>} : memref<16384xf32, #tpu.memory_space<vmem>>, vector<16xf32>,
        %parallel_loop3A_587 = tpu.vector_load_idx %arg6[%add3A_6, %parallel_loop3A_579] : memref<32x517xf32, #tpu.memory_space<vmem>>[vector<16xi32>, vector<16xi32>], vector<16xf32>,
        %parallel_loop3A_588 = arith.constant 32 : i32
        %parallel_loop3A_589 = arith.muli %parallel_loop3A_578, %parallel_loop3A_588 : i32
        %parallel_loop3A_590 = arith.constant 16 : i32
        %parallel_loop3A_591 = arith.addi %parallel_loop3A_589, %parallel_loop3A_590 : i32
        %parallel_loop3A_592 = arith.index_cast %parallel_loop3A_591 : i32 to index
        %parallel_loop3A_593 = tpu.vector_load %arg8[%parallel_loop3A_592] {strides = array<i32>} : memref<16384xf32, #tpu.memory_space<vmem>>, vector<16xf32>,
        tpu.vector_store %arg8[%parallel_loop3A_592], %parallel_loop3A_587 {strides = array<i32>} : memref<16384xf32, #tpu.memory_space<vmem>>, vector<16xf32>,
      } {sc.loop_unroll_factor = 4 : i64, sc.parallel_access}
      %mul3A_569 = arith.constant 32 : i32
      %mul3A_570 = arith.muli %add3A_462, %mul3A_569 : i32
      %add3A_571 = arith.addi %add3A, %mul3A_570 : i32
      %mul3A_572 = arith.constant 512 : i32
      %mul3A_573 = arith.muli %add3A_571, %mul3A_572 : i32
      %mul3A_574 = arith.constant 32 : i32
      %mul3A_575 = arith.muli %mul3A_573, %mul3A_574 : i32
      %dma_start3A_576 = tpu.memref_slice %arg4[%mul3A_575] : memref<32000000xf32, #tpu.memory_space<hbm>> -> memref<16384xf32, #tpu.memory_space<hbm>>
      %dma_start3A_577 = tpu.memref_slice %arg4[%mul3A_575] : memref<32000000xf32, #tpu.memory_space<hbm>> -> memref<16384xf32, #tpu.memory_space<hbm>>
      tpu.enqueue_dma source(%arg8 : memref<16384xf32, #tpu.memory_space<vmem>>) target(%dma_start3A_577 : memref<16384xf32, #tpu.memory_space<hbm>>) target_semaphore(%arg13 : memref<!tpu.dma_semaphore, #tpu.memory_space<semaphore_mem>>)
    }
    %scan3A_249 = arith.constant 29 : i32
    %add3A_250 = arith.constant 1920 : i32
    %add3A_251 = arith.addi %add3A, %add3A_250 : i32
    %mul3A_252 = arith.constant 512 : i32
    %mul3A_253 = arith.muli %add3A_251, %mul3A_252 : i32
    %dma_wait3A_254 = arith.constant 0 : i32
    %dma_wait3A_255 = arith.constant 0 : i32
    %dma_wait3A_256 = tpu.memref_slice %arg5[%dma_wait3A_254, %dma_wait3A_255] : memref<32x517xf32, #tpu.memory_space<vmem>> -> memref<8x512xf32, #tpu.memory_space<vmem>>
    %dma_wait3A_257 = arith.constant 0 : i32
    %dma_wait3A_258 = tpu.memref_slice %arg2[%dma_wait3A_257, %mul3A_253] : memref<32x1000000xf32, #tpu.memory_space<hbm>> -> memref<8x512xf32, #tpu.memory_space<hbm>>
    %dma_wait3A_259 = arith.constant 0 : i32
    %dma_wait3A_260 = arith.constant 0 : i32
    %dma_wait3A_261 = tpu.memref_slice %arg5[%dma_wait3A_259, %dma_wait3A_260] : memref<32x517xf32, #tpu.memory_space<vmem>> -> memref<8x512xf32, #tpu.memory_space<vmem>>
    %dma_wait3A_262 = arith.constant 0 : i32
    %dma_wait3A_263 = tpu.memref_slice %arg2[%dma_wait3A_262, %mul3A_253] : memref<32x1000000xf32, #tpu.memory_space<hbm>> -> memref<8x512xf32, #tpu.memory_space<hbm>>
    tpu.wait_dma2 semaphore(%arg10 : memref<!tpu.dma_semaphore, #tpu.memory_space<semaphore_mem>>) src(%dma_wait3A_263 : memref<8x512xf32, #tpu.memory_space<hbm>>) dst(%dma_wait3A_261 : memref<8x512xf32, #tpu.memory_space<vmem>>)
    %dma_wait3A_264 = arith.constant 8 : i32
    %dma_wait3A_265 = arith.constant 0 : i32
    %dma_wait3A_266 = tpu.memref_slice %arg5[%dma_wait3A_264, %dma_wait3A_265] : memref<32x517xf32, #tpu.memory_space<vmem>> -> memref<8x512xf32, #tpu.memory_space<vmem>>
    %dma_wait3A_267 = arith.constant 8 : i32
    %dma_wait3A_268 = tpu.memref_slice %arg2[%dma_wait3A_267, %mul3A_253] : memref<32x1000000xf32, #tpu.memory_space<hbm>> -> memref<8x512xf32, #tpu.memory_space<hbm>>
    %dma_wait3A_269 = arith.constant 8 : i32
    %dma_wait3A_270 = arith.constant 0 : i32
    %dma_wait3A_271 = tpu.memref_slice %arg5[%dma_wait3A_269, %dma_wait3A_270] : memref<32x517xf32, #tpu.memory_space<vmem>> -> memref<8x512xf32, #tpu.memory_space<vmem>>
    %dma_wait3A_272 = arith.constant 8 : i32
    %dma_wait3A_273 = tpu.memref_slice %arg2[%dma_wait3A_272, %mul3A_253] : memref<32x1000000xf32, #tpu.memory_space<hbm>> -> memref<8x512xf32, #tpu.memory_space<hbm>>
    tpu.wait_dma2 semaphore(%arg10 : memref<!tpu.dma_semaphore, #tpu.memory_space<semaphore_mem>>) src(%dma_wait3A_273 : memref<8x512xf32, #tpu.memory_space<hbm>>) dst(%dma_wait3A_271 : memref<8x512xf32, #tpu.memory_space<vmem>>)
    %dma_wait3A_274 = arith.constant 16 : i32
    %dma_wait3A_275 = arith.constant 0 : i32
    %dma_wait3A_276 = tpu.memref_slice %arg5[%dma_wait3A_274, %dma_wait3A_275] : memref<32x517xf32, #tpu.memory_space<vmem>> -> memref<8x512xf32, #tpu.memory_space<vmem>>
    %dma_wait3A_277 = arith.constant 16 : i32
    %dma_wait3A_278 = tpu.memref_slice %arg2[%dma_wait3A_277, %mul3A_253] : memref<32x1000000xf32, #tpu.memory_space<hbm>> -> memref<8x512xf32, #tpu.memory_space<hbm>>
    %dma_wait3A_279 = arith.constant 16 : i32
    %dma_wait3A_280 = arith.constant 0 : i32
    %dma_wait3A_281 = tpu.memref_slice %arg5[%dma_wait3A_279, %dma_wait3A_280] : memref<32x517xf32, #tpu.memory_space<vmem>> -> memref<8x512xf32, #tpu.memory_space<vmem>>
    %dma_wait3A_282 = arith.constant 16 : i32
    %dma_wait3A_283 = tpu.memref_slice %arg2[%dma_wait3A_282, %mul3A_253] : memref<32x1000000xf32, #tpu.memory_space<hbm>> -> memref<8x512xf32, #tpu.memory_space<hbm>>
    tpu.wait_dma2 semaphore(%arg10 : memref<!tpu.dma_semaphore, #tpu.memory_space<semaphore_mem>>) src(%dma_wait3A_283 : memref<8x512xf32, #tpu.memory_space<hbm>>) dst(%dma_wait3A_281 : memref<8x512xf32, #tpu.memory_space<vmem>>)
    %dma_wait3A_284 = arith.constant 24 : i32
    %dma_wait3A_285 = arith.constant 0 : i32
    %dma_wait3A_286 = tpu.memref_slice %arg5[%dma_wait3A_284, %dma_wait3A_285] : memref<32x517xf32, #tpu.memory_space<vmem>> -> memref<8x512xf32, #tpu.memory_space<vmem>>
    %dma_wait3A_287 = arith.constant 24 : i32
    %dma_wait3A_288 = tpu.memref_slice %arg2[%dma_wait3A_287, %mul3A_253] : memref<32x1000000xf32, #tpu.memory_space<hbm>> -> memref<8x512xf32, #tpu.memory_space<hbm>>
    %dma_wait3A_289 = arith.constant 24 : i32
    %dma_wait3A_290 = arith.constant 0 : i32
    %dma_wait3A_291 = tpu.memref_slice %arg5[%dma_wait3A_289, %dma_wait3A_290] : memref<32x517xf32, #tpu.memory_space<vmem>> -> memref<8x512xf32, #tpu.memory_space<vmem>>
    %dma_wait3A_292 = arith.constant 24 : i32
    %dma_wait3A_293 = tpu.memref_slice %arg2[%dma_wait3A_292, %mul3A_253] : memref<32x1000000xf32, #tpu.memory_space<hbm>> -> memref<8x512xf32, #tpu.memory_space<hbm>>
    tpu.wait_dma2 semaphore(%arg10 : memref<!tpu.dma_semaphore, #tpu.memory_space<semaphore_mem>>) src(%dma_wait3A_293 : memref<8x512xf32, #tpu.memory_space<hbm>>) dst(%dma_wait3A_291 : memref<8x512xf32, #tpu.memory_space<vmem>>)
    %add3A_294 = arith.constant 1856 : i32
    %add3A_295 = arith.addi %add3A, %add3A_294 : i32
    %mul3A_296 = arith.constant 512 : i32
    %mul3A_297 = arith.muli %add3A_295, %mul3A_296 : i32
    %mul3A_298 = arith.constant 32 : i32
    %mul3A_299 = arith.muli %mul3A_297, %mul3A_298 : i32
    %dma_wait3A_300 = tpu.memref_slice %arg4[%mul3A_299] : memref<32000000xf32, #tpu.memory_space<hbm>> -> memref<16384xf32, #tpu.memory_space<hbm>>
    %dma_wait3A_301 = tpu.memref_slice %arg4[%mul3A_299] : memref<32000000xf32, #tpu.memory_space<hbm>> -> memref<16384xf32, #tpu.memory_space<hbm>>
    tpu.wait_dma2 semaphore(%arg12 : memref<!tpu.dma_semaphore, #tpu.memory_space<semaphore_mem>>) src(%arg7 : memref<16384xf32, #tpu.memory_space<vmem>>) dst(%dma_wait3A_301 : memref<16384xf32, #tpu.memory_space<hbm>>)
    %parallel_loop3A_302 = arith.constant 0 : i32
    %parallel_loop3A_303 = arith.constant 512 : i32
    %parallel_loop3A_304 = arith.constant 1 : i32
    scf.for %parallel_loop3A_336 = %parallel_loop3A_302 to %parallel_loop3A_303 step %parallel_loop3A_304  : i32 {
      %parallel_loop3A_337 = vector.broadcast %parallel_loop3A_336 : i32 to vector<16xi32>
      %parallel_loop3A_338 = tpu.vector_load_idx %arg5[%add3A_3, %parallel_loop3A_337] : memref<32x517xf32, #tpu.memory_space<vmem>>[vector<16xi32>, vector<16xi32>], vector<16xf32>,
      %parallel_loop3A_339 = arith.constant 32 : i32
      %parallel_loop3A_340 = arith.muli %parallel_loop3A_336, %parallel_loop3A_339 : i32
      %parallel_loop3A_341 = arith.constant 0 : i32
      %parallel_loop3A_342 = arith.addi %parallel_loop3A_340, %parallel_loop3A_341 : i32
      %parallel_loop3A_343 = arith.index_cast %parallel_loop3A_342 : i32 to index
      %parallel_loop3A_344 = tpu.vector_load %arg7[%parallel_loop3A_343] {strides = array<i32>} : memref<16384xf32, #tpu.memory_space<vmem>>, vector<16xf32>,
      tpu.vector_store %arg7[%parallel_loop3A_343], %parallel_loop3A_338 {strides = array<i32>} : memref<16384xf32, #tpu.memory_space<vmem>>, vector<16xf32>,
      %parallel_loop3A_345 = tpu.vector_load_idx %arg5[%add3A_6, %parallel_loop3A_337] : memref<32x517xf32, #tpu.memory_space<vmem>>[vector<16xi32>, vector<16xi32>], vector<16xf32>,
      %parallel_loop3A_346 = arith.constant 32 : i32
      %parallel_loop3A_347 = arith.muli %parallel_loop3A_336, %parallel_loop3A_346 : i32
      %parallel_loop3A_348 = arith.constant 16 : i32
      %parallel_loop3A_349 = arith.addi %parallel_loop3A_347, %parallel_loop3A_348 : i32
      %parallel_loop3A_350 = arith.index_cast %parallel_loop3A_349 : i32 to index
      %parallel_loop3A_351 = tpu.vector_load %arg7[%parallel_loop3A_350] {strides = array<i32>} : memref<16384xf32, #tpu.memory_space<vmem>>, vector<16xf32>,
      tpu.vector_store %arg7[%parallel_loop3A_350], %parallel_loop3A_345 {strides = array<i32>} : memref<16384xf32, #tpu.memory_space<vmem>>, vector<16xf32>,
    } {sc.loop_unroll_factor = 4 : i64, sc.parallel_access}
    %add3A_305 = arith.constant 1920 : i32
    %add3A_306 = arith.addi %add3A, %add3A_305 : i32
    %mul3A_307 = arith.constant 512 : i32
    %mul3A_308 = arith.muli %add3A_306, %mul3A_307 : i32
    %mul3A_309 = arith.constant 32 : i32
    %mul3A_310 = arith.muli %mul3A_308, %mul3A_309 : i32
    %dma_start3A_311 = tpu.memref_slice %arg4[%mul3A_310] : memref<32000000xf32, #tpu.memory_space<hbm>> -> memref<16384xf32, #tpu.memory_space<hbm>>
    %dma_start3A_312 = tpu.memref_slice %arg4[%mul3A_310] : memref<32000000xf32, #tpu.memory_space<hbm>> -> memref<16384xf32, #tpu.memory_space<hbm>>
    tpu.enqueue_dma source(%arg7 : memref<16384xf32, #tpu.memory_space<vmem>>) target(%dma_start3A_312 : memref<16384xf32, #tpu.memory_space<hbm>>) target_semaphore(%arg12 : memref<!tpu.dma_semaphore, #tpu.memory_space<semaphore_mem>>)
    %add3A_313 = arith.constant 1888 : i32
    %add3A_314 = arith.addi %add3A, %add3A_313 : i32
    %mul3A_315 = arith.constant 512 : i32
    %mul3A_316 = arith.muli %add3A_314, %mul3A_315 : i32
    %mul3A_317 = arith.constant 32 : i32
    %mul3A_318 = arith.muli %mul3A_316, %mul3A_317 : i32
    %dma_wait3A_319 = tpu.memref_slice %arg4[%mul3A_318] : memref<32000000xf32, #tpu.memory_space<hbm>> -> memref<16384xf32, #tpu.memory_space<hbm>>
    %dma_wait3A_320 = tpu.memref_slice %arg4[%mul3A_318] : memref<32000000xf32, #tpu.memory_space<hbm>> -> memref<16384xf32, #tpu.memory_space<hbm>>
    tpu.wait_dma2 semaphore(%arg13 : memref<!tpu.dma_semaphore, #tpu.memory_space<semaphore_mem>>) src(%arg8 : memref<16384xf32, #tpu.memory_space<vmem>>) dst(%dma_wait3A_320 : memref<16384xf32, #tpu.memory_space<hbm>>)
    %eq3A = arith.constant 0 : i32
    %eq3A_321 = arith.cmpi eq, %add3A, %eq3A : i32
    %convert_element_type3A = arith.extui %eq3A_321 : i1 to i32
    %cond3A = arith.constant 0 : i32
    %cond3A_322 = arith.cmpi ne, %convert_element_type3A, %cond3A : i32
    scf.if %cond3A_322 {
      %add3A_336 = arith.constant 1952 : i32
      %add3A_337 = arith.addi %add3A, %add3A_336 : i32
      %mul3A_338 = arith.constant 512 : i32
      %mul3A_339 = arith.muli %add3A_337, %mul3A_338 : i32
      %dma_start3A_340 = arith.constant 0 : i32
      %dma_start3A_341 = arith.constant 0 : i32
      %dma_start3A_342 = tpu.memref_slice %arg6[%dma_start3A_340, %dma_start3A_341] : memref<32x517xf32, #tpu.memory_space<vmem>> -> memref<8x512xf32, #tpu.memory_space<vmem>>
      %dma_start3A_343 = arith.constant 0 : i32
      %dma_start3A_344 = tpu.memref_slice %arg2[%dma_start3A_343, %mul3A_339] : memref<32x1000000xf32, #tpu.memory_space<hbm>> -> memref<8x512xf32, #tpu.memory_space<hbm>>
      %dma_start3A_345 = arith.constant 0 : i32
      %dma_start3A_346 = arith.constant 0 : i32
      %dma_start3A_347 = tpu.memref_slice %arg6[%dma_start3A_345, %dma_start3A_346] : memref<32x517xf32, #tpu.memory_space<vmem>> -> memref<8x512xf32, #tpu.memory_space<vmem>>
      %dma_start3A_348 = arith.constant 0 : i32
      %dma_start3A_349 = tpu.memref_slice %arg2[%dma_start3A_348, %mul3A_339] : memref<32x1000000xf32, #tpu.memory_space<hbm>> -> memref<8x512xf32, #tpu.memory_space<hbm>>
      tpu.enqueue_dma source(%dma_start3A_349 : memref<8x512xf32, #tpu.memory_space<hbm>>) target(%dma_start3A_347 : memref<8x512xf32, #tpu.memory_space<vmem>>) target_semaphore(%arg11 : memref<!tpu.dma_semaphore, #tpu.memory_space<semaphore_mem>>)
      %dma_start3A_350 = arith.constant 8 : i32
      %dma_start3A_351 = arith.constant 0 : i32
      %dma_start3A_352 = tpu.memref_slice %arg6[%dma_start3A_350, %dma_start3A_351] : memref<32x517xf32, #tpu.memory_space<vmem>> -> memref<8x512xf32, #tpu.memory_space<vmem>>
      %dma_start3A_353 = arith.constant 8 : i32
      %dma_start3A_354 = tpu.memref_slice %arg2[%dma_start3A_353, %mul3A_339] : memref<32x1000000xf32, #tpu.memory_space<hbm>> -> memref<8x512xf32, #tpu.memory_space<hbm>>
      %dma_start3A_355 = arith.constant 8 : i32
      %dma_start3A_356 = arith.constant 0 : i32
      %dma_start3A_357 = tpu.memref_slice %arg6[%dma_start3A_355, %dma_start3A_356] : memref<32x517xf32, #tpu.memory_space<vmem>> -> memref<8x512xf32, #tpu.memory_space<vmem>>
      %dma_start3A_358 = arith.constant 8 : i32
      %dma_start3A_359 = tpu.memref_slice %arg2[%dma_start3A_358, %mul3A_339] : memref<32x1000000xf32, #tpu.memory_space<hbm>> -> memref<8x512xf32, #tpu.memory_space<hbm>>
      tpu.enqueue_dma source(%dma_start3A_359 : memref<8x512xf32, #tpu.memory_space<hbm>>) target(%dma_start3A_357 : memref<8x512xf32, #tpu.memory_space<vmem>>) target_semaphore(%arg11 : memref<!tpu.dma_semaphore, #tpu.memory_space<semaphore_mem>>)
      %dma_start3A_360 = arith.constant 16 : i32
      %dma_start3A_361 = arith.constant 0 : i32
      %dma_start3A_362 = tpu.memref_slice %arg6[%dma_start3A_360, %dma_start3A_361] : memref<32x517xf32, #tpu.memory_space<vmem>> -> memref<8x512xf32, #tpu.memory_space<vmem>>
      %dma_start3A_363 = arith.constant 16 : i32
      %dma_start3A_364 = tpu.memref_slice %arg2[%dma_start3A_363, %mul3A_339] : memref<32x1000000xf32, #tpu.memory_space<hbm>> -> memref<8x512xf32, #tpu.memory_space<hbm>>
      %dma_start3A_365 = arith.constant 16 : i32
      %dma_start3A_366 = arith.constant 0 : i32
      %dma_start3A_367 = tpu.memref_slice %arg6[%dma_start3A_365, %dma_start3A_366] : memref<32x517xf32, #tpu.memory_space<vmem>> -> memref<8x512xf32, #tpu.memory_space<vmem>>
      %dma_start3A_368 = arith.constant 16 : i32
      %dma_start3A_369 = tpu.memref_slice %arg2[%dma_start3A_368, %mul3A_339] : memref<32x1000000xf32, #tpu.memory_space<hbm>> -> memref<8x512xf32, #tpu.memory_space<hbm>>
      tpu.enqueue_dma source(%dma_start3A_369 : memref<8x512xf32, #tpu.memory_space<hbm>>) target(%dma_start3A_367 : memref<8x512xf32, #tpu.memory_space<vmem>>) target_semaphore(%arg11 : memref<!tpu.dma_semaphore, #tpu.memory_space<semaphore_mem>>)
      %dma_start3A_370 = arith.constant 24 : i32
      %dma_start3A_371 = arith.constant 0 : i32
      %dma_start3A_372 = tpu.memref_slice %arg6[%dma_start3A_370, %dma_start3A_371] : memref<32x517xf32, #tpu.memory_space<vmem>> -> memref<8x512xf32, #tpu.memory_space<vmem>>
      %dma_start3A_373 = arith.constant 24 : i32
      %dma_start3A_374 = tpu.memref_slice %arg2[%dma_start3A_373, %mul3A_339] : memref<32x1000000xf32, #tpu.memory_space<hbm>> -> memref<8x512xf32, #tpu.memory_space<hbm>>
      %dma_start3A_375 = arith.constant 24 : i32
      %dma_start3A_376 = arith.constant 0 : i32
      %dma_start3A_377 = tpu.memref_slice %arg6[%dma_start3A_375, %dma_start3A_376] : memref<32x517xf32, #tpu.memory_space<vmem>> -> memref<8x512xf32, #tpu.memory_space<vmem>>
      %dma_start3A_378 = arith.constant 24 : i32
      %dma_start3A_379 = tpu.memref_slice %arg2[%dma_start3A_378, %mul3A_339] : memref<32x1000000xf32, #tpu.memory_space<hbm>> -> memref<8x512xf32, #tpu.memory_space<hbm>>
      tpu.enqueue_dma source(%dma_start3A_379 : memref<8x512xf32, #tpu.memory_space<hbm>>) target(%dma_start3A_377 : memref<8x512xf32, #tpu.memory_space<vmem>>) target_semaphore(%arg11 : memref<!tpu.dma_semaphore, #tpu.memory_space<semaphore_mem>>)
      %add3A_380 = arith.constant 1952 : i32
      %add3A_381 = arith.addi %add3A, %add3A_380 : i32
      %mul3A_382 = arith.constant 512 : i32
      %mul3A_383 = arith.muli %add3A_381, %mul3A_382 : i32
      %dma_wait3A_384 = arith.constant 0 : i32
      %dma_wait3A_385 = arith.constant 0 : i32
      %dma_wait3A_386 = tpu.memref_slice %arg6[%dma_wait3A_384, %dma_wait3A_385] : memref<32x517xf32, #tpu.memory_space<vmem>> -> memref<8x512xf32, #tpu.memory_space<vmem>>
      %dma_wait3A_387 = arith.constant 0 : i32
      %dma_wait3A_388 = tpu.memref_slice %arg2[%dma_wait3A_387, %mul3A_383] : memref<32x1000000xf32, #tpu.memory_space<hbm>> -> memref<8x512xf32, #tpu.memory_space<hbm>>
      %dma_wait3A_389 = arith.constant 0 : i32
      %dma_wait3A_390 = arith.constant 0 : i32
      %dma_wait3A_391 = tpu.memref_slice %arg6[%dma_wait3A_389, %dma_wait3A_390] : memref<32x517xf32, #tpu.memory_space<vmem>> -> memref<8x512xf32, #tpu.memory_space<vmem>>
      %dma_wait3A_392 = arith.constant 0 : i32
      %dma_wait3A_393 = tpu.memref_slice %arg2[%dma_wait3A_392, %mul3A_383] : memref<32x1000000xf32, #tpu.memory_space<hbm>> -> memref<8x512xf32, #tpu.memory_space<hbm>>
      tpu.wait_dma2 semaphore(%arg11 : memref<!tpu.dma_semaphore, #tpu.memory_space<semaphore_mem>>) src(%dma_wait3A_393 : memref<8x512xf32, #tpu.memory_space<hbm>>) dst(%dma_wait3A_391 : memref<8x512xf32, #tpu.memory_space<vmem>>)
      %dma_wait3A_394 = arith.constant 8 : i32
      %dma_wait3A_395 = arith.constant 0 : i32
      %dma_wait3A_396 = tpu.memref_slice %arg6[%dma_wait3A_394, %dma_wait3A_395] : memref<32x517xf32, #tpu.memory_space<vmem>> -> memref<8x512xf32, #tpu.memory_space<vmem>>
      %dma_wait3A_397 = arith.constant 8 : i32
      %dma_wait3A_398 = tpu.memref_slice %arg2[%dma_wait3A_397, %mul3A_383] : memref<32x1000000xf32, #tpu.memory_space<hbm>> -> memref<8x512xf32, #tpu.memory_space<hbm>>
      %dma_wait3A_399 = arith.constant 8 : i32
      %dma_wait3A_400 = arith.constant 0 : i32
      %dma_wait3A_401 = tpu.memref_slice %arg6[%dma_wait3A_399, %dma_wait3A_400] : memref<32x517xf32, #tpu.memory_space<vmem>> -> memref<8x512xf32, #tpu.memory_space<vmem>>
      %dma_wait3A_402 = arith.constant 8 : i32
      %dma_wait3A_403 = tpu.memref_slice %arg2[%dma_wait3A_402, %mul3A_383] : memref<32x1000000xf32, #tpu.memory_space<hbm>> -> memref<8x512xf32, #tpu.memory_space<hbm>>
      tpu.wait_dma2 semaphore(%arg11 : memref<!tpu.dma_semaphore, #tpu.memory_space<semaphore_mem>>) src(%dma_wait3A_403 : memref<8x512xf32, #tpu.memory_space<hbm>>) dst(%dma_wait3A_401 : memref<8x512xf32, #tpu.memory_space<vmem>>)
      %dma_wait3A_404 = arith.constant 16 : i32
      %dma_wait3A_405 = arith.constant 0 : i32
      %dma_wait3A_406 = tpu.memref_slice %arg6[%dma_wait3A_404, %dma_wait3A_405] : memref<32x517xf32, #tpu.memory_space<vmem>> -> memref<8x512xf32, #tpu.memory_space<vmem>>
      %dma_wait3A_407 = arith.constant 16 : i32
      %dma_wait3A_408 = tpu.memref_slice %arg2[%dma_wait3A_407, %mul3A_383] : memref<32x1000000xf32, #tpu.memory_space<hbm>> -> memref<8x512xf32, #tpu.memory_space<hbm>>
      %dma_wait3A_409 = arith.constant 16 : i32
      %dma_wait3A_410 = arith.constant 0 : i32
      %dma_wait3A_411 = tpu.memref_slice %arg6[%dma_wait3A_409, %dma_wait3A_410] : memref<32x517xf32, #tpu.memory_space<vmem>> -> memref<8x512xf32, #tpu.memory_space<vmem>>
      %dma_wait3A_412 = arith.constant 16 : i32
      %dma_wait3A_413 = tpu.memref_slice %arg2[%dma_wait3A_412, %mul3A_383] : memref<32x1000000xf32, #tpu.memory_space<hbm>> -> memref<8x512xf32, #tpu.memory_space<hbm>>
      tpu.wait_dma2 semaphore(%arg11 : memref<!tpu.dma_semaphore, #tpu.memory_space<semaphore_mem>>) src(%dma_wait3A_413 : memref<8x512xf32, #tpu.memory_space<hbm>>) dst(%dma_wait3A_411 : memref<8x512xf32, #tpu.memory_space<vmem>>)
      %dma_wait3A_414 = arith.constant 24 : i32
      %dma_wait3A_415 = arith.constant 0 : i32
      %dma_wait3A_416 = tpu.memref_slice %arg6[%dma_wait3A_414, %dma_wait3A_415] : memref<32x517xf32, #tpu.memory_space<vmem>> -> memref<8x512xf32, #tpu.memory_space<vmem>>
      %dma_wait3A_417 = arith.constant 24 : i32
      %dma_wait3A_418 = tpu.memref_slice %arg2[%dma_wait3A_417, %mul3A_383] : memref<32x1000000xf32, #tpu.memory_space<hbm>> -> memref<8x512xf32, #tpu.memory_space<hbm>>
      %dma_wait3A_419 = arith.constant 24 : i32
      %dma_wait3A_420 = arith.constant 0 : i32
      %dma_wait3A_421 = tpu.memref_slice %arg6[%dma_wait3A_419, %dma_wait3A_420] : memref<32x517xf32, #tpu.memory_space<vmem>> -> memref<8x512xf32, #tpu.memory_space<vmem>>
      %dma_wait3A_422 = arith.constant 24 : i32
      %dma_wait3A_423 = tpu.memref_slice %arg2[%dma_wait3A_422, %mul3A_383] : memref<32x1000000xf32, #tpu.memory_space<hbm>> -> memref<8x512xf32, #tpu.memory_space<hbm>>
      tpu.wait_dma2 semaphore(%arg11 : memref<!tpu.dma_semaphore, #tpu.memory_space<semaphore_mem>>) src(%dma_wait3A_423 : memref<8x512xf32, #tpu.memory_space<hbm>>) dst(%dma_wait3A_421 : memref<8x512xf32, #tpu.memory_space<vmem>>)
      %parallel_loop3A_424 = arith.constant 0 : i32
      %parallel_loop3A_425 = arith.constant 512 : i32
      %parallel_loop3A_426 = arith.constant 1 : i32
      scf.for %parallel_loop3A_443 = %parallel_loop3A_424 to %parallel_loop3A_425 step %parallel_loop3A_426  : i32 {
        %parallel_loop3A_444 = vector.broadcast %parallel_loop3A_443 : i32 to vector<16xi32>
        %parallel_loop3A_445 = tpu.vector_load_idx %arg6[%add3A_3, %parallel_loop3A_444] : memref<32x517xf32, #tpu.memory_space<vmem>>[vector<16xi32>, vector<16xi32>], vector<16xf32>,
        %parallel_loop3A_446 = arith.constant 32 : i32
        %parallel_loop3A_447 = arith.muli %parallel_loop3A_443, %parallel_loop3A_446 : i32
        %parallel_loop3A_448 = arith.constant 0 : i32
        %parallel_loop3A_449 = arith.addi %parallel_loop3A_447, %parallel_loop3A_448 : i32
        %parallel_loop3A_450 = arith.index_cast %parallel_loop3A_449 : i32 to index
        %parallel_loop3A_451 = tpu.vector_load %arg8[%parallel_loop3A_450] {strides = array<i32>} : memref<16384xf32, #tpu.memory_space<vmem>>, vector<16xf32>,
        tpu.vector_store %arg8[%parallel_loop3A_450], %parallel_loop3A_445 {strides = array<i32>} : memref<16384xf32, #tpu.memory_space<vmem>>, vector<16xf32>,
        %parallel_loop3A_452 = tpu.vector_load_idx %arg6[%add3A_6, %parallel_loop3A_444] : memref<32x517xf32, #tpu.memory_space<vmem>>[vector<16xi32>, vector<16xi32>], vector<16xf32>,
        %parallel_loop3A_453 = arith.constant 32 : i32
        %parallel_loop3A_454 = arith.muli %parallel_loop3A_443, %parallel_loop3A_453 : i32
        %parallel_loop3A_455 = arith.constant 16 : i32
        %parallel_loop3A_456 = arith.addi %parallel_loop3A_454, %parallel_loop3A_455 : i32
        %parallel_loop3A_457 = arith.index_cast %parallel_loop3A_456 : i32 to index
        %parallel_loop3A_458 = tpu.vector_load %arg8[%parallel_loop3A_457] {strides = array<i32>} : memref<16384xf32, #tpu.memory_space<vmem>>, vector<16xf32>,
        tpu.vector_store %arg8[%parallel_loop3A_457], %parallel_loop3A_452 {strides = array<i32>} : memref<16384xf32, #tpu.memory_space<vmem>>, vector<16xf32>,
      } {sc.loop_unroll_factor = 4 : i64, sc.parallel_access}
      %add3A_427 = arith.constant 1952 : i32
      %add3A_428 = arith.addi %add3A, %add3A_427 : i32
      %mul3A_429 = arith.constant 512 : i32
      %mul3A_430 = arith.muli %add3A_428, %mul3A_429 : i32
      %mul3A_431 = arith.constant 32 : i32
      %mul3A_432 = arith.muli %mul3A_430, %mul3A_431 : i32
      %dma_start3A_433 = tpu.memref_slice %arg4[%mul3A_432] : memref<32000000xf32, #tpu.memory_space<hbm>> -> memref<16384xf32, #tpu.memory_space<hbm>>
      %dma_start3A_434 = tpu.memref_slice %arg4[%mul3A_432] : memref<32000000xf32, #tpu.memory_space<hbm>> -> memref<16384xf32, #tpu.memory_space<hbm>>
      tpu.enqueue_dma source(%arg8 : memref<16384xf32, #tpu.memory_space<vmem>>) target(%dma_start3A_434 : memref<16384xf32, #tpu.memory_space<hbm>>) target_semaphore(%arg13 : memref<!tpu.dma_semaphore, #tpu.memory_space<semaphore_mem>>)
      %add3A_435 = arith.constant 1952 : i32
      %add3A_436 = arith.addi %add3A, %add3A_435 : i32
      %mul3A_437 = arith.constant 512 : i32
      %mul3A_438 = arith.muli %add3A_436, %mul3A_437 : i32
      %mul3A_439 = arith.constant 32 : i32
      %mul3A_440 = arith.muli %mul3A_438, %mul3A_439 : i32
      %dma_wait3A_441 = tpu.memref_slice %arg4[%mul3A_440] : memref<32000000xf32, #tpu.memory_space<hbm>> -> memref<16384xf32, #tpu.memory_space<hbm>>
      %dma_wait3A_442 = tpu.memref_slice %arg4[%mul3A_440] : memref<32000000xf32, #tpu.memory_space<hbm>> -> memref<16384xf32, #tpu.memory_space<hbm>>
      tpu.wait_dma2 semaphore(%arg13 : memref<!tpu.dma_semaphore, #tpu.memory_space<semaphore_mem>>) src(%arg8 : memref<16384xf32, #tpu.memory_space<vmem>>) dst(%dma_wait3A_442 : memref<16384xf32, #tpu.memory_space<hbm>>)
    } else {
    }
    %add3A_323 = arith.constant 1920 : i32
    %add3A_324 = arith.addi %add3A, %add3A_323 : i32
    %mul3A_325 = arith.constant 512 : i32
    %mul3A_326 = arith.muli %add3A_324, %mul3A_325 : i32
    %mul3A_327 = arith.constant 32 : i32
    %mul3A_328 = arith.muli %mul3A_326, %mul3A_327 : i32
    %dma_wait3A_329 = tpu.memref_slice %arg4[%mul3A_328] : memref<32000000xf32, #tpu.memory_space<hbm>> -> memref<16384xf32, #tpu.memory_space<hbm>>
    %dma_wait3A_330 = tpu.memref_slice %arg4[%mul3A_328] : memref<32000000xf32, #tpu.memory_space<hbm>> -> memref<16384xf32, #tpu.memory_space<hbm>>
    tpu.wait_dma2 semaphore(%arg12 : memref<!tpu.dma_semaphore, #tpu.memory_space<semaphore_mem>>) src(%arg7 : memref<16384xf32, #tpu.memory_space<vmem>>) dst(%dma_wait3A_330 : memref<16384xf32, #tpu.memory_space<hbm>>)
    %eq3A_331 = arith.constant 1 : i32
    %eq3A_332 = arith.cmpi eq, %add3A, %eq3A_331 : i32
    %convert_element_type3A_333 = arith.extui %eq3A_332 : i1 to i32
    %cond3A_334 = arith.constant 0 : i32
    %cond3A_335 = arith.cmpi ne, %convert_element_type3A_333, %cond3A_334 : i32
    scf.if %cond3A_335 {
      "tpu.region"() ({
        %run_scoped3A = tpu.sem_alloc : memref<!tpu.dma_semaphore, #tpu.memory_space<semaphore_mem>>
        tpu.enqueue_dma source(%arg3 : memref<2048xf32, #tpu.memory_space<hbm>>) target(%arg9 : memref<2048xf32, #tpu.memory_space<vmem>>) target_semaphore(%run_scoped3A : memref<!tpu.dma_semaphore, #tpu.memory_space<semaphore_mem>>)
        tpu.wait_dma2 semaphore(%run_scoped3A : memref<!tpu.dma_semaphore, #tpu.memory_space<semaphore_mem>>) src(%arg3 : memref<2048xf32, #tpu.memory_space<hbm>>) dst(%arg9 : memref<2048xf32, #tpu.memory_space<vmem>>)
        tpu.yield
      }) : () -> ()
      "tpu.region"() ({
        %run_scoped3A = tpu.sem_alloc : memref<!tpu.dma_semaphore, #tpu.memory_space<semaphore_mem>>
        %dma_start3A_336 = arith.constant 31997952 : i32
        %dma_start3A_337 = tpu.memref_slice %arg4[%dma_start3A_336] : memref<32000000xf32, #tpu.memory_space<hbm>> -> memref<2048xf32, #tpu.memory_space<hbm>>
        %dma_start3A_338 = arith.constant 31997952 : i32
        %dma_start3A_339 = tpu.memref_slice %arg4[%dma_start3A_338] : memref<32000000xf32, #tpu.memory_space<hbm>> -> memref<2048xf32, #tpu.memory_space<hbm>>
        tpu.enqueue_dma source(%arg9 : memref<2048xf32, #tpu.memory_space<vmem>>) target(%dma_start3A_339 : memref<2048xf32, #tpu.memory_space<hbm>>) target_semaphore(%run_scoped3A : memref<!tpu.dma_semaphore, #tpu.memory_space<semaphore_mem>>)
        %dma_wait3A_340 = arith.constant 31997952 : i32
        %dma_wait3A_341 = tpu.memref_slice %arg4[%dma_wait3A_340] : memref<32000000xf32, #tpu.memory_space<hbm>> -> memref<2048xf32, #tpu.memory_space<hbm>>
        %dma_wait3A_342 = arith.constant 31997952 : i32
        %dma_wait3A_343 = tpu.memref_slice %arg4[%dma_wait3A_342] : memref<32000000xf32, #tpu.memory_space<hbm>> -> memref<2048xf32, #tpu.memory_space<hbm>>
        tpu.wait_dma2 semaphore(%run_scoped3A : memref<!tpu.dma_semaphore, #tpu.memory_space<semaphore_mem>>) src(%arg9 : memref<2048xf32, #tpu.memory_space<vmem>>) dst(%dma_wait3A_343 : memref<2048xf32, #tpu.memory_space<hbm>>)
        tpu.yield
      }) : () -> ()
    } else {
    }
    return
  }
}

</mosaic_0001>

<sc_bundles>
// kernel: kernel.4.cloned.1.call-start
scs
__scs_entry_jumppad:
0x0: {  	(pc) =	sbr.rel $0x88, $3  }
0x1: {  	(tag) =	ssettag $0x0;
	lr =	simm.s32 $0x1  }
0x2: {  	[smem:$0x3F9F] =	sst lr;
	_ =	strace $0xD0000000  }
0x3: {  	_ = 	snop  }
0x4: {  	_ = 	snop  }
0x5: {  	_ = 	snop  }
0x6: {  	_ = 	snop  }
0x7: {  	_ = 	snop  }
__scs_overlays_trampoline_lowered:
0x8: {  	[smem:$0x3FAE] =	sst s0  }
0x9: {  	[smem:$0x3FAF] =	sst s1  }
0xa: {  	[smem:$0x3FB0] =	sst s2  }
0xb: {  	[smem:$0x3FB1] =	sst s3  }
0xc: {  	[smem:$0x3FB2] =	sst s4  }
0xd: {  	[smem:$0x3FB3] =	sst s5  }
0xe: {  	[smem:$0x3FB4] =	sst s6  }
0xf: {  	[smem:$0x3FB5] =	sst s7  }
0x10: {  	[smem:$0x3FB6] =	sst s8  }
0x11: {  	[smem:$0x3FB7] =	sst s9;
	s0 =	simm.s32 @!p0 $0x0  }
0x12: {  	s1 =	sld [smem:$0x3F9D];
	s0 =	simm.s32 @p0 $0x1  }
0x13: {  	[smem:$0x3FB8] =	sst s0;
	s0 =	simm.s32 @!p1 $0x0  }
0x14: {  	s2 =	sld [smem:$0x3F9C];
	s0 =	simm.s32 @p1 $0x1  }
0x15: {  	[smem:$0x3FB9] =	sst s0;
	s0 =	simm.s32 @!p2 $0x0  }
0x16: {  	s3 =	sld [smem:$0x3FDB];
	s0 =	simm.s32 @p2 $0x1  }
0x17: {  	s4 =	simm.s32 $0x1BF5;
	[smem:$0x3FBB] =	sst s0  }
0x18: {  	s0 =	sld [smem:$0x3F9E];
	_ =	swait.ge [sflag:s4], $0x0  }
0x19: {  	s7 =	sld [smem:$0x3F9F]  }
0x1a: {  	s8 =	sadd.s32 $0xFFFFE003, lr  }
0x1b: {  	s9 =	sadd.s32 $0xFFFFFEF7, lr;
	s5 =	simm.s32 $0xFFFFFFFF;
	p2 =	slt.u32 s8, $0xFFFFF086  }
0x1c: {  	p1 =	slt.u32 s9, $0xF7A;
	s5 =	simm.s32 @!p2 $0x0  }
0x1d: {  	s5 =	simm.s32 @p1 $0x1;
	p0 =	seq.s32 s7, s2  }
0x1e: {  	s7 =	smul.u32 @!p0 $0xF7A, s2;
	p2 =	seq.s32 @!p0 s5, $0x0  }
0x1f: {  	s9 =	smul.u32 $0xF7A, s1;
	s8 =	simm.s32 @!p0 $0x1BF5;
	p2 =	por !p2, p0  }
0x20: {  	[sflag:s8] =	ssyncset.s32 @!p0 $0xFFFFF086;
	s6 =	sadd.s32 @!p0 s3, s7;
	s7 =	simm.s32 @!p0 $0x108  }
0x21: {  	s3 =	sadd.s32 s3, s9;
	s6 =	sadd.s32 @!p0 $0x88, s6;
	s7 =	simm.s32 @p2 $0x1082  }
0x22: {  	[simem:s7], [sflag:s8] =	dma.local @!p0 [hbm:s6], $0xF7A  }
0x23: {  	s9 =	sor.u32 $0xD0000000, s2;
	s6 =	simm.s32 $0x108;
	_ =	swait.ge @!p0 [sflag:s8], $0x0  }
0x24: {  	s3 =	sadd.s32 $0x88, s3;
	s6 =	simm.s32 @!p1 $0x1082;
	[sflag:s4] =	ssyncset.s32 $0xFFFFF086  }
0x25: {  	[simem:s6], [sflag:s4] =	dma.local [hbm:s3], $0xF7A  }
0x26: {  	[smem:$0x3F9F] =	sst s1;
	(tag) =	ssettag s2;
	_ =	strace s9  }
0x27: {  	s1 =	sld [smem:$0x3FAF]  }
0x28: {  	s2 =	sld [smem:$0x3FB0]  }
0x29: {  	s4 =	sld [smem:$0x3FB2]  }
0x2a: {  	p0 =	seq.s32 s5, $0x0;
	s5 =	sld [smem:$0x3FB3]  }
0x2b: {  	s6 =	sld [smem:$0x3FB4]  }
0x2c: {  	s7 =	sld [smem:$0x3FB5]  }
0x2d: {  	s3 =	simm.s32 $0x108;
	s8 =	sld [smem:$0x3FB6]  }
0x2e: {  	s3 =	simm.s32 @!p0 $0x1082;
	s9 =	sld [smem:$0x3FB7]  }
0x2f: {  	lr =	sadd.s32 s0, s3;
	s0 =	sld [smem:$0x3FAE]  }
0x30: {  	s3 =	sld [smem:$0x3FB1]  }
0x31: {  	[smem:$0x3FBA] =	sst s10  }
0x32: {  	s10 =	sld [smem:$0x3FB8];
	_ =	sdelay $0x3  }
0x33: {  	p0 =	seq.s32 s10, $0x1;
	s10 =	sld [smem:$0x3FBA];
	_ =	sdelay $0x3  }
0x34: {  	[smem:$0x3FBA] =	sst s10  }
0x35: {  	s10 =	sld [smem:$0x3FB9];
	_ =	sdelay $0x3  }
0x36: {  	p1 =	seq.s32 s10, $0x1;
	s10 =	sld [smem:$0x3FBA];
	_ =	sdelay $0x3  }
0x37: {  	[smem:$0x3FBA] =	sst s10  }
0x38: {  	s10 =	sld [smem:$0x3FBB]  }
0x39: {  	_ = 	snop;
	(pc) =	sbr.ind lr, $3  }
0x3a: {  	_ = 	snop  }
0x3b: {  	_ = 	snop  }
0x3c: {  	p2 =	seq.s32 s10, $0x1;
	s10 =	sld [smem:$0x3FBA]  }
0x3d: {  	_ =	shalt  }
0x3e: {  	_ =	shalt  }
0x3f: {  	_ =	shalt  }
0x40: {  	_ =	shalt  }
0x41: {  	_ =	shalt  }
0x42: {  	_ =	shalt  }
0x43: {  	_ =	shalt  }
0x44: {  	_ =	shalt  }
0x45: {  	_ =	shalt  }
0x46: {  	_ =	shalt  }
0x47: {  	_ =	shalt  }
0x48: {  	_ =	shalt  }
0x49: {  	_ =	shalt  }
0x4a: {  	_ =	shalt  }
0x4b: {  	_ =	shalt  }
0x4c: {  	_ =	shalt  }
0x4d: {  	_ =	shalt  }
0x4e: {  	_ =	shalt  }
0x4f: {  	_ =	shalt  }
0x50: {  	_ =	shalt  }
0x51: {  	_ =	shalt  }
0x52: {  	_ =	shalt  }
0x53: {  	_ =	shalt  }
0x54: {  	_ =	shalt  }
0x55: {  	_ =	shalt  }
0x56: {  	_ =	shalt  }
0x57: {  	_ =	shalt  }
0x58: {  	_ =	shalt  }
0x59: {  	_ =	shalt  }
0x5a: {  	_ =	shalt  }
0x5b: {  	_ =	shalt  }
0x5c: {  	_ =	shalt  }
0x5d: {  	_ =	shalt  }
0x5e: {  	_ =	shalt  }
0x5f: {  	_ =	shalt  }
0x60: {  	_ =	shalt  }
0x61: {  	_ =	shalt  }
0x62: {  	_ =	shalt  }
0x63: {  	_ =	shalt  }
0x64: {  	_ =	shalt  }
0x65: {  	_ =	shalt  }
0x66: {  	_ =	shalt  }
0x67: {  	_ =	shalt  }
0x68: {  	_ =	shalt  }
0x69: {  	_ =	shalt  }
0x6a: {  	_ =	shalt  }
0x6b: {  	_ =	shalt  }
0x6c: {  	_ =	shalt  }
0x6d: {  	_ =	shalt  }
0x6e: {  	_ =	shalt  }
0x6f: {  	_ =	shalt  }
0x70: {  	_ =	shalt  }
0x71: {  	_ =	shalt  }
0x72: {  	_ =	shalt  }
0x73: {  	_ =	shalt  }
0x74: {  	_ =	shalt  }
0x75: {  	_ =	shalt  }
0x76: {  	_ =	shalt  }
0x77: {  	_ =	shalt  }
0x78: {  	_ =	shalt  }
0x79: {  	_ =	shalt  }
0x7a: {  	_ =	shalt  }
0x7b: {  	_ =	shalt  }
0x7c: {  	_ =	shalt  }
0x7d: {  	_ =	shalt  }
0x7e: {  	_ =	shalt  }
0x7f: {  	_ =	shalt  }
0x80: {  	_ =	shalt  }
0x81: {  	_ =	shalt  }
0x82: {  	_ =	shalt  }
0x83: {  	_ =	shalt  }
0x84: {  	_ =	shalt  }
0x85: {  	_ =	shalt  }
0x86: {  	_ =	shalt  }
0x87: {  	_ =	shalt  }
.Lfunc_end0:
.L_simem_size_0:
called_computation_lowered:
.L_overlay_start_0:
0x88: {  	s2 =	sld [smem:$0x3FD9]  }
0x89: {  	s3 =	sld [smem:$0x3FFE];
	_ =	sdelay $0x1  }
0x8a: {  	s1 =	srdreg.scid  }
0x8b: {  	s0 =	sand.u32 $0x1, s1  }
0x8c: {  	s17 =	sshll.u32 s0, $0xA;
	s2 =	sadd.s32 s3, s2  }
0x8d: {  	s2 =	sadd.s32 s2, s17  }
0x8e: {  	[smem:$0x3FC6] =	sst s2  }
0x8f: {  	_ = 	snop  }
0x90: {  	s2 =	sld [smem:$0x3FC8]  }
0x91: {  	s18 =	sld [smem:$0x3FD0];
	(tm) =	ssettm $0x1  }
0x92: {  	s4 =	sld [smem:$0x3FFB];
	_ =	sdelay $0x3  }
0x93: {  	_ =	strace s4  }
0x94: {  	s4 =	sld [smem:$0x3FFC];
	_ =	sdelay $0x3  }
0x95: {  	_ =	strace s4  }
0x96: {  	s4 =	sld [smem:$0x3FFD];
	_ =	sdelay $0x3  }
0x97: {  	_ =	strace s4  }
0x98: {  	_ =	strace $0x8FFFFFFF  }
0x99: {  	s19 =	sld [smem:$0x3FDB];
	_ =	sdelay $0x1  }
0x9a: {  	s5 =	simm.s32 $_scs_section_size  }
0x9b: {  	s6 =	simm.s32 $_size__tile_overlayer_lowered;
	s7 =	simm.s32 $_tile_overlayer_lowered  }
0x9c: {  	s22 =	simm.s32 $0x1BFF;
	s21 =	sshll.u32 s7, $0x1;
	s4 =	sadd.s32 s5, s19  }
0x9d: {  	s8 =	simm.s32 $0x0;
	s20 =	sshll.u32 s6, $0x1;
	s6 =	sadd.s32 s21, s4  }
0x9e: {  	[timem:s8], [sflag:s22] =	dma.local [hbm:s6], s20  }
0x9f: {  	_ =	swait.ge [sflag:s22], s20  }
0xa0: {  	s5 =	ssub.s32 $0x0, s20;
	[sflag:s22] =	ssyncset.done $0x0  }
0xa1: {  	[sflag:s22] =	ssyncadd.s32 s5;
	_ =	sdelay $0x1  }
0xa2: {  	s23 =	simm.s32 $0x1B8B  }
0xa3: {  	_ =	swait.ge [sflag:s23], $0x1  }
0xa4: {  	[sflag:s23] =	ssyncset.done $0x0  }
0xa5: {  	s25 =	simm.s32 $0x1B8E;
	s24 =	sld [smem:$0x3FFE];
	[sflag:s23] =	ssyncadd.s32 $0xFFFFFFFF  }
0xa6: {  	s26 =	simm.s32 $execute0_lowered;
	[smem:$0x3FD2] =	sst s25  }
0xa7: {  	s6 =	sshll.u32 s26, $0x1;
	_ =	strace $0x80000046;
	[dreg:$0x1] =	wrdreg $0xFFFFFFFF  }
0xa8: {  	s28 =	simm.s32 $_size_execute0_lowered;
	s4 =	sadd.s32 s4, s6;
	[dreg:$0x0] =	wrdreg $0x0  }
0xa9: {  	s6 =	sshll.u32 s28, $0x1;
	[dreg:$0x2] =	wrdreg s4  }
0xaa: {  	[dreg:$0x3] =	wrdreg s6  }
0xab: {  	[dreg:$0x4] =	wrdreg $0xC0  }
0xac: {  	_ =	task [dreg:s8], $0x5FFFF  }
0xad: {  	[dreg:$0x1] =	wrdreg $0xFFFFFFFF  }
0xae: {  	[dreg:$0x0] =	wrdreg $0x60  }
0xaf: {  	[dreg:$0x2] =	wrdreg s2  }
0xb0: {  	[dreg:$0x3] =	wrdreg s18  }
0xb1: {  	[dreg:$0x4] =	wrdreg s24  }
0xb2: {  	[dreg:$0x5] =	wrdreg $0x9  }
0xb3: {  	_ =	task.clear_ibuf [dreg:s8], $0x6FFFF;
	_ =	strace $0x90000046  }
0xb4: {  	s29 =	simm.s32 $0x9;
	_ =	strace $0x80000048  }
0xb5: {  	_ =	swait.ge [sflag:s29], $0x1  }
0xb6: {  	[sflag:s29] =	ssyncadd.s32 $0xFFFFFFFF  }
0xb7: {  	_ =	strace $0x90000048  }
0xb8: {  	_ =	sfence  }
0xb9: {  	s30 =	sld [smem:$0x0];
	_ =	sdelay $0x2  }
0xba: {  	s31 =	sshll.u32 s1, $0xD;
	s1 =	sshrl.u32 s1, $0x2  }
0xbb: {  	s3 =	sand.u32 $0x4000, s31;
	s1 =	sadd.s32 s1, s30  }
0xbc: {  	s0 =	sor.u32 s3, s0;
	s1 =	sshll.u32 s1, $0x11  }
0xbd: {  	s0 =	sor.u32 s1, s0  }
0xbe: {  	s0 =	sadd.s32 $0x8F2B, s0  }
0xbf: {  	[sflag:s0] =	ssyncadd.remote.s32 $0x1  }
0xc0: {  	_ =	sfence.sel $0xFFFF  }
0xc1: {  	[dreg:$0x0] =	wrdreg $0xFFFFFFFF;
	(pc) =	sbr.abs _section_cstart, $3  }
0xc2: {  	[dreg:$0x1] =	wrdreg $0xFFFFFFFF  }
0xc3: {  	_ =	task.clear_ibuf [dreg:s8], $0x2FFFF;
	_ =	strace $0x9FFFFFFF  }
0xc4: {  	(tm) =	ssettm $0x7FFFFFFF  }
0xc5: {  	_ =	shalt  }
tec
execute0_lowered:
.L_overlay_start_1:
0x0: {  	(tag) =	ssettag $0x1  }
0x1: {  	s1 =	rddreg [dreg:$0x0]  }
0x2: {  	s0 =	rddreg [dreg:$0x2]  }
0x3: {  	s4 =	simm.s32 $0x0;
	s2 =	srdreg.scid;
	s3 =	stileid.u32  }
0x4: {  	s31 =	simm.s32 $0x1400;
	s28 =	simm.s32 $0x7800;
	s29 =	simm.s32 $0x8C00  }
0x5: {  	[smem:$0x7FF] =	sst s4;
	s2 =	sand.u32 $0x1, s2;
	s3 =	sshll.u32 s3, $0x1  }
0x6: {  	s5 =	sadd.s32 $0xA00, s0;
	s20 =	sadd.s32 $0x3D0A00, s0;
	s0 =	sadd.s32 $0x3D1200, s0  }
0x7: {  	_ =	strace $0x80000047;
	s3 =	sor.u32 s2, s3;
	[dreg:$0x12] =	wrdreg s20  }
0x8: {  	s21 =	sadd.s32 $0xF4000, s1;
	[dreg:$0x13] =	wrdreg s0;
	s8 =	sshll.u32 s3, $0x9  }
0x9: {  	s30 =	simm.s32 $0xA000;
	[dreg:$0x14] =	wrdreg s21;
	s22 =	sadd.s32 s1, s8  }
0xa: {  	s2 =	ssub.s32 $0x2, s2;
	s24 =	sadd.s32 $0xF4280, s22;
	[dreg:$0x4] =	wrdreg s22  }
0xb: {  	s6 =	sor.u32 $0x20, s3;
	s25 =	sadd.s32 $0x1E8500, s22;
	[dreg:$0x6] =	wrdreg s24  }
0xc: {  	s9 =	sshll.u32 s6, $0x9;
	s10 =	sadd.s32 $0x2DC780, s22;
	[dreg:$0x7] =	wrdreg s25  }
0xd: {  	v0 =	vimm.s32 $0x1780;
	vm0 =	vcmask $0x300;
	v1 =	vimm.s32 $0x3F80;
	s0 =	simm.s32 $0x2800;
	s23 =	sadd.s32 s1, s9;
	[dreg:$0x9] =	wrdreg s10  }
0xe: {  	vm1 =	vcmask $0x704;
	v0 =	vsel vm0, $0x0, v0;
	v1 =	vsel vm0, $0x2800, v1;
	s7 =	sshrl.u32 s2, $0x1;
	s13 =	sadd.s32 $0x8000, s22;
	[dreg:$0x5] =	wrdreg s23  }
0xf: {  	vm2 =	vcmask $0xB08;
	v0 =	vsel vm1, $0x80, v0;
	v1 =	vsel vm1, $0x2880, v1;
	s12 =	sshll.u32 s3, $0xB;
	s14 =	sadd.s32 $0xFC280, s22;
	[dreg:$0xc] =	wrdreg s13  }
0x10: {  	vm4 =	vcmask $0xF0C;
	v0 =	vsel vm2, $0x100, v0;
	v1 =	vsel vm2, $0x2900, v1;
	s2 =	ssub.s32 s2, s7;
	s15 =	sadd.s32 $0x1F0500, s22;
	[dreg:$0xd] =	wrdreg s14  }
0x11: {  	vm5 =	vcmask $0x1310;
	v0 =	vsel vm4, $0x180, v0;
	v1 =	vsel vm4, $0x2980, v1;
	s16 =	sshll.u32 s6, $0xB;
	s7 =	sadd.s32 $0x2E4780, s22;
	[dreg:$0xe] =	wrdreg s15  }
0x12: {  	vm6 =	vcmask $0x1714;
	s17 =	sadd.s32 s5, s12;
	v0 =	vsel vm5, $0x200, v0;
	v1 =	vsel vm5, $0x2A00, v1;
	s18 =	sadd.s32 s5, s16;
	[dreg:$0xf] =	wrdreg s7  }
0x13: {  	vm7 =	vcmask $0x1B18;
	p0 =	sne.s32 s3, $0x0;
	s19 =	sadd.s32 $0x3C0000, s17;
	v0 =	vsel vm6, $0x280, v0;
	v1 =	vsel vm6, $0x2A80, v1;
	[dreg:$0x10] =	wrdreg s18  }
0x14: {  	vm8 =	vcmask $0x1F1C;
	p1 =	sne.s32 s3, $0x1;
	s22 =	smax.u32 s2, $0x1;
	[dreg:$0x11] =	wrdreg s19;
	v0 =	vsel vm7, $0x300, v0;
	v1 =	vsel vm7, $0x2B00, v1  }
0x15: {  	vm9 =	vcmask $0x2320;
	s2 =	simm.s32 $0x1;
	s26 =	sadd.s32 $0x1E8500, s23;
	[dreg:$0x15] =	wrdreg s22;
	v0 =	vsel vm8, $0x380, v0;
	v1 =	vsel vm8, $0x2B80, v1  }
0x16: {  	vm10 =	vcmask $0x2724;
	s9 =	simm.s32 $0xE000;
	s11 =	sadd.s32 $0xF4280, s23;
	[dreg:$0x8] =	wrdreg s26;
	v0 =	vsel vm9, $0x1400, v0;
	v1 =	vsel vm9, $0x3C00, v1  }
0x17: {  	vm11 =	vcmask $0x2B28;
	s8 =	sadd.s32 $0x2DC780, s23;
	s23 =	sor.u32 $0x40, s3;
	[dreg:$0xa] =	wrdreg s11;
	v0 =	vsel vm10, $0x1480, v0;
	v1 =	vsel vm10, $0x3C80, v1  }
.Ltmp0:
0x18: {  	vm12 =	vcmask $0x2F2C;
	s24 =	sadd.s32 $0x1E8280, s1;
	[dreg:$0xb] =	wrdreg s8;
	v0 =	vsel vm11, $0x1500, v0;
	v1 =	vsel vm11, $0x3D00, v1;
	(pc) =	sbr.rel .LBB2_1-.Ltmp0, $4  }
0x19: {  	vm13 =	vcmask $0x3330;
	s25 =	sadd.s32 $0x2DC500, s1;
	s3 =	simm.s32 $0x3C00;
	[dreg:$0x16] =	wrdreg s24;
	v0 =	vsel vm12, $0x1580, v0;
	v1 =	vsel vm12, $0x3D80, v1  }
0x1a: {  	vm14 =	vcmask $0x3734;
	s22 =	simm.s32 $0x5000;
	s10 =	simm.s32 $0x3;
	[dreg:$0x17] =	wrdreg s25;
	v0 =	vsel vm13, $0x1600, v0;
	v1 =	vsel vm13, $0x3E00, v1  }
0x1b: {  	vm15 =	vcmask $0x3B38;
	s26 =	sadd.s32 $0x3D0780, s1;
	s25 =	simm.s32 $0x6400;
	s24 =	simm.s32 $0x2;
	v0 =	vsel vm14, $0x1680, v0;
	v1 =	vsel vm14, $0x3E80, v1  }
0x1c: {  	s11 =	simm.s32 $0x4;
	s8 =	simm.s32 $0x0;
	[dreg:$0x18] =	wrdreg s26;
	v0 =	vsel vm15, $0x1700, v0;
	v1 =	vsel vm15, $0x3F00, v1  }
.LBB2_17:
0x1d: {  	_ =	swait.ge [sflag:s10], $0x4000  }
0x1e: {  	[sflag:s10] =	ssyncset.done $0x0  }
0x1f: {  	[sflag:s10] =	ssyncadd.s32 $0xFFFFC000  }
0x20: {  	s7 =	simm.s32 @!p1 $0x0;
	s8 =	simm.s32 @!p1 $0x12000;
	s12 =	rddreg [dreg:$0x1]  }
0x21: {  	[tilespmem:s8], [sflag:$0x5] =	stream.linear.gather @!p1 [hbm4b:s12+s7], $0x800, $0x38;
	[tilespmem:$0x12800] =	vst v63  }
0x22: {  	s12 =	simm.s32 @!p1 $0x5  }
0x23: {  	_ =	swait.ge @!p1 [sflag:s12], $0x800  }
0x24: {  	[sflag:s12] =	ssyncset.done @!p1 $0x0  }
0x25: {  	s13 =	rddreg [dreg:$0x13];
	[sflag:s12] =	ssyncadd.s32 @!p1 $0xFFFFF800  }
0x26: {  	[hbm4b:s13+s7] =	stream.linear.scatter @!p1 [tilespmem:s8], [sflag:$0x5], $0x800, $0x38;
	[tilespmem:$0x12800] =	vst v63  }
0x27: {  	_ =	swait.ge @!p1 [sflag:s12], $0x800  }
0x28: {  	[sflag:s12] =	ssyncset.done @!p1 $0x0  }
0x29: {  	s8 =	rddreg [dreg:$0x19];
	[sflag:s12] =	ssyncadd.s32 @!p1 $0xFFFFF800  }
.LBB2_18:
0x2a: {  	s8 =	sadd.s32 $0x1, s8;
	s7 =	rddreg [dreg:$0x15]  }
0x2b: {  	p2 =	sne.s32 s8, s7  }
.Ltmp1:
0x2c: {  	_ = 	snop;
	(pc) =	sbr.rel @!p2 .LBB2_19-.Ltmp1, $1  }
0x2d: {  	_ =	sdelay $0x3  }
.LBB2_1:
0x2e: {  	[dreg:$0x19] =	wrdreg s8  }
0x2f: {  	s7 =	rddreg [dreg:$0x4]  }
0x30: {  	[tilespmem:s4], [sflag:$0x1] =	stream.linear.gather [hbm4b:s7+s4], $0x1000, $0x38;
	[tilespmem:$0x12800] =	vst v63  }
0x31: {  	s13 =	rddreg [dreg:$0x6]  }
0x32: {  	[tilespmem:s31], [sflag:$0x1] =	stream.linear.gather [hbm4b:s13+s4], $0x1000, $0x38;
	[tilespmem:$0x12800] =	vst v63  }
0x33: {  	s14 =	rddreg [dreg:$0x7]  }
0x34: {  	[tilespmem:s0], [sflag:$0x1] =	stream.linear.gather [hbm4b:s14+s4], $0x1000, $0x38;
	[tilespmem:$0x12800] =	vst v63  }
0x35: {  	s15 =	rddreg [dreg:$0x9]  }
0x36: {  	[tilespmem:s3], [sflag:$0x1] =	stream.linear.gather [hbm4b:s15+s4], $0x1000, $0x38;
	[tilespmem:$0x12800] =	vst v63  }
0x37: {  	_ =	swait.ge [sflag:s2], $0x1000  }
0x38: {  	[sflag:s2] =	ssyncset.done $0x0  }
0x39: {  	[sflag:s2] =	ssyncadd.s32 $0xFFFFF000  }
0x3a: {  	_ =	swait.ge [sflag:s2], $0x1000  }
0x3b: {  	[sflag:s2] =	ssyncset.done $0x0  }
0x3c: {  	s16 =	simm.s32 $0x1;
	[sflag:s2] =	ssyncadd.s32 $0xFFFFF000  }
0x3d: {  	v4 =	vmov s4;
	v2 =	vmov s16;
	_ =	swait.ge [sflag:s2], $0x1000  }
0x3e: {  	s20 =	simm.s32 $0x2;
	v5 =	vand.u32 $0x7C, v4;
	v3 =	vshll.u32 v2, $0x3;
	[sflag:s2] =	ssyncset.done $0x0  }
0x3f: {  	s18 =	simm.s32 $0x3;
	v7 =	vmov s20;
	v2 =	vand.u32 $0x7D, v2;
	v3 =	vand.u32 $0xC00, v3;
	[sflag:s2] =	ssyncadd.s32 $0xFFFFF000  }
0x40: {  	v6 =	vmov s18;
	v9 =	vshll.u32 v7, $0x3;
	v2 =	vor.u32 v2, v3;
	_ =	swait.ge [sflag:s2], $0x1000  }
0x41: {  	s13 =	simm.s32 $0x4;
	v3 =	vshll.u32 v4, $0x3;
	v4 =	vshll.u32 v6, $0x3;
	v6 =	vand.u32 $0x7F, v6;
	[sflag:s2] =	ssyncset.done $0x0  }
0x42: {  	v11 =	vmov s13;
	s13 =	simm.s32 $0x6;
	v4 =	vand.u32 $0xC00, v4;
	v8 =	vadd.s32 v0, v2;
	s19 =	rddreg [dreg:$0x5];
	[sflag:s2] =	ssyncadd.s32 $0xFFFFF000  }
0x43: {  	v3 =	vand.u32 $0xC00, v3;
	v13 =	vand.u32 $0x7C, v11;
	v15 =	vmov s13;
	[tilespmem:s22], [sflag:$0x2] =	stream.linear.gather [hbm4b:s19+s4], $0x1000, $0x38;
	[tilespmem:$0x12800] =	vst v63  }
0x44: {  	s26 =	simm.s32 $0x5;
	v4 =	vor.u32 v6, v4;
	v6 =	vand.u32 $0x7E, v7;
	v7 =	vand.u32 $0xC00, v9;
	s21 =	rddreg [dreg:$0xa]  }
0x45: {  	v3 =	vor.u32 v5, v3;
	v17 =	vshll.u32 v15, $0x3;
	v9 =	vadd.s32 v0, v4;
	[tilespmem:s25], [sflag:$0x2] =	stream.linear.gather [hbm4b:s21+s4], $0x1000, $0x38;
	[tilespmem:$0x12800] =	vst v63  }
0x46: {  	v15 =	vand.u32 $0x7E, v15;
	v6 =	vor.u32 v6, v7;
	v7 =	vmov s26;
	s15 =	simm.s32 $0x7;
	s12 =	rddreg [dreg:$0x8]  }
0x47: {  	v12 =	vadd.s32 v0, v3;
	v5 =	vadd.s32 v0, v6;
	v10 =	vshll.u32 v7, $0x3;
	[tilespmem:s28], [sflag:$0x2] =	stream.linear.gather [hbm4b:s12+s4], $0x1000, $0x38;
	[tilespmem:$0x12800] =	vst v63  }
0x48: {  	v7 =	vand.u32 $0x7D, v7;
	v14 =	vmov s15;
	v10 =	vand.u32 $0xC00, v10;
	s14 =	rddreg [dreg:$0xb]  }
0x49: {  	v16 =	vshll.u32 v14, $0x3;
	v14 =	vand.u32 $0x7F, v14;
	v7 =	vor.u32 v7, v10;
	[tilespmem:s29], [sflag:$0x2] =	stream.linear.gather [hbm4b:s14+s4], $0x1000, $0x38;
	[tilespmem:$0x12800] =	vst v63  }
0x4a: {  	v10 =	vshll.u32 v11, $0x3;
	v16 =	vand.u32 $0xC00, v16;
	v11 =	vadd.s32 v0, v7;
	v9 =	vld.idx.msk [tilespmem:v9+s4+$0x0], $0xffff  }
0x4b: {  	v4 =	vadd.s32 v1, v4;
	v14 =	vor.u32 v14, v16;
	v16 =	vand.u32 $0xC00, v17;
	v8 =	vld.idx.msk [tilespmem:v8+s4+$0x0], $0xffff  }
0x4c: {  	v2 =	vadd.s32 v1, v2;
	v10 =	vand.u32 $0xC00, v10;
	v15 =	vor.u32 v15, v16;
	v5 =	vld.idx.msk [tilespmem:v5+s4+$0x0], $0xffff  }
0x4d: {  	v10 =	vor.u32 v13, v10;
	v13 =	vadd.s32 v0, v15;
	v12 =	vld.idx.msk [tilespmem:v12+s4+$0x0], $0xffff  }
0x4e: {  	v6 =	vadd.s32 v1, v6;
	s15 =	simm.s32 $0xA040  }
0x4f: {  	s16 =	simm.s32 $0x9;
	v17 =	vadd.s32 v0, v14;
	v19 =	vld.idx.msk [tilespmem:v11+s4+$0x0], $0xffff;
	[tilespmem:s15+$0x20] =	vst v9  }
0x50: {  	v3 =	vadd.s32 v1, v3;
	v16 =	vadd.s32 v0, v10;
	v9 =	vmov s16;
	[tilespmem:s15+$0xFFFFFFE0] =	vst v8;
	v4 =	vld.idx.msk [tilespmem:v4+s4+$0x0], $0xffff  }
0x51: {  	v7 =	vadd.s32 v1, v7;
	v21 =	vadd.s32 v1, v15;
	[tilespmem:s15+$0x0] =	vst v5;
	v8 =	vshll.u32 v9, $0x3;
	v18 =	vld.idx.msk [tilespmem:v2+s4+$0x0], $0xffff  }
0x52: {  	s18 =	simm.s32 $0x8;
	s14 =	simm.s32 $0xB;
	v13 =	vld.idx.msk [tilespmem:v13+s4+$0x0], $0xffff;
	[tilespmem:s15+$0xFFFFFFC0] =	vst v12;
	v12 =	vadd.s32 v1, v14;
	v2 =	vand.u32 $0x7D, v9;
	v5 =	vand.u32 $0xC00, v8  }
0x53: {  	s13 =	simm.s32 $0x60;
	v8 =	vld.idx.msk [tilespmem:v6+s4+$0x0], $0xffff;
	v6 =	vmov s14;
	s14 =	simm.s32 $0xA0C0;
	v2 =	vor.u32 v2, v5;
	v5 =	vmov s18  }
0x54: {  	s20 =	sor.u32 $0x70, s13;
	s19 =	simm.s32 $0x20;
	s16 =	simm.s32 $0xA;
	v9 =	vld.idx.msk [tilespmem:v17+s4+$0x0], $0xffff;
	v11 =	vshll.u32 v6, $0x3;
	v6 =	vand.u32 $0x7F, v6;
	[tilespmem:s14+$0xFFFFFFE0] =	vst v19;
	v17 =	vadd.s32 v0, v2  }
0x55: {  	s8 =	sor.u32 $0x30, s19;
	v14 =	vld.idx.msk [tilespmem:v16+s4+$0x0], $0xffff;
	v20 =	vand.u32 $0x7C, v5;
	v11 =	vand.u32 $0xC00, v11;
	[tilespmem:s20+$0xA000] =	vst v4;
	v4 =	vmov s16  }
0x56: {  	s18 =	simm.s32 $0x40;
	v5 =	vshll.u32 v5, $0x3;
	v6 =	vor.u32 v6, v11;
	[tilespmem:s8+$0xA000] =	vst v18;
	v18 =	vld.idx.msk [tilespmem:v3+s4+$0x0], $0xffff;
	v3 =	vshll.u32 v4, $0x3  }
0x57: {  	[tilespmem:s14+$0x0] =	vst v13;
	s21 =	sor.u32 $0x50, s18;
	v22 =	vadd.s32 v0, v6;
	v4 =	vand.u32 $0x7E, v4;
	v3 =	vand.u32 $0xC00, v3  }
0x58: {  	s26 =	simm.s32 $0xD;
	v11 =	vadd.s32 v1, v10;
	v10 =	vld.idx.msk [tilespmem:v7+s4+$0x0], $0xffff;
	[tilespmem:s21+$0xA000] =	vst v8;
	v8 =	vand.u32 $0xC00, v5;
	v4 =	vor.u32 v4, v3  }
0x59: {  	[tilespmem:s14+$0x20] =	vst v9;
	v9 =	vmov s26;
	v5 =	vld.idx.msk [tilespmem:v17+s4+$0x0], $0xffff;
	v3 =	vor.u32 v20, v8;
	v15 =	vadd.s32 v0, v4  }
0x5a: {  	s18 =	simm.s32 $0xC;
	[tilespmem:s14+$0xFFFFFFC0] =	vst v14;
	v12 =	vld.idx.msk [tilespmem:v12+s4+$0x0], $0xffff;
	v8 =	vshll.u32 v9, $0x3;
	v14 =	vadd.s32 v0, v3  }
0x5b: {  	v16 =	vmov s18;
	v7 =	vld.idx.msk [tilespmem:v21+s4+$0x0], $0xffff;
	v9 =	vand.u32 $0x7D, v9;
	v13 =	vand.u32 $0xC00, v8  }
0x5c: {  	s19 =	simm.s32 $0xF;
	s16 =	simm.s32 $0x10;
	v8 =	vand.u32 $0x7C, v16;
	v9 =	vor.u32 v9, v13;
	v13 =	vld.idx.msk [tilespmem:v22+s4+$0x0], $0xffff;
	[tilespmem:s15+$0xFFFFFFD0] =	vst v18;
	s15 =	simm.s32 $0xA0C0  }
.LBB2_2:
0x5d: {  	p2 =	slt.u32 s16, $0x1FC;
	v16 =	vshll.u32 v16, $0x3;
	v17 =	vadd.s32 v0, v9;
	s8 =	sadd.s32 $0x2, s18;
	v18 =	vmov s19;
	v19 =	vld.idx.msk [tilespmem:v11+s4+$0x0], $0xffff;
	s13 =	sadd.s32 $0x80, s13  }
0x5e: {  	v22 =	vadd.s32 v1, v6;
	v23 =	vmovc v5;
	v11 =	vmov s8;
	v20 =	vshll.u32 v18, $0x3;
	v21 =	vld.idx.msk [tilespmem:v15+s4+$0x0], $0xffff;
	s8 =	sadd.s32 $0xFFFFFFC0, s13;
	s18 =	sadd.s32 $0xFFFFFFE0, s13;
	s19 =	sor.u32 $0x70, s13  }
0x5f: {  	v5 =	vand.u32 $0x7F, v18;
	v6 =	vand.u32 $0xC00, v20;
	v18 =	vld.idx.msk [tilespmem:v14+s4+$0x0], $0xffff;
	v20 =	vadd.s32 v1, v2;
	s8 =	sor.u32 $0x30, s8;
	s20 =	sor.u32 $0x50, s18;
	[tilespmem:s19+$0xA000] =	vst v12;
	v2 =	vmovc v9;
	s18 =	smov.u32 s16  }
0x60: {  	v24 =	vadd.s32 v1, v4;
	v9 =	vshll.u32 v11, $0x3;
	v6 =	vor.u32 v5, v6;
	[tilespmem:s8+$0xA000] =	vst v10  }
0x61: {  	s14 =	sadd.s32 $0x80, s14;
	v4 =	vand.u32 $0x7E, v11;
	v9 =	vand.u32 $0xC00, v9;
	v25 =	vadd.s32 v0, v6;
	[tilespmem:s20+$0xA000] =	vst v7  }
.Ltmp2:
0x62: {  	v11 =	vadd.s32 v1, v3;
	s8 =	sadd.s32 $0x1, s16;
	v7 =	vand.u32 $0xC00, v16;
	v4 =	vor.u32 v4, v9;
	v5 =	vld.idx.msk [tilespmem:v17+s4+$0x0], $0xffff;
	[tilespmem:s14+$0x20] =	vst v13;
	(pc) =	sbr.rel @p2 .LBB2_2-.Ltmp2, $4  }
0x63: {  	v9 =	vmov s8;
	v3 =	vor.u32 v8, v7;
	v15 =	vadd.s32 v0, v4;
	[tilespmem:s14+$0xFFFFFFE0] =	vst v23;
	v12 =	vld.idx.msk [tilespmem:v22+s4+$0x0], $0xffff  }
0x64: {  	v7 =	vshll.u32 v9, $0x3;
	v14 =	vadd.s32 v0, v3;
	v10 =	vld.idx.msk [tilespmem:v20+s4+$0x0], $0xffff;
	[tilespmem:s14+$0x0] =	vst v21  }
0x65: {  	v16 =	vmov s16;
	v9 =	vand.u32 $0x7D, v9;
	v13 =	vand.u32 $0xC00, v7;
	[tilespmem:s14+$0xFFFFFFC0] =	vst v18;
	v7 =	vld.idx.msk [tilespmem:v24+s4+$0x0], $0xffff  }
0x66: {  	s19 =	sadd.s32 $0x3, s18;
	s16 =	sadd.s32 $0x4, s16;
	v8 =	vand.u32 $0x7C, v16;
	v9 =	vor.u32 v9, v13;
	v13 =	vld.idx.msk [tilespmem:v25+s4+$0x0], $0xffff;
	[tilespmem:s15+$0xFFFFFFD0] =	vst v19;
	s15 =	smov.u32 s14  }
0x67: {  	v17 =	vmov s19  }
0x68: {  	s8 =	sadd.s32 $0x2, s18;
	v16 =	vshll.u32 v16, $0x3;
	v6 =	vadd.s32 v1, v6;
	v2 =	vadd.s32 v1, v2  }
0x69: {  	s19 =	sadd.s32 $0x80, s13;
	v62 =	vadd.s32 v0, v9;
	v18 =	vmov s8;
	v19 =	vshll.u32 v17, $0x3  }
0x6a: {  	v17 =	vand.u32 $0x7F, v17;
	s13 =	sadd.s32 $0xFFFFFFC0, s19;
	s16 =	sor.u32 $0x70, s19;
	v19 =	vand.u32 $0xC00, v19;
	v20 =	vshll.u32 v18, $0x3  }
0x6b: {  	v15 =	vld.idx.msk [tilespmem:v15+s4+$0x0], $0xffff;
	s13 =	sor.u32 $0x30, s13;
	[tilespmem:s16+$0xA000] =	vst v12;
	v12 =	vand.u32 $0x7E, v18;
	v17 =	vor.u32 v17, v19;
	v18 =	vand.u32 $0xC00, v20  }
0x6c: {  	v14 =	vld.idx.msk [tilespmem:v14+s4+$0x0], $0xffff;
	s20 =	sadd.s32 $0x80, s14;
	[tilespmem:s13+$0xA000] =	vst v10;
	v10 =	vand.u32 $0xC00, v16;
	v19 =	vadd.s32 v0, v17;
	v12 =	vor.u32 v12, v18  }
0x6d: {  	v11 =	vld.idx.msk [tilespmem:v11+s4+$0x0], $0xffff;
	s21 =	sadd.s32 $0xFFFFFFE0, s19;
	[tilespmem:s20+$0x20] =	vst v13;
	v8 =	vor.u32 v8, v10;
	v10 =	vadd.s32 v0, v12  }
0x6e: {  	[tilespmem:s20+$0xFFFFFFE0] =	vst v5;
	s14 =	sor.u32 $0x50, s21;
	v5 =	vld.idx.msk [tilespmem:v6+s4+$0x0], $0xffff;
	v6 =	vadd.s32 v0, v8  }
0x6f: {  	v4 =	vadd.s32 v1, v4;
	[tilespmem:s14+$0xA000] =	vst v7;
	v2 =	vld.idx.msk [tilespmem:v2+s4+$0x0], $0xffff  }
0x70: {  	v3 =	vadd.s32 v1, v3;
	[tilespmem:s20+$0x0] =	vst v15;
	v13 =	vld.idx.msk [tilespmem:v62+s4+$0x0], $0xffff  }
0x71: {  	v9 =	vadd.s32 v1, v9;
	s8 =	sadd.s32 $0x80, s19;
	[tilespmem:s20+$0xFFFFFFC0] =	vst v14;
	v7 =	vld.idx.msk [tilespmem:v19+s4+$0x0], $0xffff  }
0x72: {  	s26 =	sadd.s32 $0xFFFFFFC0, s8;
	s7 =	sor.u32 $0x70, s8;
	v14 =	vadd.s32 v1, v17;
	[tilespmem:s15+$0xFFFFFFD0] =	vst v11;
	v10 =	vld.idx.msk [tilespmem:v10+s4+$0x0], $0xffff  }
0x73: {  	s14 =	sor.u32 $0x30, s26;
	v6 =	vld.idx.msk [tilespmem:v6+s4+$0x0], $0xffff;
	[tilespmem:s7+$0xA000] =	vst v5;
	v5 =	vadd.s32 v1, v12  }
0x74: {  	s12 =	sadd.s32 $0x80, s20;
	v4 =	vld.idx.msk [tilespmem:v4+s4+$0x0], $0xffff;
	[tilespmem:s14+$0xA000] =	vst v2;
	v2 =	vadd.s32 v1, v8  }
0x75: {  	v3 =	vld.idx.msk [tilespmem:v3+s4+$0x0], $0xffff;
	[tilespmem:s12+$0xFFFFFFE0] =	vst v13  }
0x76: {  	v8 =	vld.idx.msk [tilespmem:v9+s4+$0x0], $0xffff;
	[tilespmem:s12+$0x20] =	vst v7  }
0x77: {  	s16 =	sadd.s32 $0xFFFFFFE0, s8;
	v7 =	vld.idx.msk [tilespmem:v14+s4+$0x0], $0xffff;
	[tilespmem:s12+$0x0] =	vst v10  }
0x78: {  	s8 =	sadd.s32 $0x80, s8;
	s15 =	sor.u32 $0x50, s16;
	[tilespmem:s12+$0xFFFFFFC0] =	vst v6;
	v5 =	vld.idx.msk [tilespmem:v5+s4+$0x0], $0xffff  }
0x79: {  	s18 =	sadd.s32 $0xFFFFFFC0, s8;
	[tilespmem:s15+$0xA000] =	vst v4;
	v2 =	vld.idx.msk [tilespmem:v2+s4+$0x0], $0xffff  }
0x7a: {  	s13 =	sor.u32 $0x30, s18;
	[tilespmem:s20+$0xFFFFFFD0] =	vst v3  }
0x7b: {  	s19 =	sor.u32 $0x70, s8;
	s8 =	sadd.s32 $0xFFFFFFE0, s8;
	[tilespmem:s13+$0xA000] =	vst v8  }
0x7c: {  	s8 =	sor.u32 $0x50, s8;
	[tilespmem:s19+$0xA000] =	vst v7  }
0x7d: {  	[tilespmem:s8+$0xA000] =	vst v5  }
0x7e: {  	s20 =	simm.s32 $0x0;
	[tilespmem:s12+$0xFFFFFFD0] =	vst v2  }
0x7f: {  	[hbm4b:s17+s20] =	stream.linear.scatter [tilespmem:s30], [sflag:$0x3], $0x4000, $0x38;
	[tilespmem:$0x12800] =	vst v63  }
0x80: {  	_ =	swait.ge [sflag:s24], $0x1000  }
0x81: {  	[sflag:s24] =	ssyncset.done $0x0  }
0x82: {  	[sflag:s24] =	ssyncadd.s32 $0xFFFFF000  }
0x83: {  	_ =	swait.ge [sflag:s24], $0x1000  }
0x84: {  	[sflag:s24] =	ssyncset.done $0x0  }
0x85: {  	[sflag:s24] =	ssyncadd.s32 $0xFFFFF000  }
0x86: {  	_ =	swait.ge [sflag:s24], $0x1000  }
0x87: {  	s21 =	simm.s32 $0x1;
	[sflag:s24] =	ssyncset.done $0x0  }
0x88: {  	s26 =	simm.s32 $0x3;
	v2 =	vmov s21;
	[sflag:s24] =	ssyncadd.s32 $0xFFFFF000  }
0x89: {  	v4 =	vmov s20;
	v6 =	vmov s26;
	v3 =	vshll.u32 v2, $0x3;
	_ =	swait.ge [sflag:s24], $0x1000  }
0x8a: {  	v5 =	vand.u32 $0x7C, v4;
	v2 =	vand.u32 $0x7D, v2;
	v3 =	vand.u32 $0xC00, v3;
	[sflag:s24] =	ssyncset.done $0x0  }
0x8b: {  	s12 =	simm.s32 $0x2;
	v2 =	vor.u32 v2, v3;
	v3 =	vshll.u32 v4, $0x3;
	v4 =	vshll.u32 v6, $0x3;
	s7 =	rddreg [dreg:$0xc];
	[sflag:s24] =	ssyncadd.s32 $0xFFFFF000  }
0x8c: {  	v7 =	vmov s12;
	v6 =	vand.u32 $0x7F, v6;
	v4 =	vand.u32 $0xC00, v4;
	[tilespmem:s20], [sflag:$0x1] =	stream.linear.gather [hbm4b:s7+s20], $0x1000, $0x38;
	[tilespmem:$0x12800] =	vst v63  }
0x8d: {  	v9 =	vshll.u32 v7, $0x3;
	v4 =	vor.u32 v6, v4;
	s14 =	rddreg [dreg:$0xd]  }
0x8e: {  	v6 =	vand.u32 $0x7E, v7;
	v7 =	vand.u32 $0xC00, v9;
	v9 =	vadd.s32 v0, v4;
	[tilespmem:s31], [sflag:$0x1] =	stream.linear.gather [hbm4b:s14+s20], $0x1000, $0x38;
	[tilespmem:$0x12800] =	vst v63  }
0x8f: {  	s18 =	simm.s32 $0x4;
	s15 =	simm.s32 $0x5;
	v8 =	vadd.s32 v0, v2;
	v3 =	vand.u32 $0xC00, v3;
	v6 =	vor.u32 v6, v7;
	s16 =	rddreg [dreg:$0xe]  }
0x90: {  	v3 =	vor.u32 v5, v3;
	v7 =	vmov s15;
	v5 =	vadd.s32 v0, v6;
	[tilespmem:s0], [sflag:$0x1] =	stream.linear.gather [hbm4b:s16+s20], $0x1000, $0x38;
	[tilespmem:$0x12800] =	vst v63  }
0x91: {  	v11 =	vmov s18;
	s21 =	simm.s32 $0x6;
	v12 =	vadd.s32 v0, v3;
	v10 =	vshll.u32 v7, $0x3;
	s19 =	rddreg [dreg:$0xf]  }
0x92: {  	v15 =	vmov s21;
	v7 =	vand.u32 $0x7D, v7;
	v10 =	vand.u32 $0xC00, v10;
	[tilespmem:s3], [sflag:$0x1] =	stream.linear.gather [hbm4b:s19+s20], $0x1000, $0x38;
	[tilespmem:$0x12800] =	vst v63  }
0x93: {  	v13 =	vand.u32 $0x7C, v11;
	v17 =	vshll.u32 v15, $0x3;
	v7 =	vor.u32 v7, v10;
	s20 =	simm.s32 $0x7;
	v9 =	vld.idx.msk [tilespmem:v9+s22+$0x0], $0xffff  }
0x94: {  	v10 =	vshll.u32 v11, $0x3;
	v11 =	vadd.s32 v0, v7;
	v14 =	vmov s20;
	v8 =	vld.idx.msk [tilespmem:v8+s22+$0x0], $0xffff  }
0x95: {  	v15 =	vand.u32 $0x7E, v15;
	v4 =	vadd.s32 v1, v4;
	v5 =	vld.idx.msk [tilespmem:v5+s22+$0x0], $0xffff;
	v16 =	vshll.u32 v14, $0x3  }
0x96: {  	v2 =	vadd.s32 v1, v2;
	v12 =	vld.idx.msk [tilespmem:v12+s22+$0x0], $0xffff;
	v14 =	vand.u32 $0x7F, v14;
	v16 =	vand.u32 $0xC00, v16  }
0x97: {  	s15 =	simm.s32 $0xE040;
	v6 =	vadd.s32 v1, v6;
	v10 =	vand.u32 $0xC00, v10;
	v14 =	vor.u32 v14, v16  }
0x98: {  	v10 =	vor.u32 v13, v10;
	v16 =	vand.u32 $0xC00, v17;
	v17 =	vadd.s32 v0, v14;
	[tilespmem:s15+$0x20] =	vst v9  }
0x99: {  	s26 =	simm.s32 $0x9;
	v19 =	vld.idx.msk [tilespmem:v11+s22+$0x0], $0xffff;
	v15 =	vor.u32 v15, v16;
	v16 =	vadd.s32 v0, v10;
	[tilespmem:s15+$0xFFFFFFE0] =	vst v8  }
0x9a: {  	v3 =	vadd.s32 v1, v3;
	v9 =	vmov s26;
	v13 =	vadd.s32 v0, v15;
	[tilespmem:s15+$0x0] =	vst v5;
	v4 =	vld.idx.msk [tilespmem:v4+s22+$0x0], $0xffff  }
0x9b: {  	v7 =	vadd.s32 v1, v7;
	[tilespmem:s15+$0xFFFFFFC0] =	vst v12;
	v12 =	vadd.s32 v1, v14;
	v8 =	vshll.u32 v9, $0x3;
	v18 =	vld.idx.msk [tilespmem:v2+s22+$0x0], $0xffff  }
0x9c: {  	s12 =	simm.s32 $0xB;
	s7 =	simm.s32 $0x8;
	v21 =	vadd.s32 v1, v15;
	v2 =	vand.u32 $0x7D, v9;
	v5 =	vand.u32 $0xC00, v8;
	v8 =	vld.idx.msk [tilespmem:v6+s22+$0x0], $0xffff  }
0x9d: {  	s13 =	simm.s32 $0x60;
	s14 =	simm.s32 $0xE0C0;
	v6 =	vmov s12;
	v2 =	vor.u32 v2, v5;
	v5 =	vmov s7;
	v9 =	vld.idx.msk [tilespmem:v17+s22+$0x0], $0xffff  }
0x9e: {  	s18 =	sor.u32 $0x70, s13;
	s16 =	simm.s32 $0x20;
	s19 =	simm.s32 $0xA;
	[tilespmem:s14+$0xFFFFFFE0] =	vst v19;
	v11 =	vshll.u32 v6, $0x3;
	v6 =	vand.u32 $0x7F, v6;
	v17 =	vadd.s32 v0, v2;
	v14 =	vld.idx.msk [tilespmem:v16+s22+$0x0], $0xffff  }
0x9f: {  	s8 =	sor.u32 $0x30, s16;
	s20 =	simm.s32 $0x40;
	v63 =	vand.u32 $0x7C, v5;
	v11 =	vand.u32 $0xC00, v11;
	v13 =	vld.idx.msk [tilespmem:v13+s22+$0x0], $0xffff;
	[tilespmem:s18+$0xE000] =	vst v4;
	v4 =	vmov s19  }
0xa0: {  	s21 =	sor.u32 $0x50, s20;
	v5 =	vshll.u32 v5, $0x3;
	v6 =	vor.u32 v6, v11;
	[tilespmem:s8+$0xE000] =	vst v18;
	v18 =	vld.idx.msk [tilespmem:v3+s22+$0x0], $0xffff;
	v3 =	vshll.u32 v4, $0x3  }
0xa1: {  	v22 =	vadd.s32 v0, v6;
	[tilespmem:s21+$0xE000] =	vst v8;
	v4 =	vand.u32 $0x7E, v4;
	v3 =	vand.u32 $0xC00, v3  }
0xa2: {  	s26 =	simm.s32 $0xD;
	v11 =	vadd.s32 v1, v10;
	v10 =	vld.idx.msk [tilespmem:v7+s22+$0x0], $0xffff;
	v8 =	vand.u32 $0xC00, v5;
	[tilespmem:s14+$0x20] =	vst v9;
	v4 =	vor.u32 v4, v3  }
0xa3: {  	v5 =	vld.idx.msk [tilespmem:v17+s22+$0x0], $0xffff;
	v9 =	vmov s26;
	v3 =	vor.u32 v63, v8;
	[tilespmem:s14+$0xFFFFFFC0] =	vst v14;
	v15 =	vadd.s32 v0, v4  }
0xa4: {  	s18 =	simm.s32 $0xC;
	v12 =	vld.idx.msk [tilespmem:v12+s22+$0x0], $0xffff;
	v8 =	vshll.u32 v9, $0x3;
	[tilespmem:s14+$0x0] =	vst v13;
	v14 =	vadd.s32 v0, v3  }
0xa5: {  	v16 =	vmov s18;
	v9 =	vand.u32 $0x7D, v9;
	v13 =	vand.u32 $0xC00, v8;
	v7 =	vld.idx.msk [tilespmem:v21+s22+$0x0], $0xffff  }
0xa6: {  	s16 =	simm.s32 $0x10;
	s19 =	simm.s32 $0xF;
	v8 =	vand.u32 $0x7C, v16;
	[tilespmem:s15+$0xFFFFFFD0] =	vst v18;
	s15 =	simm.s32 $0xE0C0;
	v9 =	vor.u32 v9, v13;
	v13 =	vld.idx.msk [tilespmem:v22+s22+$0x0], $0xffff  }
.LBB2_4:
0xa7: {  	p2 =	slt.u32 s16, $0x1FC;
	v16 =	vshll.u32 v16, $0x3;
	v17 =	vadd.s32 v0, v9;
	s8 =	sadd.s32 $0x2, s18;
	v18 =	vmov s19;
	v19 =	vld.idx.msk [tilespmem:v11+s22+$0x0], $0xffff;
	s13 =	sadd.s32 $0x80, s13  }
0xa8: {  	v22 =	vadd.s32 v1, v6;
	v23 =	vmovc v5;
	v11 =	vmov s8;
	v20 =	vshll.u32 v18, $0x3;
	v21 =	vld.idx.msk [tilespmem:v15+s22+$0x0], $0xffff;
	s8 =	sadd.s32 $0xFFFFFFC0, s13;
	s18 =	sadd.s32 $0xFFFFFFE0, s13;
	s19 =	sor.u32 $0x70, s13  }
0xa9: {  	v5 =	vand.u32 $0x7F, v18;
	v6 =	vand.u32 $0xC00, v20;
	v18 =	vld.idx.msk [tilespmem:v14+s22+$0x0], $0xffff;
	v20 =	vadd.s32 v1, v2;
	s8 =	sor.u32 $0x30, s8;
	s20 =	sor.u32 $0x50, s18;
	[tilespmem:s19+$0xE000] =	vst v12;
	v2 =	vmovc v9;
	s18 =	smov.u32 s16  }
0xaa: {  	v24 =	vadd.s32 v1, v4;
	v9 =	vshll.u32 v11, $0x3;
	v6 =	vor.u32 v5, v6;
	[tilespmem:s8+$0xE000] =	vst v10  }
0xab: {  	s14 =	sadd.s32 $0x80, s14;
	v4 =	vand.u32 $0x7E, v11;
	v9 =	vand.u32 $0xC00, v9;
	v25 =	vadd.s32 v0, v6;
	[tilespmem:s20+$0xE000] =	vst v7  }
.Ltmp3:
0xac: {  	v11 =	vadd.s32 v1, v3;
	s8 =	sadd.s32 $0x1, s16;
	v7 =	vand.u32 $0xC00, v16;
	v4 =	vor.u32 v4, v9;
	v5 =	vld.idx.msk [tilespmem:v17+s22+$0x0], $0xffff;
	[tilespmem:s14+$0x20] =	vst v13;
	(pc) =	sbr.rel @p2 .LBB2_4-.Ltmp3, $4  }
0xad: {  	v9 =	vmov s8;
	v3 =	vor.u32 v8, v7;
	v15 =	vadd.s32 v0, v4;
	[tilespmem:s14+$0xFFFFFFE0] =	vst v23;
	v12 =	vld.idx.msk [tilespmem:v22+s22+$0x0], $0xffff  }
0xae: {  	v7 =	vshll.u32 v9, $0x3;
	v14 =	vadd.s32 v0, v3;
	v10 =	vld.idx.msk [tilespmem:v20+s22+$0x0], $0xffff;
	[tilespmem:s14+$0x0] =	vst v21  }
0xaf: {  	v16 =	vmov s16;
	v9 =	vand.u32 $0x7D, v9;
	v13 =	vand.u32 $0xC00, v7;
	[tilespmem:s14+$0xFFFFFFC0] =	vst v18;
	v7 =	vld.idx.msk [tilespmem:v24+s22+$0x0], $0xffff  }
0xb0: {  	s19 =	sadd.s32 $0x3, s18;
	s16 =	sadd.s32 $0x4, s16;
	v8 =	vand.u32 $0x7C, v16;
	v9 =	vor.u32 v9, v13;
	v13 =	vld.idx.msk [tilespmem:v25+s22+$0x0], $0xffff;
	[tilespmem:s15+$0xFFFFFFD0] =	vst v19;
	s15 =	smov.u32 s14  }
0xb1: {  	v17 =	vmov s19  }
0xb2: {  	s8 =	sadd.s32 $0x2, s18;
	v16 =	vshll.u32 v16, $0x3;
	v6 =	vadd.s32 v1, v6;
	v2 =	vadd.s32 v1, v2  }
0xb3: {  	v53 =	vadd.s32 v0, v9;
	v18 =	vmov s8;
	v19 =	vshll.u32 v17, $0x3  }
0xb4: {  	s26 =	sadd.s32 $0x80, s13;
	s7 =	sadd.s32 $0x80, s14;
	v17 =	vand.u32 $0x7F, v17;
	v54 =	vand.u32 $0xC00, v16;
	v19 =	vand.u32 $0xC00, v19  }
0xb5: {  	v15 =	vld.idx.msk [tilespmem:v15+s22+$0x0], $0xffff;
	s13 =	sadd.s32 $0xFFFFFFC0, s26;
	s16 =	sor.u32 $0x70, s26;
	[tilespmem:s7+$0xFFFFFFE0] =	vst v5;
	v20 =	vshll.u32 v18, $0x3;
	v51 =	vand.u32 $0x7E, v18;
	v17 =	vor.u32 v17, v19  }
0xb6: {  	v14 =	vld.idx.msk [tilespmem:v14+s22+$0x0], $0xffff;
	s13 =	sor.u32 $0x30, s13;
	[tilespmem:s16+$0xE000] =	vst v12;
	v8 =	vor.u32 v8, v54;
	v52 =	vand.u32 $0xC00, v20;
	v19 =	vadd.s32 v0, v17  }
0xb7: {  	v11 =	vld.idx.msk [tilespmem:v11+s22+$0x0], $0xffff;
	s12 =	sadd.s32 $0xFFFFFFE0, s26;
	[tilespmem:s13+$0xE000] =	vst v10;
	v57 =	vadd.s32 v0, v8;
	v12 =	vor.u32 v51, v52  }
0xb8: {  	s14 =	sor.u32 $0x50, s12;
	[tilespmem:s7+$0x20] =	vst v13;
	v55 =	vadd.s32 v0, v12;
	v2 =	vld.idx.msk [tilespmem:v2+s22+$0x0], $0xffff  }
0xb9: {  	v4 =	vadd.s32 v1, v4;
	[tilespmem:s14+$0xE000] =	vst v7;
	v56 =	vld.idx.msk [tilespmem:v6+s22+$0x0], $0xffff  }
0xba: {  	v3 =	vadd.s32 v1, v3;
	s8 =	sadd.s32 $0x80, s26;
	[tilespmem:s7+$0x0] =	vst v15;
	v59 =	vld.idx.msk [tilespmem:v53+s22+$0x0], $0xffff  }
0xbb: {  	v61 =	vadd.s32 v1, v9;
	s16 =	sadd.s32 $0xFFFFFFC0, s8;
	[tilespmem:s7+$0xFFFFFFC0] =	vst v14;
	v58 =	vld.idx.msk [tilespmem:v19+s22+$0x0], $0xffff  }
0xbc: {  	s14 =	sor.u32 $0x30, s16;
	v60 =	vadd.s32 v1, v17;
	[tilespmem:s15+$0xFFFFFFD0] =	vst v11;
	v6 =	vld.idx.msk [tilespmem:v57+s22+$0x0], $0xffff  }
0xbd: {  	s18 =	sor.u32 $0x70, s8;
	v10 =	vld.idx.msk [tilespmem:v55+s22+$0x0], $0xffff;
	[tilespmem:s14+$0xE000] =	vst v2;
	v2 =	vadd.s32 v1, v8  }
0xbe: {  	s19 =	sadd.s32 $0x80, s7;
	v62 =	vadd.s32 v1, v12;
	v4 =	vld.idx.msk [tilespmem:v4+s22+$0x0], $0xffff;
	[tilespmem:s18+$0xE000] =	vst v56  }
0xbf: {  	v3 =	vld.idx.msk [tilespmem:v3+s22+$0x0], $0xffff;
	[tilespmem:s19+$0xFFFFFFE0] =	vst v59  }
0xc0: {  	v63 =	vld.idx.msk [tilespmem:v61+s22+$0x0], $0xffff;
	[tilespmem:s19+$0x20] =	vst v58  }
0xc1: {  	s20 =	sadd.s32 $0xFFFFFFE0, s8;
	[tilespmem:s19+$0xFFFFFFC0] =	vst v6;
	v7 =	vld.idx.msk [tilespmem:v60+s22+$0x0], $0xffff  }
0xc2: {  	s8 =	sadd.s32 $0x80, s8;
	s15 =	sor.u32 $0x50, s20;
	[tilespmem:s19+$0x0] =	vst v10;
	v2 =	vld.idx.msk [tilespmem:v2+s22+$0x0], $0xffff  }
0xc3: {  	s21 =	sadd.s32 $0xFFFFFFC0, s8;
	[tilespmem:s15+$0xE000] =	vst v4;
	v5 =	vld.idx.msk [tilespmem:v62+s22+$0x0], $0xffff  }
0xc4: {  	s13 =	sor.u32 $0x30, s21;
	[tilespmem:s7+$0xFFFFFFD0] =	vst v3  }
0xc5: {  	s26 =	sor.u32 $0x70, s8;
	[tilespmem:s13+$0xE000] =	vst v63  }
0xc6: {  	s8 =	sadd.s32 $0xFFFFFFE0, s8;
	[tilespmem:s26+$0xE000] =	vst v7  }
0xc7: {  	s8 =	sor.u32 $0x50, s8;
	[tilespmem:s19+$0xFFFFFFD0] =	vst v2  }
0xc8: {  	[tilespmem:s8+$0xE000] =	vst v5  }
0xc9: {  	s14 =	simm.s32 $0x0;
	s13 =	simm.s32 $0x0;
	s7 =	rddreg [dreg:$0x10]  }
0xca: {  	[hbm4b:s7+s13] =	stream.linear.scatter [tilespmem:s9], [sflag:$0x4], $0x4000, $0x38;
	[tilespmem:$0x12800] =	vst v63  }
.LBB2_6:
0xcb: {  	_ =	swait.ge [sflag:s2], $0x1000  }
0xcc: {  	[sflag:s2] =	ssyncset.done $0x0  }
0xcd: {  	[sflag:s2] =	ssyncadd.s32 $0xFFFFF000  }
0xce: {  	_ =	swait.ge [sflag:s2], $0x1000  }
0xcf: {  	[sflag:s2] =	ssyncset.done $0x0  }
0xd0: {  	[sflag:s2] =	ssyncadd.s32 $0xFFFFF000  }
0xd1: {  	s14 =	sadd.s32 $0x1, s14;
	s7 =	simm.s32 $0x1;
	_ =	swait.ge [sflag:s2], $0x1000  }
0xd2: {  	s19 =	simm.s32 $0x3;
	s16 =	sshll.u32 s14, $0x6;
	[sflag:s2] =	ssyncset.done $0x0  }
0xd3: {  	s26 =	simm.s32 $0x4;
	s15 =	sor.u32 s6, s16;
	[sflag:s2] =	ssyncadd.s32 $0xFFFFF000  }
0xd4: {  	v4 =	vmov s13;
	v6 =	vmov s19;
	s19 =	simm.s32 $0x2;
	s8 =	sshll.u32 s15, $0x9;
	_ =	swait.ge [sflag:s2], $0x1000  }
0xd5: {  	v2 =	vmov s7;
	v5 =	vand.u32 $0x7C, v4;
	s18 =	sadd.s32 s1, s8;
	s8 =	sand.u32 $0x1FFFFE00, s8;
	[sflag:s2] =	ssyncset.done $0x0  }
0xd6: {  	v11 =	vmov s26;
	s7 =	simm.s32 $0x7;
	v3 =	vshll.u32 v2, $0x3;
	v2 =	vand.u32 $0x7D, v2;
	s8 =	sadd.s32 s1, s8;
	[sflag:s2] =	ssyncadd.s32 $0xFFFFF000  }
0xd7: {  	v7 =	vmov s19;
	v13 =	vand.u32 $0x7C, v11;
	v14 =	vmov s7;
	[tilespmem:s22], [sflag:$0x2] =	stream.linear.gather [hbm4b:s18+s13], $0x1000, $0x38;
	[tilespmem:$0x12800] =	vst v63  }
0xd8: {  	v3 =	vand.u32 $0xC00, v3;
	v9 =	vshll.u32 v7, $0x3;
	v16 =	vshll.u32 v14, $0x3;
	s12 =	sadd.s32 $0xF4280, s8  }
0xd9: {  	v2 =	vor.u32 v2, v3;
	v3 =	vshll.u32 v4, $0x3;
	v4 =	vshll.u32 v6, $0x3;
	[tilespmem:s25], [sflag:$0x2] =	stream.linear.gather [hbm4b:s12+s13], $0x1000, $0x38;
	[tilespmem:$0x12800] =	vst v63  }
0xda: {  	v14 =	vand.u32 $0x7F, v14;
	v6 =	vand.u32 $0x7F, v6;
	v4 =	vand.u32 $0xC00, v4;
	s20 =	sadd.s32 $0x1E8500, s8  }
0xdb: {  	v16 =	vand.u32 $0xC00, v16;
	v8 =	vadd.s32 v0, v2;
	v4 =	vor.u32 v6, v4;
	[tilespmem:s28], [sflag:$0x2] =	stream.linear.gather [hbm4b:s20+s13], $0x1000, $0x38;
	[tilespmem:$0x12800] =	vst v63  }
0xdc: {  	s21 =	simm.s32 $0x5;
	s8 =	sadd.s32 $0x2DC780, s8;
	v6 =	vand.u32 $0x7E, v7;
	v7 =	vand.u32 $0xC00, v9;
	v9 =	vadd.s32 v0, v4  }
0xdd: {  	v3 =	vand.u32 $0xC00, v3;
	v6 =	vor.u32 v6, v7;
	v7 =	vmov s21;
	[tilespmem:s29], [sflag:$0x2] =	stream.linear.gather [hbm4b:s8+s13], $0x1000, $0x38;
	[tilespmem:$0x12800] =	vst v63  }
0xde: {  	v3 =	vor.u32 v5, v3;
	v5 =	vadd.s32 v0, v6;
	v10 =	vshll.u32 v7, $0x3;
	_ =	swait.ge [sflag:s10], $0x4000  }
0xdf: {  	v12 =	vadd.s32 v0, v3;
	v7 =	vand.u32 $0x7D, v7;
	v10 =	vand.u32 $0xC00, v10;
	s12 =	simm.s32 $0x6;
	[sflag:s10] =	ssyncset.done $0x0  }
0xe0: {  	v14 =	vor.u32 v14, v16;
	v7 =	vor.u32 v7, v10;
	v15 =	vmov s12;
	[sflag:s10] =	ssyncadd.s32 $0xFFFFC000  }
0xe1: {  	v10 =	vshll.u32 v11, $0x3;
	v11 =	vadd.s32 v0, v7;
	v17 =	vshll.u32 v15, $0x3;
	v9 =	vld.idx.msk [tilespmem:v9+s4+$0x0], $0xffff  }
0xe2: {  	v4 =	vadd.s32 v1, v4;
	v15 =	vand.u32 $0x7E, v15;
	v16 =	vand.u32 $0xC00, v17;
	v8 =	vld.idx.msk [tilespmem:v8+s4+$0x0], $0xffff  }
0xe3: {  	v2 =	vadd.s32 v1, v2;
	v10 =	vand.u32 $0xC00, v10;
	v15 =	vor.u32 v15, v16;
	v5 =	vld.idx.msk [tilespmem:v5+s4+$0x0], $0xffff  }
0xe4: {  	v10 =	vor.u32 v13, v10;
	v13 =	vadd.s32 v0, v15;
	v12 =	vld.idx.msk [tilespmem:v12+s4+$0x0], $0xffff  }
0xe5: {  	v6 =	vadd.s32 v1, v6;
	s20 =	simm.s32 $0xA040  }
0xe6: {  	s19 =	simm.s32 $0x9;
	v17 =	vadd.s32 v0, v14;
	v19 =	vld.idx.msk [tilespmem:v11+s4+$0x0], $0xffff;
	[tilespmem:s20+$0x20] =	vst v9  }
0xe7: {  	v3 =	vadd.s32 v1, v3;
	v16 =	vadd.s32 v0, v10;
	v9 =	vmov s19;
	[tilespmem:s20+$0xFFFFFFE0] =	vst v8;
	v4 =	vld.idx.msk [tilespmem:v4+s4+$0x0], $0xffff  }
0xe8: {  	v7 =	vadd.s32 v1, v7;
	v21 =	vadd.s32 v1, v15;
	[tilespmem:s20+$0x0] =	vst v5;
	v8 =	vshll.u32 v9, $0x3;
	v18 =	vld.idx.msk [tilespmem:v2+s4+$0x0], $0xffff  }
0xe9: {  	s26 =	simm.s32 $0xB;
	s21 =	simm.s32 $0x8;
	v13 =	vld.idx.msk [tilespmem:v13+s4+$0x0], $0xffff;
	[tilespmem:s20+$0xFFFFFFC0] =	vst v12;
	v12 =	vadd.s32 v1, v14;
	v2 =	vand.u32 $0x7D, v9;
	v5 =	vand.u32 $0xC00, v8  }
0xea: {  	s18 =	simm.s32 $0x60;
	s19 =	simm.s32 $0xA0C0;
	v8 =	vld.idx.msk [tilespmem:v6+s4+$0x0], $0xffff;
	v6 =	vmov s26;
	v2 =	vor.u32 v2, v5;
	v5 =	vmov s21  }
0xeb: {  	s7 =	simm.s32 $0x20;
	s12 =	sor.u32 $0x70, s18;
	v9 =	vld.idx.msk [tilespmem:v17+s4+$0x0], $0xffff;
	[tilespmem:s19+$0xFFFFFFE0] =	vst v19;
	v11 =	vshll.u32 v6, $0x3;
	s21 =	simm.s32 $0xA;
	v6 =	vand.u32 $0x7F, v6;
	v17 =	vadd.s32 v0, v2  }
0xec: {  	s8 =	sor.u32 $0x30, s7;
	v14 =	vld.idx.msk [tilespmem:v16+s4+$0x0], $0xffff;
	v20 =	vand.u32 $0x7C, v5;
	v11 =	vand.u32 $0xC00, v11;
	[tilespmem:s12+$0xA000] =	vst v4;
	v4 =	vmov s21  }
0xed: {  	s26 =	simm.s32 $0x40;
	v5 =	vshll.u32 v5, $0x3;
	v6 =	vor.u32 v6, v11;
	[tilespmem:s8+$0xA000] =	vst v18;
	v18 =	vld.idx.msk [tilespmem:v3+s4+$0x0], $0xffff;
	v3 =	vshll.u32 v4, $0x3  }
0xee: {  	[tilespmem:s19+$0x0] =	vst v13;
	s21 =	sor.u32 $0x50, s26;
	v22 =	vadd.s32 v0, v6;
	v4 =	vand.u32 $0x7E, v4;
	v3 =	vand.u32 $0xC00, v3  }
0xef: {  	v11 =	vadd.s32 v1, v10;
	v10 =	vld.idx.msk [tilespmem:v7+s4+$0x0], $0xffff;
	s26 =	simm.s32 $0xD;
	[tilespmem:s21+$0xA000] =	vst v8;
	v8 =	vand.u32 $0xC00, v5;
	v4 =	vor.u32 v4, v3  }
0xf0: {  	[tilespmem:s19+$0x20] =	vst v9;
	v9 =	vmov s26;
	v5 =	vld.idx.msk [tilespmem:v17+s4+$0x0], $0xffff;
	v3 =	vor.u32 v20, v8;
	v15 =	vadd.s32 v0, v4  }
0xf1: {  	[tilespmem:s19+$0xFFFFFFC0] =	vst v14;
	v12 =	vld.idx.msk [tilespmem:v12+s4+$0x0], $0xffff;
	s26 =	simm.s32 $0xC;
	v8 =	vshll.u32 v9, $0x3;
	v14 =	vadd.s32 v0, v3  }
0xf2: {  	v7 =	vld.idx.msk [tilespmem:v21+s4+$0x0], $0xffff;
	v16 =	vmov s26;
	v9 =	vand.u32 $0x7D, v9;
	v13 =	vand.u32 $0xC00, v8  }
0xf3: {  	s8 =	simm.s32 $0xF;
	s21 =	simm.s32 $0x10;
	v8 =	vand.u32 $0x7C, v16;
	v9 =	vor.u32 v9, v13;
	v13 =	vld.idx.msk [tilespmem:v22+s4+$0x0], $0xffff;
	[tilespmem:s20+$0xFFFFFFD0] =	vst v18;
	s20 =	simm.s32 $0xA0C0  }
.LBB2_7:
0xf4: {  	p2 =	slt.u32 s21, $0x1FC;
	v16 =	vshll.u32 v16, $0x3;
	v17 =	vadd.s32 v0, v9;
	s26 =	sadd.s32 $0x2, s26;
	v18 =	vmov s8;
	v19 =	vld.idx.msk [tilespmem:v11+s4+$0x0], $0xffff;
	s18 =	sadd.s32 $0x80, s18  }
0xf5: {  	v22 =	vadd.s32 v1, v6;
	v23 =	vmovc v5;
	v11 =	vmov s26;
	v20 =	vshll.u32 v18, $0x3;
	v21 =	vld.idx.msk [tilespmem:v15+s4+$0x0], $0xffff;
	s8 =	sadd.s32 $0xFFFFFFC0, s18;
	s26 =	sadd.s32 $0xFFFFFFE0, s18;
	s7 =	sor.u32 $0x70, s18  }
0xf6: {  	v5 =	vand.u32 $0x7F, v18;
	v6 =	vand.u32 $0xC00, v20;
	v18 =	vld.idx.msk [tilespmem:v14+s4+$0x0], $0xffff;
	v20 =	vadd.s32 v1, v2;
	s8 =	sor.u32 $0x30, s8;
	s12 =	sor.u32 $0x50, s26;
	[tilespmem:s7+$0xA000] =	vst v12;
	v2 =	vmovc v9;
	s26 =	smov.u32 s21  }
0xf7: {  	v24 =	vadd.s32 v1, v4;
	v9 =	vshll.u32 v11, $0x3;
	v6 =	vor.u32 v5, v6;
	[tilespmem:s8+$0xA000] =	vst v10  }
0xf8: {  	s19 =	sadd.s32 $0x80, s19;
	v4 =	vand.u32 $0x7E, v11;
	v9 =	vand.u32 $0xC00, v9;
	v25 =	vadd.s32 v0, v6;
	[tilespmem:s12+$0xA000] =	vst v7  }
.Ltmp4:
0xf9: {  	s7 =	sadd.s32 $0x1, s21;
	v11 =	vadd.s32 v1, v3;
	v7 =	vand.u32 $0xC00, v16;
	v4 =	vor.u32 v4, v9;
	v5 =	vld.idx.msk [tilespmem:v17+s4+$0x0], $0xffff;
	[tilespmem:s19+$0x20] =	vst v13;
	(pc) =	sbr.rel @p2 .LBB2_7-.Ltmp4, $4  }
0xfa: {  	v9 =	vmov s7;
	v3 =	vor.u32 v8, v7;
	v15 =	vadd.s32 v0, v4;
	[tilespmem:s19+$0xFFFFFFE0] =	vst v23;
	v12 =	vld.idx.msk [tilespmem:v22+s4+$0x0], $0xffff  }
0xfb: {  	v7 =	vshll.u32 v9, $0x3;
	v14 =	vadd.s32 v0, v3;
	v10 =	vld.idx.msk [tilespmem:v20+s4+$0x0], $0xffff;
	[tilespmem:s19+$0x0] =	vst v21  }
0xfc: {  	v16 =	vmov s21;
	v9 =	vand.u32 $0x7D, v9;
	v13 =	vand.u32 $0xC00, v7;
	[tilespmem:s19+$0xFFFFFFC0] =	vst v18;
	v7 =	vld.idx.msk [tilespmem:v24+s4+$0x0], $0xffff  }
0xfd: {  	s8 =	sadd.s32 $0x3, s26;
	s21 =	sadd.s32 $0x4, s21;
	v8 =	vand.u32 $0x7C, v16;
	v9 =	vor.u32 v9, v13;
	v13 =	vld.idx.msk [tilespmem:v25+s4+$0x0], $0xffff;
	[tilespmem:s20+$0xFFFFFFD0] =	vst v19;
	s20 =	smov.u32 s19  }
0xfe: {  	v17 =	vmov s8  }
0xff: {  	s7 =	sadd.s32 $0x2, s26;
	v16 =	vshll.u32 v16, $0x3;
	v6 =	vadd.s32 v1, v6;
	v2 =	vadd.s32 v1, v2  }
0x100: {  	s21 =	sadd.s32 $0x80, s18;
	v62 =	vadd.s32 v0, v9;
	v18 =	vmov s7;
	v19 =	vshll.u32 v17, $0x3  }
0x101: {  	v17 =	vand.u32 $0x7F, v17;
	s26 =	sadd.s32 $0xFFFFFFC0, s21;
	s12 =	sor.u32 $0x70, s21;
	v19 =	vand.u32 $0xC00, v19;
	v20 =	vshll.u32 v18, $0x3  }
0x102: {  	v15 =	vld.idx.msk [tilespmem:v15+s4+$0x0], $0xffff;
	s8 =	sor.u32 $0x30, s26;
	[tilespmem:s12+$0xA000] =	vst v12;
	v12 =	vand.u32 $0x7E, v18;
	v17 =	vor.u32 v17, v19;
	v18 =	vand.u32 $0xC00, v20  }
0x103: {  	v14 =	vld.idx.msk [tilespmem:v14+s4+$0x0], $0xffff;
	[tilespmem:s8+$0xA000] =	vst v10;
	s8 =	sadd.s32 $0x80, s19;
	v10 =	vand.u32 $0xC00, v16;
	v19 =	vadd.s32 v0, v17;
	v12 =	vor.u32 v12, v18  }
0x104: {  	v11 =	vld.idx.msk [tilespmem:v11+s4+$0x0], $0xffff;
	s18 =	sadd.s32 $0xFFFFFFE0, s21;
	[tilespmem:s8+$0x20] =	vst v13;
	v8 =	vor.u32 v8, v10;
	v10 =	vadd.s32 v0, v12  }
0x105: {  	s12 =	sor.u32 $0x50, s18;
	[tilespmem:s8+$0xFFFFFFE0] =	vst v5;
	v5 =	vld.idx.msk [tilespmem:v6+s4+$0x0], $0xffff;
	v6 =	vadd.s32 v0, v8  }
0x106: {  	v4 =	vadd.s32 v1, v4;
	[tilespmem:s12+$0xA000] =	vst v7;
	v2 =	vld.idx.msk [tilespmem:v2+s4+$0x0], $0xffff  }
0x107: {  	v3 =	vadd.s32 v1, v3;
	[tilespmem:s8+$0x0] =	vst v15;
	v13 =	vld.idx.msk [tilespmem:v62+s4+$0x0], $0xffff  }
0x108: {  	v9 =	vadd.s32 v1, v9;
	s7 =	sadd.s32 $0x80, s21;
	[tilespmem:s8+$0xFFFFFFC0] =	vst v14;
	v7 =	vld.idx.msk [tilespmem:v19+s4+$0x0], $0xffff  }
0x109: {  	s19 =	sadd.s32 $0xFFFFFFC0, s7;
	v14 =	vadd.s32 v1, v17;
	[tilespmem:s20+$0xFFFFFFD0] =	vst v11;
	s20 =	sor.u32 $0x70, s7;
	v10 =	vld.idx.msk [tilespmem:v10+s4+$0x0], $0xffff  }
0x10a: {  	s12 =	sor.u32 $0x30, s19;
	v6 =	vld.idx.msk [tilespmem:v6+s4+$0x0], $0xffff;
	[tilespmem:s20+$0xA000] =	vst v5;
	v5 =	vadd.s32 v1, v12  }
0x10b: {  	s21 =	sadd.s32 $0x80, s8;
	v4 =	vld.idx.msk [tilespmem:v4+s4+$0x0], $0xffff;
	[tilespmem:s12+$0xA000] =	vst v2;
	v2 =	vadd.s32 v1, v8  }
0x10c: {  	v3 =	vld.idx.msk [tilespmem:v3+s4+$0x0], $0xffff;
	[tilespmem:s21+$0xFFFFFFE0] =	vst v13  }
0x10d: {  	v8 =	vld.idx.msk [tilespmem:v9+s4+$0x0], $0xffff;
	[tilespmem:s21+$0x20] =	vst v7  }
0x10e: {  	s26 =	sadd.s32 $0xFFFFFFE0, s7;
	v7 =	vld.idx.msk [tilespmem:v14+s4+$0x0], $0xffff;
	[tilespmem:s21+$0x0] =	vst v10  }
0x10f: {  	s18 =	sor.u32 $0x50, s26;
	s7 =	sadd.s32 $0x80, s7;
	[tilespmem:s21+$0xFFFFFFC0] =	vst v6;
	v5 =	vld.idx.msk [tilespmem:v5+s4+$0x0], $0xffff  }
0x110: {  	[tilespmem:s18+$0xA000] =	vst v4;
	s18 =	sadd.s32 $0xFFFFFFC0, s7;
	v2 =	vld.idx.msk [tilespmem:v2+s4+$0x0], $0xffff  }
0x111: {  	[tilespmem:s8+$0xFFFFFFD0] =	vst v3;
	s8 =	sor.u32 $0x30, s18  }
0x112: {  	s19 =	sor.u32 $0x70, s7;
	s7 =	sadd.s32 $0xFFFFFFE0, s7;
	[tilespmem:s8+$0xA000] =	vst v8  }
0x113: {  	s7 =	sor.u32 $0x50, s7;
	[tilespmem:s19+$0xA000] =	vst v7  }
0x114: {  	s20 =	sshll.u32 s14, $0x11;
	[tilespmem:s7+$0xA000] =	vst v5  }
0x115: {  	s8 =	simm.s32 $0x0;
	[tilespmem:s21+$0xFFFFFFD0] =	vst v2;
	s7 =	sadd.s32 s20, s17  }
0x116: {  	[hbm4b:s7+s8] =	stream.linear.scatter [tilespmem:s30], [sflag:$0x3], $0x4000, $0x38;
	[tilespmem:$0x12800] =	vst v63  }
0x117: {  	_ =	swait.ge [sflag:s24], $0x1000  }
0x118: {  	[sflag:s24] =	ssyncset.done $0x0  }
0x119: {  	[sflag:s24] =	ssyncadd.s32 $0xFFFFF000  }
0x11a: {  	_ =	swait.ge [sflag:s24], $0x1000  }
0x11b: {  	[sflag:s24] =	ssyncset.done $0x0  }
0x11c: {  	[sflag:s24] =	ssyncadd.s32 $0xFFFFF000  }
0x11d: {  	_ =	swait.ge [sflag:s24], $0x1000  }
0x11e: {  	[sflag:s24] =	ssyncset.done $0x0  }
0x11f: {  	s21 =	sadd.s32 s23, s16;
	[sflag:s24] =	ssyncadd.s32 $0xFFFFF000  }
0x120: {  	s16 =	simm.s32 $0x1;
	s7 =	sshll.u32 s21, $0x9;
	_ =	swait.ge [sflag:s24], $0x1000  }
0x121: {  	s26 =	sadd.s32 s1, s7;
	s7 =	sand.u32 $0x1FFFFE00, s7;
	[sflag:s24] =	ssyncset.done $0x0  }
0x122: {  	v4 =	vmov s8;
	s19 =	simm.s32 $0x3;
	v2 =	vmov s16;
	s7 =	sadd.s32 s1, s7;
	[sflag:s24] =	ssyncadd.s32 $0xFFFFF000  }
0x123: {  	v5 =	vand.u32 $0x7C, v4;
	v3 =	vshll.u32 v2, $0x3;
	[tilespmem:s8], [sflag:$0x1] =	stream.linear.gather [hbm4b:s26+s8], $0x1000, $0x38;
	[tilespmem:$0x12800] =	vst v63  }
0x124: {  	v6 =	vmov s19;
	s20 =	simm.s32 $0x2;
	v2 =	vand.u32 $0x7D, v2;
	v3 =	vand.u32 $0xC00, v3;
	s18 =	sadd.s32 $0xF4280, s7  }
0x125: {  	v2 =	vor.u32 v2, v3;
	v3 =	vshll.u32 v4, $0x3;
	v4 =	vshll.u32 v6, $0x3;
	[tilespmem:s31], [sflag:$0x1] =	stream.linear.gather [hbm4b:s18+s8], $0x1000, $0x38;
	[tilespmem:$0x12800] =	vst v63  }
0x126: {  	v7 =	vmov s20;
	s21 =	sadd.s32 $0x1E8500, s7;
	v6 =	vand.u32 $0x7F, v6;
	v4 =	vand.u32 $0xC00, v4  }
0x127: {  	v9 =	vshll.u32 v7, $0x3;
	v4 =	vor.u32 v6, v4;
	[tilespmem:s0], [sflag:$0x1] =	stream.linear.gather [hbm4b:s21+s8], $0x1000, $0x38;
	[tilespmem:$0x12800] =	vst v63  }
0x128: {  	s19 =	simm.s32 $0x6;
	s7 =	sadd.s32 $0x2DC780, s7;
	v6 =	vand.u32 $0x7E, v7;
	v7 =	vand.u32 $0xC00, v9;
	v9 =	vadd.s32 v0, v4  }
0x129: {  	v8 =	vadd.s32 v0, v2;
	v3 =	vand.u32 $0xC00, v3;
	v6 =	vor.u32 v6, v7;
	[tilespmem:s3], [sflag:$0x1] =	stream.linear.gather [hbm4b:s7+s8], $0x1000, $0x38;
	[tilespmem:$0x12800] =	vst v63  }
0x12a: {  	s16 =	simm.s32 $0x4;
	v15 =	vmov s19;
	v3 =	vor.u32 v5, v3;
	v5 =	vadd.s32 v0, v6;
	_ =	swait.ge [sflag:s11], $0x4000  }
0x12b: {  	v11 =	vmov s16;
	v17 =	vshll.u32 v15, $0x3;
	v15 =	vand.u32 $0x7E, v15;
	[sflag:s11] =	ssyncset.done $0x0  }
0x12c: {  	v13 =	vand.u32 $0x7C, v11;
	v2 =	vadd.s32 v1, v2;
	v12 =	vadd.s32 v0, v3;
	s26 =	simm.s32 $0x5;
	s18 =	simm.s32 $0x7;
	[sflag:s11] =	ssyncadd.s32 $0xFFFFC000  }
0x12d: {  	v4 =	vadd.s32 v1, v4;
	v7 =	vmov s26;
	v14 =	vmov s18;
	v9 =	vld.idx.msk [tilespmem:v9+s22+$0x0], $0xffff  }
0x12e: {  	v10 =	vshll.u32 v7, $0x3;
	v7 =	vand.u32 $0x7D, v7;
	v16 =	vshll.u32 v14, $0x3;
	v8 =	vld.idx.msk [tilespmem:v8+s22+$0x0], $0xffff  }
0x12f: {  	v10 =	vand.u32 $0xC00, v10;
	v14 =	vand.u32 $0x7F, v14;
	v16 =	vand.u32 $0xC00, v16;
	v5 =	vld.idx.msk [tilespmem:v5+s22+$0x0], $0xffff  }
0x130: {  	v6 =	vadd.s32 v1, v6;
	v7 =	vor.u32 v7, v10;
	v14 =	vor.u32 v14, v16  }
0x131: {  	s19 =	simm.s32 $0xE040;
	v10 =	vshll.u32 v11, $0x3;
	v16 =	vand.u32 $0xC00, v17;
	v17 =	vadd.s32 v0, v14;
	v12 =	vld.idx.msk [tilespmem:v12+s22+$0x0], $0xffff  }
0x132: {  	s20 =	simm.s32 $0x9;
	v11 =	vadd.s32 v0, v7;
	v10 =	vand.u32 $0xC00, v10;
	v15 =	vor.u32 v15, v16;
	[tilespmem:s19+$0x20] =	vst v9  }
0x133: {  	v10 =	vor.u32 v13, v10;
	v13 =	vadd.s32 v0, v15;
	v9 =	vmov s20;
	[tilespmem:s19+$0xFFFFFFE0] =	vst v8;
	v4 =	vld.idx.msk [tilespmem:v4+s22+$0x0], $0xffff  }
0x134: {  	v16 =	vadd.s32 v0, v10;
	[tilespmem:s19+$0x0] =	vst v5;
	v8 =	vshll.u32 v9, $0x3;
	v18 =	vld.idx.msk [tilespmem:v2+s22+$0x0], $0xffff  }
0x135: {  	v3 =	vadd.s32 v1, v3;
	v7 =	vadd.s32 v1, v7;
	v5 =	vand.u32 $0xC00, v8;
	v8 =	vld.idx.msk [tilespmem:v6+s22+$0x0], $0xffff  }
0x136: {  	s16 =	simm.s32 $0x60;
	s26 =	simm.s32 $0xB;
	s21 =	simm.s32 $0x8;
	v21 =	vadd.s32 v1, v15;
	[tilespmem:s19+$0xFFFFFFC0] =	vst v12;
	v12 =	vadd.s32 v1, v14;
	v2 =	vand.u32 $0x7D, v9;
	v9 =	vld.idx.msk [tilespmem:v17+s22+$0x0], $0xffff  }
0x137: {  	s12 =	sor.u32 $0x70, s16;
	s8 =	simm.s32 $0x20;
	v19 =	vld.idx.msk [tilespmem:v11+s22+$0x0], $0xffff;
	v6 =	vmov s26;
	v2 =	vor.u32 v2, v5;
	v5 =	vmov s21  }
0x138: {  	s18 =	simm.s32 $0xA;
	s7 =	sor.u32 $0x30, s8;
	v13 =	vld.idx.msk [tilespmem:v13+s22+$0x0], $0xffff;
	s20 =	simm.s32 $0x40;
	v11 =	vshll.u32 v6, $0x3;
	v6 =	vand.u32 $0x7F, v6;
	v17 =	vadd.s32 v0, v2;
	[tilespmem:s12+$0xE000] =	vst v4  }
0x139: {  	v14 =	vld.idx.msk [tilespmem:v16+s22+$0x0], $0xffff;
	s21 =	sor.u32 $0x50, s20;
	v63 =	vand.u32 $0x7C, v5;
	v11 =	vand.u32 $0xC00, v11;
	v4 =	vmov s18;
	[tilespmem:s7+$0xE000] =	vst v18  }
0x13a: {  	v5 =	vshll.u32 v5, $0x3;
	v6 =	vor.u32 v6, v11;
	v18 =	vld.idx.msk [tilespmem:v3+s22+$0x0], $0xffff;
	s18 =	simm.s32 $0xE0C0;
	v3 =	vshll.u32 v4, $0x3;
	[tilespmem:s21+$0xE000] =	vst v8  }
0x13b: {  	v22 =	vadd.s32 v0, v6;
	v4 =	vand.u32 $0x7E, v4;
	[tilespmem:s18+$0x20] =	vst v9;
	v3 =	vand.u32 $0xC00, v3  }
0x13c: {  	s26 =	simm.s32 $0xD;
	v11 =	vadd.s32 v1, v10;
	v8 =	vand.u32 $0xC00, v5;
	[tilespmem:s18+$0xFFFFFFE0] =	vst v19;
	v12 =	vld.idx.msk [tilespmem:v12+s22+$0x0], $0xffff;
	v4 =	vor.u32 v4, v3  }
0x13d: {  	v9 =	vmov s26;
	[tilespmem:s18+$0x0] =	vst v13;
	v5 =	vld.idx.msk [tilespmem:v17+s22+$0x0], $0xffff;
	v3 =	vor.u32 v63, v8;
	v15 =	vadd.s32 v0, v4  }
0x13e: {  	s21 =	simm.s32 $0xC;
	[tilespmem:s18+$0xFFFFFFC0] =	vst v14;
	v10 =	vld.idx.msk [tilespmem:v7+s22+$0x0], $0xffff;
	v8 =	vshll.u32 v9, $0x3;
	v14 =	vadd.s32 v0, v3  }
0x13f: {  	v16 =	vmov s21;
	v7 =	vld.idx.msk [tilespmem:v21+s22+$0x0], $0xffff;
	v9 =	vand.u32 $0x7D, v9;
	v13 =	vand.u32 $0xC00, v8  }
0x140: {  	s8 =	simm.s32 $0xF;
	s20 =	simm.s32 $0x10;
	v8 =	vand.u32 $0x7C, v16;
	v9 =	vor.u32 v9, v13;
	v13 =	vld.idx.msk [tilespmem:v22+s22+$0x0], $0xffff;
	[tilespmem:s19+$0xFFFFFFD0] =	vst v18;
	s19 =	simm.s32 $0xE0C0  }
.LBB2_9:
0x141: {  	p2 =	slt.u32 s20, $0x1FC;
	v16 =	vshll.u32 v16, $0x3;
	v17 =	vadd.s32 v0, v9;
	s7 =	sadd.s32 $0x2, s21;
	v18 =	vmov s8;
	v19 =	vld.idx.msk [tilespmem:v11+s22+$0x0], $0xffff;
	s16 =	sadd.s32 $0x80, s16  }
0x142: {  	v22 =	vadd.s32 v1, v6;
	v23 =	vmovc v5;
	v11 =	vmov s7;
	v20 =	vshll.u32 v18, $0x3;
	v21 =	vld.idx.msk [tilespmem:v15+s22+$0x0], $0xffff;
	s7 =	sadd.s32 $0xFFFFFFC0, s16;
	s8 =	sadd.s32 $0xFFFFFFE0, s16;
	s12 =	sor.u32 $0x70, s16  }
0x143: {  	s21 =	smov.u32 s20;
	v5 =	vand.u32 $0x7F, v18;
	v6 =	vand.u32 $0xC00, v20;
	v18 =	vld.idx.msk [tilespmem:v14+s22+$0x0], $0xffff;
	v20 =	vadd.s32 v1, v2;
	s7 =	sor.u32 $0x30, s7;
	s8 =	sor.u32 $0x50, s8;
	[tilespmem:s12+$0xE000] =	vst v12;
	v2 =	vmovc v9  }
0x144: {  	v24 =	vadd.s32 v1, v4;
	v9 =	vshll.u32 v11, $0x3;
	v6 =	vor.u32 v5, v6;
	[tilespmem:s7+$0xE000] =	vst v10  }
0x145: {  	s18 =	sadd.s32 $0x80, s18;
	v4 =	vand.u32 $0x7E, v11;
	v9 =	vand.u32 $0xC00, v9;
	v25 =	vadd.s32 v0, v6;
	[tilespmem:s8+$0xE000] =	vst v7  }
.Ltmp5:
0x146: {  	v11 =	vadd.s32 v1, v3;
	s7 =	sadd.s32 $0x1, s20;
	v7 =	vand.u32 $0xC00, v16;
	v4 =	vor.u32 v4, v9;
	v5 =	vld.idx.msk [tilespmem:v17+s22+$0x0], $0xffff;
	[tilespmem:s18+$0x20] =	vst v13;
	(pc) =	sbr.rel @p2 .LBB2_9-.Ltmp5, $4  }
0x147: {  	v9 =	vmov s7;
	v3 =	vor.u32 v8, v7;
	v15 =	vadd.s32 v0, v4;
	[tilespmem:s18+$0xFFFFFFE0] =	vst v23;
	v12 =	vld.idx.msk [tilespmem:v22+s22+$0x0], $0xffff  }
0x148: {  	v7 =	vshll.u32 v9, $0x3;
	v14 =	vadd.s32 v0, v3;
	v10 =	vld.idx.msk [tilespmem:v20+s22+$0x0], $0xffff;
	[tilespmem:s18+$0x0] =	vst v21  }
0x149: {  	v16 =	vmov s20;
	v9 =	vand.u32 $0x7D, v9;
	v13 =	vand.u32 $0xC00, v7;
	[tilespmem:s18+$0xFFFFFFC0] =	vst v18;
	v7 =	vld.idx.msk [tilespmem:v24+s22+$0x0], $0xffff  }
0x14a: {  	s8 =	sadd.s32 $0x3, s21;
	s20 =	sadd.s32 $0x4, s20;
	v8 =	vand.u32 $0x7C, v16;
	v9 =	vor.u32 v9, v13;
	v13 =	vld.idx.msk [tilespmem:v25+s22+$0x0], $0xffff;
	[tilespmem:s19+$0xFFFFFFD0] =	vst v19;
	s19 =	smov.u32 s18  }
0x14b: {  	v17 =	vmov s8  }
0x14c: {  	s7 =	sadd.s32 $0x2, s21;
	v16 =	vshll.u32 v16, $0x3;
	v6 =	vadd.s32 v1, v6;
	v2 =	vadd.s32 v1, v2  }
0x14d: {  	s26 =	sadd.s32 $0x80, s16;
	v53 =	vadd.s32 v0, v9;
	v18 =	vmov s7;
	v19 =	vshll.u32 v17, $0x3  }
0x14e: {  	v17 =	vand.u32 $0x7F, v17;
	s16 =	sadd.s32 $0xFFFFFFC0, s26;
	s12 =	sor.u32 $0x70, s26;
	v54 =	vand.u32 $0xC00, v16;
	v19 =	vand.u32 $0xC00, v19  }
0x14f: {  	v15 =	vld.idx.msk [tilespmem:v15+s22+$0x0], $0xffff;
	v20 =	vshll.u32 v18, $0x3;
	s8 =	sor.u32 $0x30, s16;
	[tilespmem:s12+$0xE000] =	vst v12;
	v51 =	vand.u32 $0x7E, v18;
	v17 =	vor.u32 v17, v19  }
0x150: {  	v14 =	vld.idx.msk [tilespmem:v14+s22+$0x0], $0xffff;
	v8 =	vor.u32 v8, v54;
	v52 =	vand.u32 $0xC00, v20;
	[tilespmem:s8+$0xE000] =	vst v10;
	s8 =	sadd.s32 $0x80, s18;
	v19 =	vadd.s32 v0, v17  }
0x151: {  	v11 =	vld.idx.msk [tilespmem:v11+s22+$0x0], $0xffff;
	s20 =	sadd.s32 $0xFFFFFFE0, s26;
	v57 =	vadd.s32 v0, v8;
	v12 =	vor.u32 v51, v52;
	[tilespmem:s8+$0xFFFFFFE0] =	vst v5  }
0x152: {  	s12 =	sor.u32 $0x50, s20;
	[tilespmem:s8+$0x20] =	vst v13;
	v55 =	vadd.s32 v0, v12;
	v2 =	vld.idx.msk [tilespmem:v2+s22+$0x0], $0xffff  }
0x153: {  	v4 =	vadd.s32 v1, v4;
	[tilespmem:s12+$0xE000] =	vst v7;
	v56 =	vld.idx.msk [tilespmem:v6+s22+$0x0], $0xffff  }
0x154: {  	v3 =	vadd.s32 v1, v3;
	s7 =	sadd.s32 $0x80, s26;
	[tilespmem:s8+$0x0] =	vst v15;
	v59 =	vld.idx.msk [tilespmem:v53+s22+$0x0], $0xffff  }
0x155: {  	v61 =	vadd.s32 v1, v9;
	s21 =	sadd.s32 $0xFFFFFFC0, s7;
	[tilespmem:s8+$0xFFFFFFC0] =	vst v14;
	v58 =	vld.idx.msk [tilespmem:v19+s22+$0x0], $0xffff  }
0x156: {  	s12 =	sor.u32 $0x30, s21;
	v60 =	vadd.s32 v1, v17;
	[tilespmem:s19+$0xFFFFFFD0] =	vst v11;
	v6 =	vld.idx.msk [tilespmem:v57+s22+$0x0], $0xffff  }
0x157: {  	s26 =	sor.u32 $0x70, s7;
	v10 =	vld.idx.msk [tilespmem:v55+s22+$0x0], $0xffff;
	[tilespmem:s12+$0xE000] =	vst v2;
	v2 =	vadd.s32 v1, v8  }
0x158: {  	v62 =	vadd.s32 v1, v12;
	v4 =	vld.idx.msk [tilespmem:v4+s22+$0x0], $0xffff;
	[tilespmem:s26+$0xE000] =	vst v56;
	s12 =	sadd.s32 $0x80, s8  }
0x159: {  	v3 =	vld.idx.msk [tilespmem:v3+s22+$0x0], $0xffff;
	[tilespmem:s12+$0xFFFFFFE0] =	vst v59  }
0x15a: {  	v63 =	vld.idx.msk [tilespmem:v61+s22+$0x0], $0xffff;
	[tilespmem:s12+$0x20] =	vst v58  }
0x15b: {  	s18 =	sadd.s32 $0xFFFFFFE0, s7;
	[tilespmem:s12+$0xFFFFFFC0] =	vst v6;
	v7 =	vld.idx.msk [tilespmem:v60+s22+$0x0], $0xffff  }
0x15c: {  	s7 =	sadd.s32 $0x80, s7;
	s16 =	sor.u32 $0x50, s18;
	[tilespmem:s12+$0x0] =	vst v10;
	v2 =	vld.idx.msk [tilespmem:v2+s22+$0x0], $0xffff  }
0x15d: {  	s19 =	sadd.s32 $0xFFFFFFC0, s7;
	[tilespmem:s16+$0xE000] =	vst v4;
	v5 =	vld.idx.msk [tilespmem:v62+s22+$0x0], $0xffff  }
0x15e: {  	p2 =	sne.s32 s14, $0x1D;
	[tilespmem:s8+$0xFFFFFFD0] =	vst v3;
	s8 =	sor.u32 $0x30, s19  }
.Ltmp6:
0x15f: {  	s20 =	sor.u32 $0x70, s7;
	[tilespmem:s8+$0xE000] =	vst v63;
	(pc) =	sbr.rel @p2 .LBB2_6-.Ltmp6, $4  }
0x160: {  	s21 =	sshll.u32 s15, $0xB;
	s7 =	sadd.s32 $0xFFFFFFE0, s7;
	[tilespmem:s20+$0xE000] =	vst v7  }
0x161: {  	s7 =	sor.u32 $0x50, s7;
	s26 =	sand.u32 $0x1FFFF800, s21;
	[tilespmem:s12+$0xFFFFFFD0] =	vst v2  }
0x162: {  	[tilespmem:s7+$0xE000] =	vst v5;
	s7 =	sadd.s32 s5, s26  }
0x163: {  	[hbm4b:s7+s4] =	stream.linear.scatter [tilespmem:s9], [sflag:$0x4], $0x4000, $0x38;
	[tilespmem:$0x12800] =	vst v63  }
0x164: {  	_ =	swait.ge [sflag:s2], $0x1000  }
0x165: {  	s7 =	simm.s32 $0x1;
	s8 =	simm.s32 $0x0;
	[sflag:s2] =	ssyncset.done $0x0  }
0x166: {  	s20 =	simm.s32 $0x3;
	s21 =	simm.s32 $0x2;
	v2 =	vmov s7;
	[sflag:s2] =	ssyncadd.s32 $0xFFFFF000  }
0x167: {  	s12 =	simm.s32 $0x7;
	s13 =	simm.s32 $0x6;
	v4 =	vmov s8;
	v6 =	vmov s20;
	v7 =	vmov s21;
	_ =	swait.ge [sflag:s2], $0x1000  }
0x168: {  	v14 =	vmov s12;
	v15 =	vmov s13;
	v3 =	vshll.u32 v2, $0x3;
	[sflag:s2] =	ssyncset.done $0x0  }
0x169: {  	s8 =	simm.s32 $0x4;
	v2 =	vand.u32 $0x7D, v2;
	v5 =	vand.u32 $0x7C, v4;
	v9 =	vshll.u32 v7, $0x3;
	[sflag:s2] =	ssyncadd.s32 $0xFFFFF000  }
0x16a: {  	v11 =	vmov s8;
	v16 =	vshll.u32 v14, $0x3;
	v3 =	vand.u32 $0xC00, v3;
	_ =	swait.ge [sflag:s2], $0x1000  }
0x16b: {  	v2 =	vor.u32 v2, v3;
	v3 =	vshll.u32 v4, $0x3;
	v4 =	vshll.u32 v6, $0x3;
	[sflag:s2] =	ssyncset.done $0x0  }
0x16c: {  	v14 =	vand.u32 $0x7F, v14;
	v6 =	vand.u32 $0x7F, v6;
	v4 =	vand.u32 $0xC00, v4;
	[sflag:s2] =	ssyncadd.s32 $0xFFFFF000  }
0x16d: {  	v17 =	vshll.u32 v15, $0x3;
	v8 =	vadd.s32 v0, v2;
	v4 =	vor.u32 v6, v4;
	_ =	swait.ge [sflag:s2], $0x1000  }
0x16e: {  	s26 =	simm.s32 $0x5;
	v6 =	vand.u32 $0x7E, v7;
	v7 =	vand.u32 $0xC00, v9;
	v9 =	vadd.s32 v0, v4;
	[sflag:s2] =	ssyncset.done $0x0  }
0x16f: {  	v3 =	vand.u32 $0xC00, v3;
	v6 =	vor.u32 v6, v7;
	v7 =	vmov s26;
	[sflag:s2] =	ssyncadd.s32 $0xFFFFF000  }
0x170: {  	v3 =	vor.u32 v5, v3;
	v5 =	vadd.s32 v0, v6;
	v10 =	vshll.u32 v7, $0x3;
	_ =	swait.ge [sflag:s10], $0x4000  }
0x171: {  	v12 =	vadd.s32 v0, v3;
	v7 =	vand.u32 $0x7D, v7;
	v10 =	vand.u32 $0xC00, v10;
	[sflag:s10] =	ssyncset.done $0x0  }
0x172: {  	v15 =	vand.u32 $0x7E, v15;
	v13 =	vand.u32 $0x7C, v11;
	v7 =	vor.u32 v7, v10;
	[sflag:s10] =	ssyncadd.s32 $0xFFFFC000  }
0x173: {  	v16 =	vand.u32 $0xC00, v16;
	v10 =	vshll.u32 v11, $0x3;
	v11 =	vadd.s32 v0, v7;
	v9 =	vld.idx.msk [tilespmem:v9+s4+$0x0], $0xffff  }
0x174: {  	v14 =	vor.u32 v14, v16;
	v16 =	vand.u32 $0xC00, v17;
	v4 =	vadd.s32 v1, v4;
	v8 =	vld.idx.msk [tilespmem:v8+s4+$0x0], $0xffff  }
0x175: {  	v2 =	vadd.s32 v1, v2;
	v15 =	vor.u32 v15, v16;
	v10 =	vand.u32 $0xC00, v10;
	v5 =	vld.idx.msk [tilespmem:v5+s4+$0x0], $0xffff  }
0x176: {  	v10 =	vor.u32 v13, v10;
	v13 =	vadd.s32 v0, v15;
	v12 =	vld.idx.msk [tilespmem:v12+s4+$0x0], $0xffff  }
0x177: {  	s15 =	simm.s32 $0xA040;
	v6 =	vadd.s32 v1, v6  }
0x178: {  	s14 =	simm.s32 $0x9;
	v17 =	vadd.s32 v0, v14;
	v19 =	vld.idx.msk [tilespmem:v11+s4+$0x0], $0xffff;
	[tilespmem:s15+$0x20] =	vst v9  }
0x179: {  	v21 =	vadd.s32 v1, v15;
	v16 =	vadd.s32 v0, v10;
	v9 =	vmov s14;
	[tilespmem:s15+$0xFFFFFFE0] =	vst v8;
	v4 =	vld.idx.msk [tilespmem:v4+s4+$0x0], $0xffff  }
0x17a: {  	v3 =	vadd.s32 v1, v3;
	v7 =	vadd.s32 v1, v7;
	[tilespmem:s15+$0x0] =	vst v5;
	v8 =	vshll.u32 v9, $0x3;
	v18 =	vld.idx.msk [tilespmem:v2+s4+$0x0], $0xffff  }
0x17b: {  	s16 =	simm.s32 $0x8;
	s18 =	simm.s32 $0xB;
	v13 =	vld.idx.msk [tilespmem:v13+s4+$0x0], $0xffff;
	[tilespmem:s15+$0xFFFFFFC0] =	vst v12;
	v12 =	vadd.s32 v1, v14;
	s14 =	simm.s32 $0x40;
	v2 =	vand.u32 $0x7D, v9;
	v5 =	vand.u32 $0xC00, v8  }
0x17c: {  	s13 =	simm.s32 $0x60;
	s21 =	sor.u32 $0x50, s14;
	s14 =	simm.s32 $0xA0C0;
	v8 =	vld.idx.msk [tilespmem:v6+s4+$0x0], $0xffff;
	v6 =	vmov s18;
	v2 =	vor.u32 v2, v5;
	v5 =	vmov s16  }
0x17d: {  	s19 =	simm.s32 $0x20;
	s12 =	simm.s32 $0xA;
	s20 =	sor.u32 $0x70, s13;
	v9 =	vld.idx.msk [tilespmem:v17+s4+$0x0], $0xffff;
	[tilespmem:s14+$0xFFFFFFE0] =	vst v19;
	v11 =	vshll.u32 v6, $0x3;
	v6 =	vand.u32 $0x7F, v6;
	v17 =	vadd.s32 v0, v2  }
0x17e: {  	s7 =	sor.u32 $0x30, s19;
	v14 =	vld.idx.msk [tilespmem:v16+s4+$0x0], $0xffff;
	v20 =	vand.u32 $0x7C, v5;
	v11 =	vand.u32 $0xC00, v11;
	[tilespmem:s20+$0xA000] =	vst v4;
	v4 =	vmov s12  }
0x17f: {  	v5 =	vshll.u32 v5, $0x3;
	v6 =	vor.u32 v6, v11;
	[tilespmem:s7+$0xA000] =	vst v18;
	v18 =	vld.idx.msk [tilespmem:v3+s4+$0x0], $0xffff;
	v3 =	vshll.u32 v4, $0x3  }
0x180: {  	[tilespmem:s14+$0x0] =	vst v13;
	v22 =	vadd.s32 v0, v6;
	v4 =	vand.u32 $0x7E, v4;
	v3 =	vand.u32 $0xC00, v3  }
0x181: {  	s26 =	simm.s32 $0xD;
	v11 =	vadd.s32 v1, v10;
	v10 =	vld.idx.msk [tilespmem:v7+s4+$0x0], $0xffff;
	[tilespmem:s21+$0xA000] =	vst v8;
	v8 =	vand.u32 $0xC00, v5;
	v4 =	vor.u32 v4, v3  }
0x182: {  	[tilespmem:s14+$0x20] =	vst v9;
	v9 =	vmov s26;
	v5 =	vld.idx.msk [tilespmem:v17+s4+$0x0], $0xffff;
	v3 =	vor.u32 v20, v8;
	v15 =	vadd.s32 v0, v4  }
0x183: {  	s18 =	simm.s32 $0xC;
	[tilespmem:s14+$0xFFFFFFC0] =	vst v14;
	v12 =	vld.idx.msk [tilespmem:v12+s4+$0x0], $0xffff;
	v8 =	vshll.u32 v9, $0x3;
	v14 =	vadd.s32 v0, v3  }
0x184: {  	v16 =	vmov s18;
	v7 =	vld.idx.msk [tilespmem:v21+s4+$0x0], $0xffff;
	v9 =	vand.u32 $0x7D, v9;
	v13 =	vand.u32 $0xC00, v8  }
0x185: {  	s8 =	simm.s32 $0xF;
	s16 =	simm.s32 $0x10;
	v8 =	vand.u32 $0x7C, v16;
	v9 =	vor.u32 v9, v13;
	v13 =	vld.idx.msk [tilespmem:v22+s4+$0x0], $0xffff;
	[tilespmem:s15+$0xFFFFFFD0] =	vst v18;
	s15 =	simm.s32 $0xA0C0  }
.LBB2_12:
0x186: {  	p2 =	slt.u32 s16, $0x1FC;
	v16 =	vshll.u32 v16, $0x3;
	v17 =	vadd.s32 v0, v9;
	s7 =	sadd.s32 $0x2, s18;
	v18 =	vmov s8;
	v19 =	vld.idx.msk [tilespmem:v11+s4+$0x0], $0xffff;
	s13 =	sadd.s32 $0x80, s13  }
0x187: {  	v22 =	vadd.s32 v1, v6;
	v23 =	vmovc v5;
	v11 =	vmov s7;
	v20 =	vshll.u32 v18, $0x3;
	v21 =	vld.idx.msk [tilespmem:v15+s4+$0x0], $0xffff;
	s7 =	sadd.s32 $0xFFFFFFC0, s13;
	s8 =	sadd.s32 $0xFFFFFFE0, s13;
	s12 =	sor.u32 $0x70, s13  }
0x188: {  	s18 =	smov.u32 s16;
	v5 =	vand.u32 $0x7F, v18;
	v6 =	vand.u32 $0xC00, v20;
	v18 =	vld.idx.msk [tilespmem:v14+s4+$0x0], $0xffff;
	v20 =	vadd.s32 v1, v2;
	s7 =	sor.u32 $0x30, s7;
	s8 =	sor.u32 $0x50, s8;
	[tilespmem:s12+$0xA000] =	vst v12;
	v2 =	vmovc v9  }
0x189: {  	v24 =	vadd.s32 v1, v4;
	v9 =	vshll.u32 v11, $0x3;
	v6 =	vor.u32 v5, v6;
	[tilespmem:s7+$0xA000] =	vst v10  }
0x18a: {  	s14 =	sadd.s32 $0x80, s14;
	v4 =	vand.u32 $0x7E, v11;
	v9 =	vand.u32 $0xC00, v9;
	v25 =	vadd.s32 v0, v6;
	[tilespmem:s8+$0xA000] =	vst v7  }
.Ltmp7:
0x18b: {  	v11 =	vadd.s32 v1, v3;
	s7 =	sadd.s32 $0x1, s16;
	v7 =	vand.u32 $0xC00, v16;
	v4 =	vor.u32 v4, v9;
	v5 =	vld.idx.msk [tilespmem:v17+s4+$0x0], $0xffff;
	[tilespmem:s14+$0x20] =	vst v13;
	(pc) =	sbr.rel @p2 .LBB2_12-.Ltmp7, $4  }
0x18c: {  	v9 =	vmov s7;
	v3 =	vor.u32 v8, v7;
	v15 =	vadd.s32 v0, v4;
	[tilespmem:s14+$0xFFFFFFE0] =	vst v23;
	v12 =	vld.idx.msk [tilespmem:v22+s4+$0x0], $0xffff  }
0x18d: {  	v7 =	vshll.u32 v9, $0x3;
	v14 =	vadd.s32 v0, v3;
	v10 =	vld.idx.msk [tilespmem:v20+s4+$0x0], $0xffff;
	[tilespmem:s14+$0x0] =	vst v21  }
0x18e: {  	v16 =	vmov s16;
	v9 =	vand.u32 $0x7D, v9;
	v13 =	vand.u32 $0xC00, v7;
	[tilespmem:s14+$0xFFFFFFC0] =	vst v18;
	v7 =	vld.idx.msk [tilespmem:v24+s4+$0x0], $0xffff  }
0x18f: {  	s8 =	sadd.s32 $0x3, s18;
	s16 =	sadd.s32 $0x4, s16;
	v8 =	vand.u32 $0x7C, v16;
	v9 =	vor.u32 v9, v13;
	v13 =	vld.idx.msk [tilespmem:v25+s4+$0x0], $0xffff;
	[tilespmem:s15+$0xFFFFFFD0] =	vst v19;
	s15 =	smov.u32 s14  }
0x190: {  	v17 =	vmov s8  }
0x191: {  	s7 =	sadd.s32 $0x2, s18;
	v16 =	vshll.u32 v16, $0x3;
	v6 =	vadd.s32 v1, v6;
	v2 =	vadd.s32 v1, v2  }
0x192: {  	v53 =	vadd.s32 v0, v9;
	v18 =	vmov s7;
	v19 =	vshll.u32 v17, $0x3  }
0x193: {  	s20 =	sadd.s32 $0x80, s13;
	s26 =	sadd.s32 $0x80, s14;
	v17 =	vand.u32 $0x7F, v17;
	v54 =	vand.u32 $0xC00, v16;
	v19 =	vand.u32 $0xC00, v19  }
0x194: {  	v15 =	vld.idx.msk [tilespmem:v15+s4+$0x0], $0xffff;
	s21 =	sadd.s32 $0xFFFFFFC0, s20;
	s12 =	sor.u32 $0x70, s20;
	[tilespmem:s26+$0xFFFFFFE0] =	vst v5;
	v20 =	vshll.u32 v18, $0x3;
	v51 =	vand.u32 $0x7E, v18;
	v17 =	vor.u32 v17, v19  }
0x195: {  	v14 =	vld.idx.msk [tilespmem:v14+s4+$0x0], $0xffff;
	s8 =	sor.u32 $0x30, s21;
	[tilespmem:s12+$0xA000] =	vst v12;
	v8 =	vor.u32 v8, v54;
	v52 =	vand.u32 $0xC00, v20;
	v19 =	vadd.s32 v0, v17  }
0x196: {  	v11 =	vld.idx.msk [tilespmem:v11+s4+$0x0], $0xffff;
	s14 =	sadd.s32 $0xFFFFFFE0, s20;
	[tilespmem:s8+$0xA000] =	vst v10;
	v57 =	vadd.s32 v0, v8;
	v12 =	vor.u32 v51, v52  }
0x197: {  	s12 =	sor.u32 $0x50, s14;
	[tilespmem:s26+$0x20] =	vst v13;
	v55 =	vadd.s32 v0, v12;
	v2 =	vld.idx.msk [tilespmem:v2+s4+$0x0], $0xffff  }
0x198: {  	v4 =	vadd.s32 v1, v4;
	[tilespmem:s12+$0xA000] =	vst v7;
	v56 =	vld.idx.msk [tilespmem:v6+s4+$0x0], $0xffff  }
0x199: {  	v3 =	vadd.s32 v1, v3;
	s7 =	sadd.s32 $0x80, s20;
	[tilespmem:s26+$0x0] =	vst v15;
	v59 =	vld.idx.msk [tilespmem:v53+s4+$0x0], $0xffff  }
0x19a: {  	v61 =	vadd.s32 v1, v9;
	s16 =	sadd.s32 $0xFFFFFFC0, s7;
	[tilespmem:s26+$0xFFFFFFC0] =	vst v14;
	v58 =	vld.idx.msk [tilespmem:v19+s4+$0x0], $0xffff  }
0x19b: {  	s12 =	sor.u32 $0x30, s16;
	v60 =	vadd.s32 v1, v17;
	[tilespmem:s15+$0xFFFFFFD0] =	vst v11;
	v6 =	vld.idx.msk [tilespmem:v57+s4+$0x0], $0xffff  }
0x19c: {  	s18 =	sor.u32 $0x70, s7;
	v10 =	vld.idx.msk [tilespmem:v55+s4+$0x0], $0xffff;
	[tilespmem:s12+$0xA000] =	vst v2;
	v2 =	vadd.s32 v1, v8  }
0x19d: {  	s19 =	sadd.s32 $0x80, s26;
	v62 =	vadd.s32 v1, v12;
	v4 =	vld.idx.msk [tilespmem:v4+s4+$0x0], $0xffff;
	[tilespmem:s18+$0xA000] =	vst v56  }
0x19e: {  	v3 =	vld.idx.msk [tilespmem:v3+s4+$0x0], $0xffff;
	[tilespmem:s19+$0xFFFFFFE0] =	vst v59  }
0x19f: {  	v63 =	vld.idx.msk [tilespmem:v61+s4+$0x0], $0xffff;
	[tilespmem:s19+$0x20] =	vst v58  }
0x1a0: {  	s20 =	sadd.s32 $0xFFFFFFE0, s7;
	[tilespmem:s19+$0xFFFFFFC0] =	vst v6;
	v7 =	vld.idx.msk [tilespmem:v60+s4+$0x0], $0xffff  }
0x1a1: {  	s7 =	sadd.s32 $0x80, s7;
	s13 =	sor.u32 $0x50, s20;
	[tilespmem:s19+$0x0] =	vst v10;
	v2 =	vld.idx.msk [tilespmem:v2+s4+$0x0], $0xffff  }
0x1a2: {  	s21 =	sadd.s32 $0xFFFFFFC0, s7;
	[tilespmem:s13+$0xA000] =	vst v4;
	v5 =	vld.idx.msk [tilespmem:v62+s4+$0x0], $0xffff  }
0x1a3: {  	s8 =	sor.u32 $0x30, s21;
	[tilespmem:s26+$0xFFFFFFD0] =	vst v3  }
0x1a4: {  	s26 =	sor.u32 $0x70, s7;
	[tilespmem:s8+$0xA000] =	vst v63  }
0x1a5: {  	s7 =	sadd.s32 $0xFFFFFFE0, s7;
	[tilespmem:s26+$0xA000] =	vst v7  }
0x1a6: {  	s7 =	sor.u32 $0x50, s7;
	[tilespmem:s19+$0xFFFFFFD0] =	vst v2  }
0x1a7: {  	[tilespmem:s7+$0xA000] =	vst v5  }
.Ltmp8:
0x1a8: {  	s7 =	rddreg [dreg:$0x11];
	(pc) =	sbr.rel @p0 .LBB2_17-.Ltmp8, $4  }
0x1a9: {  	[hbm4b:s7+s4] =	stream.linear.scatter [tilespmem:s30], [sflag:$0x3], $0x4000, $0x38;
	[tilespmem:$0x12800] =	vst v63  }
0x1aa: {  	_ =	swait.ge [sflag:s11], $0x4000  }
0x1ab: {  	[sflag:s11] =	ssyncset.done $0x0  }
0x1ac: {  	[sflag:s11] =	ssyncadd.s32 $0xFFFFC000  }
0x1ad: {  	s8 =	rddreg [dreg:$0x14]  }
0x1ae: {  	s7 =	simm.s32 $0x0;
	s15 =	rddreg [dreg:$0x16]  }
0x1af: {  	[tilespmem:s22], [sflag:$0x2] =	stream.linear.gather [hbm4b:s8+s7], $0x1000, $0x38;
	[tilespmem:$0x12800] =	vst v63  }
0x1b0: {  	s16 =	rddreg [dreg:$0x17]  }
0x1b1: {  	[tilespmem:s25], [sflag:$0x2] =	stream.linear.gather [hbm4b:s15+s7], $0x1000, $0x38;
	[tilespmem:$0x12800] =	vst v63  }
0x1b2: {  	s18 =	rddreg [dreg:$0x18]  }
0x1b3: {  	[tilespmem:s28], [sflag:$0x2] =	stream.linear.gather [hbm4b:s16+s7], $0x1000, $0x38;
	[tilespmem:$0x12800] =	vst v63  }
0x1b4: {  	s19 =	simm.s32 $0x1;
	s20 =	simm.s32 $0x3;
	s21 =	simm.s32 $0x2  }
0x1b5: {  	v2 =	vmov s19;
	[tilespmem:s29], [sflag:$0x2] =	stream.linear.gather [hbm4b:s18+s7], $0x1000, $0x38;
	[tilespmem:$0x12800] =	vst v63  }
0x1b6: {  	s12 =	simm.s32 $0x7;
	s13 =	simm.s32 $0x6;
	v4 =	vmov s7;
	v6 =	vmov s20;
	v7 =	vmov s21;
	_ =	swait.ge [sflag:s24], $0x1000  }
0x1b7: {  	v14 =	vmov s12;
	v15 =	vmov s13;
	v3 =	vshll.u32 v2, $0x3;
	[sflag:s24] =	ssyncset.done $0x0  }
0x1b8: {  	s8 =	simm.s32 $0x4;
	v2 =	vand.u32 $0x7D, v2;
	v5 =	vand.u32 $0x7C, v4;
	v9 =	vshll.u32 v7, $0x3;
	[sflag:s24] =	ssyncadd.s32 $0xFFFFF000  }
0x1b9: {  	v11 =	vmov s8;
	v16 =	vshll.u32 v14, $0x3;
	v3 =	vand.u32 $0xC00, v3;
	_ =	swait.ge [sflag:s24], $0x1000  }
0x1ba: {  	v2 =	vor.u32 v2, v3;
	v3 =	vshll.u32 v4, $0x3;
	v4 =	vshll.u32 v6, $0x3;
	[sflag:s24] =	ssyncset.done $0x0  }
0x1bb: {  	v14 =	vand.u32 $0x7F, v14;
	v6 =	vand.u32 $0x7F, v6;
	v4 =	vand.u32 $0xC00, v4;
	[sflag:s24] =	ssyncadd.s32 $0xFFFFF000  }
0x1bc: {  	v17 =	vshll.u32 v15, $0x3;
	v8 =	vadd.s32 v0, v2;
	v4 =	vor.u32 v6, v4;
	_ =	swait.ge [sflag:s24], $0x1000  }
0x1bd: {  	s26 =	simm.s32 $0x5;
	v6 =	vand.u32 $0x7E, v7;
	v7 =	vand.u32 $0xC00, v9;
	v9 =	vadd.s32 v0, v4;
	[sflag:s24] =	ssyncset.done $0x0  }
0x1be: {  	v3 =	vand.u32 $0xC00, v3;
	v6 =	vor.u32 v6, v7;
	v7 =	vmov s26;
	[sflag:s24] =	ssyncadd.s32 $0xFFFFF000  }
0x1bf: {  	v3 =	vor.u32 v5, v3;
	v5 =	vadd.s32 v0, v6;
	v10 =	vshll.u32 v7, $0x3;
	_ =	swait.ge [sflag:s24], $0x1000  }
0x1c0: {  	v12 =	vadd.s32 v0, v3;
	v7 =	vand.u32 $0x7D, v7;
	v10 =	vand.u32 $0xC00, v10;
	[sflag:s24] =	ssyncset.done $0x0  }
0x1c1: {  	v15 =	vand.u32 $0x7E, v15;
	v13 =	vand.u32 $0x7C, v11;
	v7 =	vor.u32 v7, v10;
	[sflag:s24] =	ssyncadd.s32 $0xFFFFF000  }
0x1c2: {  	v16 =	vand.u32 $0xC00, v16;
	v10 =	vshll.u32 v11, $0x3;
	v11 =	vadd.s32 v0, v7;
	v9 =	vld.idx.msk [tilespmem:v9+s22+$0x0], $0xffff  }
0x1c3: {  	v14 =	vor.u32 v14, v16;
	v16 =	vand.u32 $0xC00, v17;
	v4 =	vadd.s32 v1, v4;
	v8 =	vld.idx.msk [tilespmem:v8+s22+$0x0], $0xffff  }
0x1c4: {  	v2 =	vadd.s32 v1, v2;
	v15 =	vor.u32 v15, v16;
	v10 =	vand.u32 $0xC00, v10;
	v5 =	vld.idx.msk [tilespmem:v5+s22+$0x0], $0xffff  }
0x1c5: {  	v10 =	vor.u32 v13, v10;
	v13 =	vadd.s32 v0, v15;
	v12 =	vld.idx.msk [tilespmem:v12+s22+$0x0], $0xffff  }
0x1c6: {  	s15 =	simm.s32 $0xE040;
	v6 =	vadd.s32 v1, v6  }
0x1c7: {  	s14 =	simm.s32 $0x9;
	v17 =	vadd.s32 v0, v14;
	v19 =	vld.idx.msk [tilespmem:v11+s22+$0x0], $0xffff;
	[tilespmem:s15+$0x20] =	vst v9  }
0x1c8: {  	v21 =	vadd.s32 v1, v15;
	v16 =	vadd.s32 v0, v10;
	v9 =	vmov s14;
	[tilespmem:s15+$0xFFFFFFE0] =	vst v8;
	v4 =	vld.idx.msk [tilespmem:v4+s22+$0x0], $0xffff  }
0x1c9: {  	v3 =	vadd.s32 v1, v3;
	v7 =	vadd.s32 v1, v7;
	[tilespmem:s15+$0x0] =	vst v5;
	v8 =	vshll.u32 v9, $0x3;
	v18 =	vld.idx.msk [tilespmem:v2+s22+$0x0], $0xffff  }
0x1ca: {  	s16 =	simm.s32 $0x8;
	s18 =	simm.s32 $0xB;
	v13 =	vld.idx.msk [tilespmem:v13+s22+$0x0], $0xffff;
	[tilespmem:s15+$0xFFFFFFC0] =	vst v12;
	v12 =	vadd.s32 v1, v14;
	s14 =	simm.s32 $0x40;
	v2 =	vand.u32 $0x7D, v9;
	v5 =	vand.u32 $0xC00, v8  }
0x1cb: {  	s13 =	simm.s32 $0x60;
	s21 =	sor.u32 $0x50, s14;
	s14 =	simm.s32 $0xE0C0;
	v8 =	vld.idx.msk [tilespmem:v6+s22+$0x0], $0xffff;
	v6 =	vmov s18;
	v2 =	vor.u32 v2, v5;
	v5 =	vmov s16  }
0x1cc: {  	s19 =	simm.s32 $0x20;
	s12 =	simm.s32 $0xA;
	s20 =	sor.u32 $0x70, s13;
	v9 =	vld.idx.msk [tilespmem:v17+s22+$0x0], $0xffff;
	[tilespmem:s14+$0xFFFFFFE0] =	vst v19;
	v11 =	vshll.u32 v6, $0x3;
	v6 =	vand.u32 $0x7F, v6;
	v17 =	vadd.s32 v0, v2  }
0x1cd: {  	s7 =	sor.u32 $0x30, s19;
	v14 =	vld.idx.msk [tilespmem:v16+s22+$0x0], $0xffff;
	v20 =	vand.u32 $0x7C, v5;
	v11 =	vand.u32 $0xC00, v11;
	[tilespmem:s20+$0xE000] =	vst v4;
	v4 =	vmov s12  }
0x1ce: {  	v5 =	vshll.u32 v5, $0x3;
	v6 =	vor.u32 v6, v11;
	[tilespmem:s7+$0xE000] =	vst v18;
	v18 =	vld.idx.msk [tilespmem:v3+s22+$0x0], $0xffff;
	v3 =	vshll.u32 v4, $0x3  }
0x1cf: {  	[tilespmem:s14+$0x0] =	vst v13;
	v22 =	vadd.s32 v0, v6;
	v4 =	vand.u32 $0x7E, v4;
	v3 =	vand.u32 $0xC00, v3  }
0x1d0: {  	s26 =	simm.s32 $0xD;
	v11 =	vadd.s32 v1, v10;
	v10 =	vld.idx.msk [tilespmem:v7+s22+$0x0], $0xffff;
	[tilespmem:s21+$0xE000] =	vst v8;
	v8 =	vand.u32 $0xC00, v5;
	v4 =	vor.u32 v4, v3  }
0x1d1: {  	[tilespmem:s14+$0x20] =	vst v9;
	v9 =	vmov s26;
	v5 =	vld.idx.msk [tilespmem:v17+s22+$0x0], $0xffff;
	v3 =	vor.u32 v20, v8;
	v15 =	vadd.s32 v0, v4  }
0x1d2: {  	s18 =	simm.s32 $0xC;
	[tilespmem:s14+$0xFFFFFFC0] =	vst v14;
	v12 =	vld.idx.msk [tilespmem:v12+s22+$0x0], $0xffff;
	v8 =	vshll.u32 v9, $0x3;
	v14 =	vadd.s32 v0, v3  }
0x1d3: {  	v16 =	vmov s18;
	v7 =	vld.idx.msk [tilespmem:v21+s22+$0x0], $0xffff;
	v9 =	vand.u32 $0x7D, v9;
	v13 =	vand.u32 $0xC00, v8  }
0x1d4: {  	s8 =	simm.s32 $0xF;
	s16 =	simm.s32 $0x10;
	v8 =	vand.u32 $0x7C, v16;
	v9 =	vor.u32 v9, v13;
	v13 =	vld.idx.msk [tilespmem:v22+s22+$0x0], $0xffff;
	[tilespmem:s15+$0xFFFFFFD0] =	vst v18;
	s15 =	simm.s32 $0xE0C0  }
.LBB2_15:
0x1d5: {  	p2 =	slt.u32 s16, $0x1FC;
	v16 =	vshll.u32 v16, $0x3;
	v17 =	vadd.s32 v0, v9;
	s7 =	sadd.s32 $0x2, s18;
	v18 =	vmov s8;
	v19 =	vld.idx.msk [tilespmem:v11+s22+$0x0], $0xffff;
	s13 =	sadd.s32 $0x80, s13  }
0x1d6: {  	v22 =	vadd.s32 v1, v6;
	v23 =	vmovc v5;
	v11 =	vmov s7;
	v20 =	vshll.u32 v18, $0x3;
	v21 =	vld.idx.msk [tilespmem:v15+s22+$0x0], $0xffff;
	s7 =	sadd.s32 $0xFFFFFFC0, s13;
	s8 =	sadd.s32 $0xFFFFFFE0, s13;
	s12 =	sor.u32 $0x70, s13  }
0x1d7: {  	s18 =	smov.u32 s16;
	v5 =	vand.u32 $0x7F, v18;
	v6 =	vand.u32 $0xC00, v20;
	v18 =	vld.idx.msk [tilespmem:v14+s22+$0x0], $0xffff;
	v20 =	vadd.s32 v1, v2;
	s7 =	sor.u32 $0x30, s7;
	s8 =	sor.u32 $0x50, s8;
	[tilespmem:s12+$0xE000] =	vst v12;
	v2 =	vmovc v9  }
0x1d8: {  	v24 =	vadd.s32 v1, v4;
	v9 =	vshll.u32 v11, $0x3;
	v6 =	vor.u32 v5, v6;
	[tilespmem:s7+$0xE000] =	vst v10  }
0x1d9: {  	s14 =	sadd.s32 $0x80, s14;
	v4 =	vand.u32 $0x7E, v11;
	v9 =	vand.u32 $0xC00, v9;
	v25 =	vadd.s32 v0, v6;
	[tilespmem:s8+$0xE000] =	vst v7  }
.Ltmp9:
0x1da: {  	v11 =	vadd.s32 v1, v3;
	s7 =	sadd.s32 $0x1, s16;
	v7 =	vand.u32 $0xC00, v16;
	v4 =	vor.u32 v4, v9;
	v5 =	vld.idx.msk [tilespmem:v17+s22+$0x0], $0xffff;
	[tilespmem:s14+$0x20] =	vst v13;
	(pc) =	sbr.rel @p2 .LBB2_15-.Ltmp9, $4  }
0x1db: {  	v9 =	vmov s7;
	v3 =	vor.u32 v8, v7;
	v15 =	vadd.s32 v0, v4;
	[tilespmem:s14+$0xFFFFFFE0] =	vst v23;
	v12 =	vld.idx.msk [tilespmem:v22+s22+$0x0], $0xffff  }
0x1dc: {  	v7 =	vshll.u32 v9, $0x3;
	v14 =	vadd.s32 v0, v3;
	v10 =	vld.idx.msk [tilespmem:v20+s22+$0x0], $0xffff;
	[tilespmem:s14+$0x0] =	vst v21  }
0x1dd: {  	v16 =	vmov s16;
	v9 =	vand.u32 $0x7D, v9;
	v13 =	vand.u32 $0xC00, v7;
	[tilespmem:s14+$0xFFFFFFC0] =	vst v18;
	v7 =	vld.idx.msk [tilespmem:v24+s22+$0x0], $0xffff  }
0x1de: {  	s8 =	sadd.s32 $0x3, s18;
	s16 =	sadd.s32 $0x4, s16;
	v8 =	vand.u32 $0x7C, v16;
	v9 =	vor.u32 v9, v13;
	v13 =	vld.idx.msk [tilespmem:v25+s22+$0x0], $0xffff;
	[tilespmem:s15+$0xFFFFFFD0] =	vst v19;
	s15 =	smov.u32 s14  }
0x1df: {  	v17 =	vmov s8  }
0x1e0: {  	s7 =	sadd.s32 $0x2, s18;
	v16 =	vshll.u32 v16, $0x3;
	v6 =	vadd.s32 v1, v6;
	v2 =	vadd.s32 v1, v2  }
0x1e1: {  	v53 =	vadd.s32 v0, v9;
	v18 =	vmov s7;
	v19 =	vshll.u32 v17, $0x3  }
0x1e2: {  	s20 =	sadd.s32 $0x80, s13;
	s26 =	sadd.s32 $0x80, s14;
	v17 =	vand.u32 $0x7F, v17;
	v54 =	vand.u32 $0xC00, v16;
	v19 =	vand.u32 $0xC00, v19  }
0x1e3: {  	v15 =	vld.idx.msk [tilespmem:v15+s22+$0x0], $0xffff;
	s21 =	sadd.s32 $0xFFFFFFC0, s20;
	s12 =	sor.u32 $0x70, s20;
	[tilespmem:s26+$0xFFFFFFE0] =	vst v5;
	v20 =	vshll.u32 v18, $0x3;
	v51 =	vand.u32 $0x7E, v18;
	v17 =	vor.u32 v17, v19  }
0x1e4: {  	v14 =	vld.idx.msk [tilespmem:v14+s22+$0x0], $0xffff;
	s8 =	sor.u32 $0x30, s21;
	[tilespmem:s12+$0xE000] =	vst v12;
	v8 =	vor.u32 v8, v54;
	v52 =	vand.u32 $0xC00, v20;
	v19 =	vadd.s32 v0, v17  }
0x1e5: {  	v11 =	vld.idx.msk [tilespmem:v11+s22+$0x0], $0xffff;
	s14 =	sadd.s32 $0xFFFFFFE0, s20;
	[tilespmem:s8+$0xE000] =	vst v10;
	v57 =	vadd.s32 v0, v8;
	v12 =	vor.u32 v51, v52  }
0x1e6: {  	s12 =	sor.u32 $0x50, s14;
	[tilespmem:s26+$0x20] =	vst v13;
	v55 =	vadd.s32 v0, v12;
	v2 =	vld.idx.msk [tilespmem:v2+s22+$0x0], $0xffff  }
0x1e7: {  	v4 =	vadd.s32 v1, v4;
	[tilespmem:s12+$0xE000] =	vst v7;
	v56 =	vld.idx.msk [tilespmem:v6+s22+$0x0], $0xffff  }
0x1e8: {  	v3 =	vadd.s32 v1, v3;
	s7 =	sadd.s32 $0x80, s20;
	[tilespmem:s26+$0x0] =	vst v15;
	v59 =	vld.idx.msk [tilespmem:v53+s22+$0x0], $0xffff  }
0x1e9: {  	v61 =	vadd.s32 v1, v9;
	s16 =	sadd.s32 $0xFFFFFFC0, s7;
	[tilespmem:s26+$0xFFFFFFC0] =	vst v14;
	v58 =	vld.idx.msk [tilespmem:v19+s22+$0x0], $0xffff  }
0x1ea: {  	s12 =	sor.u32 $0x30, s16;
	v60 =	vadd.s32 v1, v17;
	[tilespmem:s15+$0xFFFFFFD0] =	vst v11;
	v6 =	vld.idx.msk [tilespmem:v57+s22+$0x0], $0xffff  }
0x1eb: {  	s18 =	sor.u32 $0x70, s7;
	v10 =	vld.idx.msk [tilespmem:v55+s22+$0x0], $0xffff;
	[tilespmem:s12+$0xE000] =	vst v2;
	v2 =	vadd.s32 v1, v8  }
0x1ec: {  	s19 =	sadd.s32 $0x80, s26;
	v62 =	vadd.s32 v1, v12;
	v4 =	vld.idx.msk [tilespmem:v4+s22+$0x0], $0xffff;
	[tilespmem:s18+$0xE000] =	vst v56  }
0x1ed: {  	v3 =	vld.idx.msk [tilespmem:v3+s22+$0x0], $0xffff;
	[tilespmem:s19+$0xFFFFFFE0] =	vst v59  }
0x1ee: {  	v63 =	vld.idx.msk [tilespmem:v61+s22+$0x0], $0xffff;
	[tilespmem:s19+$0x20] =	vst v58  }
0x1ef: {  	s20 =	sadd.s32 $0xFFFFFFE0, s7;
	[tilespmem:s19+$0xFFFFFFC0] =	vst v6;
	v7 =	vld.idx.msk [tilespmem:v60+s22+$0x0], $0xffff  }
0x1f0: {  	s7 =	sadd.s32 $0x80, s7;
	s13 =	sor.u32 $0x50, s20;
	[tilespmem:s19+$0x0] =	vst v10;
	v2 =	vld.idx.msk [tilespmem:v2+s22+$0x0], $0xffff  }
0x1f1: {  	s21 =	sadd.s32 $0xFFFFFFC0, s7;
	[tilespmem:s13+$0xE000] =	vst v4;
	v5 =	vld.idx.msk [tilespmem:v62+s22+$0x0], $0xffff  }
0x1f2: {  	s8 =	sor.u32 $0x30, s21;
	[tilespmem:s26+$0xFFFFFFD0] =	vst v3  }
0x1f3: {  	s26 =	sor.u32 $0x70, s7;
	[tilespmem:s8+$0xE000] =	vst v63  }
0x1f4: {  	s7 =	sadd.s32 $0xFFFFFFE0, s7;
	[tilespmem:s26+$0xE000] =	vst v7  }
0x1f5: {  	s7 =	sor.u32 $0x50, s7;
	[tilespmem:s19+$0xFFFFFFD0] =	vst v2  }
0x1f6: {  	[tilespmem:s7+$0xE000] =	vst v5  }
0x1f7: {  	s7 =	rddreg [dreg:$0x12]  }
0x1f8: {  	[hbm4b:s7+s4] =	stream.linear.scatter [tilespmem:s9], [sflag:$0x4], $0x4000, $0x38;
	[tilespmem:$0x12800] =	vst v63  }
0x1f9: {  	_ =	swait.ge [sflag:s11], $0x4000  }
.Ltmp10:
0x1fa: {  	[sflag:s11] =	ssyncset.done $0x0;
	(pc) =	sbr.rel .LBB2_18-.Ltmp10, $4  }
0x1fb: {  	[sflag:s11] =	ssyncadd.s32 $0xFFFFC000  }
0x1fc: {  	_ =	swait.ge [sflag:s10], $0x4000  }
0x1fd: {  	[sflag:s10] =	ssyncset.done $0x0  }
0x1fe: {  	s8 =	rddreg [dreg:$0x19];
	[sflag:s10] =	ssyncadd.s32 $0xFFFFC000  }
.LBB2_19:
0x1ff: {  	_ =	sfence.sel $0x180000  }
0x200: {  	[bflag:$0x0] =	sbarrier.arrive $0xFFFF  }
0x201: {  	_ =	strace $0x90000047  }
0x202: {  	s0 =	stileid.u32;
	[bflag:$0x2] =	sbarrier.arrive $0xFFFF  }
0x203: {  	p0 =	sne.s32 s0, $0x0;
	s0 =	rddreg [dreg:$0x3]  }
0x204: {  	s0 =	sadd.s32 @!p0 $0x100000, s0  }
0x205: {  	[sflag:s0] =	ssyncadd.tile.s32 @!p0 $0x1;
	_ =	shalt  }
.Lfunc_end2:
_tile_overlayer_lowered:
.L_overlay_start_2:
0x206: {  	(tag) =	ssettag $0x2  }
0x207: {  	s0 =	rddreg [dreg:$0x0];
	s2 =	stileid.u32  }
0x208: {  	s1 =	rddreg [dreg:$0x1];
	p0 =	sne.s32 s2, $0x0  }
0x209: {  	s3 =	rddreg [dreg:$0x2];
	[bflag:$0x3] =	sbarrier.arrive $0xFFFF;
	s2 =	simm.s32 @!p0 $0x1C05  }
0x20a: {  	[timem:s3], [sflag:s2] =	dma.local @!p0 [hbm:s0], s1  }
0x20b: {  	s0 =	simm.s32 @!p0 $0x5  }
0x20c: {  	_ =	swait.ge @!p0 [sflag:s0], s1  }
0x20d: {  	s1 =	ssub.s32 @!p0 $0x0, s1;
	[sflag:s0] =	ssyncset.done @!p0 $0x0  }
0x20e: {  	[sflag:s0] =	ssyncadd.s32 @!p0 s1  }
0x20f: {  	[bflag:$0x3] =	sbarrier.arrive $0xFFFF  }
0x210: {  	_ =	shalt  }

// kernel: kernel.7.cloned.1.call-start
scs
__scs_entry_jumppad:
0x0: {  	(pc) =	sbr.rel $0x88, $3  }
0x1: {  	(tag) =	ssettag $0x0;
	lr =	simm.s32 $0x1  }
0x2: {  	[smem:$0x3F9F] =	sst lr;
	_ =	strace $0xD0000000  }
0x3: {  	_ = 	snop  }
0x4: {  	_ = 	snop  }
0x5: {  	_ = 	snop  }
0x6: {  	_ = 	snop  }
0x7: {  	_ = 	snop  }
__scs_overlays_trampoline_lowered:
0x8: {  	[smem:$0x3FAE] =	sst s0  }
0x9: {  	[smem:$0x3FAF] =	sst s1  }
0xa: {  	[smem:$0x3FB0] =	sst s2  }
0xb: {  	[smem:$0x3FB1] =	sst s3  }
0xc: {  	[smem:$0x3FB2] =	sst s4  }
0xd: {  	[smem:$0x3FB3] =	sst s5  }
0xe: {  	[smem:$0x3FB4] =	sst s6  }
0xf: {  	[smem:$0x3FB5] =	sst s7  }
0x10: {  	[smem:$0x3FB6] =	sst s8  }
0x11: {  	[smem:$0x3FB7] =	sst s9;
	s0 =	simm.s32 @!p0 $0x0  }
0x12: {  	s1 =	sld [smem:$0x3F9D];
	s0 =	simm.s32 @p0 $0x1  }
0x13: {  	[smem:$0x3FB8] =	sst s0;
	s0 =	simm.s32 @!p1 $0x0  }
0x14: {  	s2 =	sld [smem:$0x3F9C];
	s0 =	simm.s32 @p1 $0x1  }
0x15: {  	[smem:$0x3FB9] =	sst s0;
	s0 =	simm.s32 @!p2 $0x0  }
0x16: {  	s3 =	sld [smem:$0x3FDB];
	s0 =	simm.s32 @p2 $0x1  }
0x17: {  	s4 =	simm.s32 $0x1BF5;
	[smem:$0x3FBB] =	sst s0  }
0x18: {  	s0 =	sld [smem:$0x3F9E];
	_ =	swait.ge [sflag:s4], $0x0  }
0x19: {  	s7 =	sld [smem:$0x3F9F]  }
0x1a: {  	s8 =	sadd.s32 $0xFFFFE003, lr  }
0x1b: {  	s9 =	sadd.s32 $0xFFFFFEF7, lr;
	s5 =	simm.s32 $0xFFFFFFFF;
	p2 =	slt.u32 s8, $0xFFFFF086  }
0x1c: {  	p1 =	slt.u32 s9, $0xF7A;
	s5 =	simm.s32 @!p2 $0x0  }
0x1d: {  	s5 =	simm.s32 @p1 $0x1;
	p0 =	seq.s32 s7, s2  }
0x1e: {  	s7 =	smul.u32 @!p0 $0xF7A, s2;
	p2 =	seq.s32 @!p0 s5, $0x0  }
0x1f: {  	s9 =	smul.u32 $0xF7A, s1;
	s8 =	simm.s32 @!p0 $0x1BF5;
	p2 =	por !p2, p0  }
0x20: {  	[sflag:s8] =	ssyncset.s32 @!p0 $0xFFFFF086;
	s6 =	sadd.s32 @!p0 s3, s7;
	s7 =	simm.s32 @!p0 $0x108  }
0x21: {  	s3 =	sadd.s32 s3, s9;
	s6 =	sadd.s32 @!p0 $0x88, s6;
	s7 =	simm.s32 @p2 $0x1082  }
0x22: {  	[simem:s7], [sflag:s8] =	dma.local @!p0 [hbm:s6], $0xF7A  }
0x23: {  	s9 =	sor.u32 $0xD0000000, s2;
	s6 =	simm.s32 $0x108;
	_ =	swait.ge @!p0 [sflag:s8], $0x0  }
0x24: {  	s3 =	sadd.s32 $0x88, s3;
	s6 =	simm.s32 @!p1 $0x1082;
	[sflag:s4] =	ssyncset.s32 $0xFFFFF086  }
0x25: {  	[simem:s6], [sflag:s4] =	dma.local [hbm:s3], $0xF7A  }
0x26: {  	[smem:$0x3F9F] =	sst s1;
	(tag) =	ssettag s2;
	_ =	strace s9  }
0x27: {  	s1 =	sld [smem:$0x3FAF]  }
0x28: {  	s2 =	sld [smem:$0x3FB0]  }
0x29: {  	s4 =	sld [smem:$0x3FB2]  }
0x2a: {  	p0 =	seq.s32 s5, $0x0;
	s5 =	sld [smem:$0x3FB3]  }
0x2b: {  	s6 =	sld [smem:$0x3FB4]  }
0x2c: {  	s7 =	sld [smem:$0x3FB5]  }
0x2d: {  	s3 =	simm.s32 $0x108;
	s8 =	sld [smem:$0x3FB6]  }
0x2e: {  	s3 =	simm.s32 @!p0 $0x1082;
	s9 =	sld [smem:$0x3FB7]  }
0x2f: {  	lr =	sadd.s32 s0, s3;
	s0 =	sld [smem:$0x3FAE]  }
0x30: {  	s3 =	sld [smem:$0x3FB1]  }
0x31: {  	[smem:$0x3FBA] =	sst s10  }
0x32: {  	s10 =	sld [smem:$0x3FB8];
	_ =	sdelay $0x3  }
0x33: {  	p0 =	seq.s32 s10, $0x1;
	s10 =	sld [smem:$0x3FBA];
	_ =	sdelay $0x3  }
0x34: {  	[smem:$0x3FBA] =	sst s10  }
0x35: {  	s10 =	sld [smem:$0x3FB9];
	_ =	sdelay $0x3  }
0x36: {  	p1 =	seq.s32 s10, $0x1;
	s10 =	sld [smem:$0x3FBA];
	_ =	sdelay $0x3  }
0x37: {  	[smem:$0x3FBA] =	sst s10  }
0x38: {  	s10 =	sld [smem:$0x3FBB]  }
0x39: {  	_ = 	snop;
	(pc) =	sbr.ind lr, $3  }
0x3a: {  	_ = 	snop  }
0x3b: {  	_ = 	snop  }
0x3c: {  	p2 =	seq.s32 s10, $0x1;
	s10 =	sld [smem:$0x3FBA]  }
0x3d: {  	_ =	shalt  }
0x3e: {  	_ =	shalt  }
0x3f: {  	_ =	shalt  }
0x40: {  	_ =	shalt  }
0x41: {  	_ =	shalt  }
0x42: {  	_ =	shalt  }
0x43: {  	_ =	shalt  }
0x44: {  	_ =	shalt  }
0x45: {  	_ =	shalt  }
0x46: {  	_ =	shalt  }
0x47: {  	_ =	shalt  }
0x48: {  	_ =	shalt  }
0x49: {  	_ =	shalt  }
0x4a: {  	_ =	shalt  }
0x4b: {  	_ =	shalt  }
0x4c: {  	_ =	shalt  }
0x4d: {  	_ =	shalt  }
0x4e: {  	_ =	shalt  }
0x4f: {  	_ =	shalt  }
0x50: {  	_ =	shalt  }
0x51: {  	_ =	shalt  }
0x52: {  	_ =	shalt  }
0x53: {  	_ =	shalt  }
0x54: {  	_ =	shalt  }
0x55: {  	_ =	shalt  }
0x56: {  	_ =	shalt  }
0x57: {  	_ =	shalt  }
0x58: {  	_ =	shalt  }
0x59: {  	_ =	shalt  }
0x5a: {  	_ =	shalt  }
0x5b: {  	_ =	shalt  }
0x5c: {  	_ =	shalt  }
0x5d: {  	_ =	shalt  }
0x5e: {  	_ =	shalt  }
0x5f: {  	_ =	shalt  }
0x60: {  	_ =	shalt  }
0x61: {  	_ =	shalt  }
0x62: {  	_ =	shalt  }
0x63: {  	_ =	shalt  }
0x64: {  	_ =	shalt  }
0x65: {  	_ =	shalt  }
0x66: {  	_ =	shalt  }
0x67: {  	_ =	shalt  }
0x68: {  	_ =	shalt  }
0x69: {  	_ =	shalt  }
0x6a: {  	_ =	shalt  }
0x6b: {  	_ =	shalt  }
0x6c: {  	_ =	shalt  }
0x6d: {  	_ =	shalt  }
0x6e: {  	_ =	shalt  }
0x6f: {  	_ =	shalt  }
0x70: {  	_ =	shalt  }
0x71: {  	_ =	shalt  }
0x72: {  	_ =	shalt  }
0x73: {  	_ =	shalt  }
0x74: {  	_ =	shalt  }
0x75: {  	_ =	shalt  }
0x76: {  	_ =	shalt  }
0x77: {  	_ =	shalt  }
0x78: {  	_ =	shalt  }
0x79: {  	_ =	shalt  }
0x7a: {  	_ =	shalt  }
0x7b: {  	_ =	shalt  }
0x7c: {  	_ =	shalt  }
0x7d: {  	_ =	shalt  }
0x7e: {  	_ =	shalt  }
0x7f: {  	_ =	shalt  }
0x80: {  	_ =	shalt  }
0x81: {  	_ =	shalt  }
0x82: {  	_ =	shalt  }
0x83: {  	_ =	shalt  }
0x84: {  	_ =	shalt  }
0x85: {  	_ =	shalt  }
0x86: {  	_ =	shalt  }
0x87: {  	_ =	shalt  }
.Lfunc_end0:
.L_simem_size_0:
called_computation.1_lowered:
.L_overlay_start_0:
0x88: {  	s2 =	sld [smem:$0x3FD9]  }
0x89: {  	s3 =	sld [smem:$0x3FFE];
	_ =	sdelay $0x1  }
0x8a: {  	s1 =	srdreg.scid  }
0x8b: {  	s0 =	sand.u32 $0x1, s1  }
0x8c: {  	s17 =	sshll.u32 s0, $0xA;
	s2 =	sadd.s32 s3, s2  }
0x8d: {  	s2 =	sadd.s32 s2, s17  }
0x8e: {  	[smem:$0x3FC6] =	sst s2  }
0x8f: {  	_ = 	snop  }
0x90: {  	s2 =	sld [smem:$0x3FD0];
	(tm) =	ssettm $0x1  }
0x91: {  	s18 =	sld [smem:$0x3FFB];
	_ =	sdelay $0x3  }
0x92: {  	_ =	strace s18  }
0x93: {  	s3 =	sld [smem:$0x3FFC];
	_ =	sdelay $0x3  }
0x94: {  	_ =	strace s3  }
0x95: {  	s3 =	sld [smem:$0x3FFD];
	_ =	sdelay $0x3  }
0x96: {  	_ =	strace s3  }
0x97: {  	_ =	strace $0x8FFFFFFF  }
0x98: {  	s19 =	sld [smem:$0x3FDB];
	_ =	sdelay $0x1  }
0x99: {  	s4 =	simm.s32 $_scs_section_size  }
0x9a: {  	s5 =	simm.s32 $_size__tile_overlayer_lowered;
	s6 =	simm.s32 $_tile_overlayer_lowered  }
0x9b: {  	s22 =	simm.s32 $0x1BFF;
	s21 =	sshll.u32 s6, $0x1;
	s3 =	sadd.s32 s4, s19  }
0x9c: {  	s7 =	simm.s32 $0x0;
	s20 =	sshll.u32 s5, $0x1;
	s5 =	sadd.s32 s21, s3  }
0x9d: {  	[timem:s7], [sflag:s22] =	dma.local [hbm:s5], s20  }
0x9e: {  	_ =	swait.ge [sflag:s22], s20  }
0x9f: {  	s4 =	ssub.s32 $0x0, s20;
	[sflag:s22] =	ssyncset.done $0x0  }
0xa0: {  	[sflag:s22] =	ssyncadd.s32 s4;
	_ =	sdelay $0x1  }
0xa1: {  	s23 =	simm.s32 $0x1B8B  }
0xa2: {  	_ =	swait.ge [sflag:s23], $0x1  }
0xa3: {  	[sflag:s23] =	ssyncset.done $0x0  }
0xa4: {  	s25 =	simm.s32 $0x1B8E;
	s24 =	sld [smem:$0x3FFE];
	[sflag:s23] =	ssyncadd.s32 $0xFFFFFFFF  }
0xa5: {  	s26 =	simm.s32 $execute0_lowered;
	[smem:$0x3FD2] =	sst s25  }
0xa6: {  	s5 =	sshll.u32 s26, $0x1;
	_ =	strace $0x80000049;
	[dreg:$0x1] =	wrdreg $0xFFFFFFFF  }
0xa7: {  	s28 =	simm.s32 $_size_execute0_lowered;
	s3 =	sadd.s32 s3, s5;
	[dreg:$0x0] =	wrdreg $0x0  }
0xa8: {  	s5 =	sshll.u32 s28, $0x1;
	[dreg:$0x2] =	wrdreg s3  }
0xa9: {  	[dreg:$0x3] =	wrdreg s5  }
0xaa: {  	[dreg:$0x4] =	wrdreg $0xC0  }
0xab: {  	_ =	task [dreg:s7], $0x5FFFF  }
0xac: {  	[dreg:$0x1] =	wrdreg $0xFFFFFFFF  }
0xad: {  	[dreg:$0x0] =	wrdreg $0x60  }
0xae: {  	[dreg:$0x2] =	wrdreg s24  }
0xaf: {  	[dreg:$0x3] =	wrdreg s2  }
0xb0: {  	[dreg:$0x4] =	wrdreg $0x9  }
0xb1: {  	_ =	task.clear_ibuf [dreg:s7], $0x5FFFF;
	_ =	strace $0x90000049  }
0xb2: {  	s29 =	simm.s32 $0x9;
	_ =	strace $0x8000004B  }
0xb3: {  	_ =	swait.ge [sflag:s29], $0x1  }
0xb4: {  	[sflag:s29] =	ssyncadd.s32 $0xFFFFFFFF  }
0xb5: {  	_ =	strace $0x9000004B  }
0xb6: {  	_ =	sfence  }
0xb7: {  	s30 =	sld [smem:$0x0];
	_ =	sdelay $0x2  }
0xb8: {  	s31 =	sshll.u32 s1, $0xD;
	s1 =	sshrl.u32 s1, $0x2  }
0xb9: {  	s3 =	sand.u32 $0x4000, s31;
	s1 =	sadd.s32 s1, s30  }
0xba: {  	s0 =	sor.u32 s3, s0;
	s1 =	sshll.u32 s1, $0x11  }
0xbb: {  	s0 =	sor.u32 s1, s0  }
0xbc: {  	s0 =	sadd.s32 $0x8F2B, s0  }
0xbd: {  	[sflag:s0] =	ssyncadd.remote.s32 $0x1  }
0xbe: {  	_ =	sfence.sel $0xFFFF  }
0xbf: {  	[dreg:$0x0] =	wrdreg $0xFFFFFFFF;
	(pc) =	sbr.abs _section_cstart, $3  }
0xc0: {  	[dreg:$0x1] =	wrdreg $0xFFFFFFFF  }
0xc1: {  	_ =	task.clear_ibuf [dreg:s7], $0x2FFFF;
	_ =	strace $0x9FFFFFFF  }
0xc2: {  	(tm) =	ssettm $0x7FFFFFFF  }
0xc3: {  	_ =	shalt  }
tec
execute0_lowered:
.L_overlay_start_1:
0x0: {  	(tag) =	ssettag $0x1  }
0x1: {  	s0 =	srdreg.scid;
	s4 =	rddreg [dreg:$0x0]  }
0x2: {  	s1 =	stileid.u32;
	s2 =	rddreg [dreg:$0x1]  }
0x3: {  	s3 =	simm.s32 $0x0;
	s0 =	sand.u32 $0x1, s0;
	s1 =	sshll.u32 s1, $0x1  }
0x4: {  	s29 =	simm.s32 $0x80;
	s30 =	simm.s32 $0xA358;
	s1 =	sor.u32 s0, s1  }
0x5: {  	s31 =	simm.s32 $0xA3E0;
	s28 =	simm.s32 $0xA578;
	s5 =	smul.u32 $0xC80, s1  }
0x6: {  	[smem:$0x7FF] =	sst s3;
	s0 =	ssub.s32 $0x2, s0;
	s6 =	smul.u32 $0xC8000, s1  }
0x7: {  	_ =	strace $0x8000004A;
	s7 =	smul.u32 $0x12000, s1;
	s25 =	sshrl.u32 s0, $0x1  }
0x8: {  	s0 =	ssub.s32 s0, s25;
	s8 =	sadd.s32 s5, s4;
	s6 =	sand.u32 $0x1F80000, s6  }
0x9: {  	s7 =	sand.u32 $0x1E000, s7;
	s4 =	sadd.s32 $0xA00, s4;
	s5 =	smul.u32 $0xC8, s1  }
0xa: {  	s0 =	smax.u32 s0, $0x1;
	s6 =	sor.u32 s7, s6;
	s9 =	sadd.s32 $0x3D1400, s8  }
0xb: {  	[dreg:$0x14] =	wrdreg s0;
	s0 =	simm.s32 $0x8400;
	s26 =	sshrl.u32 s6, $0x3  }
0xc: {  	s6 =	sadd.s32 $0x4000, s2;
	[dreg:$0x3] =	wrdreg s9;
	s17 =	sadd.s32 $0xC6, s5  }
0xd: {  	s19 =	sadd.s32 $0xC7, s5;
	s10 =	sadd.s32 s2, s26;
	s11 =	sadd.s32 s26, s6  }
0xe: {  	s12 =	sor.u32 $0x80, s26;
	s18 =	sshll.u32 s17, $0x9;
	[dreg:$0x4] =	wrdreg s10  }
0xf: {  	s20 =	sshll.u32 s19, $0x9;
	s8 =	sshll.u32 s19, $0x7;
	[dreg:$0x5] =	wrdreg s11  }
0x10: {  	s10 =	sadd.s32 $0x8000, s2;
	s11 =	sadd.s32 $0xC000, s2;
	s14 =	sadd.s32 s2, s12  }
0x11: {  	s15 =	sadd.s32 s12, s6;
	s8 =	sand.u32 $0x3F80, s8;
	[dreg:$0x8] =	wrdreg s14  }
0x12: {  	s13 =	sadd.s32 s26, s10;
	s1 =	sadd.s32 s26, s11;
	[dreg:$0x9] =	wrdreg s15  }
0x13: {  	s7 =	sadd.s32 s12, s11;
	[dreg:$0x7] =	wrdreg s1;
	s1 =	sshll.u32 s17, $0x7  }
0x14: {  	[dreg:$0xb] =	wrdreg s7;
	s7 =	sand.u32 $0x7F0000, s18;
	s1 =	sand.u32 $0x3F00, s1  }
0x15: {  	s16 =	sadd.s32 s12, s10;
	[dreg:$0x6] =	wrdreg s13;
	s1 =	sor.u32 s1, s7  }
0x16: {  	[dreg:$0xa] =	wrdreg s16;
	s17 =	simm.s32 $0x2;
	s9 =	sadd.s32 s2, s1  }
0x17: {  	s18 =	simm.s32 $0x9500;
	s21 =	sadd.s32 s1, s6;
	[dreg:$0xc] =	wrdreg s9  }
0x18: {  	s7 =	sand.u32 $0x7F0000, s20;
	s22 =	sadd.s32 s1, s10;
	[dreg:$0xd] =	wrdreg s21  }
0x19: {  	s7 =	sor.u32 s8, s7;
	s1 =	sadd.s32 s1, s11;
	[dreg:$0xe] =	wrdreg s22  }
0x1a: {  	s13 =	simm.s32 $0x0;
	[dreg:$0xf] =	wrdreg s1;
	s23 =	sadd.s32 s2, s7  }
0x1b: {  	s8 =	simm.s32 $0x3;
	s24 =	sadd.s32 s7, s6;
	[dreg:$0x10] =	wrdreg s23  }
0x1c: {  	v0 =	vlaneseq.u32;
	s25 =	sadd.s32 s7, s10;
	s26 =	sadd.s32 s7, s11;
	[dreg:$0x11] =	wrdreg s24  }
0x1d: {  	v0 =	vmul.u32 $0x88, v0;
	s1 =	simm.s32 $0x1;
	s7 =	simm.s32 $0xA468;
	[dreg:$0x12] =	wrdreg s25  }
0x1e: {  	s9 =	simm.s32 $0x4;
	[dreg:$0x13] =	wrdreg s26;
	s23 =	simm.s32 $0xA1C0  }
0x1f: {  	v1 =	vadd.s32 $0x880, v0;
	s24 =	simm.s32 $0xA248;
	s25 =	simm.s32 $0xA2D0;
	s26 =	simm.s32 $0xA4F0  }
.LBB2_1:
0x20: {  	[dreg:$0x15] =	wrdreg s13  }
0x21: {  	s12 =	rddreg [dreg:$0x3];
	s16 =	simm.s32 $0x5  }
0x22: {  	[tilespmem:s3], [sflag:$0x5] =	stream.linear.gather [hbm4b:s12+s3], $0x6400, $0x38;
	[tilespmem:$0xA600] =	vst v63  }
0x23: {  	_ =	swait.ge [sflag:s16], $0x6400  }
0x24: {  	[sflag:s16] =	ssyncset.done $0x0  }
0x25: {  	s19 =	simm.s32 $0x6400;
	[sflag:s16] =	ssyncadd.s32 $0xFFFF9C00  }
0x26: {  	[tilespmem:s19], [sflag:$0x1] =	stream.indirect.gather [hbm4b:s4+s29], $0x20, s3, s29, $0xb8;
	[tilespmem:$0xA600] =	vst v63  }
0x27: {  	s20 =	simm.s32 $0x7400  }
0x28: {  	[tilespmem:s20], [sflag:$0x2] =	stream.indirect.gather [hbm4b:s4+s29], $0x20, s29, s29, $0xb8;
	[tilespmem:$0xA600] =	vst v63  }
0x29: {  	s21 =	simm.s32 $0x1;
	_ =	swait.ge [sflag:s1], $0x1000  }
0x2a: {  	v2 =	vmov s21;
	[sflag:s1] =	ssyncset.done $0x0  }
0x2b: {  	s12 =	simm.s32 $0x6420;
	v6 =	vand.u32 $0x7F, v2;
	v2 =	vmov s3;
	[sflag:s1] =	ssyncadd.s32 $0xFFFFF000  }
0x2c: {  	v5 =	vadd.s32 v0, v6;
	v2 =	vand.u32 $0x7E, v2;
	v4 =	vld [tilespmem:s12+$0x0]  }
0x2d: {  	v9 =	vadd.s32 v0, v2;
	v8 =	vld [tilespmem:s12+$0xFFFFFFE0];
	_ =	sdelay $0x1  }
0x2e: {  	s22 =	simm.s32 $0x3  }
0x2f: {  	s14 =	simm.s32 $0x2;
	s13 =	simm.s32 $0x6460;
	v3 =	vmov s22  }
0x30: {  	v3 =	vand.u32 $0x7F, v3;
	[tilespmem:v5+s0+$0x0] =	vst.idx.msk $0xffff, v4;
	v4 =	vmov s14;
	v5 =	vld [tilespmem:s13+$0x0]  }
0x31: {  	v7 =	vadd.s32 v0, v3;
	[tilespmem:v9+s0+$0x0] =	vst.idx.msk $0xffff, v8;
	v8 =	vld [tilespmem:s13+$0xFFFFFFE0];
	v10 =	vand.u32 $0x7E, v4  }
0x32: {  	v6 =	vadd.s32 v1, v6;
	s14 =	simm.s32 $0x4;
	v4 =	vld [tilespmem:s12+$0x10];
	v9 =	vadd.s32 v0, v10  }
.LBB2_2:
0x33: {  	s15 =	sadd.s32 $0x1, s14  }
0x34: {  	v11 =	vld [tilespmem:s12+$0xFFFFFFF0];
	v12 =	vadd.s32 v1, v2;
	v2 =	vmov v10;
	s16 =	smov.u32 s14;
	s12 =	smov.u32 s13;
	p0 =	slt.u32 s14, $0x7E  }
.Ltmp0:
0x35: {  	s14 =	sadd.s32 $0x2, s14;
	v10 =	vmov s15;
	(pc) =	sbr.rel @p0 .LBB2_2-.Ltmp0, $4  }
0x36: {  	s13 =	sadd.s32 $0x40, s13;
	v13 =	vand.u32 $0x7F, v10;
	[tilespmem:v7+s0+$0x0] =	vst.idx.msk $0xffff, v5  }
0x37: {  	v10 =	vmov s16;
	v5 =	vld [tilespmem:s13+$0x0];
	v7 =	vadd.s32 v0, v13;
	[tilespmem:v6+s0+$0x0] =	vst.idx.msk $0xffff, v4  }
0x38: {  	v10 =	vand.u32 $0x7E, v10;
	v6 =	vadd.s32 v1, v3;
	v3 =	vmov v13;
	[tilespmem:v9+s0+$0x0] =	vst.idx.msk $0xffff, v8;
	v4 =	vld [tilespmem:s12+$0x10]  }
0x39: {  	v9 =	vadd.s32 v0, v10;
	v8 =	vld [tilespmem:s13+$0xFFFFFFE0];
	[tilespmem:v12+s0+$0x0] =	vst.idx.msk $0xffff, v11  }
0x3a: {  	_ =	sdelay $0x3  }
0x3b: {  	v11 =	vld [tilespmem:s12+$0xFFFFFFF0];
	v2 =	vadd.s32 v1, v2;
	[tilespmem:v7+s0+$0x0] =	vst.idx.msk $0xffff, v5  }
0x3c: {  	v3 =	vadd.s32 v1, v3;
	v5 =	vld [tilespmem:s13+$0x10];
	[tilespmem:v9+s0+$0x0] =	vst.idx.msk $0xffff, v8  }
0x3d: {  	v8 =	vadd.s32 v1, v10;
	v7 =	vld [tilespmem:s13+$0xFFFFFFF0];
	_ =	sdelay $0x1  }
0x3e: {  	[tilespmem:v6+s0+$0x0] =	vst.idx.msk $0xffff, v4  }
0x3f: {  	[tilespmem:v2+s0+$0x0] =	vst.idx.msk $0xffff, v11  }
0x40: {  	[tilespmem:v3+s0+$0x0] =	vst.idx.msk $0xffff, v5  }
0x41: {  	s16 =	simm.s32 $0x6400;
	s19 =	simm.s32 $0x100;
	[tilespmem:v8+s0+$0x0] =	vst.idx.msk $0xffff, v7  }
0x42: {  	[tilespmem:s16], [sflag:$0x1] =	stream.indirect.gather [hbm4b:s4+s29], $0x20, s19, s29, $0xb8;
	[tilespmem:$0xA600] =	vst v63  }
0x43: {  	s12 =	simm.s32 $0x0;
	s14 =	rddreg [dreg:$0x4]  }
0x44: {  	[hbm4b:s14+s12] =	stream.linear.scatter [tilespmem:s0], [sflag:$0x3], $0x80, $0x38;
	[tilespmem:$0xA600] =	vst v63  }
0x45: {  	s15 =	simm.s32 $0x8488;
	s20 =	sadd.s32 $0x10, s14  }
0x46: {  	[hbm4b:s20+s12] =	stream.linear.scatter [tilespmem:s15], [sflag:$0x3], $0x80, $0x38;
	[tilespmem:$0xA600] =	vst v63  }
0x47: {  	s22 =	simm.s32 $0x8510;
	s21 =	sadd.s32 $0x20, s14  }
0x48: {  	[hbm4b:s21+s12] =	stream.linear.scatter [tilespmem:s22], [sflag:$0x3], $0x80, $0x38;
	[tilespmem:$0xA600] =	vst v63  }
0x49: {  	s16 =	simm.s32 $0x8598;
	s15 =	sadd.s32 $0x30, s14  }
0x4a: {  	[hbm4b:s15+s12] =	stream.linear.scatter [tilespmem:s16], [sflag:$0x3], $0x80, $0x38;
	[tilespmem:$0xA600] =	vst v63  }
0x4b: {  	s19 =	sadd.s32 $0x40, s14;
	s20 =	simm.s32 $0x8620  }
0x4c: {  	[hbm4b:s19+s12] =	stream.linear.scatter [tilespmem:s20], [sflag:$0x3], $0x80, $0x38;
	[tilespmem:$0xA600] =	vst v63  }
0x4d: {  	s21 =	sadd.s32 $0x50, s14;
	s22 =	simm.s32 $0x86A8  }
0x4e: {  	[hbm4b:s21+s12] =	stream.linear.scatter [tilespmem:s22], [sflag:$0x3], $0x80, $0x38;
	[tilespmem:$0xA600] =	vst v63  }
0x4f: {  	s16 =	sadd.s32 $0x60, s14;
	s19 =	simm.s32 $0x8730  }
0x50: {  	[hbm4b:s16+s12] =	stream.linear.scatter [tilespmem:s19], [sflag:$0x3], $0x80, $0x38;
	[tilespmem:$0xA600] =	vst v63  }
0x51: {  	s20 =	sadd.s32 $0x70, s14;
	s21 =	simm.s32 $0x87B8  }
0x52: {  	[hbm4b:s20+s12] =	stream.linear.scatter [tilespmem:s21], [sflag:$0x3], $0x80, $0x38;
	[tilespmem:$0xA600] =	vst v63  }
0x53: {  	s14 =	rddreg [dreg:$0x5];
	s22 =	simm.s32 $0x8840  }
0x54: {  	[hbm4b:s14+s12] =	stream.linear.scatter [tilespmem:s22], [sflag:$0x3], $0x80, $0x38;
	[tilespmem:$0xA600] =	vst v63  }
0x55: {  	s15 =	sadd.s32 $0x10, s14;
	s16 =	simm.s32 $0x88C8  }
0x56: {  	[hbm4b:s15+s12] =	stream.linear.scatter [tilespmem:s16], [sflag:$0x3], $0x80, $0x38;
	[tilespmem:$0xA600] =	vst v63  }
0x57: {  	s19 =	sadd.s32 $0x20, s14;
	s20 =	simm.s32 $0x8950  }
0x58: {  	[hbm4b:s19+s12] =	stream.linear.scatter [tilespmem:s20], [sflag:$0x3], $0x80, $0x38;
	[tilespmem:$0xA600] =	vst v63  }
0x59: {  	s21 =	sadd.s32 $0x30, s14;
	s22 =	simm.s32 $0x89D8  }
0x5a: {  	[hbm4b:s21+s12] =	stream.linear.scatter [tilespmem:s22], [sflag:$0x3], $0x80, $0x38;
	[tilespmem:$0xA600] =	vst v63  }
0x5b: {  	s15 =	sadd.s32 $0x40, s14;
	s16 =	simm.s32 $0x8A60  }
0x5c: {  	[hbm4b:s15+s12] =	stream.linear.scatter [tilespmem:s16], [sflag:$0x3], $0x80, $0x38;
	[tilespmem:$0xA600] =	vst v63  }
0x5d: {  	s19 =	sadd.s32 $0x50, s14;
	s20 =	simm.s32 $0x8AE8  }
0x5e: {  	[hbm4b:s19+s12] =	stream.linear.scatter [tilespmem:s20], [sflag:$0x3], $0x80, $0x38;
	[tilespmem:$0xA600] =	vst v63  }
0x5f: {  	s21 =	sadd.s32 $0x60, s14;
	s22 =	simm.s32 $0x8B70  }
0x60: {  	[hbm4b:s21+s12] =	stream.linear.scatter [tilespmem:s22], [sflag:$0x3], $0x80, $0x38;
	[tilespmem:$0xA600] =	vst v63  }
0x61: {  	s14 =	sadd.s32 $0x70, s14;
	s15 =	simm.s32 $0x8BF8  }
0x62: {  	[hbm4b:s14+s12] =	stream.linear.scatter [tilespmem:s15], [sflag:$0x3], $0x80, $0x38;
	[tilespmem:$0xA600] =	vst v63  }
0x63: {  	s16 =	simm.s32 $0x8C80;
	s14 =	rddreg [dreg:$0x6]  }
0x64: {  	[hbm4b:s14+s12] =	stream.linear.scatter [tilespmem:s16], [sflag:$0x3], $0x80, $0x38;
	[tilespmem:$0xA600] =	vst v63  }
0x65: {  	s20 =	simm.s32 $0x8D08;
	s19 =	sadd.s32 $0x10, s14  }
0x66: {  	[hbm4b:s19+s12] =	stream.linear.scatter [tilespmem:s20], [sflag:$0x3], $0x80, $0x38;
	[tilespmem:$0xA600] =	vst v63  }
0x67: {  	s22 =	simm.s32 $0x8D90;
	s21 =	sadd.s32 $0x20, s14  }
0x68: {  	[hbm4b:s21+s12] =	stream.linear.scatter [tilespmem:s22], [sflag:$0x3], $0x80, $0x38;
	[tilespmem:$0xA600] =	vst v63  }
0x69: {  	s15 =	sadd.s32 $0x30, s14;
	s16 =	simm.s32 $0x8E18  }
0x6a: {  	[hbm4b:s15+s12] =	stream.linear.scatter [tilespmem:s16], [sflag:$0x3], $0x80, $0x38;
	[tilespmem:$0xA600] =	vst v63  }
0x6b: {  	s19 =	sadd.s32 $0x40, s14;
	s20 =	simm.s32 $0x8EA0  }
0x6c: {  	[hbm4b:s19+s12] =	stream.linear.scatter [tilespmem:s20], [sflag:$0x3], $0x80, $0x38;
	[tilespmem:$0xA600] =	vst v63  }
0x6d: {  	s21 =	sadd.s32 $0x50, s14;
	s22 =	simm.s32 $0x8F28  }
0x6e: {  	[hbm4b:s21+s12] =	stream.linear.scatter [tilespmem:s22], [sflag:$0x3], $0x80, $0x38;
	[tilespmem:$0xA600] =	vst v63  }
0x6f: {  	s16 =	sadd.s32 $0x60, s14;
	s19 =	simm.s32 $0x8FB0  }
0x70: {  	[hbm4b:s16+s12] =	stream.linear.scatter [tilespmem:s19], [sflag:$0x3], $0x80, $0x38;
	[tilespmem:$0xA600] =	vst v63  }
0x71: {  	s20 =	sadd.s32 $0x70, s14;
	s21 =	simm.s32 $0x9038  }
0x72: {  	[hbm4b:s20+s12] =	stream.linear.scatter [tilespmem:s21], [sflag:$0x3], $0x80, $0x38;
	[tilespmem:$0xA600] =	vst v63  }
0x73: {  	s14 =	rddreg [dreg:$0x7];
	s22 =	simm.s32 $0x90C0  }
0x74: {  	[hbm4b:s14+s12] =	stream.linear.scatter [tilespmem:s22], [sflag:$0x3], $0x80, $0x38;
	[tilespmem:$0xA600] =	vst v63  }
0x75: {  	s15 =	sadd.s32 $0x10, s14;
	s16 =	simm.s32 $0x9148  }
0x76: {  	[hbm4b:s15+s12] =	stream.linear.scatter [tilespmem:s16], [sflag:$0x3], $0x80, $0x38;
	[tilespmem:$0xA600] =	vst v63  }
0x77: {  	s19 =	sadd.s32 $0x20, s14;
	s20 =	simm.s32 $0x91D0  }
0x78: {  	[hbm4b:s19+s12] =	stream.linear.scatter [tilespmem:s20], [sflag:$0x3], $0x80, $0x38;
	[tilespmem:$0xA600] =	vst v63  }
0x79: {  	s21 =	sadd.s32 $0x30, s14;
	s22 =	simm.s32 $0x9258  }
0x7a: {  	[hbm4b:s21+s12] =	stream.linear.scatter [tilespmem:s22], [sflag:$0x3], $0x80, $0x38;
	[tilespmem:$0xA600] =	vst v63  }
0x7b: {  	s15 =	sadd.s32 $0x40, s14;
	s16 =	simm.s32 $0x92E0  }
0x7c: {  	[hbm4b:s15+s12] =	stream.linear.scatter [tilespmem:s16], [sflag:$0x3], $0x80, $0x38;
	[tilespmem:$0xA600] =	vst v63  }
0x7d: {  	s19 =	sadd.s32 $0x50, s14;
	s20 =	simm.s32 $0x9368  }
0x7e: {  	[hbm4b:s19+s12] =	stream.linear.scatter [tilespmem:s20], [sflag:$0x3], $0x80, $0x38;
	[tilespmem:$0xA600] =	vst v63  }
0x7f: {  	s21 =	sadd.s32 $0x60, s14;
	s22 =	simm.s32 $0x93F0  }
0x80: {  	[hbm4b:s21+s12] =	stream.linear.scatter [tilespmem:s22], [sflag:$0x3], $0x80, $0x38;
	[tilespmem:$0xA600] =	vst v63  }
0x81: {  	s16 =	sadd.s32 $0x70, s14;
	s19 =	simm.s32 $0x9478  }
0x82: {  	[hbm4b:s16+s12] =	stream.linear.scatter [tilespmem:s19], [sflag:$0x3], $0x80, $0x38;
	[tilespmem:$0xA600] =	vst v63  }
0x83: {  	s20 =	simm.s32 $0x1;
	_ =	swait.ge [sflag:s17], $0x1000  }
0x84: {  	v2 =	vmov s20;
	[sflag:s17] =	ssyncset.done $0x0  }
0x85: {  	s13 =	simm.s32 $0x7430;
	v6 =	vand.u32 $0x7F, v2;
	v2 =	vmov s12;
	[sflag:s17] =	ssyncadd.s32 $0xFFFFF000  }
0x86: {  	v5 =	vadd.s32 v0, v6;
	v2 =	vand.u32 $0x7E, v2;
	v4 =	vld [tilespmem:s13+$0xFFFFFFF0]  }
0x87: {  	v9 =	vadd.s32 v0, v2;
	v8 =	vld [tilespmem:s13+$0xFFFFFFD0];
	_ =	sdelay $0x1  }
0x88: {  	s21 =	simm.s32 $0x3  }
0x89: {  	s22 =	simm.s32 $0x2;
	v3 =	vmov s21;
	s12 =	simm.s32 $0x7470  }
0x8a: {  	v3 =	vand.u32 $0x7F, v3;
	[tilespmem:v5+s18+$0x0] =	vst.idx.msk $0xffff, v4;
	v4 =	vmov s22;
	v5 =	vld [tilespmem:s12+$0xFFFFFFF0]  }
0x8b: {  	v7 =	vadd.s32 v0, v3;
	[tilespmem:v9+s18+$0x0] =	vst.idx.msk $0xffff, v8;
	v8 =	vld [tilespmem:s12+$0xFFFFFFD0];
	v10 =	vand.u32 $0x7E, v4  }
0x8c: {  	s14 =	simm.s32 $0x4;
	v6 =	vadd.s32 v1, v6;
	v4 =	vld [tilespmem:s13+$0x0];
	v9 =	vadd.s32 v0, v10  }
.LBB2_4:
0x8d: {  	s15 =	sadd.s32 $0x1, s14  }
0x8e: {  	v11 =	vld [tilespmem:s13+$0xFFFFFFE0];
	v12 =	vadd.s32 v1, v2;
	v2 =	vmov v10;
	s16 =	smov.u32 s14;
	s13 =	smov.u32 s12;
	p0 =	slt.u32 s14, $0x7E  }
.Ltmp1:
0x8f: {  	s14 =	sadd.s32 $0x2, s14;
	v10 =	vmov s15;
	(pc) =	sbr.rel @p0 .LBB2_4-.Ltmp1, $4  }
0x90: {  	s12 =	sadd.s32 $0x40, s12;
	v13 =	vand.u32 $0x7F, v10;
	[tilespmem:v7+s18+$0x0] =	vst.idx.msk $0xffff, v5  }
0x91: {  	v10 =	vmov s16;
	v5 =	vld [tilespmem:s12+$0xFFFFFFF0];
	v7 =	vadd.s32 v0, v13;
	[tilespmem:v6+s18+$0x0] =	vst.idx.msk $0xffff, v4  }
0x92: {  	v10 =	vand.u32 $0x7E, v10;
	v6 =	vadd.s32 v1, v3;
	v3 =	vmov v13;
	[tilespmem:v9+s18+$0x0] =	vst.idx.msk $0xffff, v8;
	v4 =	vld [tilespmem:s13+$0x0]  }
0x93: {  	v9 =	vadd.s32 v0, v10;
	v8 =	vld [tilespmem:s12+$0xFFFFFFD0];
	[tilespmem:v12+s18+$0x0] =	vst.idx.msk $0xffff, v11  }
0x94: {  	_ =	sdelay $0x3  }
0x95: {  	v11 =	vld [tilespmem:s13+$0xFFFFFFE0];
	v2 =	vadd.s32 v1, v2;
	[tilespmem:v7+s18+$0x0] =	vst.idx.msk $0xffff, v5  }
0x96: {  	v3 =	vadd.s32 v1, v3;
	v5 =	vld [tilespmem:s12+$0x0];
	[tilespmem:v9+s18+$0x0] =	vst.idx.msk $0xffff, v8  }
0x97: {  	v63 =	vadd.s32 v1, v10;
	v62 =	vld [tilespmem:s12+$0xFFFFFFE0];
	_ =	sdelay $0x1  }
0x98: {  	[tilespmem:v6+s18+$0x0] =	vst.idx.msk $0xffff, v4  }
0x99: {  	[tilespmem:v2+s18+$0x0] =	vst.idx.msk $0xffff, v11  }
0x9a: {  	[tilespmem:v3+s18+$0x0] =	vst.idx.msk $0xffff, v5  }
0x9b: {  	s16 =	simm.s32 $0x7400;
	s19 =	simm.s32 $0x180;
	[tilespmem:v63+s18+$0x0] =	vst.idx.msk $0xffff, v62  }
0x9c: {  	[tilespmem:s16], [sflag:$0x2] =	stream.indirect.gather [hbm4b:s4+s29], $0x20, s19, s29, $0xb8;
	[tilespmem:$0xA600] =	vst v63  }
0x9d: {  	s12 =	simm.s32 $0x0;
	s14 =	rddreg [dreg:$0x8]  }
0x9e: {  	[hbm4b:s14+s12] =	stream.linear.scatter [tilespmem:s18], [sflag:$0x4], $0x80, $0x38;
	[tilespmem:$0xA600] =	vst v63  }
0x9f: {  	s15 =	simm.s32 $0x9588;
	s20 =	sadd.s32 $0x10, s14  }
0xa0: {  	[hbm4b:s20+s12] =	stream.linear.scatter [tilespmem:s15], [sflag:$0x4], $0x80, $0x38;
	[tilespmem:$0xA600] =	vst v63  }
0xa1: {  	s22 =	simm.s32 $0x9610;
	s21 =	sadd.s32 $0x20, s14  }
0xa2: {  	[hbm4b:s21+s12] =	stream.linear.scatter [tilespmem:s22], [sflag:$0x4], $0x80, $0x38;
	[tilespmem:$0xA600] =	vst v63  }
0xa3: {  	s16 =	simm.s32 $0x9698;
	s15 =	sadd.s32 $0x30, s14  }
0xa4: {  	[hbm4b:s15+s12] =	stream.linear.scatter [tilespmem:s16], [sflag:$0x4], $0x80, $0x38;
	[tilespmem:$0xA600] =	vst v63  }
0xa5: {  	s19 =	sadd.s32 $0x40, s14;
	s20 =	simm.s32 $0x9720  }
0xa6: {  	[hbm4b:s19+s12] =	stream.linear.scatter [tilespmem:s20], [sflag:$0x4], $0x80, $0x38;
	[tilespmem:$0xA600] =	vst v63  }
0xa7: {  	s21 =	sadd.s32 $0x50, s14;
	s22 =	simm.s32 $0x97A8  }
0xa8: {  	[hbm4b:s21+s12] =	stream.linear.scatter [tilespmem:s22], [sflag:$0x4], $0x80, $0x38;
	[tilespmem:$0xA600] =	vst v63  }
0xa9: {  	s16 =	sadd.s32 $0x60, s14;
	s19 =	simm.s32 $0x9830  }
0xaa: {  	[hbm4b:s16+s12] =	stream.linear.scatter [tilespmem:s19], [sflag:$0x4], $0x80, $0x38;
	[tilespmem:$0xA600] =	vst v63  }
0xab: {  	s20 =	sadd.s32 $0x70, s14;
	s21 =	simm.s32 $0x98B8  }
0xac: {  	[hbm4b:s20+s12] =	stream.linear.scatter [tilespmem:s21], [sflag:$0x4], $0x80, $0x38;
	[tilespmem:$0xA600] =	vst v63  }
0xad: {  	s14 =	rddreg [dreg:$0x9];
	s22 =	simm.s32 $0x9940  }
0xae: {  	[hbm4b:s14+s12] =	stream.linear.scatter [tilespmem:s22], [sflag:$0x4], $0x80, $0x38;
	[tilespmem:$0xA600] =	vst v63  }
0xaf: {  	s15 =	sadd.s32 $0x10, s14;
	s16 =	simm.s32 $0x99C8  }
0xb0: {  	[hbm4b:s15+s12] =	stream.linear.scatter [tilespmem:s16], [sflag:$0x4], $0x80, $0x38;
	[tilespmem:$0xA600] =	vst v63  }
0xb1: {  	s19 =	sadd.s32 $0x20, s14;
	s20 =	simm.s32 $0x9A50  }
0xb2: {  	[hbm4b:s19+s12] =	stream.linear.scatter [tilespmem:s20], [sflag:$0x4], $0x80, $0x38;
	[tilespmem:$0xA600] =	vst v63  }
0xb3: {  	s21 =	sadd.s32 $0x30, s14;
	s22 =	simm.s32 $0x9AD8  }
0xb4: {  	[hbm4b:s21+s12] =	stream.linear.scatter [tilespmem:s22], [sflag:$0x4], $0x80, $0x38;
	[tilespmem:$0xA600] =	vst v63  }
0xb5: {  	s15 =	sadd.s32 $0x40, s14;
	s16 =	simm.s32 $0x9B60  }
0xb6: {  	[hbm4b:s15+s12] =	stream.linear.scatter [tilespmem:s16], [sflag:$0x4], $0x80, $0x38;
	[tilespmem:$0xA600] =	vst v63  }
0xb7: {  	s19 =	sadd.s32 $0x50, s14;
	s20 =	simm.s32 $0x9BE8  }
0xb8: {  	[hbm4b:s19+s12] =	stream.linear.scatter [tilespmem:s20], [sflag:$0x4], $0x80, $0x38;
	[tilespmem:$0xA600] =	vst v63  }
0xb9: {  	s21 =	sadd.s32 $0x60, s14;
	s22 =	simm.s32 $0x9C70  }
0xba: {  	[hbm4b:s21+s12] =	stream.linear.scatter [tilespmem:s22], [sflag:$0x4], $0x80, $0x38;
	[tilespmem:$0xA600] =	vst v63  }
0xbb: {  	s14 =	sadd.s32 $0x70, s14;
	s15 =	simm.s32 $0x9CF8  }
0xbc: {  	[hbm4b:s14+s12] =	stream.linear.scatter [tilespmem:s15], [sflag:$0x4], $0x80, $0x38;
	[tilespmem:$0xA600] =	vst v63  }
0xbd: {  	s16 =	simm.s32 $0x9D80;
	s14 =	rddreg [dreg:$0xa]  }
0xbe: {  	[hbm4b:s14+s12] =	stream.linear.scatter [tilespmem:s16], [sflag:$0x4], $0x80, $0x38;
	[tilespmem:$0xA600] =	vst v63  }
0xbf: {  	s20 =	simm.s32 $0x9E08;
	s19 =	sadd.s32 $0x10, s14  }
0xc0: {  	[hbm4b:s19+s12] =	stream.linear.scatter [tilespmem:s20], [sflag:$0x4], $0x80, $0x38;
	[tilespmem:$0xA600] =	vst v63  }
0xc1: {  	s22 =	simm.s32 $0x9E90;
	s21 =	sadd.s32 $0x20, s14  }
0xc2: {  	[hbm4b:s21+s12] =	stream.linear.scatter [tilespmem:s22], [sflag:$0x4], $0x80, $0x38;
	[tilespmem:$0xA600] =	vst v63  }
0xc3: {  	s15 =	sadd.s32 $0x30, s14;
	s16 =	simm.s32 $0x9F18  }
0xc4: {  	[hbm4b:s15+s12] =	stream.linear.scatter [tilespmem:s16], [sflag:$0x4], $0x80, $0x38;
	[tilespmem:$0xA600] =	vst v63  }
0xc5: {  	s19 =	sadd.s32 $0x40, s14;
	s20 =	simm.s32 $0x9FA0  }
0xc6: {  	[hbm4b:s19+s12] =	stream.linear.scatter [tilespmem:s20], [sflag:$0x4], $0x80, $0x38;
	[tilespmem:$0xA600] =	vst v63  }
0xc7: {  	s21 =	sadd.s32 $0x50, s14;
	s22 =	simm.s32 $0xA028  }
0xc8: {  	[hbm4b:s21+s12] =	stream.linear.scatter [tilespmem:s22], [sflag:$0x4], $0x80, $0x38;
	[tilespmem:$0xA600] =	vst v63  }
0xc9: {  	s16 =	sadd.s32 $0x60, s14;
	s19 =	simm.s32 $0xA0B0  }
0xca: {  	[hbm4b:s16+s12] =	stream.linear.scatter [tilespmem:s19], [sflag:$0x4], $0x80, $0x38;
	[tilespmem:$0xA600] =	vst v63  }
0xcb: {  	s20 =	sadd.s32 $0x70, s14;
	s21 =	simm.s32 $0xA138  }
0xcc: {  	[hbm4b:s20+s12] =	stream.linear.scatter [tilespmem:s21], [sflag:$0x4], $0x80, $0x38;
	[tilespmem:$0xA600] =	vst v63  }
0xcd: {  	s14 =	rddreg [dreg:$0xb]  }
0xce: {  	[hbm4b:s14+s12] =	stream.linear.scatter [tilespmem:s23], [sflag:$0x4], $0x80, $0x38;
	[tilespmem:$0xA600] =	vst v63  }
0xcf: {  	s22 =	sadd.s32 $0x10, s14  }
0xd0: {  	[hbm4b:s22+s12] =	stream.linear.scatter [tilespmem:s24], [sflag:$0x4], $0x80, $0x38;
	[tilespmem:$0xA600] =	vst v63  }
0xd1: {  	s15 =	sadd.s32 $0x20, s14  }
0xd2: {  	[hbm4b:s15+s12] =	stream.linear.scatter [tilespmem:s25], [sflag:$0x4], $0x80, $0x38;
	[tilespmem:$0xA600] =	vst v63  }
0xd3: {  	s16 =	sadd.s32 $0x30, s14  }
0xd4: {  	[hbm4b:s16+s12] =	stream.linear.scatter [tilespmem:s30], [sflag:$0x4], $0x80, $0x38;
	[tilespmem:$0xA600] =	vst v63  }
0xd5: {  	s19 =	sadd.s32 $0x40, s14  }
0xd6: {  	[hbm4b:s19+s12] =	stream.linear.scatter [tilespmem:s31], [sflag:$0x4], $0x80, $0x38;
	[tilespmem:$0xA600] =	vst v63  }
0xd7: {  	s20 =	sadd.s32 $0x50, s14  }
0xd8: {  	[hbm4b:s20+s12] =	stream.linear.scatter [tilespmem:s7], [sflag:$0x4], $0x80, $0x38;
	[tilespmem:$0xA600] =	vst v63  }
0xd9: {  	s21 =	sadd.s32 $0x60, s14  }
0xda: {  	[hbm4b:s21+s12] =	stream.linear.scatter [tilespmem:s26], [sflag:$0x4], $0x80, $0x38;
	[tilespmem:$0xA600] =	vst v63  }
0xdb: {  	s13 =	simm.s32 $0x0;
	s22 =	sadd.s32 $0x70, s14  }
0xdc: {  	[hbm4b:s22+s12] =	stream.linear.scatter [tilespmem:s28], [sflag:$0x4], $0x80, $0x38;
	[tilespmem:$0xA600] =	vst v63  }
.LBB2_6:
0xdd: {  	_ =	swait.ge [sflag:s1], $0x1000  }
0xde: {  	[sflag:s1] =	ssyncset.done $0x0  }
0xdf: {  	[sflag:s1] =	ssyncadd.s32 $0xFFFFF000  }
0xe0: {  	_ =	swait.ge [sflag:s8], $0x400  }
0xe1: {  	[sflag:s8] =	ssyncset.done $0x0  }
0xe2: {  	[sflag:s8] =	ssyncadd.s32 $0xFFFFFC00  }
0xe3: {  	_ =	swait.ge [sflag:s8], $0x400  }
0xe4: {  	[sflag:s8] =	ssyncset.done $0x0  }
0xe5: {  	[sflag:s8] =	ssyncadd.s32 $0xFFFFFC00  }
0xe6: {  	_ =	swait.ge [sflag:s8], $0x400  }
0xe7: {  	[sflag:s8] =	ssyncset.done $0x0  }
0xe8: {  	[sflag:s8] =	ssyncadd.s32 $0xFFFFFC00  }
0xe9: {  	s14 =	simm.s32 $0x1;
	_ =	swait.ge [sflag:s8], $0x400  }
0xea: {  	v2 =	vmov s14;
	[sflag:s8] =	ssyncset.done $0x0  }
0xeb: {  	s14 =	simm.s32 $0x6420;
	v6 =	vand.u32 $0x7F, v2;
	v2 =	vmov s12;
	[sflag:s8] =	ssyncadd.s32 $0xFFFFFC00  }
0xec: {  	v5 =	vadd.s32 v0, v6;
	v2 =	vand.u32 $0x7E, v2;
	v4 =	vld [tilespmem:s14+$0x0]  }
0xed: {  	v9 =	vadd.s32 v0, v2;
	v8 =	vld [tilespmem:s14+$0xFFFFFFE0];
	_ =	sdelay $0x1  }
0xee: {  	s15 =	simm.s32 $0x3  }
0xef: {  	s16 =	simm.s32 $0x2;
	v3 =	vmov s15;
	s15 =	simm.s32 $0x6460  }
0xf0: {  	v3 =	vand.u32 $0x7F, v3;
	[tilespmem:v5+s0+$0x0] =	vst.idx.msk $0xffff, v4;
	v4 =	vmov s16;
	v5 =	vld [tilespmem:s15+$0x0]  }
0xf1: {  	v7 =	vadd.s32 v0, v3;
	[tilespmem:v9+s0+$0x0] =	vst.idx.msk $0xffff, v8;
	v8 =	vld [tilespmem:s15+$0xFFFFFFE0];
	v10 =	vand.u32 $0x7E, v4  }
0xf2: {  	v6 =	vadd.s32 v1, v6;
	s16 =	simm.s32 $0x4;
	v4 =	vld [tilespmem:s14+$0x10];
	v9 =	vadd.s32 v0, v10  }
.LBB2_7:
0xf3: {  	s19 =	sadd.s32 $0x1, s16  }
0xf4: {  	v11 =	vld [tilespmem:s14+$0xFFFFFFF0];
	v12 =	vadd.s32 v1, v2;
	v2 =	vmov v10;
	s20 =	smov.u32 s16;
	s14 =	smov.u32 s15;
	p0 =	slt.u32 s16, $0x7E  }
.Ltmp2:
0xf5: {  	s16 =	sadd.s32 $0x2, s16;
	v10 =	vmov s19;
	(pc) =	sbr.rel @p0 .LBB2_7-.Ltmp2, $4  }
0xf6: {  	s15 =	sadd.s32 $0x40, s15;
	v13 =	vand.u32 $0x7F, v10;
	[tilespmem:v7+s0+$0x0] =	vst.idx.msk $0xffff, v5  }
0xf7: {  	v10 =	vmov s20;
	v5 =	vld [tilespmem:s15+$0x0];
	v7 =	vadd.s32 v0, v13;
	[tilespmem:v6+s0+$0x0] =	vst.idx.msk $0xffff, v4  }
0xf8: {  	v10 =	vand.u32 $0x7E, v10;
	v6 =	vadd.s32 v1, v3;
	v3 =	vmov v13;
	[tilespmem:v9+s0+$0x0] =	vst.idx.msk $0xffff, v8;
	v4 =	vld [tilespmem:s14+$0x10]  }
0xf9: {  	v9 =	vadd.s32 v0, v10;
	v8 =	vld [tilespmem:s15+$0xFFFFFFE0];
	[tilespmem:v12+s0+$0x0] =	vst.idx.msk $0xffff, v11  }
0xfa: {  	_ =	sdelay $0x3  }
0xfb: {  	v11 =	vld [tilespmem:s14+$0xFFFFFFF0];
	v2 =	vadd.s32 v1, v2;
	[tilespmem:v7+s0+$0x0] =	vst.idx.msk $0xffff, v5  }
0xfc: {  	v3 =	vadd.s32 v1, v3;
	v5 =	vld [tilespmem:s15+$0x10];
	[tilespmem:v9+s0+$0x0] =	vst.idx.msk $0xffff, v8  }
0xfd: {  	v8 =	vadd.s32 v1, v10;
	v7 =	vld [tilespmem:s15+$0xFFFFFFF0];
	_ =	sdelay $0x1  }
0xfe: {  	s13 =	sadd.s32 $0x1, s13;
	[tilespmem:v6+s0+$0x0] =	vst.idx.msk $0xffff, v4  }
0xff: {  	s20 =	sshll.u32 s13, $0x8;
	[tilespmem:v2+s0+$0x0] =	vst.idx.msk $0xffff, v11;
	s15 =	sshll.u32 s13, $0x1  }
0x100: {  	s14 =	sand.u32 $0x3FFFFF00, s20;
	s20 =	simm.s32 $0x6400;
	s16 =	sadd.s32 s5, s15;
	[tilespmem:v3+s0+$0x0] =	vst.idx.msk $0xffff, v5  }
0x101: {  	s19 =	sadd.s32 $0x100, s14;
	s21 =	sshll.u32 s16, $0x9;
	s16 =	sshll.u32 s16, $0x7;
	[tilespmem:v8+s0+$0x0] =	vst.idx.msk $0xffff, v7  }
0x102: {  	[tilespmem:s20], [sflag:$0x1] =	stream.indirect.gather [hbm4b:s4+s29], $0x20, s19, s29, $0xb8;
	[tilespmem:$0xA600] =	vst v63  }
0x103: {  	s16 =	sand.u32 $0x3F00, s16;
	s19 =	sand.u32 $0xFFF0000, s21  }
0x104: {  	s19 =	sor.u32 s16, s19  }
0x105: {  	s16 =	simm.s32 $0x0;
	s20 =	sadd.s32 s2, s19  }
0x106: {  	[hbm4b:s20+s16] =	stream.linear.scatter [tilespmem:s0], [sflag:$0x3], $0x80, $0x38;
	[tilespmem:$0xA600] =	vst v63  }
0x107: {  	s22 =	simm.s32 $0x8488;
	s21 =	sadd.s32 $0x10, s20  }
0x108: {  	[hbm4b:s21+s16] =	stream.linear.scatter [tilespmem:s22], [sflag:$0x3], $0x80, $0x38;
	[tilespmem:$0xA600] =	vst v63  }
0x109: {  	s21 =	sadd.s32 $0x20, s20;
	s22 =	simm.s32 $0x8510  }
0x10a: {  	[hbm4b:s21+s16] =	stream.linear.scatter [tilespmem:s22], [sflag:$0x3], $0x80, $0x38;
	[tilespmem:$0xA600] =	vst v63  }
0x10b: {  	s21 =	sadd.s32 $0x30, s20;
	s22 =	simm.s32 $0x8598  }
0x10c: {  	[hbm4b:s21+s16] =	stream.linear.scatter [tilespmem:s22], [sflag:$0x3], $0x80, $0x38;
	[tilespmem:$0xA600] =	vst v63  }
0x10d: {  	s21 =	sadd.s32 $0x40, s20;
	s22 =	simm.s32 $0x8620  }
0x10e: {  	[hbm4b:s21+s16] =	stream.linear.scatter [tilespmem:s22], [sflag:$0x3], $0x80, $0x38;
	[tilespmem:$0xA600] =	vst v63  }
0x10f: {  	s21 =	sadd.s32 $0x50, s20;
	s22 =	simm.s32 $0x86A8  }
0x110: {  	[hbm4b:s21+s16] =	stream.linear.scatter [tilespmem:s22], [sflag:$0x3], $0x80, $0x38;
	[tilespmem:$0xA600] =	vst v63  }
0x111: {  	s21 =	sadd.s32 $0x60, s20;
	s22 =	simm.s32 $0x8730  }
0x112: {  	[hbm4b:s21+s16] =	stream.linear.scatter [tilespmem:s22], [sflag:$0x3], $0x80, $0x38;
	[tilespmem:$0xA600] =	vst v63  }
0x113: {  	s20 =	sadd.s32 $0x70, s20;
	s22 =	simm.s32 $0x87B8  }
0x114: {  	[hbm4b:s20+s16] =	stream.linear.scatter [tilespmem:s22], [sflag:$0x3], $0x80, $0x38;
	[tilespmem:$0xA600] =	vst v63  }
0x115: {  	s20 =	sadd.s32 s19, s6;
	s22 =	simm.s32 $0x8840  }
0x116: {  	[hbm4b:s20+s16] =	stream.linear.scatter [tilespmem:s22], [sflag:$0x3], $0x80, $0x38;
	[tilespmem:$0xA600] =	vst v63  }
0x117: {  	s21 =	sadd.s32 $0x10, s20;
	s22 =	simm.s32 $0x88C8  }
0x118: {  	[hbm4b:s21+s16] =	stream.linear.scatter [tilespmem:s22], [sflag:$0x3], $0x80, $0x38;
	[tilespmem:$0xA600] =	vst v63  }
0x119: {  	s21 =	sadd.s32 $0x20, s20;
	s22 =	simm.s32 $0x8950  }
0x11a: {  	[hbm4b:s21+s16] =	stream.linear.scatter [tilespmem:s22], [sflag:$0x3], $0x80, $0x38;
	[tilespmem:$0xA600] =	vst v63  }
0x11b: {  	s21 =	sadd.s32 $0x30, s20;
	s22 =	simm.s32 $0x89D8  }
0x11c: {  	[hbm4b:s21+s16] =	stream.linear.scatter [tilespmem:s22], [sflag:$0x3], $0x80, $0x38;
	[tilespmem:$0xA600] =	vst v63  }
0x11d: {  	s21 =	sadd.s32 $0x40, s20;
	s22 =	simm.s32 $0x8A60  }
0x11e: {  	[hbm4b:s21+s16] =	stream.linear.scatter [tilespmem:s22], [sflag:$0x3], $0x80, $0x38;
	[tilespmem:$0xA600] =	vst v63  }
0x11f: {  	s21 =	sadd.s32 $0x50, s20;
	s22 =	simm.s32 $0x8AE8  }
0x120: {  	[hbm4b:s21+s16] =	stream.linear.scatter [tilespmem:s22], [sflag:$0x3], $0x80, $0x38;
	[tilespmem:$0xA600] =	vst v63  }
0x121: {  	s21 =	sadd.s32 $0x60, s20;
	s22 =	simm.s32 $0x8B70  }
0x122: {  	[hbm4b:s21+s16] =	stream.linear.scatter [tilespmem:s22], [sflag:$0x3], $0x80, $0x38;
	[tilespmem:$0xA600] =	vst v63  }
0x123: {  	s20 =	sadd.s32 $0x70, s20;
	s22 =	simm.s32 $0x8BF8  }
0x124: {  	[hbm4b:s20+s16] =	stream.linear.scatter [tilespmem:s22], [sflag:$0x3], $0x80, $0x38;
	[tilespmem:$0xA600] =	vst v63  }
0x125: {  	s20 =	sadd.s32 s19, s10;
	s22 =	simm.s32 $0x8C80  }
0x126: {  	[hbm4b:s20+s16] =	stream.linear.scatter [tilespmem:s22], [sflag:$0x3], $0x80, $0x38;
	[tilespmem:$0xA600] =	vst v63  }
0x127: {  	s21 =	sadd.s32 $0x10, s20;
	s22 =	simm.s32 $0x8D08  }
0x128: {  	[hbm4b:s21+s16] =	stream.linear.scatter [tilespmem:s22], [sflag:$0x3], $0x80, $0x38;
	[tilespmem:$0xA600] =	vst v63  }
0x129: {  	s21 =	sadd.s32 $0x20, s20;
	s22 =	simm.s32 $0x8D90  }
0x12a: {  	[hbm4b:s21+s16] =	stream.linear.scatter [tilespmem:s22], [sflag:$0x3], $0x80, $0x38;
	[tilespmem:$0xA600] =	vst v63  }
0x12b: {  	s21 =	sadd.s32 $0x30, s20;
	s22 =	simm.s32 $0x8E18  }
0x12c: {  	[hbm4b:s21+s16] =	stream.linear.scatter [tilespmem:s22], [sflag:$0x3], $0x80, $0x38;
	[tilespmem:$0xA600] =	vst v63  }
0x12d: {  	s21 =	sadd.s32 $0x40, s20;
	s22 =	simm.s32 $0x8EA0  }
0x12e: {  	[hbm4b:s21+s16] =	stream.linear.scatter [tilespmem:s22], [sflag:$0x3], $0x80, $0x38;
	[tilespmem:$0xA600] =	vst v63  }
0x12f: {  	s21 =	sadd.s32 $0x50, s20;
	s22 =	simm.s32 $0x8F28  }
0x130: {  	[hbm4b:s21+s16] =	stream.linear.scatter [tilespmem:s22], [sflag:$0x3], $0x80, $0x38;
	[tilespmem:$0xA600] =	vst v63  }
0x131: {  	s21 =	sadd.s32 $0x60, s20;
	s22 =	simm.s32 $0x8FB0  }
0x132: {  	[hbm4b:s21+s16] =	stream.linear.scatter [tilespmem:s22], [sflag:$0x3], $0x80, $0x38;
	[tilespmem:$0xA600] =	vst v63  }
0x133: {  	s20 =	sadd.s32 $0x70, s20;
	s22 =	simm.s32 $0x9038  }
0x134: {  	[hbm4b:s20+s16] =	stream.linear.scatter [tilespmem:s22], [sflag:$0x3], $0x80, $0x38;
	[tilespmem:$0xA600] =	vst v63  }
0x135: {  	s19 =	sadd.s32 s19, s11;
	s22 =	simm.s32 $0x90C0  }
0x136: {  	[hbm4b:s19+s16] =	stream.linear.scatter [tilespmem:s22], [sflag:$0x3], $0x80, $0x38;
	[tilespmem:$0xA600] =	vst v63  }
0x137: {  	s21 =	sadd.s32 $0x10, s19;
	s22 =	simm.s32 $0x9148  }
0x138: {  	[hbm4b:s21+s16] =	stream.linear.scatter [tilespmem:s22], [sflag:$0x3], $0x80, $0x38;
	[tilespmem:$0xA600] =	vst v63  }
0x139: {  	s21 =	sadd.s32 $0x20, s19;
	s22 =	simm.s32 $0x91D0  }
0x13a: {  	[hbm4b:s21+s16] =	stream.linear.scatter [tilespmem:s22], [sflag:$0x3], $0x80, $0x38;
	[tilespmem:$0xA600] =	vst v63  }
0x13b: {  	s21 =	sadd.s32 $0x30, s19;
	s22 =	simm.s32 $0x9258  }
0x13c: {  	[hbm4b:s21+s16] =	stream.linear.scatter [tilespmem:s22], [sflag:$0x3], $0x80, $0x38;
	[tilespmem:$0xA600] =	vst v63  }
0x13d: {  	s21 =	sadd.s32 $0x40, s19;
	s22 =	simm.s32 $0x92E0  }
0x13e: {  	[hbm4b:s21+s16] =	stream.linear.scatter [tilespmem:s22], [sflag:$0x3], $0x80, $0x38;
	[tilespmem:$0xA600] =	vst v63  }
0x13f: {  	s21 =	sadd.s32 $0x50, s19;
	s22 =	simm.s32 $0x9368  }
0x140: {  	[hbm4b:s21+s16] =	stream.linear.scatter [tilespmem:s22], [sflag:$0x3], $0x80, $0x38;
	[tilespmem:$0xA600] =	vst v63  }
0x141: {  	s21 =	sadd.s32 $0x60, s19;
	s22 =	simm.s32 $0x93F0  }
0x142: {  	[hbm4b:s21+s16] =	stream.linear.scatter [tilespmem:s22], [sflag:$0x3], $0x80, $0x38;
	[tilespmem:$0xA600] =	vst v63  }
0x143: {  	s19 =	sadd.s32 $0x70, s19;
	s22 =	simm.s32 $0x9478  }
0x144: {  	[hbm4b:s19+s16] =	stream.linear.scatter [tilespmem:s22], [sflag:$0x3], $0x80, $0x38;
	[tilespmem:$0xA600] =	vst v63  }
0x145: {  	_ =	swait.ge [sflag:s17], $0x1000  }
0x146: {  	[sflag:s17] =	ssyncset.done $0x0  }
0x147: {  	[sflag:s17] =	ssyncadd.s32 $0xFFFFF000  }
0x148: {  	_ =	swait.ge [sflag:s9], $0x400  }
0x149: {  	[sflag:s9] =	ssyncset.done $0x0  }
0x14a: {  	[sflag:s9] =	ssyncadd.s32 $0xFFFFFC00  }
0x14b: {  	_ =	swait.ge [sflag:s9], $0x400  }
0x14c: {  	[sflag:s9] =	ssyncset.done $0x0  }
0x14d: {  	[sflag:s9] =	ssyncadd.s32 $0xFFFFFC00  }
0x14e: {  	_ =	swait.ge [sflag:s9], $0x400  }
0x14f: {  	[sflag:s9] =	ssyncset.done $0x0  }
0x150: {  	[sflag:s9] =	ssyncadd.s32 $0xFFFFFC00  }
0x151: {  	s20 =	simm.s32 $0x1;
	_ =	swait.ge [sflag:s9], $0x400  }
0x152: {  	v2 =	vmov s20;
	[sflag:s9] =	ssyncset.done $0x0  }
0x153: {  	v6 =	vand.u32 $0x7F, v2;
	v2 =	vmov s16;
	s19 =	simm.s32 $0x7430;
	[sflag:s9] =	ssyncadd.s32 $0xFFFFFC00  }
0x154: {  	v5 =	vadd.s32 v0, v6;
	v2 =	vand.u32 $0x7E, v2;
	v4 =	vld [tilespmem:s19+$0xFFFFFFF0]  }
0x155: {  	v9 =	vadd.s32 v0, v2;
	v8 =	vld [tilespmem:s19+$0xFFFFFFD0];
	_ =	sdelay $0x1  }
0x156: {  	s21 =	simm.s32 $0x3  }
0x157: {  	v3 =	vmov s21;
	s22 =	simm.s32 $0x2;
	s16 =	simm.s32 $0x7470  }
0x158: {  	v3 =	vand.u32 $0x7F, v3;
	[tilespmem:v5+s18+$0x0] =	vst.idx.msk $0xffff, v4;
	v4 =	vmov s22;
	v5 =	vld [tilespmem:s16+$0xFFFFFFF0]  }
0x159: {  	v7 =	vadd.s32 v0, v3;
	[tilespmem:v9+s18+$0x0] =	vst.idx.msk $0xffff, v8;
	v8 =	vld [tilespmem:s16+$0xFFFFFFD0];
	v10 =	vand.u32 $0x7E, v4  }
0x15a: {  	s20 =	simm.s32 $0x4;
	v6 =	vadd.s32 v1, v6;
	v4 =	vld [tilespmem:s19+$0x0];
	v9 =	vadd.s32 v0, v10  }
.LBB2_9:
0x15b: {  	s21 =	sadd.s32 $0x1, s20  }
0x15c: {  	v11 =	vld [tilespmem:s19+$0xFFFFFFE0];
	v12 =	vadd.s32 v1, v2;
	v2 =	vmov v10;
	s22 =	smov.u32 s20;
	s19 =	smov.u32 s16;
	p0 =	slt.u32 s20, $0x7E  }
.Ltmp3:
0x15d: {  	s20 =	sadd.s32 $0x2, s20;
	v10 =	vmov s21;
	(pc) =	sbr.rel @p0 .LBB2_9-.Ltmp3, $4  }
0x15e: {  	s16 =	sadd.s32 $0x40, s16;
	v13 =	vand.u32 $0x7F, v10;
	[tilespmem:v7+s18+$0x0] =	vst.idx.msk $0xffff, v5  }
0x15f: {  	v10 =	vmov s22;
	v5 =	vld [tilespmem:s16+$0xFFFFFFF0];
	v7 =	vadd.s32 v0, v13;
	[tilespmem:v6+s18+$0x0] =	vst.idx.msk $0xffff, v4  }
0x160: {  	v10 =	vand.u32 $0x7E, v10;
	v6 =	vadd.s32 v1, v3;
	v3 =	vmov v13;
	[tilespmem:v9+s18+$0x0] =	vst.idx.msk $0xffff, v8;
	v4 =	vld [tilespmem:s19+$0x0]  }
0x161: {  	v9 =	vadd.s32 v0, v10;
	v8 =	vld [tilespmem:s16+$0xFFFFFFD0];
	[tilespmem:v12+s18+$0x0] =	vst.idx.msk $0xffff, v11  }
0x162: {  	_ =	sdelay $0x3  }
0x163: {  	v11 =	vld [tilespmem:s19+$0xFFFFFFE0];
	v2 =	vadd.s32 v1, v2;
	[tilespmem:v7+s18+$0x0] =	vst.idx.msk $0xffff, v5  }
0x164: {  	v3 =	vadd.s32 v1, v3;
	v5 =	vld [tilespmem:s16+$0x0];
	[tilespmem:v9+s18+$0x0] =	vst.idx.msk $0xffff, v8  }
0x165: {  	v63 =	vadd.s32 v1, v10;
	v62 =	vld [tilespmem:s16+$0xFFFFFFE0];
	_ =	sdelay $0x1  }
0x166: {  	[tilespmem:v6+s18+$0x0] =	vst.idx.msk $0xffff, v4  }
0x167: {  	s15 =	sadd.s32 s15, s5;
	[tilespmem:v2+s18+$0x0] =	vst.idx.msk $0xffff, v11  }
0x168: {  	s14 =	sadd.s32 $0x180, s14;
	s15 =	sadd.s32 $0x1, s15;
	[tilespmem:v3+s18+$0x0] =	vst.idx.msk $0xffff, v5  }
0x169: {  	s19 =	simm.s32 $0x7400;
	s20 =	sshll.u32 s15, $0x9;
	s15 =	sshll.u32 s15, $0x7;
	[tilespmem:v63+s18+$0x0] =	vst.idx.msk $0xffff, v62  }
0x16a: {  	[tilespmem:s19], [sflag:$0x2] =	stream.indirect.gather [hbm4b:s4+s29], $0x20, s14, s29, $0xb8;
	[tilespmem:$0xA600] =	vst v63  }
0x16b: {  	s15 =	sand.u32 $0x3F80, s15;
	s14 =	sand.u32 $0xFFF0000, s20  }
0x16c: {  	s14 =	sor.u32 s15, s14  }
0x16d: {  	s15 =	sadd.s32 s2, s14  }
0x16e: {  	[hbm4b:s15+s3] =	stream.linear.scatter [tilespmem:s18], [sflag:$0x4], $0x80, $0x38;
	[tilespmem:$0xA600] =	vst v63  }
0x16f: {  	s22 =	simm.s32 $0x9588;
	s21 =	sadd.s32 $0x10, s15  }
0x170: {  	[hbm4b:s21+s3] =	stream.linear.scatter [tilespmem:s22], [sflag:$0x4], $0x80, $0x38;
	[tilespmem:$0xA600] =	vst v63  }
0x171: {  	s20 =	simm.s32 $0x9610;
	s19 =	sadd.s32 $0x20, s15  }
0x172: {  	[hbm4b:s19+s3] =	stream.linear.scatter [tilespmem:s20], [sflag:$0x4], $0x80, $0x38;
	[tilespmem:$0xA600] =	vst v63  }
0x173: {  	s21 =	sadd.s32 $0x30, s15;
	s22 =	simm.s32 $0x9698  }
0x174: {  	[hbm4b:s21+s3] =	stream.linear.scatter [tilespmem:s22], [sflag:$0x4], $0x80, $0x38;
	[tilespmem:$0xA600] =	vst v63  }
0x175: {  	s19 =	sadd.s32 $0x40, s15;
	s20 =	simm.s32 $0x9720  }
0x176: {  	[hbm4b:s19+s3] =	stream.linear.scatter [tilespmem:s20], [sflag:$0x4], $0x80, $0x38;
	[tilespmem:$0xA600] =	vst v63  }
0x177: {  	s21 =	sadd.s32 $0x50, s15;
	s22 =	simm.s32 $0x97A8  }
0x178: {  	[hbm4b:s21+s3] =	stream.linear.scatter [tilespmem:s22], [sflag:$0x4], $0x80, $0x38;
	[tilespmem:$0xA600] =	vst v63  }
0x179: {  	s19 =	sadd.s32 $0x60, s15;
	s20 =	simm.s32 $0x9830  }
0x17a: {  	[hbm4b:s19+s3] =	stream.linear.scatter [tilespmem:s20], [sflag:$0x4], $0x80, $0x38;
	[tilespmem:$0xA600] =	vst v63  }
0x17b: {  	s15 =	sadd.s32 $0x70, s15;
	s21 =	simm.s32 $0x98B8  }
0x17c: {  	[hbm4b:s15+s3] =	stream.linear.scatter [tilespmem:s21], [sflag:$0x4], $0x80, $0x38;
	[tilespmem:$0xA600] =	vst v63  }
0x17d: {  	s22 =	simm.s32 $0x9940;
	s15 =	sadd.s32 s14, s6  }
0x17e: {  	[hbm4b:s15+s3] =	stream.linear.scatter [tilespmem:s22], [sflag:$0x4], $0x80, $0x38;
	[tilespmem:$0xA600] =	vst v63  }
0x17f: {  	s20 =	simm.s32 $0x99C8;
	s19 =	sadd.s32 $0x10, s15  }
0x180: {  	[hbm4b:s19+s3] =	stream.linear.scatter [tilespmem:s20], [sflag:$0x4], $0x80, $0x38;
	[tilespmem:$0xA600] =	vst v63  }
0x181: {  	s21 =	sadd.s32 $0x20, s15;
	s22 =	simm.s32 $0x9A50  }
0x182: {  	[hbm4b:s21+s3] =	stream.linear.scatter [tilespmem:s22], [sflag:$0x4], $0x80, $0x38;
	[tilespmem:$0xA600] =	vst v63  }
0x183: {  	s19 =	sadd.s32 $0x30, s15;
	s20 =	simm.s32 $0x9AD8  }
0x184: {  	[hbm4b:s19+s3] =	stream.linear.scatter [tilespmem:s20], [sflag:$0x4], $0x80, $0x38;
	[tilespmem:$0xA600] =	vst v63  }
0x185: {  	s21 =	sadd.s32 $0x40, s15;
	s22 =	simm.s32 $0x9B60  }
0x186: {  	[hbm4b:s21+s3] =	stream.linear.scatter [tilespmem:s22], [sflag:$0x4], $0x80, $0x38;
	[tilespmem:$0xA600] =	vst v63  }
0x187: {  	s19 =	sadd.s32 $0x50, s15;
	s20 =	simm.s32 $0x9BE8  }
0x188: {  	[hbm4b:s19+s3] =	stream.linear.scatter [tilespmem:s20], [sflag:$0x4], $0x80, $0x38;
	[tilespmem:$0xA600] =	vst v63  }
0x189: {  	s21 =	sadd.s32 $0x60, s15;
	s22 =	simm.s32 $0x9C70  }
0x18a: {  	[hbm4b:s21+s3] =	stream.linear.scatter [tilespmem:s22], [sflag:$0x4], $0x80, $0x38;
	[tilespmem:$0xA600] =	vst v63  }
0x18b: {  	s15 =	sadd.s32 $0x70, s15;
	s19 =	simm.s32 $0x9CF8  }
0x18c: {  	[hbm4b:s15+s3] =	stream.linear.scatter [tilespmem:s19], [sflag:$0x4], $0x80, $0x38;
	[tilespmem:$0xA600] =	vst v63  }
0x18d: {  	s20 =	simm.s32 $0x9D80;
	s15 =	sadd.s32 s14, s10  }
0x18e: {  	[hbm4b:s15+s3] =	stream.linear.scatter [tilespmem:s20], [sflag:$0x4], $0x80, $0x38;
	[tilespmem:$0xA600] =	vst v63  }
0x18f: {  	s22 =	simm.s32 $0x9E08;
	s21 =	sadd.s32 $0x10, s15  }
0x190: {  	[hbm4b:s21+s3] =	stream.linear.scatter [tilespmem:s22], [sflag:$0x4], $0x80, $0x38;
	[tilespmem:$0xA600] =	vst v63  }
0x191: {  	s19 =	sadd.s32 $0x20, s15;
	s20 =	simm.s32 $0x9E90  }
0x192: {  	[hbm4b:s19+s3] =	stream.linear.scatter [tilespmem:s20], [sflag:$0x4], $0x80, $0x38;
	[tilespmem:$0xA600] =	vst v63  }
0x193: {  	s21 =	sadd.s32 $0x30, s15;
	s22 =	simm.s32 $0x9F18  }
0x194: {  	[hbm4b:s21+s3] =	stream.linear.scatter [tilespmem:s22], [sflag:$0x4], $0x80, $0x38;
	[tilespmem:$0xA600] =	vst v63  }
0x195: {  	s19 =	sadd.s32 $0x40, s15;
	s20 =	simm.s32 $0x9FA0  }
0x196: {  	[hbm4b:s19+s3] =	stream.linear.scatter [tilespmem:s20], [sflag:$0x4], $0x80, $0x38;
	[tilespmem:$0xA600] =	vst v63  }
0x197: {  	s21 =	sadd.s32 $0x50, s15;
	s22 =	simm.s32 $0xA028  }
0x198: {  	[hbm4b:s21+s3] =	stream.linear.scatter [tilespmem:s22], [sflag:$0x4], $0x80, $0x38;
	[tilespmem:$0xA600] =	vst v63  }
0x199: {  	s19 =	sadd.s32 $0x60, s15;
	s20 =	simm.s32 $0xA0B0  }
0x19a: {  	[hbm4b:s19+s3] =	stream.linear.scatter [tilespmem:s20], [sflag:$0x4], $0x80, $0x38;
	[tilespmem:$0xA600] =	vst v63  }
0x19b: {  	s15 =	sadd.s32 $0x70, s15;
	s21 =	simm.s32 $0xA138  }
0x19c: {  	[hbm4b:s15+s3] =	stream.linear.scatter [tilespmem:s21], [sflag:$0x4], $0x80, $0x38;
	[tilespmem:$0xA600] =	vst v63  }
0x19d: {  	s14 =	sadd.s32 s14, s11  }
0x19e: {  	[hbm4b:s14+s3] =	stream.linear.scatter [tilespmem:s23], [sflag:$0x4], $0x80, $0x38;
	[tilespmem:$0xA600] =	vst v63  }
0x19f: {  	s22 =	sadd.s32 $0x10, s14  }
0x1a0: {  	[hbm4b:s22+s3] =	stream.linear.scatter [tilespmem:s24], [sflag:$0x4], $0x80, $0x38;
	[tilespmem:$0xA600] =	vst v63  }
0x1a1: {  	s16 =	sadd.s32 $0x20, s14  }
0x1a2: {  	[hbm4b:s16+s3] =	stream.linear.scatter [tilespmem:s25], [sflag:$0x4], $0x80, $0x38;
	[tilespmem:$0xA600] =	vst v63  }
0x1a3: {  	s19 =	sadd.s32 $0x30, s14  }
0x1a4: {  	[hbm4b:s19+s3] =	stream.linear.scatter [tilespmem:s30], [sflag:$0x4], $0x80, $0x38;
	[tilespmem:$0xA600] =	vst v63  }
0x1a5: {  	s20 =	sadd.s32 $0x40, s14  }
0x1a6: {  	[hbm4b:s20+s3] =	stream.linear.scatter [tilespmem:s31], [sflag:$0x4], $0x80, $0x38;
	[tilespmem:$0xA600] =	vst v63  }
0x1a7: {  	p0 =	sne.s32 s13, $0x62;
	s21 =	sadd.s32 $0x50, s14  }
0x1a8: {  	[hbm4b:s21+s3] =	stream.linear.scatter [tilespmem:s7], [sflag:$0x4], $0x80, $0x38;
	[tilespmem:$0xA600] =	vst v63  }
.Ltmp4:
0x1a9: {  	_ = 	snop;
	(pc) =	sbr.rel @p0 .LBB2_6-.Ltmp4, $4  }
0x1aa: {  	s22 =	sadd.s32 $0x60, s14  }
0x1ab: {  	[hbm4b:s22+s3] =	stream.linear.scatter [tilespmem:s26], [sflag:$0x4], $0x80, $0x38;
	[tilespmem:$0xA600] =	vst v63  }
0x1ac: {  	s14 =	sadd.s32 $0x70, s14  }
0x1ad: {  	[hbm4b:s14+s3] =	stream.linear.scatter [tilespmem:s28], [sflag:$0x4], $0x80, $0x38;
	[tilespmem:$0xA600] =	vst v63  }
0x1ae: {  	_ =	swait.ge [sflag:s1], $0x1000  }
0x1af: {  	[sflag:s1] =	ssyncset.done $0x0  }
0x1b0: {  	[sflag:s1] =	ssyncadd.s32 $0xFFFFF000  }
0x1b1: {  	_ =	swait.ge [sflag:s8], $0x400  }
0x1b2: {  	[sflag:s8] =	ssyncset.done $0x0  }
0x1b3: {  	[sflag:s8] =	ssyncadd.s32 $0xFFFFFC00  }
0x1b4: {  	_ =	swait.ge [sflag:s8], $0x400  }
0x1b5: {  	[sflag:s8] =	ssyncset.done $0x0  }
0x1b6: {  	[sflag:s8] =	ssyncadd.s32 $0xFFFFFC00  }
0x1b7: {  	_ =	swait.ge [sflag:s8], $0x400  }
0x1b8: {  	[sflag:s8] =	ssyncset.done $0x0  }
0x1b9: {  	[sflag:s8] =	ssyncadd.s32 $0xFFFFFC00  }
0x1ba: {  	s12 =	simm.s32 $0x1;
	_ =	swait.ge [sflag:s8], $0x400  }
0x1bb: {  	s13 =	simm.s32 $0x0;
	v2 =	vmov s12;
	[sflag:s8] =	ssyncset.done $0x0  }
0x1bc: {  	s12 =	simm.s32 $0x6420;
	v6 =	vand.u32 $0x7F, v2;
	v2 =	vmov s13;
	[sflag:s8] =	ssyncadd.s32 $0xFFFFFC00  }
0x1bd: {  	v5 =	vadd.s32 v0, v6;
	v2 =	vand.u32 $0x7E, v2;
	v4 =	vld [tilespmem:s12+$0x0]  }
0x1be: {  	v9 =	vadd.s32 v0, v2;
	v8 =	vld [tilespmem:s12+$0xFFFFFFE0];
	_ =	sdelay $0x1  }
0x1bf: {  	s22 =	simm.s32 $0x3  }
0x1c0: {  	s14 =	simm.s32 $0x2;
	v3 =	vmov s22;
	s13 =	simm.s32 $0x6460  }
0x1c1: {  	v3 =	vand.u32 $0x7F, v3;
	[tilespmem:v5+s0+$0x0] =	vst.idx.msk $0xffff, v4;
	v4 =	vmov s14;
	v5 =	vld [tilespmem:s13+$0x0]  }
0x1c2: {  	v7 =	vadd.s32 v0, v3;
	[tilespmem:v9+s0+$0x0] =	vst.idx.msk $0xffff, v8;
	v8 =	vld [tilespmem:s13+$0xFFFFFFE0];
	v10 =	vand.u32 $0x7E, v4  }
0x1c3: {  	v6 =	vadd.s32 v1, v6;
	s14 =	simm.s32 $0x4;
	v4 =	vld [tilespmem:s12+$0x10];
	v9 =	vadd.s32 v0, v10  }
.LBB2_12:
0x1c4: {  	s15 =	sadd.s32 $0x1, s14  }
0x1c5: {  	v11 =	vld [tilespmem:s12+$0xFFFFFFF0];
	v12 =	vadd.s32 v1, v2;
	v2 =	vmov v10;
	s16 =	smov.u32 s14;
	s12 =	smov.u32 s13;
	p0 =	slt.u32 s14, $0x7E  }
.Ltmp5:
0x1c6: {  	s14 =	sadd.s32 $0x2, s14;
	v10 =	vmov s15;
	(pc) =	sbr.rel @p0 .LBB2_12-.Ltmp5, $4  }
0x1c7: {  	s13 =	sadd.s32 $0x40, s13;
	v13 =	vand.u32 $0x7F, v10;
	[tilespmem:v7+s0+$0x0] =	vst.idx.msk $0xffff, v5  }
0x1c8: {  	v10 =	vmov s16;
	v5 =	vld [tilespmem:s13+$0x0];
	v7 =	vadd.s32 v0, v13;
	[tilespmem:v6+s0+$0x0] =	vst.idx.msk $0xffff, v4  }
0x1c9: {  	v10 =	vand.u32 $0x7E, v10;
	v6 =	vadd.s32 v1, v3;
	v3 =	vmov v13;
	[tilespmem:v9+s0+$0x0] =	vst.idx.msk $0xffff, v8;
	v4 =	vld [tilespmem:s12+$0x10]  }
0x1ca: {  	v9 =	vadd.s32 v0, v10;
	v8 =	vld [tilespmem:s13+$0xFFFFFFE0];
	[tilespmem:v12+s0+$0x0] =	vst.idx.msk $0xffff, v11  }
0x1cb: {  	_ =	sdelay $0x3  }
0x1cc: {  	v11 =	vld [tilespmem:s12+$0xFFFFFFF0];
	v2 =	vadd.s32 v1, v2;
	[tilespmem:v7+s0+$0x0] =	vst.idx.msk $0xffff, v5  }
0x1cd: {  	v3 =	vadd.s32 v1, v3;
	v5 =	vld [tilespmem:s13+$0x10];
	[tilespmem:v9+s0+$0x0] =	vst.idx.msk $0xffff, v8  }
0x1ce: {  	v8 =	vadd.s32 v1, v10;
	v7 =	vld [tilespmem:s13+$0xFFFFFFF0];
	_ =	sdelay $0x1  }
0x1cf: {  	[tilespmem:v6+s0+$0x0] =	vst.idx.msk $0xffff, v4  }
0x1d0: {  	[tilespmem:v2+s0+$0x0] =	vst.idx.msk $0xffff, v11  }
0x1d1: {  	[tilespmem:v3+s0+$0x0] =	vst.idx.msk $0xffff, v5  }
0x1d2: {  	[tilespmem:v8+s0+$0x0] =	vst.idx.msk $0xffff, v7  }
0x1d3: {  	s12 =	simm.s32 $0x0;
	s14 =	rddreg [dreg:$0xc]  }
0x1d4: {  	[hbm4b:s14+s12] =	stream.linear.scatter [tilespmem:s0], [sflag:$0x3], $0x80, $0x38;
	[tilespmem:$0xA600] =	vst v63  }
0x1d5: {  	s15 =	simm.s32 $0x8488;
	s20 =	sadd.s32 $0x10, s14  }
0x1d6: {  	[hbm4b:s20+s12] =	stream.linear.scatter [tilespmem:s15], [sflag:$0x3], $0x80, $0x38;
	[tilespmem:$0xA600] =	vst v63  }
0x1d7: {  	s22 =	simm.s32 $0x8510;
	s21 =	sadd.s32 $0x20, s14  }
0x1d8: {  	[hbm4b:s21+s12] =	stream.linear.scatter [tilespmem:s22], [sflag:$0x3], $0x80, $0x38;
	[tilespmem:$0xA600] =	vst v63  }
0x1d9: {  	s16 =	simm.s32 $0x8598;
	s15 =	sadd.s32 $0x30, s14  }
0x1da: {  	[hbm4b:s15+s12] =	stream.linear.scatter [tilespmem:s16], [sflag:$0x3], $0x80, $0x38;
	[tilespmem:$0xA600] =	vst v63  }
0x1db: {  	s19 =	sadd.s32 $0x40, s14;
	s20 =	simm.s32 $0x8620  }
0x1dc: {  	[hbm4b:s19+s12] =	stream.linear.scatter [tilespmem:s20], [sflag:$0x3], $0x80, $0x38;
	[tilespmem:$0xA600] =	vst v63  }
0x1dd: {  	s21 =	sadd.s32 $0x50, s14;
	s22 =	simm.s32 $0x86A8  }
0x1de: {  	[hbm4b:s21+s12] =	stream.linear.scatter [tilespmem:s22], [sflag:$0x3], $0x80, $0x38;
	[tilespmem:$0xA600] =	vst v63  }
0x1df: {  	s16 =	sadd.s32 $0x60, s14;
	s19 =	simm.s32 $0x8730  }
0x1e0: {  	[hbm4b:s16+s12] =	stream.linear.scatter [tilespmem:s19], [sflag:$0x3], $0x80, $0x38;
	[tilespmem:$0xA600] =	vst v63  }
0x1e1: {  	s20 =	sadd.s32 $0x70, s14;
	s21 =	simm.s32 $0x87B8  }
0x1e2: {  	[hbm4b:s20+s12] =	stream.linear.scatter [tilespmem:s21], [sflag:$0x3], $0x80, $0x38;
	[tilespmem:$0xA600] =	vst v63  }
0x1e3: {  	s14 =	rddreg [dreg:$0xd];
	s22 =	simm.s32 $0x8840  }
0x1e4: {  	[hbm4b:s14+s12] =	stream.linear.scatter [tilespmem:s22], [sflag:$0x3], $0x80, $0x38;
	[tilespmem:$0xA600] =	vst v63  }
0x1e5: {  	s15 =	sadd.s32 $0x10, s14;
	s16 =	simm.s32 $0x88C8  }
0x1e6: {  	[hbm4b:s15+s12] =	stream.linear.scatter [tilespmem:s16], [sflag:$0x3], $0x80, $0x38;
	[tilespmem:$0xA600] =	vst v63  }
0x1e7: {  	s19 =	sadd.s32 $0x20, s14;
	s20 =	simm.s32 $0x8950  }
0x1e8: {  	[hbm4b:s19+s12] =	stream.linear.scatter [tilespmem:s20], [sflag:$0x3], $0x80, $0x38;
	[tilespmem:$0xA600] =	vst v63  }
0x1e9: {  	s21 =	sadd.s32 $0x30, s14;
	s22 =	simm.s32 $0x89D8  }
0x1ea: {  	[hbm4b:s21+s12] =	stream.linear.scatter [tilespmem:s22], [sflag:$0x3], $0x80, $0x38;
	[tilespmem:$0xA600] =	vst v63  }
0x1eb: {  	s15 =	sadd.s32 $0x40, s14;
	s16 =	simm.s32 $0x8A60  }
0x1ec: {  	[hbm4b:s15+s12] =	stream.linear.scatter [tilespmem:s16], [sflag:$0x3], $0x80, $0x38;
	[tilespmem:$0xA600] =	vst v63  }
0x1ed: {  	s19 =	sadd.s32 $0x50, s14;
	s20 =	simm.s32 $0x8AE8  }
0x1ee: {  	[hbm4b:s19+s12] =	stream.linear.scatter [tilespmem:s20], [sflag:$0x3], $0x80, $0x38;
	[tilespmem:$0xA600] =	vst v63  }
0x1ef: {  	s21 =	sadd.s32 $0x60, s14;
	s22 =	simm.s32 $0x8B70  }
0x1f0: {  	[hbm4b:s21+s12] =	stream.linear.scatter [tilespmem:s22], [sflag:$0x3], $0x80, $0x38;
	[tilespmem:$0xA600] =	vst v63  }
0x1f1: {  	s14 =	sadd.s32 $0x70, s14;
	s15 =	simm.s32 $0x8BF8  }
0x1f2: {  	[hbm4b:s14+s12] =	stream.linear.scatter [tilespmem:s15], [sflag:$0x3], $0x80, $0x38;
	[tilespmem:$0xA600] =	vst v63  }
0x1f3: {  	s16 =	simm.s32 $0x8C80;
	s14 =	rddreg [dreg:$0xe]  }
0x1f4: {  	[hbm4b:s14+s12] =	stream.linear.scatter [tilespmem:s16], [sflag:$0x3], $0x80, $0x38;
	[tilespmem:$0xA600] =	vst v63  }
0x1f5: {  	s20 =	simm.s32 $0x8D08;
	s19 =	sadd.s32 $0x10, s14  }
0x1f6: {  	[hbm4b:s19+s12] =	stream.linear.scatter [tilespmem:s20], [sflag:$0x3], $0x80, $0x38;
	[tilespmem:$0xA600] =	vst v63  }
0x1f7: {  	s22 =	simm.s32 $0x8D90;
	s21 =	sadd.s32 $0x20, s14  }
0x1f8: {  	[hbm4b:s21+s12] =	stream.linear.scatter [tilespmem:s22], [sflag:$0x3], $0x80, $0x38;
	[tilespmem:$0xA600] =	vst v63  }
0x1f9: {  	s15 =	sadd.s32 $0x30, s14;
	s16 =	simm.s32 $0x8E18  }
0x1fa: {  	[hbm4b:s15+s12] =	stream.linear.scatter [tilespmem:s16], [sflag:$0x3], $0x80, $0x38;
	[tilespmem:$0xA600] =	vst v63  }
0x1fb: {  	s19 =	sadd.s32 $0x40, s14;
	s20 =	simm.s32 $0x8EA0  }
0x1fc: {  	[hbm4b:s19+s12] =	stream.linear.scatter [tilespmem:s20], [sflag:$0x3], $0x80, $0x38;
	[tilespmem:$0xA600] =	vst v63  }
0x1fd: {  	s21 =	sadd.s32 $0x50, s14;
	s22 =	simm.s32 $0x8F28  }
0x1fe: {  	[hbm4b:s21+s12] =	stream.linear.scatter [tilespmem:s22], [sflag:$0x3], $0x80, $0x38;
	[tilespmem:$0xA600] =	vst v63  }
0x1ff: {  	s16 =	sadd.s32 $0x60, s14;
	s19 =	simm.s32 $0x8FB0  }
0x200: {  	[hbm4b:s16+s12] =	stream.linear.scatter [tilespmem:s19], [sflag:$0x3], $0x80, $0x38;
	[tilespmem:$0xA600] =	vst v63  }
0x201: {  	s20 =	sadd.s32 $0x70, s14;
	s21 =	simm.s32 $0x9038  }
0x202: {  	[hbm4b:s20+s12] =	stream.linear.scatter [tilespmem:s21], [sflag:$0x3], $0x80, $0x38;
	[tilespmem:$0xA600] =	vst v63  }
0x203: {  	s14 =	rddreg [dreg:$0xf];
	s22 =	simm.s32 $0x90C0  }
0x204: {  	[hbm4b:s14+s12] =	stream.linear.scatter [tilespmem:s22], [sflag:$0x3], $0x80, $0x38;
	[tilespmem:$0xA600] =	vst v63  }
0x205: {  	s15 =	sadd.s32 $0x10, s14;
	s16 =	simm.s32 $0x9148  }
0x206: {  	[hbm4b:s15+s12] =	stream.linear.scatter [tilespmem:s16], [sflag:$0x3], $0x80, $0x38;
	[tilespmem:$0xA600] =	vst v63  }
0x207: {  	s19 =	sadd.s32 $0x20, s14;
	s20 =	simm.s32 $0x91D0  }
0x208: {  	[hbm4b:s19+s12] =	stream.linear.scatter [tilespmem:s20], [sflag:$0x3], $0x80, $0x38;
	[tilespmem:$0xA600] =	vst v63  }
0x209: {  	s21 =	sadd.s32 $0x30, s14;
	s22 =	simm.s32 $0x9258  }
0x20a: {  	[hbm4b:s21+s12] =	stream.linear.scatter [tilespmem:s22], [sflag:$0x3], $0x80, $0x38;
	[tilespmem:$0xA600] =	vst v63  }
0x20b: {  	s15 =	sadd.s32 $0x40, s14;
	s16 =	simm.s32 $0x92E0  }
0x20c: {  	[hbm4b:s15+s12] =	stream.linear.scatter [tilespmem:s16], [sflag:$0x3], $0x80, $0x38;
	[tilespmem:$0xA600] =	vst v63  }
0x20d: {  	s19 =	sadd.s32 $0x50, s14;
	s20 =	simm.s32 $0x9368  }
0x20e: {  	[hbm4b:s19+s12] =	stream.linear.scatter [tilespmem:s20], [sflag:$0x3], $0x80, $0x38;
	[tilespmem:$0xA600] =	vst v63  }
0x20f: {  	s21 =	sadd.s32 $0x60, s14;
	s22 =	simm.s32 $0x93F0  }
0x210: {  	[hbm4b:s21+s12] =	stream.linear.scatter [tilespmem:s22], [sflag:$0x3], $0x80, $0x38;
	[tilespmem:$0xA600] =	vst v63  }
0x211: {  	s16 =	sadd.s32 $0x70, s14;
	s19 =	simm.s32 $0x9478  }
0x212: {  	[hbm4b:s16+s12] =	stream.linear.scatter [tilespmem:s19], [sflag:$0x3], $0x80, $0x38;
	[tilespmem:$0xA600] =	vst v63  }
0x213: {  	_ =	swait.ge [sflag:s17], $0x1000  }
0x214: {  	[sflag:s17] =	ssyncset.done $0x0  }
0x215: {  	[sflag:s17] =	ssyncadd.s32 $0xFFFFF000  }
0x216: {  	_ =	swait.ge [sflag:s9], $0x400  }
0x217: {  	[sflag:s9] =	ssyncset.done $0x0  }
0x218: {  	[sflag:s9] =	ssyncadd.s32 $0xFFFFFC00  }
0x219: {  	_ =	swait.ge [sflag:s9], $0x400  }
0x21a: {  	[sflag:s9] =	ssyncset.done $0x0  }
0x21b: {  	[sflag:s9] =	ssyncadd.s32 $0xFFFFFC00  }
0x21c: {  	_ =	swait.ge [sflag:s9], $0x400  }
0x21d: {  	[sflag:s9] =	ssyncset.done $0x0  }
0x21e: {  	[sflag:s9] =	ssyncadd.s32 $0xFFFFFC00  }
0x21f: {  	s20 =	simm.s32 $0x1;
	_ =	swait.ge [sflag:s9], $0x400  }
0x220: {  	v2 =	vmov s20;
	[sflag:s9] =	ssyncset.done $0x0  }
0x221: {  	s13 =	simm.s32 $0x7430;
	v6 =	vand.u32 $0x7F, v2;
	v2 =	vmov s12;
	[sflag:s9] =	ssyncadd.s32 $0xFFFFFC00  }
0x222: {  	v5 =	vadd.s32 v0, v6;
	v2 =	vand.u32 $0x7E, v2;
	v4 =	vld [tilespmem:s13+$0xFFFFFFF0]  }
0x223: {  	v9 =	vadd.s32 v0, v2;
	v8 =	vld [tilespmem:s13+$0xFFFFFFD0];
	_ =	sdelay $0x1  }
0x224: {  	s21 =	simm.s32 $0x3  }
0x225: {  	s22 =	simm.s32 $0x2;
	v3 =	vmov s21;
	s12 =	simm.s32 $0x7470  }
0x226: {  	v3 =	vand.u32 $0x7F, v3;
	[tilespmem:v5+s18+$0x0] =	vst.idx.msk $0xffff, v4;
	v4 =	vmov s22;
	v5 =	vld [tilespmem:s12+$0xFFFFFFF0]  }
0x227: {  	v7 =	vadd.s32 v0, v3;
	[tilespmem:v9+s18+$0x0] =	vst.idx.msk $0xffff, v8;
	v8 =	vld [tilespmem:s12+$0xFFFFFFD0];
	v10 =	vand.u32 $0x7E, v4  }
0x228: {  	s14 =	simm.s32 $0x4;
	v6 =	vadd.s32 v1, v6;
	v4 =	vld [tilespmem:s13+$0x0];
	v9 =	vadd.s32 v0, v10  }
.LBB2_14:
0x229: {  	s15 =	sadd.s32 $0x1, s14  }
0x22a: {  	v11 =	vld [tilespmem:s13+$0xFFFFFFE0];
	v12 =	vadd.s32 v1, v2;
	v2 =	vmov v10;
	s16 =	smov.u32 s14;
	s13 =	smov.u32 s12;
	p0 =	slt.u32 s14, $0x7E  }
.Ltmp6:
0x22b: {  	s14 =	sadd.s32 $0x2, s14;
	v10 =	vmov s15;
	(pc) =	sbr.rel @p0 .LBB2_14-.Ltmp6, $4  }
0x22c: {  	s12 =	sadd.s32 $0x40, s12;
	v13 =	vand.u32 $0x7F, v10;
	[tilespmem:v7+s18+$0x0] =	vst.idx.msk $0xffff, v5  }
0x22d: {  	v10 =	vmov s16;
	v5 =	vld [tilespmem:s12+$0xFFFFFFF0];
	v7 =	vadd.s32 v0, v13;
	[tilespmem:v6+s18+$0x0] =	vst.idx.msk $0xffff, v4  }
0x22e: {  	v10 =	vand.u32 $0x7E, v10;
	v6 =	vadd.s32 v1, v3;
	v3 =	vmov v13;
	[tilespmem:v9+s18+$0x0] =	vst.idx.msk $0xffff, v8;
	v4 =	vld [tilespmem:s13+$0x0]  }
0x22f: {  	v9 =	vadd.s32 v0, v10;
	v8 =	vld [tilespmem:s12+$0xFFFFFFD0];
	[tilespmem:v12+s18+$0x0] =	vst.idx.msk $0xffff, v11  }
0x230: {  	_ =	sdelay $0x3  }
0x231: {  	v11 =	vld [tilespmem:s13+$0xFFFFFFE0];
	v2 =	vadd.s32 v1, v2;
	[tilespmem:v7+s18+$0x0] =	vst.idx.msk $0xffff, v5  }
0x232: {  	v3 =	vadd.s32 v1, v3;
	v5 =	vld [tilespmem:s12+$0x0];
	[tilespmem:v9+s18+$0x0] =	vst.idx.msk $0xffff, v8  }
0x233: {  	v63 =	vadd.s32 v1, v10;
	v62 =	vld [tilespmem:s12+$0xFFFFFFE0];
	_ =	sdelay $0x1  }
0x234: {  	[tilespmem:v6+s18+$0x0] =	vst.idx.msk $0xffff, v4  }
0x235: {  	[tilespmem:v2+s18+$0x0] =	vst.idx.msk $0xffff, v11  }
0x236: {  	[tilespmem:v3+s18+$0x0] =	vst.idx.msk $0xffff, v5  }
0x237: {  	[tilespmem:v63+s18+$0x0] =	vst.idx.msk $0xffff, v62  }
0x238: {  	s13 =	rddreg [dreg:$0x10]  }
0x239: {  	[hbm4b:s13+s3] =	stream.linear.scatter [tilespmem:s18], [sflag:$0x4], $0x80, $0x38;
	[tilespmem:$0xA600] =	vst v63  }
0x23a: {  	s14 =	simm.s32 $0x9588;
	s22 =	sadd.s32 $0x10, s13  }
0x23b: {  	[hbm4b:s22+s3] =	stream.linear.scatter [tilespmem:s14], [sflag:$0x4], $0x80, $0x38;
	[tilespmem:$0xA600] =	vst v63  }
0x23c: {  	s16 =	simm.s32 $0x9610;
	s15 =	sadd.s32 $0x20, s13  }
0x23d: {  	[hbm4b:s15+s3] =	stream.linear.scatter [tilespmem:s16], [sflag:$0x4], $0x80, $0x38;
	[tilespmem:$0xA600] =	vst v63  }
0x23e: {  	s20 =	simm.s32 $0x9698;
	s19 =	sadd.s32 $0x30, s13  }
0x23f: {  	[hbm4b:s19+s3] =	stream.linear.scatter [tilespmem:s20], [sflag:$0x4], $0x80, $0x38;
	[tilespmem:$0xA600] =	vst v63  }
0x240: {  	s21 =	sadd.s32 $0x40, s13;
	s22 =	simm.s32 $0x9720  }
0x241: {  	[hbm4b:s21+s3] =	stream.linear.scatter [tilespmem:s22], [sflag:$0x4], $0x80, $0x38;
	[tilespmem:$0xA600] =	vst v63  }
0x242: {  	s15 =	sadd.s32 $0x50, s13;
	s16 =	simm.s32 $0x97A8  }
0x243: {  	[hbm4b:s15+s3] =	stream.linear.scatter [tilespmem:s16], [sflag:$0x4], $0x80, $0x38;
	[tilespmem:$0xA600] =	vst v63  }
0x244: {  	s19 =	sadd.s32 $0x60, s13;
	s20 =	simm.s32 $0x9830  }
0x245: {  	[hbm4b:s19+s3] =	stream.linear.scatter [tilespmem:s20], [sflag:$0x4], $0x80, $0x38;
	[tilespmem:$0xA600] =	vst v63  }
0x246: {  	s21 =	sadd.s32 $0x70, s13;
	s22 =	simm.s32 $0x98B8  }
0x247: {  	[hbm4b:s21+s3] =	stream.linear.scatter [tilespmem:s22], [sflag:$0x4], $0x80, $0x38;
	[tilespmem:$0xA600] =	vst v63  }
0x248: {  	s14 =	simm.s32 $0x9940;
	s13 =	rddreg [dreg:$0x11]  }
0x249: {  	[hbm4b:s13+s3] =	stream.linear.scatter [tilespmem:s14], [sflag:$0x4], $0x80, $0x38;
	[tilespmem:$0xA600] =	vst v63  }
0x24a: {  	s15 =	sadd.s32 $0x10, s13;
	s16 =	simm.s32 $0x99C8  }
0x24b: {  	[hbm4b:s15+s3] =	stream.linear.scatter [tilespmem:s16], [sflag:$0x4], $0x80, $0x38;
	[tilespmem:$0xA600] =	vst v63  }
0x24c: {  	s19 =	sadd.s32 $0x20, s13;
	s20 =	simm.s32 $0x9A50  }
0x24d: {  	[hbm4b:s19+s3] =	stream.linear.scatter [tilespmem:s20], [sflag:$0x4], $0x80, $0x38;
	[tilespmem:$0xA600] =	vst v63  }
0x24e: {  	s21 =	sadd.s32 $0x30, s13;
	s22 =	simm.s32 $0x9AD8  }
0x24f: {  	[hbm4b:s21+s3] =	stream.linear.scatter [tilespmem:s22], [sflag:$0x4], $0x80, $0x38;
	[tilespmem:$0xA600] =	vst v63  }
0x250: {  	s15 =	sadd.s32 $0x40, s13;
	s16 =	simm.s32 $0x9B60  }
0x251: {  	[hbm4b:s15+s3] =	stream.linear.scatter [tilespmem:s16], [sflag:$0x4], $0x80, $0x38;
	[tilespmem:$0xA600] =	vst v63  }
0x252: {  	s19 =	sadd.s32 $0x50, s13;
	s20 =	simm.s32 $0x9BE8  }
0x253: {  	[hbm4b:s19+s3] =	stream.linear.scatter [tilespmem:s20], [sflag:$0x4], $0x80, $0x38;
	[tilespmem:$0xA600] =	vst v63  }
0x254: {  	s21 =	sadd.s32 $0x60, s13;
	s22 =	simm.s32 $0x9C70  }
0x255: {  	[hbm4b:s21+s3] =	stream.linear.scatter [tilespmem:s22], [sflag:$0x4], $0x80, $0x38;
	[tilespmem:$0xA600] =	vst v63  }
0x256: {  	s14 =	sadd.s32 $0x70, s13;
	s15 =	simm.s32 $0x9CF8  }
0x257: {  	[hbm4b:s14+s3] =	stream.linear.scatter [tilespmem:s15], [sflag:$0x4], $0x80, $0x38;
	[tilespmem:$0xA600] =	vst v63  }
0x258: {  	s13 =	rddreg [dreg:$0x12];
	s16 =	simm.s32 $0x9D80  }
0x259: {  	[hbm4b:s13+s3] =	stream.linear.scatter [tilespmem:s16], [sflag:$0x4], $0x80, $0x38;
	[tilespmem:$0xA600] =	vst v63  }
0x25a: {  	s19 =	sadd.s32 $0x10, s13;
	s20 =	simm.s32 $0x9E08  }
0x25b: {  	[hbm4b:s19+s3] =	stream.linear.scatter [tilespmem:s20], [sflag:$0x4], $0x80, $0x38;
	[tilespmem:$0xA600] =	vst v63  }
0x25c: {  	s21 =	sadd.s32 $0x20, s13;
	s22 =	simm.s32 $0x9E90  }
0x25d: {  	[hbm4b:s21+s3] =	stream.linear.scatter [tilespmem:s22], [sflag:$0x4], $0x80, $0x38;
	[tilespmem:$0xA600] =	vst v63  }
0x25e: {  	s15 =	sadd.s32 $0x30, s13;
	s16 =	simm.s32 $0x9F18  }
0x25f: {  	[hbm4b:s15+s3] =	stream.linear.scatter [tilespmem:s16], [sflag:$0x4], $0x80, $0x38;
	[tilespmem:$0xA600] =	vst v63  }
0x260: {  	s19 =	sadd.s32 $0x40, s13;
	s20 =	simm.s32 $0x9FA0  }
0x261: {  	[hbm4b:s19+s3] =	stream.linear.scatter [tilespmem:s20], [sflag:$0x4], $0x80, $0x38;
	[tilespmem:$0xA600] =	vst v63  }
0x262: {  	s21 =	sadd.s32 $0x50, s13;
	s22 =	simm.s32 $0xA028  }
0x263: {  	[hbm4b:s21+s3] =	stream.linear.scatter [tilespmem:s22], [sflag:$0x4], $0x80, $0x38;
	[tilespmem:$0xA600] =	vst v63  }
0x264: {  	s14 =	sadd.s32 $0x60, s13;
	s15 =	simm.s32 $0xA0B0  }
0x265: {  	[hbm4b:s14+s3] =	stream.linear.scatter [tilespmem:s15], [sflag:$0x4], $0x80, $0x38;
	[tilespmem:$0xA600] =	vst v63  }
0x266: {  	s16 =	sadd.s32 $0x70, s13;
	s19 =	simm.s32 $0xA138  }
0x267: {  	[hbm4b:s16+s3] =	stream.linear.scatter [tilespmem:s19], [sflag:$0x4], $0x80, $0x38;
	[tilespmem:$0xA600] =	vst v63  }
0x268: {  	s20 =	rddreg [dreg:$0x13]  }
0x269: {  	[hbm4b:s20+s3] =	stream.linear.scatter [tilespmem:s23], [sflag:$0x4], $0x80, $0x38;
	[tilespmem:$0xA600] =	vst v63  }
0x26a: {  	s21 =	sadd.s32 $0x10, s20  }
0x26b: {  	[hbm4b:s21+s3] =	stream.linear.scatter [tilespmem:s24], [sflag:$0x4], $0x80, $0x38;
	[tilespmem:$0xA600] =	vst v63  }
0x26c: {  	s22 =	sadd.s32 $0x20, s20  }
0x26d: {  	[hbm4b:s22+s3] =	stream.linear.scatter [tilespmem:s25], [sflag:$0x4], $0x80, $0x38;
	[tilespmem:$0xA600] =	vst v63  }
0x26e: {  	s14 =	sadd.s32 $0x30, s20  }
0x26f: {  	[hbm4b:s14+s3] =	stream.linear.scatter [tilespmem:s30], [sflag:$0x4], $0x80, $0x38;
	[tilespmem:$0xA600] =	vst v63  }
0x270: {  	s15 =	sadd.s32 $0x40, s20  }
0x271: {  	[hbm4b:s15+s3] =	stream.linear.scatter [tilespmem:s31], [sflag:$0x4], $0x80, $0x38;
	[tilespmem:$0xA600] =	vst v63  }
0x272: {  	s16 =	sadd.s32 $0x50, s20  }
0x273: {  	[hbm4b:s16+s3] =	stream.linear.scatter [tilespmem:s7], [sflag:$0x4], $0x80, $0x38;
	[tilespmem:$0xA600] =	vst v63  }
0x274: {  	s19 =	sadd.s32 $0x60, s20  }
0x275: {  	[hbm4b:s19+s3] =	stream.linear.scatter [tilespmem:s26], [sflag:$0x4], $0x80, $0x38;
	[tilespmem:$0xA600] =	vst v63  }
0x276: {  	s20 =	sadd.s32 $0x70, s20  }
0x277: {  	[hbm4b:s20+s3] =	stream.linear.scatter [tilespmem:s28], [sflag:$0x4], $0x80, $0x38;
	[tilespmem:$0xA600] =	vst v63  }
0x278: {  	_ =	swait.ge [sflag:s8], $0x400  }
0x279: {  	[sflag:s8] =	ssyncset.done $0x0  }
0x27a: {  	[sflag:s8] =	ssyncadd.s32 $0xFFFFFC00  }
0x27b: {  	_ =	swait.ge [sflag:s8], $0x400  }
0x27c: {  	[sflag:s8] =	ssyncset.done $0x0  }
0x27d: {  	[sflag:s8] =	ssyncadd.s32 $0xFFFFFC00  }
0x27e: {  	_ =	swait.ge [sflag:s8], $0x400  }
0x27f: {  	[sflag:s8] =	ssyncset.done $0x0  }
0x280: {  	[sflag:s8] =	ssyncadd.s32 $0xFFFFFC00  }
0x281: {  	_ =	swait.ge [sflag:s8], $0x400  }
0x282: {  	[sflag:s8] =	ssyncset.done $0x0  }
0x283: {  	[sflag:s8] =	ssyncadd.s32 $0xFFFFFC00  }
0x284: {  	_ =	swait.ge [sflag:s9], $0x400  }
0x285: {  	[sflag:s9] =	ssyncset.done $0x0  }
0x286: {  	[sflag:s9] =	ssyncadd.s32 $0xFFFFFC00  }
0x287: {  	_ =	swait.ge [sflag:s9], $0x400  }
0x288: {  	[sflag:s9] =	ssyncset.done $0x0  }
0x289: {  	[sflag:s9] =	ssyncadd.s32 $0xFFFFFC00  }
0x28a: {  	_ =	swait.ge [sflag:s9], $0x400  }
0x28b: {  	[sflag:s9] =	ssyncset.done $0x0  }
0x28c: {  	[sflag:s9] =	ssyncadd.s32 $0xFFFFFC00  }
0x28d: {  	_ =	swait.ge [sflag:s9], $0x400  }
0x28e: {  	s21 =	rddreg [dreg:$0x15]  }
0x28f: {  	s22 =	rddreg [dreg:$0x14];
	s13 =	sadd.s32 $0x1, s21  }
0x290: {  	p0 =	sne.s32 s13, s22  }
.Ltmp7:
0x291: {  	_ = 	snop;
	(pc) =	sbr.rel @p0 .LBB2_1-.Ltmp7, $3  }
0x292: {  	_ =	sdelay $0x1  }
0x293: {  	[sflag:s9] =	ssyncset.done $0x0  }
0x294: {  	[sflag:s9] =	ssyncadd.s32 $0xFFFFFC00  }
0x295: {  	_ =	sfence.sel $0x180000  }
0x296: {  	[bflag:$0x0] =	sbarrier.arrive $0xFFFF  }
0x297: {  	_ =	strace $0x9000004A  }
0x298: {  	s0 =	stileid.u32;
	[bflag:$0x2] =	sbarrier.arrive $0xFFFF  }
0x299: {  	p0 =	sne.s32 s0, $0x0;
	s0 =	rddreg [dreg:$0x2]  }
0x29a: {  	s0 =	sadd.s32 @!p0 $0x100000, s0  }
0x29b: {  	[sflag:s0] =	ssyncadd.tile.s32 @!p0 $0x1;
	_ =	shalt  }
.Lfunc_end2:
_tile_overlayer_lowered:
.L_overlay_start_2:
0x29c: {  	(tag) =	ssettag $0x2  }
0x29d: {  	s0 =	rddreg [dreg:$0x0];
	s2 =	stileid.u32  }
0x29e: {  	s1 =	rddreg [dreg:$0x1];
	p0 =	sne.s32 s2, $0x0  }
0x29f: {  	s3 =	rddreg [dreg:$0x2];
	[bflag:$0x3] =	sbarrier.arrive $0xFFFF;
	s2 =	simm.s32 @!p0 $0x1C05  }
0x2a0: {  	[timem:s3], [sflag:s2] =	dma.local @!p0 [hbm:s0], s1  }
0x2a1: {  	s0 =	simm.s32 @!p0 $0x5  }
0x2a2: {  	_ =	swait.ge @!p0 [sflag:s0], s1  }
0x2a3: {  	s1 =	ssub.s32 @!p0 $0x0, s1;
	[sflag:s0] =	ssyncset.done @!p0 $0x0  }
0x2a4: {  	[sflag:s0] =	ssyncadd.s32 @!p0 s1  }
0x2a5: {  	[bflag:$0x3] =	sbarrier.arrive $0xFFFF  }
0x2a6: {  	_ =	shalt  }

</sc_bundles>
